<compile_context>
chip_gen: v7x
topology: tpu7x:2x2x1
jax: 0.10.2.dev20260603
libtpu: 0.0.44.dev20260713+nightly
codegen_flags: <defaults>
</compile_context>

<pallas_src>
import functools

import jax
import jax.numpy as jnp
from jax import lax
from jax.experimental import pallas as pl
from jax.experimental.pallas import tpu as pltpu
from jax.experimental.pallas import tpu_sc as plsc

_BF = jnp.bfloat16
_F32 = jnp.float32
_U32 = jnp.uint32

_NC = 2
_NS = 16
_NW = _NC * _NS


def _round_bf16_bits(x):
    u = lax.bitcast_convert_type(x, _U32)
    r = u + jnp.uint32(0x7FFF) + ((u >> 16) & jnp.uint32(1))
    return r & jnp.uint32(0xFFFF0000)



def _proj_body(x_ref, wq_ref, wk_ref, wv_ref, wa0_ref, qa_ref, tab_ref):
    xb = x_ref[...].astype(_BF)
    wa0b = wa0_ref[...].astype(_BF)
    wqa = jnp.dot(wq_ref[...].astype(_BF), wa0b, preferred_element_type=_F32)
    wka = jnp.dot(wk_ref[...].astype(_BF), wa0b, preferred_element_type=_F32)
    qa_ref[...] = jnp.dot(xb, wqa.astype(_BF), preferred_element_type=_F32)
    ka = jnp.dot(xb, wka.astype(_BF), preferred_element_type=_F32)
    val = jnp.dot(xb, wv_ref[...].astype(_BF), preferred_element_type=_F32)
    U = val.shape[-1]
    lo = _round_bf16_bits(val[:, :U // 2]) >> 16
    hi = _round_bf16_bits(val[:, U // 2:])
    packed = lax.bitcast_convert_type(hi | lo, _F32)
    tab_ref[:, :ka.shape[-1]] = ka
    tab_ref[:, ka.shape[-1]:] = packed


def _project(xf, Wq, Wk, Wv, Wa0, *, interpret=False):
    BN, D = xf.shape
    U = Wq.shape[1]
    L = Wa0.shape[1]
    BA = 2048
    grid = (BN // BA,)
    return pl.pallas_call(
        _proj_body,
        grid=grid,
        in_specs=[
            pl.BlockSpec((BA, D), lambda i: (i, 0)),
            pl.BlockSpec((D, U), lambda i: (0, 0)),
            pl.BlockSpec((D, U), lambda i: (0, 0)),
            pl.BlockSpec((D, U), lambda i: (0, 0)),
            pl.BlockSpec((U, L), lambda i: (0, 0)),
        ],
        out_specs=[
            pl.BlockSpec((BA, L), lambda i: (i, 0)),
            pl.BlockSpec((BA, L + U // 2), lambda i: (i, 0)),
        ],
        out_shape=[
            jax.ShapeDtypeStruct((BN, L), _F32),
            jax.ShapeDtypeStruct((BN, L + U // 2), _F32),
        ],
        interpret=interpret,
    )(xf, Wq, Wk, Wv, Wa0)



def _sc_gather(tab, flat_idx, s_off, npick):
    T, W = tab.shape
    per_w = npick // _NW
    CH = 128
    nch = per_w // CH

    mesh = plsc.VectorSubcoreMesh(
        core_axis_name="c", subcore_axis_name="s",
        num_cores=_NC, num_subcores=_NS)

    @functools.partial(
        pl.kernel,
        out_type=jax.ShapeDtypeStruct((npick, W), tab.dtype),
        mesh=mesh,
        scratch_types=[
            pltpu.VMEM((per_w,), jnp.int32),
            pltpu.VMEM((CH, W), tab.dtype),
            pltpu.VMEM((CH, W), tab.dtype),
            pltpu.SemaphoreType.DMA,
            pltpu.SemaphoreType.DMA,
        ],
    )
    def gather_kernel(tab_hbm, idx_hbm, out_hbm, idx_v, rows0, rows1, sem0, sem1):
        wid = lax.axis_index("s") * _NC + lax.axis_index("c")
        base = wid * per_w
        pltpu.sync_copy(idx_hbm.at[pl.ds(s_off + base, per_w)], idx_v)

        def gather_chunk(i, rows, sem):
            return pltpu.async_copy(tab_hbm.at[idx_v.at[pl.ds(i * CH, CH)]],
                                    rows, sem)

        gather_chunk(0, rows0, sem0)

        def body(j, carry):
            i0 = 2 * j
            cp1 = gather_chunk(i0 + 1, rows1, sem1)
            pltpu.make_async_copy(tab_hbm.at[idx_v.at[pl.ds(0, CH)]],
                                  rows0, sem0).wait()
            pltpu.sync_copy(rows0, out_hbm.at[pl.ds(base + i0 * CH, CH)])

            @pl.when(i0 + 2 < nch)
            def _():
                gather_chunk(i0 + 2, rows0, sem0)

            pltpu.make_async_copy(tab_hbm.at[idx_v.at[pl.ds(0, CH)]],
                                  rows1, sem1).wait()
            pltpu.sync_copy(rows1, out_hbm.at[pl.ds(base + (i0 + 1) * CH, CH)])
            return carry

        lax.fori_loop(0, nch // 2, body, 0)

    return gather_kernel(tab, flat_idx)



def _attn_body(pos_ref, comb_ref, qa_ref, wa0_ref, wa1_ref, out_ref,
               *, nb, kk):
    pos = pos_ref[...]
    pa = jnp.dot(pos.astype(_BF), wa0_ref[...].astype(_BF),
                 preferred_element_type=_F32)
    L = pa.shape[-1]
    U = pos.shape[-1]
    ka_nb = comb_ref[:, :L]
    packed = lax.bitcast_convert_type(comb_ref[:, L:], _U32)
    v_lo = lax.bitcast_convert_type(packed << 16, _F32)
    v_hi = lax.bitcast_convert_type(packed & jnp.uint32(0xFFFF0000), _F32)

    c = (pa - ka_nb).reshape(nb, kk, L) + qa_ref[...][:, None, :]
    h = jnp.maximum(c, 0.0).reshape(nb * kk, L)
    logits = jnp.dot(h.astype(_BF), wa1_ref[...].astype(_BF),
                     preferred_element_type=_F32)
    e = jnp.exp(logits).reshape(nb, kk, U)
    s = jnp.sum(e, axis=1)
    val_nb = jnp.concatenate([v_lo, v_hi], axis=-1)
    v3 = val_nb.reshape(nb, kk, U) + pos.reshape(nb, kk, U)
    acc = jnp.sum(v3 * e, axis=1)
    out_ref[...] = acc / s


def _attention(posf, comb, qa, Wa0, Wa1, *, blk0=0, nblk=None, interpret=False):
    TOT, U = posf.shape
    L = Wa0.shape[1]
    W = comb.shape[1]
    BN = qa.shape[0]
    kk = TOT // BN
    nb = 256
    if nblk is None:
        nblk = BN // nb
    grid = (nblk,)
    nbk = nb * kk
    return pl.pallas_call(
        functools.partial(_attn_body, nb=nb, kk=kk),
        grid=grid,
        in_specs=[
            pl.BlockSpec((nbk, U), lambda i: (blk0 + i, 0)),
            pl.BlockSpec((nbk, W), lambda i: (i, 0)),
            pl.BlockSpec((nb, L), lambda i: (blk0 + i, 0)),
            pl.BlockSpec((U, L), lambda i: (0, 0)),
            pl.BlockSpec((L, U), lambda i: (0, 0)),
        ],
        out_specs=pl.BlockSpec((nb, U), lambda i: (i, 0)),
        out_shape=jax.ShapeDtypeStruct((nblk * nb, U), _F32),
        interpret=interpret,
    )(posf, comb, qa, Wa0, Wa1)



def kernel(x, position_embedding, nn_idx, Wq, Wk, Wv, Wa0, Wa1):
    B, N, D = x.shape
    K = nn_idx.shape[-1]
    U = Wq.shape[1]

    xf = x.reshape(B * N, D)
    qa, tab = _project(xf, Wq, Wk, Wv, Wa0)

    flat_idx = (nn_idx.astype(jnp.int32)
                + (jnp.arange(B, dtype=jnp.int32) * N)[:, None, None]
                ).reshape(B * N * K)
    posf = position_embedding.reshape(B * N * K, U)

    S = 8
    TOT = B * N * K
    per_s = TOT // S
    nblk = (B * N) // S // 256
    combs = [_sc_gather(tab, flat_idx, s * per_s, per_s) for s in range(S)]
    outs = [_attention(posf, combs[s], qa, Wa0, Wa1, blk0=s * nblk, nblk=nblk)
            for s in range(S)]
    return jnp.concatenate(outs, axis=0).reshape(B, N, U)

# --- scband reference (transcript-rebuilt; emitter-appended) ---
"""Pipeline reference for scband-attention-layer-41549513621918 (READ-ONLY COPY).

The authoritative reference and input builder live on the scoring server;
editing this copy changes nothing except your own understanding.
"""

import jax, jax.numpy as jnp
import numpy as np

B, N, K, D, U, L = 4, 4096, 32, 128, 128, 64

def setup_inputs(seed: int = 0) -> dict:
    key = jax.random.key(seed)
    ks = jax.random.split(key, 8)
    x = jax.random.normal(ks[0], (B, N, D), dtype=jnp.float32)
    position_embedding = jax.random.normal(ks[1], (B, N, K, U), dtype=jnp.float32) * 0.1
    nn_idx = jax.random.randint(ks[2], (B, N, K), 0, N)
    Wq = jax.random.normal(ks[3], (D, U), dtype=jnp.float32) * (1.0 / np.sqrt(D))
    Wk = jax.random.normal(ks[4], (D, U), dtype=jnp.float32) * (1.0 / np.sqrt(D))
    Wv = jax.random.normal(ks[5], (D, U), dtype=jnp.float32) * (1.0 / np.sqrt(D))
    Wa0 = jax.random.normal(ks[6], (U, L), dtype=jnp.float32) * (1.0 / np.sqrt(U))
    Wa1 = jax.random.normal(ks[7], (L, U), dtype=jnp.float32) * (1.0 / np.sqrt(L))
    return {"x": x, "position_embedding": position_embedding, "nn_idx": nn_idx,
            "Wq": Wq, "Wk": Wk, "Wv": Wv, "Wa0": Wa0, "Wa1": Wa1}


def reference(x, position_embedding, nn_idx, Wq, Wk, Wv, Wa0, Wa1):
    # Dense projections (no bias)
    query = x @ Wq          # [B, N, U]
    key = x @ Wk            # [B, N, U]
    value = x @ Wv          # [B, N, U]
    # compute_query_key_relation: per-batch gather of key at nn_idx
    gather = jax.vmap(lambda t, idx: jnp.take(t, idx, axis=0))
    key_neighbors = gather(key, nn_idx)      # [B, N, K, U]
    qk = query[:, :, None, :] - key_neighbors  # [B, N, K, U]
    # tf.gather(value, nn_idx, axis=-2, batch_dims=1)
    value_neighbors = gather(value, nn_idx)  # [B, N, K, U]
    attention = qk + position_embedding
    attention = jax.nn.relu(attention @ Wa0)  # [B, N, K, L]
    attention = attention @ Wa1               # [B, N, K, U]
    attention = jax.nn.softmax(attention, axis=-2)  # softmax over K neighbors
    value_neighbors = value_neighbors + position_embedding
    output = value_neighbors * attention
    output = jnp.sum(output, axis=-2)  # [B, N, U]
    return output

if __name__ == "__main__":
    import jax
    _d = setup_inputs()
    print(jax.jit(kernel)(*tuple(_d.values())))

</pallas_src>

<mosaic_0001>
#map = affine_map<(d0, d1) -> (0, 0)>
#map1 = affine_map<(d0, d1) -> (0)>
module attributes {stable_mosaic.version = 14 : i64} {
  func.func @gather_kernel(%arg0: i32, %arg1: i32, %arg2: memref<16384x128xf32, #tpu.memory_space<hbm>>, %arg3: memref<524288xi32, #tpu.memory_space<hbm>>, %arg4: memref<65536x128xf32, #tpu.memory_space<hbm>>, %arg5: memref<2048xi32, #tpu.memory_space<vmem>>, %arg6: memref<128x128xf32, #tpu.memory_space<vmem>>, %arg7: memref<128x128xf32, #tpu.memory_space<vmem>>, %arg8: memref<!tpu.dma_semaphore, #tpu.memory_space<semaphore_mem>>, %arg9: memref<!tpu.dma_semaphore, #tpu.memory_space<semaphore_mem>>) attributes {dimension_semantics = [#tpu.dimension_semantics<core_parallel>, #tpu.dimension_semantics<subcore_parallel>], iteration_bounds = array<i64: 2, 16>, scalar_prefetch = 0 : i64, scratch_operands = 5 : i64, tpu.core_type = #tpu.core_type<sc_vector_subcore>, window_params = [{transform_indices = #map}, {transform_indices = #map1}, {transform_indices = #map}]} {
    %mul3A = arith.constant 2 : i32
    %mul3A_0 = arith.muli %arg1, %mul3A : i32
    %add3A = arith.addi %mul3A_0, %arg0 : i32
    %mul3A_1 = arith.constant 2048 : i32
    %mul3A_2 = arith.muli %add3A, %mul3A_1 : i32
    %add3A_3 = arith.constant 393216 : i32
    %add3A_4 = arith.addi %add3A_3, %mul3A_2 : i32
    "tpu.region"() ({
      %run_scoped3A = tpu.sem_alloc : memref<!tpu.dma_semaphore, #tpu.memory_space<semaphore_mem>>
      %dma_start3A_14 = tpu.memref_slice %arg3[%add3A_4] : memref<524288xi32, #tpu.memory_space<hbm>> -> memref<2048xi32, #tpu.memory_space<hbm>>
      %dma_start3A_15 = tpu.memref_slice %arg3[%add3A_4] : memref<524288xi32, #tpu.memory_space<hbm>> -> memref<2048xi32, #tpu.memory_space<hbm>>
      tpu.enqueue_dma source(%dma_start3A_15 : memref<2048xi32, #tpu.memory_space<hbm>>) target(%arg5 : memref<2048xi32, #tpu.memory_space<vmem>>) target_semaphore(%run_scoped3A : memref<!tpu.dma_semaphore, #tpu.memory_space<semaphore_mem>>)
      %dma_wait3A = tpu.memref_slice %arg3[%add3A_4] : memref<524288xi32, #tpu.memory_space<hbm>> -> memref<2048xi32, #tpu.memory_space<hbm>>
      %dma_wait3A_16 = tpu.memref_slice %arg3[%add3A_4] : memref<524288xi32, #tpu.memory_space<hbm>> -> memref<2048xi32, #tpu.memory_space<hbm>>
      tpu.wait_dma2 semaphore(%run_scoped3A : memref<!tpu.dma_semaphore, #tpu.memory_space<semaphore_mem>>) src(%dma_wait3A_16 : memref<2048xi32, #tpu.memory_space<hbm>>) dst(%arg5 : memref<2048xi32, #tpu.memory_space<vmem>>)
      tpu.yield
    }) : () -> ()
    %dma_start3A = arith.constant 0 : i32
    %dma_start3A_5 = tpu.memref_slice %arg5[%dma_start3A] : memref<2048xi32, #tpu.memory_space<vmem>> -> memref<128xi32, #tpu.memory_space<vmem>>
    %dma_start3A_6 = arith.constant 0 : i32
    %dma_start3A_7 = arith.constant 0 : i32
    %dma_start3A_8 = tpu.memref_slice %arg2[%dma_start3A_6, %dma_start3A_7] : memref<16384x128xf32, #tpu.memory_space<hbm>> -> memref<16384x128xf32, #tpu.memory_space<hbm>>
    tpu.enqueue_indirect_dma source(%dma_start3A_8 : memref<16384x128xf32, #tpu.memory_space<hbm>>) target(%arg6 : memref<128x128xf32, #tpu.memory_space<vmem>>) offsets(%dma_start3A_5 : memref<128xi32, #tpu.memory_space<vmem>>) semaphore(%arg8 : memref<!tpu.dma_semaphore, #tpu.memory_space<semaphore_mem>>)
    %scan3A = arith.constant 0 : i32
    %scan3A_9 = arith.constant 0 : i32
    %scan3A_10 = arith.constant 8 : i32
    %scan3A_11 = arith.addi %scan3A_9, %scan3A_10 : i32
    %scan3A_12 = arith.constant 1 : i32
    scf.for %scan3A_14 = %scan3A_9 to %scan3A_11 step %scan3A_12  : i32 {
      %mul3A_15 = arith.constant 2 : i32
      %mul3A_16 = arith.muli %mul3A_15, %scan3A_14 : i32
      %add3A_17 = arith.constant 1 : i32
      %add3A_18 = arith.addi %mul3A_16, %add3A_17 : i32
      %mul3A_19 = arith.constant 128 : i32
      %mul3A_20 = arith.muli %add3A_18, %mul3A_19 : i32
      %dma_start3A_21 = tpu.memref_slice %arg5[%mul3A_20] : memref<2048xi32, #tpu.memory_space<vmem>> -> memref<128xi32, #tpu.memory_space<vmem>>
      %dma_start3A_22 = arith.constant 0 : i32
      %dma_start3A_23 = arith.constant 0 : i32
      %dma_start3A_24 = tpu.memref_slice %arg2[%dma_start3A_22, %dma_start3A_23] : memref<16384x128xf32, #tpu.memory_space<hbm>> -> memref<16384x128xf32, #tpu.memory_space<hbm>>
      tpu.enqueue_indirect_dma source(%dma_start3A_24 : memref<16384x128xf32, #tpu.memory_space<hbm>>) target(%arg7 : memref<128x128xf32, #tpu.memory_space<vmem>>) offsets(%dma_start3A_21 : memref<128xi32, #tpu.memory_space<vmem>>) semaphore(%arg9 : memref<!tpu.dma_semaphore, #tpu.memory_space<semaphore_mem>>)
      %dma_wait3A = arith.constant 0 : i32
      %dma_wait3A_25 = tpu.memref_slice %arg5[%dma_wait3A] : memref<2048xi32, #tpu.memory_space<vmem>> -> memref<128xi32, #tpu.memory_space<vmem>>
      %dma_wait3A_26 = arith.constant 0 : i32
      %dma_wait3A_27 = arith.constant 0 : i32
      %dma_wait3A_28 = tpu.memref_slice %arg2[%dma_wait3A_26, %dma_wait3A_27] : memref<16384x128xf32, #tpu.memory_space<hbm>> -> memref<16384x128xf32, #tpu.memory_space<hbm>>
      tpu.wait_indirect_dma semaphore(%arg8 : memref<!tpu.dma_semaphore, #tpu.memory_space<semaphore_mem>>) src(%dma_wait3A_28 : memref<16384x128xf32, #tpu.memory_space<hbm>>) dst(%arg6 : memref<128x128xf32, #tpu.memory_space<vmem>>)
      %mul3A_29 = arith.constant 128 : i32
      %mul3A_30 = arith.muli %mul3A_16, %mul3A_29 : i32
      %add3A_31 = arith.addi %mul3A_2, %mul3A_30 : i32
      "tpu.region"() ({
        %run_scoped3A = tpu.sem_alloc : memref<!tpu.dma_semaphore, #tpu.memory_space<semaphore_mem>>
        %dma_start3A_46 = arith.constant 0 : i32
        %dma_start3A_47 = tpu.memref_slice %arg4[%add3A_31, %dma_start3A_46] : memref<65536x128xf32, #tpu.memory_space<hbm>> -> memref<128x128xf32, #tpu.memory_space<hbm>>
        %dma_start3A_48 = arith.constant 0 : i32
        %dma_start3A_49 = tpu.memref_slice %arg4[%add3A_31, %dma_start3A_48] : memref<65536x128xf32, #tpu.memory_space<hbm>> -> memref<128x128xf32, #tpu.memory_space<hbm>>
        tpu.enqueue_dma source(%arg6 : memref<128x128xf32, #tpu.memory_space<vmem>>) target(%dma_start3A_49 : memref<128x128xf32, #tpu.memory_space<hbm>>) target_semaphore(%run_scoped3A : memref<!tpu.dma_semaphore, #tpu.memory_space<semaphore_mem>>)
        %dma_wait3A_50 = arith.constant 0 : i32
        %dma_wait3A_51 = tpu.memref_slice %arg4[%add3A_31, %dma_wait3A_50] : memref<65536x128xf32, #tpu.memory_space<hbm>> -> memref<128x128xf32, #tpu.memory_space<hbm>>
        %dma_wait3A_52 = arith.constant 0 : i32
        %dma_wait3A_53 = tpu.memref_slice %arg4[%add3A_31, %dma_wait3A_52] : memref<65536x128xf32, #tpu.memory_space<hbm>> -> memref<128x128xf32, #tpu.memory_space<hbm>>
        tpu.wait_dma2 semaphore(%run_scoped3A : memref<!tpu.dma_semaphore, #tpu.memory_space<semaphore_mem>>) src(%arg6 : memref<128x128xf32, #tpu.memory_space<vmem>>) dst(%dma_wait3A_53 : memref<128x128xf32, #tpu.memory_space<hbm>>)
        tpu.yield
      }) : () -> ()
      %add3A_32 = arith.constant 2 : i32
      %add3A_33 = arith.addi %mul3A_16, %add3A_32 : i32
      %lt3A = arith.constant 16 : i32
      %lt3A_34 = arith.cmpi slt, %add3A_33, %lt3A : i32
      %convert_element_type3A = arith.extui %lt3A_34 : i1 to i32
      %cond3A = arith.constant 0 : i32
      %cond3A_35 = arith.cmpi ne, %convert_element_type3A, %cond3A : i32
      scf.if %cond3A_35 {
        %add3A_46 = arith.constant 2 : i32
        %add3A_47 = arith.addi %mul3A_16, %add3A_46 : i32
        %mul3A_48 = arith.constant 128 : i32
        %mul3A_49 = arith.muli %add3A_47, %mul3A_48 : i32
        %dma_start3A_50 = tpu.memref_slice %arg5[%mul3A_49] : memref<2048xi32, #tpu.memory_space<vmem>> -> memref<128xi32, #tpu.memory_space<vmem>>
        %dma_start3A_51 = arith.constant 0 : i32
        %dma_start3A_52 = arith.constant 0 : i32
        %dma_start3A_53 = tpu.memref_slice %arg2[%dma_start3A_51, %dma_start3A_52] : memref<16384x128xf32, #tpu.memory_space<hbm>> -> memref<16384x128xf32, #tpu.memory_space<hbm>>
        tpu.enqueue_indirect_dma source(%dma_start3A_53 : memref<16384x128xf32, #tpu.memory_space<hbm>>) target(%arg6 : memref<128x128xf32, #tpu.memory_space<vmem>>) offsets(%dma_start3A_50 : memref<128xi32, #tpu.memory_space<vmem>>) semaphore(%arg8 : memref<!tpu.dma_semaphore, #tpu.memory_space<semaphore_mem>>)
      } else {
      }
      %dma_wait3A_36 = arith.constant 0 : i32
      %dma_wait3A_37 = tpu.memref_slice %arg5[%dma_wait3A_36] : memref<2048xi32, #tpu.memory_space<vmem>> -> memref<128xi32, #tpu.memory_space<vmem>>
      %dma_wait3A_38 = arith.constant 0 : i32
      %dma_wait3A_39 = arith.constant 0 : i32
      %dma_wait3A_40 = tpu.memref_slice %arg2[%dma_wait3A_38, %dma_wait3A_39] : memref<16384x128xf32, #tpu.memory_space<hbm>> -> memref<16384x128xf32, #tpu.memory_space<hbm>>
      tpu.wait_indirect_dma semaphore(%arg9 : memref<!tpu.dma_semaphore, #tpu.memory_space<semaphore_mem>>) src(%dma_wait3A_40 : memref<16384x128xf32, #tpu.memory_space<hbm>>) dst(%arg7 : memref<128x128xf32, #tpu.memory_space<vmem>>)
      %add3A_41 = arith.constant 1 : i32
      %add3A_42 = arith.addi %mul3A_16, %add3A_41 : i32
      %mul3A_43 = arith.constant 128 : i32
      %mul3A_44 = arith.muli %add3A_42, %mul3A_43 : i32
      %add3A_45 = arith.addi %mul3A_2, %mul3A_44 : i32
      "tpu.region"() ({
        %run_scoped3A = tpu.sem_alloc : memref<!tpu.dma_semaphore, #tpu.memory_space<semaphore_mem>>
        %dma_start3A_46 = arith.constant 0 : i32
        %dma_start3A_47 = tpu.memref_slice %arg4[%add3A_45, %dma_start3A_46] : memref<65536x128xf32, #tpu.memory_space<hbm>> -> memref<128x128xf32, #tpu.memory_space<hbm>>
        %dma_start3A_48 = arith.constant 0 : i32
        %dma_start3A_49 = tpu.memref_slice %arg4[%add3A_45, %dma_start3A_48] : memref<65536x128xf32, #tpu.memory_space<hbm>> -> memref<128x128xf32, #tpu.memory_space<hbm>>
        tpu.enqueue_dma source(%arg7 : memref<128x128xf32, #tpu.memory_space<vmem>>) target(%dma_start3A_49 : memref<128x128xf32, #tpu.memory_space<hbm>>) target_semaphore(%run_scoped3A : memref<!tpu.dma_semaphore, #tpu.memory_space<semaphore_mem>>)
        %dma_wait3A_50 = arith.constant 0 : i32
        %dma_wait3A_51 = tpu.memref_slice %arg4[%add3A_45, %dma_wait3A_50] : memref<65536x128xf32, #tpu.memory_space<hbm>> -> memref<128x128xf32, #tpu.memory_space<hbm>>
        %dma_wait3A_52 = arith.constant 0 : i32
        %dma_wait3A_53 = tpu.memref_slice %arg4[%add3A_45, %dma_wait3A_52] : memref<65536x128xf32, #tpu.memory_space<hbm>> -> memref<128x128xf32, #tpu.memory_space<hbm>>
        tpu.wait_dma2 semaphore(%run_scoped3A : memref<!tpu.dma_semaphore, #tpu.memory_space<semaphore_mem>>) src(%arg7 : memref<128x128xf32, #tpu.memory_space<vmem>>) dst(%dma_wait3A_53 : memref<128x128xf32, #tpu.memory_space<hbm>>)
        tpu.yield
      }) : () -> ()
    }
    %scan3A_13 = arith.constant 8 : i32
    return
  }
}

#map = affine_map<(d0, d1) -> (0, 0)>
#map1 = affine_map<(d0, d1) -> (0)>
module attributes {stable_mosaic.version = 14 : i64} {
  func.func @gather_kernel(%arg0: i32, %arg1: i32, %arg2: memref<16384x128xf32, #tpu.memory_space<hbm>>, %arg3: memref<524288xi32, #tpu.memory_space<hbm>>, %arg4: memref<65536x128xf32, #tpu.memory_space<hbm>>, %arg5: memref<2048xi32, #tpu.memory_space<vmem>>, %arg6: memref<128x128xf32, #tpu.memory_space<vmem>>, %arg7: memref<128x128xf32, #tpu.memory_space<vmem>>, %arg8: memref<!tpu.dma_semaphore, #tpu.memory_space<semaphore_mem>>, %arg9: memref<!tpu.dma_semaphore, #tpu.memory_space<semaphore_mem>>) attributes {dimension_semantics = [#tpu.dimension_semantics<core_parallel>, #tpu.dimension_semantics<subcore_parallel>], iteration_bounds = array<i64: 2, 16>, scalar_prefetch = 0 : i64, scratch_operands = 5 : i64, tpu.core_type = #tpu.core_type<sc_vector_subcore>, window_params = [{transform_indices = #map}, {transform_indices = #map1}, {transform_indices = #map}]} {
    %mul3A = arith.constant 2 : i32
    %mul3A_0 = arith.muli %arg1, %mul3A : i32
    %add3A = arith.addi %mul3A_0, %arg0 : i32
    %mul3A_1 = arith.constant 2048 : i32
    %mul3A_2 = arith.muli %add3A, %mul3A_1 : i32
    %add3A_3 = arith.constant 262144 : i32
    %add3A_4 = arith.addi %add3A_3, %mul3A_2 : i32
    "tpu.region"() ({
      %run_scoped3A = tpu.sem_alloc : memref<!tpu.dma_semaphore, #tpu.memory_space<semaphore_mem>>
      %dma_start3A_14 = tpu.memref_slice %arg3[%add3A_4] : memref<524288xi32, #tpu.memory_space<hbm>> -> memref<2048xi32, #tpu.memory_space<hbm>>
      %dma_start3A_15 = tpu.memref_slice %arg3[%add3A_4] : memref<524288xi32, #tpu.memory_space<hbm>> -> memref<2048xi32, #tpu.memory_space<hbm>>
      tpu.enqueue_dma source(%dma_start3A_15 : memref<2048xi32, #tpu.memory_space<hbm>>) target(%arg5 : memref<2048xi32, #tpu.memory_space<vmem>>) target_semaphore(%run_scoped3A : memref<!tpu.dma_semaphore, #tpu.memory_space<semaphore_mem>>)
      %dma_wait3A = tpu.memref_slice %arg3[%add3A_4] : memref<524288xi32, #tpu.memory_space<hbm>> -> memref<2048xi32, #tpu.memory_space<hbm>>
      %dma_wait3A_16 = tpu.memref_slice %arg3[%add3A_4] : memref<524288xi32, #tpu.memory_space<hbm>> -> memref<2048xi32, #tpu.memory_space<hbm>>
      tpu.wait_dma2 semaphore(%run_scoped3A : memref<!tpu.dma_semaphore, #tpu.memory_space<semaphore_mem>>) src(%dma_wait3A_16 : memref<2048xi32, #tpu.memory_space<hbm>>) dst(%arg5 : memref<2048xi32, #tpu.memory_space<vmem>>)
      tpu.yield
    }) : () -> ()
    %dma_start3A = arith.constant 0 : i32
    %dma_start3A_5 = tpu.memref_slice %arg5[%dma_start3A] : memref<2048xi32, #tpu.memory_space<vmem>> -> memref<128xi32, #tpu.memory_space<vmem>>
    %dma_start3A_6 = arith.constant 0 : i32
    %dma_start3A_7 = arith.constant 0 : i32
    %dma_start3A_8 = tpu.memref_slice %arg2[%dma_start3A_6, %dma_start3A_7] : memref<16384x128xf32, #tpu.memory_space<hbm>> -> memref<16384x128xf32, #tpu.memory_space<hbm>>
    tpu.enqueue_indirect_dma source(%dma_start3A_8 : memref<16384x128xf32, #tpu.memory_space<hbm>>) target(%arg6 : memref<128x128xf32, #tpu.memory_space<vmem>>) offsets(%dma_start3A_5 : memref<128xi32, #tpu.memory_space<vmem>>) semaphore(%arg8 : memref<!tpu.dma_semaphore, #tpu.memory_space<semaphore_mem>>)
    %scan3A = arith.constant 0 : i32
    %scan3A_9 = arith.constant 0 : i32
    %scan3A_10 = arith.constant 8 : i32
    %scan3A_11 = arith.addi %scan3A_9, %scan3A_10 : i32
    %scan3A_12 = arith.constant 1 : i32
    scf.for %scan3A_14 = %scan3A_9 to %scan3A_11 step %scan3A_12  : i32 {
      %mul3A_15 = arith.constant 2 : i32
      %mul3A_16 = arith.muli %mul3A_15, %scan3A_14 : i32
      %add3A_17 = arith.constant 1 : i32
      %add3A_18 = arith.addi %mul3A_16, %add3A_17 : i32
      %mul3A_19 = arith.constant 128 : i32
      %mul3A_20 = arith.muli %add3A_18, %mul3A_19 : i32
      %dma_start3A_21 = tpu.memref_slice %arg5[%mul3A_20] : memref<2048xi32, #tpu.memory_space<vmem>> -> memref<128xi32, #tpu.memory_space<vmem>>
      %dma_start3A_22 = arith.constant 0 : i32
      %dma_start3A_23 = arith.constant 0 : i32
      %dma_start3A_24 = tpu.memref_slice %arg2[%dma_start3A_22, %dma_start3A_23] : memref<16384x128xf32, #tpu.memory_space<hbm>> -> memref<16384x128xf32, #tpu.memory_space<hbm>>
      tpu.enqueue_indirect_dma source(%dma_start3A_24 : memref<16384x128xf32, #tpu.memory_space<hbm>>) target(%arg7 : memref<128x128xf32, #tpu.memory_space<vmem>>) offsets(%dma_start3A_21 : memref<128xi32, #tpu.memory_space<vmem>>) semaphore(%arg9 : memref<!tpu.dma_semaphore, #tpu.memory_space<semaphore_mem>>)
      %dma_wait3A = arith.constant 0 : i32
      %dma_wait3A_25 = tpu.memref_slice %arg5[%dma_wait3A] : memref<2048xi32, #tpu.memory_space<vmem>> -> memref<128xi32, #tpu.memory_space<vmem>>
      %dma_wait3A_26 = arith.constant 0 : i32
      %dma_wait3A_27 = arith.constant 0 : i32
      %dma_wait3A_28 = tpu.memref_slice %arg2[%dma_wait3A_26, %dma_wait3A_27] : memref<16384x128xf32, #tpu.memory_space<hbm>> -> memref<16384x128xf32, #tpu.memory_space<hbm>>
      tpu.wait_indirect_dma semaphore(%arg8 : memref<!tpu.dma_semaphore, #tpu.memory_space<semaphore_mem>>) src(%dma_wait3A_28 : memref<16384x128xf32, #tpu.memory_space<hbm>>) dst(%arg6 : memref<128x128xf32, #tpu.memory_space<vmem>>)
      %mul3A_29 = arith.constant 128 : i32
      %mul3A_30 = arith.muli %mul3A_16, %mul3A_29 : i32
      %add3A_31 = arith.addi %mul3A_2, %mul3A_30 : i32
      "tpu.region"() ({
        %run_scoped3A = tpu.sem_alloc : memref<!tpu.dma_semaphore, #tpu.memory_space<semaphore_mem>>
        %dma_start3A_46 = arith.constant 0 : i32
        %dma_start3A_47 = tpu.memref_slice %arg4[%add3A_31, %dma_start3A_46] : memref<65536x128xf32, #tpu.memory_space<hbm>> -> memref<128x128xf32, #tpu.memory_space<hbm>>
        %dma_start3A_48 = arith.constant 0 : i32
        %dma_start3A_49 = tpu.memref_slice %arg4[%add3A_31, %dma_start3A_48] : memref<65536x128xf32, #tpu.memory_space<hbm>> -> memref<128x128xf32, #tpu.memory_space<hbm>>
        tpu.enqueue_dma source(%arg6 : memref<128x128xf32, #tpu.memory_space<vmem>>) target(%dma_start3A_49 : memref<128x128xf32, #tpu.memory_space<hbm>>) target_semaphore(%run_scoped3A : memref<!tpu.dma_semaphore, #tpu.memory_space<semaphore_mem>>)
        %dma_wait3A_50 = arith.constant 0 : i32
        %dma_wait3A_51 = tpu.memref_slice %arg4[%add3A_31, %dma_wait3A_50] : memref<65536x128xf32, #tpu.memory_space<hbm>> -> memref<128x128xf32, #tpu.memory_space<hbm>>
        %dma_wait3A_52 = arith.constant 0 : i32
        %dma_wait3A_53 = tpu.memref_slice %arg4[%add3A_31, %dma_wait3A_52] : memref<65536x128xf32, #tpu.memory_space<hbm>> -> memref<128x128xf32, #tpu.memory_space<hbm>>
        tpu.wait_dma2 semaphore(%run_scoped3A : memref<!tpu.dma_semaphore, #tpu.memory_space<semaphore_mem>>) src(%arg6 : memref<128x128xf32, #tpu.memory_space<vmem>>) dst(%dma_wait3A_53 : memref<128x128xf32, #tpu.memory_space<hbm>>)
        tpu.yield
      }) : () -> ()
      %add3A_32 = arith.constant 2 : i32
      %add3A_33 = arith.addi %mul3A_16, %add3A_32 : i32
      %lt3A = arith.constant 16 : i32
      %lt3A_34 = arith.cmpi slt, %add3A_33, %lt3A : i32
      %convert_element_type3A = arith.extui %lt3A_34 : i1 to i32
      %cond3A = arith.constant 0 : i32
      %cond3A_35 = arith.cmpi ne, %convert_element_type3A, %cond3A : i32
      scf.if %cond3A_35 {
        %add3A_46 = arith.constant 2 : i32
        %add3A_47 = arith.addi %mul3A_16, %add3A_46 : i32
        %mul3A_48 = arith.constant 128 : i32
        %mul3A_49 = arith.muli %add3A_47, %mul3A_48 : i32
        %dma_start3A_50 = tpu.memref_slice %arg5[%mul3A_49] : memref<2048xi32, #tpu.memory_space<vmem>> -> memref<128xi32, #tpu.memory_space<vmem>>
        %dma_start3A_51 = arith.constant 0 : i32
        %dma_start3A_52 = arith.constant 0 : i32
        %dma_start3A_53 = tpu.memref_slice %arg2[%dma_start3A_51, %dma_start3A_52] : memref<16384x128xf32, #tpu.memory_space<hbm>> -> memref<16384x128xf32, #tpu.memory_space<hbm>>
        tpu.enqueue_indirect_dma source(%dma_start3A_53 : memref<16384x128xf32, #tpu.memory_space<hbm>>) target(%arg6 : memref<128x128xf32, #tpu.memory_space<vmem>>) offsets(%dma_start3A_50 : memref<128xi32, #tpu.memory_space<vmem>>) semaphore(%arg8 : memref<!tpu.dma_semaphore, #tpu.memory_space<semaphore_mem>>)
      } else {
      }
      %dma_wait3A_36 = arith.constant 0 : i32
      %dma_wait3A_37 = tpu.memref_slice %arg5[%dma_wait3A_36] : memref<2048xi32, #tpu.memory_space<vmem>> -> memref<128xi32, #tpu.memory_space<vmem>>
      %dma_wait3A_38 = arith.constant 0 : i32
      %dma_wait3A_39 = arith.constant 0 : i32
      %dma_wait3A_40 = tpu.memref_slice %arg2[%dma_wait3A_38, %dma_wait3A_39] : memref<16384x128xf32, #tpu.memory_space<hbm>> -> memref<16384x128xf32, #tpu.memory_space<hbm>>
      tpu.wait_indirect_dma semaphore(%arg9 : memref<!tpu.dma_semaphore, #tpu.memory_space<semaphore_mem>>) src(%dma_wait3A_40 : memref<16384x128xf32, #tpu.memory_space<hbm>>) dst(%arg7 : memref<128x128xf32, #tpu.memory_space<vmem>>)
      %add3A_41 = arith.constant 1 : i32
      %add3A_42 = arith.addi %mul3A_16, %add3A_41 : i32
      %mul3A_43 = arith.constant 128 : i32
      %mul3A_44 = arith.muli %add3A_42, %mul3A_43 : i32
      %add3A_45 = arith.addi %mul3A_2, %mul3A_44 : i32
      "tpu.region"() ({
        %run_scoped3A = tpu.sem_alloc : memref<!tpu.dma_semaphore, #tpu.memory_space<semaphore_mem>>
        %dma_start3A_46 = arith.constant 0 : i32
        %dma_start3A_47 = tpu.memref_slice %arg4[%add3A_45, %dma_start3A_46] : memref<65536x128xf32, #tpu.memory_space<hbm>> -> memref<128x128xf32, #tpu.memory_space<hbm>>
        %dma_start3A_48 = arith.constant 0 : i32
        %dma_start3A_49 = tpu.memref_slice %arg4[%add3A_45, %dma_start3A_48] : memref<65536x128xf32, #tpu.memory_space<hbm>> -> memref<128x128xf32, #tpu.memory_space<hbm>>
        tpu.enqueue_dma source(%arg7 : memref<128x128xf32, #tpu.memory_space<vmem>>) target(%dma_start3A_49 : memref<128x128xf32, #tpu.memory_space<hbm>>) target_semaphore(%run_scoped3A : memref<!tpu.dma_semaphore, #tpu.memory_space<semaphore_mem>>)
        %dma_wait3A_50 = arith.constant 0 : i32
        %dma_wait3A_51 = tpu.memref_slice %arg4[%add3A_45, %dma_wait3A_50] : memref<65536x128xf32, #tpu.memory_space<hbm>> -> memref<128x128xf32, #tpu.memory_space<hbm>>
        %dma_wait3A_52 = arith.constant 0 : i32
        %dma_wait3A_53 = tpu.memref_slice %arg4[%add3A_45, %dma_wait3A_52] : memref<65536x128xf32, #tpu.memory_space<hbm>> -> memref<128x128xf32, #tpu.memory_space<hbm>>
        tpu.wait_dma2 semaphore(%run_scoped3A : memref<!tpu.dma_semaphore, #tpu.memory_space<semaphore_mem>>) src(%arg7 : memref<128x128xf32, #tpu.memory_space<vmem>>) dst(%dma_wait3A_53 : memref<128x128xf32, #tpu.memory_space<hbm>>)
        tpu.yield
      }) : () -> ()
    }
    %scan3A_13 = arith.constant 8 : i32
    return
  }
}

#map = affine_map<(d0, d1) -> (0, 0)>
#map1 = affine_map<(d0, d1) -> (0)>
module attributes {stable_mosaic.version = 14 : i64} {
  func.func @gather_kernel(%arg0: i32, %arg1: i32, %arg2: memref<16384x128xf32, #tpu.memory_space<hbm>>, %arg3: memref<524288xi32, #tpu.memory_space<hbm>>, %arg4: memref<65536x128xf32, #tpu.memory_space<hbm>>, %arg5: memref<2048xi32, #tpu.memory_space<vmem>>, %arg6: memref<128x128xf32, #tpu.memory_space<vmem>>, %arg7: memref<128x128xf32, #tpu.memory_space<vmem>>, %arg8: memref<!tpu.dma_semaphore, #tpu.memory_space<semaphore_mem>>, %arg9: memref<!tpu.dma_semaphore, #tpu.memory_space<semaphore_mem>>) attributes {dimension_semantics = [#tpu.dimension_semantics<core_parallel>, #tpu.dimension_semantics<subcore_parallel>], iteration_bounds = array<i64: 2, 16>, scalar_prefetch = 0 : i64, scratch_operands = 5 : i64, tpu.core_type = #tpu.core_type<sc_vector_subcore>, window_params = [{transform_indices = #map}, {transform_indices = #map1}, {transform_indices = #map}]} {
    %mul3A = arith.constant 2 : i32
    %mul3A_0 = arith.muli %arg1, %mul3A : i32
    %add3A = arith.addi %mul3A_0, %arg0 : i32
    %mul3A_1 = arith.constant 2048 : i32
    %mul3A_2 = arith.muli %add3A, %mul3A_1 : i32
    %add3A_3 = arith.constant 327680 : i32
    %add3A_4 = arith.addi %add3A_3, %mul3A_2 : i32
    "tpu.region"() ({
      %run_scoped3A = tpu.sem_alloc : memref<!tpu.dma_semaphore, #tpu.memory_space<semaphore_mem>>
      %dma_start3A_14 = tpu.memref_slice %arg3[%add3A_4] : memref<524288xi32, #tpu.memory_space<hbm>> -> memref<2048xi32, #tpu.memory_space<hbm>>
      %dma_start3A_15 = tpu.memref_slice %arg3[%add3A_4] : memref<524288xi32, #tpu.memory_space<hbm>> -> memref<2048xi32, #tpu.memory_space<hbm>>
      tpu.enqueue_dma source(%dma_start3A_15 : memref<2048xi32, #tpu.memory_space<hbm>>) target(%arg5 : memref<2048xi32, #tpu.memory_space<vmem>>) target_semaphore(%run_scoped3A : memref<!tpu.dma_semaphore, #tpu.memory_space<semaphore_mem>>)
      %dma_wait3A = tpu.memref_slice %arg3[%add3A_4] : memref<524288xi32, #tpu.memory_space<hbm>> -> memref<2048xi32, #tpu.memory_space<hbm>>
      %dma_wait3A_16 = tpu.memref_slice %arg3[%add3A_4] : memref<524288xi32, #tpu.memory_space<hbm>> -> memref<2048xi32, #tpu.memory_space<hbm>>
      tpu.wait_dma2 semaphore(%run_scoped3A : memref<!tpu.dma_semaphore, #tpu.memory_space<semaphore_mem>>) src(%dma_wait3A_16 : memref<2048xi32, #tpu.memory_space<hbm>>) dst(%arg5 : memref<2048xi32, #tpu.memory_space<vmem>>)
      tpu.yield
    }) : () -> ()
    %dma_start3A = arith.constant 0 : i32
    %dma_start3A_5 = tpu.memref_slice %arg5[%dma_start3A] : memref<2048xi32, #tpu.memory_space<vmem>> -> memref<128xi32, #tpu.memory_space<vmem>>
    %dma_start3A_6 = arith.constant 0 : i32
    %dma_start3A_7 = arith.constant 0 : i32
    %dma_start3A_8 = tpu.memref_slice %arg2[%dma_start3A_6, %dma_start3A_7] : memref<16384x128xf32, #tpu.memory_space<hbm>> -> memref<16384x128xf32, #tpu.memory_space<hbm>>
    tpu.enqueue_indirect_dma source(%dma_start3A_8 : memref<16384x128xf32, #tpu.memory_space<hbm>>) target(%arg6 : memref<128x128xf32, #tpu.memory_space<vmem>>) offsets(%dma_start3A_5 : memref<128xi32, #tpu.memory_space<vmem>>) semaphore(%arg8 : memref<!tpu.dma_semaphore, #tpu.memory_space<semaphore_mem>>)
    %scan3A = arith.constant 0 : i32
    %scan3A_9 = arith.constant 0 : i32
    %scan3A_10 = arith.constant 8 : i32
    %scan3A_11 = arith.addi %scan3A_9, %scan3A_10 : i32
    %scan3A_12 = arith.constant 1 : i32
    scf.for %scan3A_14 = %scan3A_9 to %scan3A_11 step %scan3A_12  : i32 {
      %mul3A_15 = arith.constant 2 : i32
      %mul3A_16 = arith.muli %mul3A_15, %scan3A_14 : i32
      %add3A_17 = arith.constant 1 : i32
      %add3A_18 = arith.addi %mul3A_16, %add3A_17 : i32
      %mul3A_19 = arith.constant 128 : i32
      %mul3A_20 = arith.muli %add3A_18, %mul3A_19 : i32
      %dma_start3A_21 = tpu.memref_slice %arg5[%mul3A_20] : memref<2048xi32, #tpu.memory_space<vmem>> -> memref<128xi32, #tpu.memory_space<vmem>>
      %dma_start3A_22 = arith.constant 0 : i32
      %dma_start3A_23 = arith.constant 0 : i32
      %dma_start3A_24 = tpu.memref_slice %arg2[%dma_start3A_22, %dma_start3A_23] : memref<16384x128xf32, #tpu.memory_space<hbm>> -> memref<16384x128xf32, #tpu.memory_space<hbm>>
      tpu.enqueue_indirect_dma source(%dma_start3A_24 : memref<16384x128xf32, #tpu.memory_space<hbm>>) target(%arg7 : memref<128x128xf32, #tpu.memory_space<vmem>>) offsets(%dma_start3A_21 : memref<128xi32, #tpu.memory_space<vmem>>) semaphore(%arg9 : memref<!tpu.dma_semaphore, #tpu.memory_space<semaphore_mem>>)
      %dma_wait3A = arith.constant 0 : i32
      %dma_wait3A_25 = tpu.memref_slice %arg5[%dma_wait3A] : memref<2048xi32, #tpu.memory_space<vmem>> -> memref<128xi32, #tpu.memory_space<vmem>>
      %dma_wait3A_26 = arith.constant 0 : i32
      %dma_wait3A_27 = arith.constant 0 : i32
      %dma_wait3A_28 = tpu.memref_slice %arg2[%dma_wait3A_26, %dma_wait3A_27] : memref<16384x128xf32, #tpu.memory_space<hbm>> -> memref<16384x128xf32, #tpu.memory_space<hbm>>
      tpu.wait_indirect_dma semaphore(%arg8 : memref<!tpu.dma_semaphore, #tpu.memory_space<semaphore_mem>>) src(%dma_wait3A_28 : memref<16384x128xf32, #tpu.memory_space<hbm>>) dst(%arg6 : memref<128x128xf32, #tpu.memory_space<vmem>>)
      %mul3A_29 = arith.constant 128 : i32
      %mul3A_30 = arith.muli %mul3A_16, %mul3A_29 : i32
      %add3A_31 = arith.addi %mul3A_2, %mul3A_30 : i32
      "tpu.region"() ({
        %run_scoped3A = tpu.sem_alloc : memref<!tpu.dma_semaphore, #tpu.memory_space<semaphore_mem>>
        %dma_start3A_46 = arith.constant 0 : i32
        %dma_start3A_47 = tpu.memref_slice %arg4[%add3A_31, %dma_start3A_46] : memref<65536x128xf32, #tpu.memory_space<hbm>> -> memref<128x128xf32, #tpu.memory_space<hbm>>
        %dma_start3A_48 = arith.constant 0 : i32
        %dma_start3A_49 = tpu.memref_slice %arg4[%add3A_31, %dma_start3A_48] : memref<65536x128xf32, #tpu.memory_space<hbm>> -> memref<128x128xf32, #tpu.memory_space<hbm>>
        tpu.enqueue_dma source(%arg6 : memref<128x128xf32, #tpu.memory_space<vmem>>) target(%dma_start3A_49 : memref<128x128xf32, #tpu.memory_space<hbm>>) target_semaphore(%run_scoped3A : memref<!tpu.dma_semaphore, #tpu.memory_space<semaphore_mem>>)
        %dma_wait3A_50 = arith.constant 0 : i32
        %dma_wait3A_51 = tpu.memref_slice %arg4[%add3A_31, %dma_wait3A_50] : memref<65536x128xf32, #tpu.memory_space<hbm>> -> memref<128x128xf32, #tpu.memory_space<hbm>>
        %dma_wait3A_52 = arith.constant 0 : i32
        %dma_wait3A_53 = tpu.memref_slice %arg4[%add3A_31, %dma_wait3A_52] : memref<65536x128xf32, #tpu.memory_space<hbm>> -> memref<128x128xf32, #tpu.memory_space<hbm>>
        tpu.wait_dma2 semaphore(%run_scoped3A : memref<!tpu.dma_semaphore, #tpu.memory_space<semaphore_mem>>) src(%arg6 : memref<128x128xf32, #tpu.memory_space<vmem>>) dst(%dma_wait3A_53 : memref<128x128xf32, #tpu.memory_space<hbm>>)
        tpu.yield
      }) : () -> ()
      %add3A_32 = arith.constant 2 : i32
      %add3A_33 = arith.addi %mul3A_16, %add3A_32 : i32
      %lt3A = arith.constant 16 : i32
      %lt3A_34 = arith.cmpi slt, %add3A_33, %lt3A : i32
      %convert_element_type3A = arith.extui %lt3A_34 : i1 to i32
      %cond3A = arith.constant 0 : i32
      %cond3A_35 = arith.cmpi ne, %convert_element_type3A, %cond3A : i32
      scf.if %cond3A_35 {
        %add3A_46 = arith.constant 2 : i32
        %add3A_47 = arith.addi %mul3A_16, %add3A_46 : i32
        %mul3A_48 = arith.constant 128 : i32
        %mul3A_49 = arith.muli %add3A_47, %mul3A_48 : i32
        %dma_start3A_50 = tpu.memref_slice %arg5[%mul3A_49] : memref<2048xi32, #tpu.memory_space<vmem>> -> memref<128xi32, #tpu.memory_space<vmem>>
        %dma_start3A_51 = arith.constant 0 : i32
        %dma_start3A_52 = arith.constant 0 : i32
        %dma_start3A_53 = tpu.memref_slice %arg2[%dma_start3A_51, %dma_start3A_52] : memref<16384x128xf32, #tpu.memory_space<hbm>> -> memref<16384x128xf32, #tpu.memory_space<hbm>>
        tpu.enqueue_indirect_dma source(%dma_start3A_53 : memref<16384x128xf32, #tpu.memory_space<hbm>>) target(%arg6 : memref<128x128xf32, #tpu.memory_space<vmem>>) offsets(%dma_start3A_50 : memref<128xi32, #tpu.memory_space<vmem>>) semaphore(%arg8 : memref<!tpu.dma_semaphore, #tpu.memory_space<semaphore_mem>>)
      } else {
      }
      %dma_wait3A_36 = arith.constant 0 : i32
      %dma_wait3A_37 = tpu.memref_slice %arg5[%dma_wait3A_36] : memref<2048xi32, #tpu.memory_space<vmem>> -> memref<128xi32, #tpu.memory_space<vmem>>
      %dma_wait3A_38 = arith.constant 0 : i32
      %dma_wait3A_39 = arith.constant 0 : i32
      %dma_wait3A_40 = tpu.memref_slice %arg2[%dma_wait3A_38, %dma_wait3A_39] : memref<16384x128xf32, #tpu.memory_space<hbm>> -> memref<16384x128xf32, #tpu.memory_space<hbm>>
      tpu.wait_indirect_dma semaphore(%arg9 : memref<!tpu.dma_semaphore, #tpu.memory_space<semaphore_mem>>) src(%dma_wait3A_40 : memref<16384x128xf32, #tpu.memory_space<hbm>>) dst(%arg7 : memref<128x128xf32, #tpu.memory_space<vmem>>)
      %add3A_41 = arith.constant 1 : i32
      %add3A_42 = arith.addi %mul3A_16, %add3A_41 : i32
      %mul3A_43 = arith.constant 128 : i32
      %mul3A_44 = arith.muli %add3A_42, %mul3A_43 : i32
      %add3A_45 = arith.addi %mul3A_2, %mul3A_44 : i32
      "tpu.region"() ({
        %run_scoped3A = tpu.sem_alloc : memref<!tpu.dma_semaphore, #tpu.memory_space<semaphore_mem>>
        %dma_start3A_46 = arith.constant 0 : i32
        %dma_start3A_47 = tpu.memref_slice %arg4[%add3A_45, %dma_start3A_46] : memref<65536x128xf32, #tpu.memory_space<hbm>> -> memref<128x128xf32, #tpu.memory_space<hbm>>
        %dma_start3A_48 = arith.constant 0 : i32
        %dma_start3A_49 = tpu.memref_slice %arg4[%add3A_45, %dma_start3A_48] : memref<65536x128xf32, #tpu.memory_space<hbm>> -> memref<128x128xf32, #tpu.memory_space<hbm>>
        tpu.enqueue_dma source(%arg7 : memref<128x128xf32, #tpu.memory_space<vmem>>) target(%dma_start3A_49 : memref<128x128xf32, #tpu.memory_space<hbm>>) target_semaphore(%run_scoped3A : memref<!tpu.dma_semaphore, #tpu.memory_space<semaphore_mem>>)
        %dma_wait3A_50 = arith.constant 0 : i32
        %dma_wait3A_51 = tpu.memref_slice %arg4[%add3A_45, %dma_wait3A_50] : memref<65536x128xf32, #tpu.memory_space<hbm>> -> memref<128x128xf32, #tpu.memory_space<hbm>>
        %dma_wait3A_52 = arith.constant 0 : i32
        %dma_wait3A_53 = tpu.memref_slice %arg4[%add3A_45, %dma_wait3A_52] : memref<65536x128xf32, #tpu.memory_space<hbm>> -> memref<128x128xf32, #tpu.memory_space<hbm>>
        tpu.wait_dma2 semaphore(%run_scoped3A : memref<!tpu.dma_semaphore, #tpu.memory_space<semaphore_mem>>) src(%arg7 : memref<128x128xf32, #tpu.memory_space<vmem>>) dst(%dma_wait3A_53 : memref<128x128xf32, #tpu.memory_space<hbm>>)
        tpu.yield
      }) : () -> ()
    }
    %scan3A_13 = arith.constant 8 : i32
    return
  }
}

#map = affine_map<(d0, d1) -> (0, 0)>
#map1 = affine_map<(d0, d1) -> (0)>
module attributes {stable_mosaic.version = 14 : i64} {
  func.func @gather_kernel(%arg0: i32, %arg1: i32, %arg2: memref<16384x128xf32, #tpu.memory_space<hbm>>, %arg3: memref<524288xi32, #tpu.memory_space<hbm>>, %arg4: memref<65536x128xf32, #tpu.memory_space<hbm>>, %arg5: memref<2048xi32, #tpu.memory_space<vmem>>, %arg6: memref<128x128xf32, #tpu.memory_space<vmem>>, %arg7: memref<128x128xf32, #tpu.memory_space<vmem>>, %arg8: memref<!tpu.dma_semaphore, #tpu.memory_space<semaphore_mem>>, %arg9: memref<!tpu.dma_semaphore, #tpu.memory_space<semaphore_mem>>) attributes {dimension_semantics = [#tpu.dimension_semantics<core_parallel>, #tpu.dimension_semantics<subcore_parallel>], iteration_bounds = array<i64: 2, 16>, scalar_prefetch = 0 : i64, scratch_operands = 5 : i64, tpu.core_type = #tpu.core_type<sc_vector_subcore>, window_params = [{transform_indices = #map}, {transform_indices = #map1}, {transform_indices = #map}]} {
    %mul3A = arith.constant 2 : i32
    %mul3A_0 = arith.muli %arg1, %mul3A : i32
    %add3A = arith.addi %mul3A_0, %arg0 : i32
    %mul3A_1 = arith.constant 2048 : i32
    %mul3A_2 = arith.muli %add3A, %mul3A_1 : i32
    %add3A_3 = arith.constant 196608 : i32
    %add3A_4 = arith.addi %add3A_3, %mul3A_2 : i32
    "tpu.region"() ({
      %run_scoped3A = tpu.sem_alloc : memref<!tpu.dma_semaphore, #tpu.memory_space<semaphore_mem>>
      %dma_start3A_14 = tpu.memref_slice %arg3[%add3A_4] : memref<524288xi32, #tpu.memory_space<hbm>> -> memref<2048xi32, #tpu.memory_space<hbm>>
      %dma_start3A_15 = tpu.memref_slice %arg3[%add3A_4] : memref<524288xi32, #tpu.memory_space<hbm>> -> memref<2048xi32, #tpu.memory_space<hbm>>
      tpu.enqueue_dma source(%dma_start3A_15 : memref<2048xi32, #tpu.memory_space<hbm>>) target(%arg5 : memref<2048xi32, #tpu.memory_space<vmem>>) target_semaphore(%run_scoped3A : memref<!tpu.dma_semaphore, #tpu.memory_space<semaphore_mem>>)
      %dma_wait3A = tpu.memref_slice %arg3[%add3A_4] : memref<524288xi32, #tpu.memory_space<hbm>> -> memref<2048xi32, #tpu.memory_space<hbm>>
      %dma_wait3A_16 = tpu.memref_slice %arg3[%add3A_4] : memref<524288xi32, #tpu.memory_space<hbm>> -> memref<2048xi32, #tpu.memory_space<hbm>>
      tpu.wait_dma2 semaphore(%run_scoped3A : memref<!tpu.dma_semaphore, #tpu.memory_space<semaphore_mem>>) src(%dma_wait3A_16 : memref<2048xi32, #tpu.memory_space<hbm>>) dst(%arg5 : memref<2048xi32, #tpu.memory_space<vmem>>)
      tpu.yield
    }) : () -> ()
    %dma_start3A = arith.constant 0 : i32
    %dma_start3A_5 = tpu.memref_slice %arg5[%dma_start3A] : memref<2048xi32, #tpu.memory_space<vmem>> -> memref<128xi32, #tpu.memory_space<vmem>>
    %dma_start3A_6 = arith.constant 0 : i32
    %dma_start3A_7 = arith.constant 0 : i32
    %dma_start3A_8 = tpu.memref_slice %arg2[%dma_start3A_6, %dma_start3A_7] : memref<16384x128xf32, #tpu.memory_space<hbm>> -> memref<16384x128xf32, #tpu.memory_space<hbm>>
    tpu.enqueue_indirect_dma source(%dma_start3A_8 : memref<16384x128xf32, #tpu.memory_space<hbm>>) target(%arg6 : memref<128x128xf32, #tpu.memory_space<vmem>>) offsets(%dma_start3A_5 : memref<128xi32, #tpu.memory_space<vmem>>) semaphore(%arg8 : memref<!tpu.dma_semaphore, #tpu.memory_space<semaphore_mem>>)
    %scan3A = arith.constant 0 : i32
    %scan3A_9 = arith.constant 0 : i32
    %scan3A_10 = arith.constant 8 : i32
    %scan3A_11 = arith.addi %scan3A_9, %scan3A_10 : i32
    %scan3A_12 = arith.constant 1 : i32
    scf.for %scan3A_14 = %scan3A_9 to %scan3A_11 step %scan3A_12  : i32 {
      %mul3A_15 = arith.constant 2 : i32
      %mul3A_16 = arith.muli %mul3A_15, %scan3A_14 : i32
      %add3A_17 = arith.constant 1 : i32
      %add3A_18 = arith.addi %mul3A_16, %add3A_17 : i32
      %mul3A_19 = arith.constant 128 : i32
      %mul3A_20 = arith.muli %add3A_18, %mul3A_19 : i32
      %dma_start3A_21 = tpu.memref_slice %arg5[%mul3A_20] : memref<2048xi32, #tpu.memory_space<vmem>> -> memref<128xi32, #tpu.memory_space<vmem>>
      %dma_start3A_22 = arith.constant 0 : i32
      %dma_start3A_23 = arith.constant 0 : i32
      %dma_start3A_24 = tpu.memref_slice %arg2[%dma_start3A_22, %dma_start3A_23] : memref<16384x128xf32, #tpu.memory_space<hbm>> -> memref<16384x128xf32, #tpu.memory_space<hbm>>
      tpu.enqueue_indirect_dma source(%dma_start3A_24 : memref<16384x128xf32, #tpu.memory_space<hbm>>) target(%arg7 : memref<128x128xf32, #tpu.memory_space<vmem>>) offsets(%dma_start3A_21 : memref<128xi32, #tpu.memory_space<vmem>>) semaphore(%arg9 : memref<!tpu.dma_semaphore, #tpu.memory_space<semaphore_mem>>)
      %dma_wait3A = arith.constant 0 : i32
      %dma_wait3A_25 = tpu.memref_slice %arg5[%dma_wait3A] : memref<2048xi32, #tpu.memory_space<vmem>> -> memref<128xi32, #tpu.memory_space<vmem>>
      %dma_wait3A_26 = arith.constant 0 : i32
      %dma_wait3A_27 = arith.constant 0 : i32
      %dma_wait3A_28 = tpu.memref_slice %arg2[%dma_wait3A_26, %dma_wait3A_27] : memref<16384x128xf32, #tpu.memory_space<hbm>> -> memref<16384x128xf32, #tpu.memory_space<hbm>>
      tpu.wait_indirect_dma semaphore(%arg8 : memref<!tpu.dma_semaphore, #tpu.memory_space<semaphore_mem>>) src(%dma_wait3A_28 : memref<16384x128xf32, #tpu.memory_space<hbm>>) dst(%arg6 : memref<128x128xf32, #tpu.memory_space<vmem>>)
      %mul3A_29 = arith.constant 128 : i32
      %mul3A_30 = arith.muli %mul3A_16, %mul3A_29 : i32
      %add3A_31 = arith.addi %mul3A_2, %mul3A_30 : i32
      "tpu.region"() ({
        %run_scoped3A = tpu.sem_alloc : memref<!tpu.dma_semaphore, #tpu.memory_space<semaphore_mem>>
        %dma_start3A_46 = arith.constant 0 : i32
        %dma_start3A_47 = tpu.memref_slice %arg4[%add3A_31, %dma_start3A_46] : memref<65536x128xf32, #tpu.memory_space<hbm>> -> memref<128x128xf32, #tpu.memory_space<hbm>>
        %dma_start3A_48 = arith.constant 0 : i32
        %dma_start3A_49 = tpu.memref_slice %arg4[%add3A_31, %dma_start3A_48] : memref<65536x128xf32, #tpu.memory_space<hbm>> -> memref<128x128xf32, #tpu.memory_space<hbm>>
        tpu.enqueue_dma source(%arg6 : memref<128x128xf32, #tpu.memory_space<vmem>>) target(%dma_start3A_49 : memref<128x128xf32, #tpu.memory_space<hbm>>) target_semaphore(%run_scoped3A : memref<!tpu.dma_semaphore, #tpu.memory_space<semaphore_mem>>)
        %dma_wait3A_50 = arith.constant 0 : i32
        %dma_wait3A_51 = tpu.memref_slice %arg4[%add3A_31, %dma_wait3A_50] : memref<65536x128xf32, #tpu.memory_space<hbm>> -> memref<128x128xf32, #tpu.memory_space<hbm>>
        %dma_wait3A_52 = arith.constant 0 : i32
        %dma_wait3A_53 = tpu.memref_slice %arg4[%add3A_31, %dma_wait3A_52] : memref<65536x128xf32, #tpu.memory_space<hbm>> -> memref<128x128xf32, #tpu.memory_space<hbm>>
        tpu.wait_dma2 semaphore(%run_scoped3A : memref<!tpu.dma_semaphore, #tpu.memory_space<semaphore_mem>>) src(%arg6 : memref<128x128xf32, #tpu.memory_space<vmem>>) dst(%dma_wait3A_53 : memref<128x128xf32, #tpu.memory_space<hbm>>)
        tpu.yield
      }) : () -> ()
      %add3A_32 = arith.constant 2 : i32
      %add3A_33 = arith.addi %mul3A_16, %add3A_32 : i32
      %lt3A = arith.constant 16 : i32
      %lt3A_34 = arith.cmpi slt, %add3A_33, %lt3A : i32
      %convert_element_type3A = arith.extui %lt3A_34 : i1 to i32
      %cond3A = arith.constant 0 : i32
      %cond3A_35 = arith.cmpi ne, %convert_element_type3A, %cond3A : i32
      scf.if %cond3A_35 {
        %add3A_46 = arith.constant 2 : i32
        %add3A_47 = arith.addi %mul3A_16, %add3A_46 : i32
        %mul3A_48 = arith.constant 128 : i32
        %mul3A_49 = arith.muli %add3A_47, %mul3A_48 : i32
        %dma_start3A_50 = tpu.memref_slice %arg5[%mul3A_49] : memref<2048xi32, #tpu.memory_space<vmem>> -> memref<128xi32, #tpu.memory_space<vmem>>
        %dma_start3A_51 = arith.constant 0 : i32
        %dma_start3A_52 = arith.constant 0 : i32
        %dma_start3A_53 = tpu.memref_slice %arg2[%dma_start3A_51, %dma_start3A_52] : memref<16384x128xf32, #tpu.memory_space<hbm>> -> memref<16384x128xf32, #tpu.memory_space<hbm>>
        tpu.enqueue_indirect_dma source(%dma_start3A_53 : memref<16384x128xf32, #tpu.memory_space<hbm>>) target(%arg6 : memref<128x128xf32, #tpu.memory_space<vmem>>) offsets(%dma_start3A_50 : memref<128xi32, #tpu.memory_space<vmem>>) semaphore(%arg8 : memref<!tpu.dma_semaphore, #tpu.memory_space<semaphore_mem>>)
      } else {
      }
      %dma_wait3A_36 = arith.constant 0 : i32
      %dma_wait3A_37 = tpu.memref_slice %arg5[%dma_wait3A_36] : memref<2048xi32, #tpu.memory_space<vmem>> -> memref<128xi32, #tpu.memory_space<vmem>>
      %dma_wait3A_38 = arith.constant 0 : i32
      %dma_wait3A_39 = arith.constant 0 : i32
      %dma_wait3A_40 = tpu.memref_slice %arg2[%dma_wait3A_38, %dma_wait3A_39] : memref<16384x128xf32, #tpu.memory_space<hbm>> -> memref<16384x128xf32, #tpu.memory_space<hbm>>
      tpu.wait_indirect_dma semaphore(%arg9 : memref<!tpu.dma_semaphore, #tpu.memory_space<semaphore_mem>>) src(%dma_wait3A_40 : memref<16384x128xf32, #tpu.memory_space<hbm>>) dst(%arg7 : memref<128x128xf32, #tpu.memory_space<vmem>>)
      %add3A_41 = arith.constant 1 : i32
      %add3A_42 = arith.addi %mul3A_16, %add3A_41 : i32
      %mul3A_43 = arith.constant 128 : i32
      %mul3A_44 = arith.muli %add3A_42, %mul3A_43 : i32
      %add3A_45 = arith.addi %mul3A_2, %mul3A_44 : i32
      "tpu.region"() ({
        %run_scoped3A = tpu.sem_alloc : memref<!tpu.dma_semaphore, #tpu.memory_space<semaphore_mem>>
        %dma_start3A_46 = arith.constant 0 : i32
        %dma_start3A_47 = tpu.memref_slice %arg4[%add3A_45, %dma_start3A_46] : memref<65536x128xf32, #tpu.memory_space<hbm>> -> memref<128x128xf32, #tpu.memory_space<hbm>>
        %dma_start3A_48 = arith.constant 0 : i32
        %dma_start3A_49 = tpu.memref_slice %arg4[%add3A_45, %dma_start3A_48] : memref<65536x128xf32, #tpu.memory_space<hbm>> -> memref<128x128xf32, #tpu.memory_space<hbm>>
        tpu.enqueue_dma source(%arg7 : memref<128x128xf32, #tpu.memory_space<vmem>>) target(%dma_start3A_49 : memref<128x128xf32, #tpu.memory_space<hbm>>) target_semaphore(%run_scoped3A : memref<!tpu.dma_semaphore, #tpu.memory_space<semaphore_mem>>)
        %dma_wait3A_50 = arith.constant 0 : i32
        %dma_wait3A_51 = tpu.memref_slice %arg4[%add3A_45, %dma_wait3A_50] : memref<65536x128xf32, #tpu.memory_space<hbm>> -> memref<128x128xf32, #tpu.memory_space<hbm>>
        %dma_wait3A_52 = arith.constant 0 : i32
        %dma_wait3A_53 = tpu.memref_slice %arg4[%add3A_45, %dma_wait3A_52] : memref<65536x128xf32, #tpu.memory_space<hbm>> -> memref<128x128xf32, #tpu.memory_space<hbm>>
        tpu.wait_dma2 semaphore(%run_scoped3A : memref<!tpu.dma_semaphore, #tpu.memory_space<semaphore_mem>>) src(%arg7 : memref<128x128xf32, #tpu.memory_space<vmem>>) dst(%dma_wait3A_53 : memref<128x128xf32, #tpu.memory_space<hbm>>)
        tpu.yield
      }) : () -> ()
    }
    %scan3A_13 = arith.constant 8 : i32
    return
  }
}

#map = affine_map<(d0, d1) -> (0, 0)>
#map1 = affine_map<(d0, d1) -> (0)>
module attributes {stable_mosaic.version = 14 : i64} {
  func.func @gather_kernel(%arg0: i32, %arg1: i32, %arg2: memref<16384x128xf32, #tpu.memory_space<hbm>>, %arg3: memref<524288xi32, #tpu.memory_space<hbm>>, %arg4: memref<65536x128xf32, #tpu.memory_space<hbm>>, %arg5: memref<2048xi32, #tpu.memory_space<vmem>>, %arg6: memref<128x128xf32, #tpu.memory_space<vmem>>, %arg7: memref<128x128xf32, #tpu.memory_space<vmem>>, %arg8: memref<!tpu.dma_semaphore, #tpu.memory_space<semaphore_mem>>, %arg9: memref<!tpu.dma_semaphore, #tpu.memory_space<semaphore_mem>>) attributes {dimension_semantics = [#tpu.dimension_semantics<core_parallel>, #tpu.dimension_semantics<subcore_parallel>], iteration_bounds = array<i64: 2, 16>, scalar_prefetch = 0 : i64, scratch_operands = 5 : i64, tpu.core_type = #tpu.core_type<sc_vector_subcore>, window_params = [{transform_indices = #map}, {transform_indices = #map1}, {transform_indices = #map}]} {
    %mul3A = arith.constant 2 : i32
    %mul3A_0 = arith.muli %arg1, %mul3A : i32
    %add3A = arith.addi %mul3A_0, %arg0 : i32
    %mul3A_1 = arith.constant 2048 : i32
    %mul3A_2 = arith.muli %add3A, %mul3A_1 : i32
    %add3A_3 = arith.constant 131072 : i32
    %add3A_4 = arith.addi %add3A_3, %mul3A_2 : i32
    "tpu.region"() ({
      %run_scoped3A = tpu.sem_alloc : memref<!tpu.dma_semaphore, #tpu.memory_space<semaphore_mem>>
      %dma_start3A_14 = tpu.memref_slice %arg3[%add3A_4] : memref<524288xi32, #tpu.memory_space<hbm>> -> memref<2048xi32, #tpu.memory_space<hbm>>
      %dma_start3A_15 = tpu.memref_slice %arg3[%add3A_4] : memref<524288xi32, #tpu.memory_space<hbm>> -> memref<2048xi32, #tpu.memory_space<hbm>>
      tpu.enqueue_dma source(%dma_start3A_15 : memref<2048xi32, #tpu.memory_space<hbm>>) target(%arg5 : memref<2048xi32, #tpu.memory_space<vmem>>) target_semaphore(%run_scoped3A : memref<!tpu.dma_semaphore, #tpu.memory_space<semaphore_mem>>)
      %dma_wait3A = tpu.memref_slice %arg3[%add3A_4] : memref<524288xi32, #tpu.memory_space<hbm>> -> memref<2048xi32, #tpu.memory_space<hbm>>
      %dma_wait3A_16 = tpu.memref_slice %arg3[%add3A_4] : memref<524288xi32, #tpu.memory_space<hbm>> -> memref<2048xi32, #tpu.memory_space<hbm>>
      tpu.wait_dma2 semaphore(%run_scoped3A : memref<!tpu.dma_semaphore, #tpu.memory_space<semaphore_mem>>) src(%dma_wait3A_16 : memref<2048xi32, #tpu.memory_space<hbm>>) dst(%arg5 : memref<2048xi32, #tpu.memory_space<vmem>>)
      tpu.yield
    }) : () -> ()
    %dma_start3A = arith.constant 0 : i32
    %dma_start3A_5 = tpu.memref_slice %arg5[%dma_start3A] : memref<2048xi32, #tpu.memory_space<vmem>> -> memref<128xi32, #tpu.memory_space<vmem>>
    %dma_start3A_6 = arith.constant 0 : i32
    %dma_start3A_7 = arith.constant 0 : i32
    %dma_start3A_8 = tpu.memref_slice %arg2[%dma_start3A_6, %dma_start3A_7] : memref<16384x128xf32, #tpu.memory_space<hbm>> -> memref<16384x128xf32, #tpu.memory_space<hbm>>
    tpu.enqueue_indirect_dma source(%dma_start3A_8 : memref<16384x128xf32, #tpu.memory_space<hbm>>) target(%arg6 : memref<128x128xf32, #tpu.memory_space<vmem>>) offsets(%dma_start3A_5 : memref<128xi32, #tpu.memory_space<vmem>>) semaphore(%arg8 : memref<!tpu.dma_semaphore, #tpu.memory_space<semaphore_mem>>)
    %scan3A = arith.constant 0 : i32
    %scan3A_9 = arith.constant 0 : i32
    %scan3A_10 = arith.constant 8 : i32
    %scan3A_11 = arith.addi %scan3A_9, %scan3A_10 : i32
    %scan3A_12 = arith.constant 1 : i32
    scf.for %scan3A_14 = %scan3A_9 to %scan3A_11 step %scan3A_12  : i32 {
      %mul3A_15 = arith.constant 2 : i32
      %mul3A_16 = arith.muli %mul3A_15, %scan3A_14 : i32
      %add3A_17 = arith.constant 1 : i32
      %add3A_18 = arith.addi %mul3A_16, %add3A_17 : i32
      %mul3A_19 = arith.constant 128 : i32
      %mul3A_20 = arith.muli %add3A_18, %mul3A_19 : i32
      %dma_start3A_21 = tpu.memref_slice %arg5[%mul3A_20] : memref<2048xi32, #tpu.memory_space<vmem>> -> memref<128xi32, #tpu.memory_space<vmem>>
      %dma_start3A_22 = arith.constant 0 : i32
      %dma_start3A_23 = arith.constant 0 : i32
      %dma_start3A_24 = tpu.memref_slice %arg2[%dma_start3A_22, %dma_start3A_23] : memref<16384x128xf32, #tpu.memory_space<hbm>> -> memref<16384x128xf32, #tpu.memory_space<hbm>>
      tpu.enqueue_indirect_dma source(%dma_start3A_24 : memref<16384x128xf32, #tpu.memory_space<hbm>>) target(%arg7 : memref<128x128xf32, #tpu.memory_space<vmem>>) offsets(%dma_start3A_21 : memref<128xi32, #tpu.memory_space<vmem>>) semaphore(%arg9 : memref<!tpu.dma_semaphore, #tpu.memory_space<semaphore_mem>>)
      %dma_wait3A = arith.constant 0 : i32
      %dma_wait3A_25 = tpu.memref_slice %arg5[%dma_wait3A] : memref<2048xi32, #tpu.memory_space<vmem>> -> memref<128xi32, #tpu.memory_space<vmem>>
      %dma_wait3A_26 = arith.constant 0 : i32
      %dma_wait3A_27 = arith.constant 0 : i32
      %dma_wait3A_28 = tpu.memref_slice %arg2[%dma_wait3A_26, %dma_wait3A_27] : memref<16384x128xf32, #tpu.memory_space<hbm>> -> memref<16384x128xf32, #tpu.memory_space<hbm>>
      tpu.wait_indirect_dma semaphore(%arg8 : memref<!tpu.dma_semaphore, #tpu.memory_space<semaphore_mem>>) src(%dma_wait3A_28 : memref<16384x128xf32, #tpu.memory_space<hbm>>) dst(%arg6 : memref<128x128xf32, #tpu.memory_space<vmem>>)
      %mul3A_29 = arith.constant 128 : i32
      %mul3A_30 = arith.muli %mul3A_16, %mul3A_29 : i32
      %add3A_31 = arith.addi %mul3A_2, %mul3A_30 : i32
      "tpu.region"() ({
        %run_scoped3A = tpu.sem_alloc : memref<!tpu.dma_semaphore, #tpu.memory_space<semaphore_mem>>
        %dma_start3A_46 = arith.constant 0 : i32
        %dma_start3A_47 = tpu.memref_slice %arg4[%add3A_31, %dma_start3A_46] : memref<65536x128xf32, #tpu.memory_space<hbm>> -> memref<128x128xf32, #tpu.memory_space<hbm>>
        %dma_start3A_48 = arith.constant 0 : i32
        %dma_start3A_49 = tpu.memref_slice %arg4[%add3A_31, %dma_start3A_48] : memref<65536x128xf32, #tpu.memory_space<hbm>> -> memref<128x128xf32, #tpu.memory_space<hbm>>
        tpu.enqueue_dma source(%arg6 : memref<128x128xf32, #tpu.memory_space<vmem>>) target(%dma_start3A_49 : memref<128x128xf32, #tpu.memory_space<hbm>>) target_semaphore(%run_scoped3A : memref<!tpu.dma_semaphore, #tpu.memory_space<semaphore_mem>>)
        %dma_wait3A_50 = arith.constant 0 : i32
        %dma_wait3A_51 = tpu.memref_slice %arg4[%add3A_31, %dma_wait3A_50] : memref<65536x128xf32, #tpu.memory_space<hbm>> -> memref<128x128xf32, #tpu.memory_space<hbm>>
        %dma_wait3A_52 = arith.constant 0 : i32
        %dma_wait3A_53 = tpu.memref_slice %arg4[%add3A_31, %dma_wait3A_52] : memref<65536x128xf32, #tpu.memory_space<hbm>> -> memref<128x128xf32, #tpu.memory_space<hbm>>
        tpu.wait_dma2 semaphore(%run_scoped3A : memref<!tpu.dma_semaphore, #tpu.memory_space<semaphore_mem>>) src(%arg6 : memref<128x128xf32, #tpu.memory_space<vmem>>) dst(%dma_wait3A_53 : memref<128x128xf32, #tpu.memory_space<hbm>>)
        tpu.yield
      }) : () -> ()
      %add3A_32 = arith.constant 2 : i32
      %add3A_33 = arith.addi %mul3A_16, %add3A_32 : i32
      %lt3A = arith.constant 16 : i32
      %lt3A_34 = arith.cmpi slt, %add3A_33, %lt3A : i32
      %convert_element_type3A = arith.extui %lt3A_34 : i1 to i32
      %cond3A = arith.constant 0 : i32
      %cond3A_35 = arith.cmpi ne, %convert_element_type3A, %cond3A : i32
      scf.if %cond3A_35 {
        %add3A_46 = arith.constant 2 : i32
        %add3A_47 = arith.addi %mul3A_16, %add3A_46 : i32
        %mul3A_48 = arith.constant 128 : i32
        %mul3A_49 = arith.muli %add3A_47, %mul3A_48 : i32
        %dma_start3A_50 = tpu.memref_slice %arg5[%mul3A_49] : memref<2048xi32, #tpu.memory_space<vmem>> -> memref<128xi32, #tpu.memory_space<vmem>>
        %dma_start3A_51 = arith.constant 0 : i32
        %dma_start3A_52 = arith.constant 0 : i32
        %dma_start3A_53 = tpu.memref_slice %arg2[%dma_start3A_51, %dma_start3A_52] : memref<16384x128xf32, #tpu.memory_space<hbm>> -> memref<16384x128xf32, #tpu.memory_space<hbm>>
        tpu.enqueue_indirect_dma source(%dma_start3A_53 : memref<16384x128xf32, #tpu.memory_space<hbm>>) target(%arg6 : memref<128x128xf32, #tpu.memory_space<vmem>>) offsets(%dma_start3A_50 : memref<128xi32, #tpu.memory_space<vmem>>) semaphore(%arg8 : memref<!tpu.dma_semaphore, #tpu.memory_space<semaphore_mem>>)
      } else {
      }
      %dma_wait3A_36 = arith.constant 0 : i32
      %dma_wait3A_37 = tpu.memref_slice %arg5[%dma_wait3A_36] : memref<2048xi32, #tpu.memory_space<vmem>> -> memref<128xi32, #tpu.memory_space<vmem>>
      %dma_wait3A_38 = arith.constant 0 : i32
      %dma_wait3A_39 = arith.constant 0 : i32
      %dma_wait3A_40 = tpu.memref_slice %arg2[%dma_wait3A_38, %dma_wait3A_39] : memref<16384x128xf32, #tpu.memory_space<hbm>> -> memref<16384x128xf32, #tpu.memory_space<hbm>>
      tpu.wait_indirect_dma semaphore(%arg9 : memref<!tpu.dma_semaphore, #tpu.memory_space<semaphore_mem>>) src(%dma_wait3A_40 : memref<16384x128xf32, #tpu.memory_space<hbm>>) dst(%arg7 : memref<128x128xf32, #tpu.memory_space<vmem>>)
      %add3A_41 = arith.constant 1 : i32
      %add3A_42 = arith.addi %mul3A_16, %add3A_41 : i32
      %mul3A_43 = arith.constant 128 : i32
      %mul3A_44 = arith.muli %add3A_42, %mul3A_43 : i32
      %add3A_45 = arith.addi %mul3A_2, %mul3A_44 : i32
      "tpu.region"() ({
        %run_scoped3A = tpu.sem_alloc : memref<!tpu.dma_semaphore, #tpu.memory_space<semaphore_mem>>
        %dma_start3A_46 = arith.constant 0 : i32
        %dma_start3A_47 = tpu.memref_slice %arg4[%add3A_45, %dma_start3A_46] : memref<65536x128xf32, #tpu.memory_space<hbm>> -> memref<128x128xf32, #tpu.memory_space<hbm>>
        %dma_start3A_48 = arith.constant 0 : i32
        %dma_start3A_49 = tpu.memref_slice %arg4[%add3A_45, %dma_start3A_48] : memref<65536x128xf32, #tpu.memory_space<hbm>> -> memref<128x128xf32, #tpu.memory_space<hbm>>
        tpu.enqueue_dma source(%arg7 : memref<128x128xf32, #tpu.memory_space<vmem>>) target(%dma_start3A_49 : memref<128x128xf32, #tpu.memory_space<hbm>>) target_semaphore(%run_scoped3A : memref<!tpu.dma_semaphore, #tpu.memory_space<semaphore_mem>>)
        %dma_wait3A_50 = arith.constant 0 : i32
        %dma_wait3A_51 = tpu.memref_slice %arg4[%add3A_45, %dma_wait3A_50] : memref<65536x128xf32, #tpu.memory_space<hbm>> -> memref<128x128xf32, #tpu.memory_space<hbm>>
        %dma_wait3A_52 = arith.constant 0 : i32
        %dma_wait3A_53 = tpu.memref_slice %arg4[%add3A_45, %dma_wait3A_52] : memref<65536x128xf32, #tpu.memory_space<hbm>> -> memref<128x128xf32, #tpu.memory_space<hbm>>
        tpu.wait_dma2 semaphore(%run_scoped3A : memref<!tpu.dma_semaphore, #tpu.memory_space<semaphore_mem>>) src(%arg7 : memref<128x128xf32, #tpu.memory_space<vmem>>) dst(%dma_wait3A_53 : memref<128x128xf32, #tpu.memory_space<hbm>>)
        tpu.yield
      }) : () -> ()
    }
    %scan3A_13 = arith.constant 8 : i32
    return
  }
}

#map = affine_map<(d0, d1) -> (0, 0)>
#map1 = affine_map<(d0, d1) -> (0)>
module attributes {stable_mosaic.version = 14 : i64} {
  func.func @gather_kernel(%arg0: i32, %arg1: i32, %arg2: memref<16384x128xf32, #tpu.memory_space<hbm>>, %arg3: memref<524288xi32, #tpu.memory_space<hbm>>, %arg4: memref<65536x128xf32, #tpu.memory_space<hbm>>, %arg5: memref<2048xi32, #tpu.memory_space<vmem>>, %arg6: memref<128x128xf32, #tpu.memory_space<vmem>>, %arg7: memref<128x128xf32, #tpu.memory_space<vmem>>, %arg8: memref<!tpu.dma_semaphore, #tpu.memory_space<semaphore_mem>>, %arg9: memref<!tpu.dma_semaphore, #tpu.memory_space<semaphore_mem>>) attributes {dimension_semantics = [#tpu.dimension_semantics<core_parallel>, #tpu.dimension_semantics<subcore_parallel>], iteration_bounds = array<i64: 2, 16>, scalar_prefetch = 0 : i64, scratch_operands = 5 : i64, tpu.core_type = #tpu.core_type<sc_vector_subcore>, window_params = [{transform_indices = #map}, {transform_indices = #map1}, {transform_indices = #map}]} {
    %mul3A = arith.constant 2 : i32
    %mul3A_0 = arith.muli %arg1, %mul3A : i32
    %add3A = arith.addi %mul3A_0, %arg0 : i32
    %mul3A_1 = arith.constant 2048 : i32
    %mul3A_2 = arith.muli %add3A, %mul3A_1 : i32
    %add3A_3 = arith.constant 65536 : i32
    %add3A_4 = arith.addi %add3A_3, %mul3A_2 : i32
    "tpu.region"() ({
      %run_scoped3A = tpu.sem_alloc : memref<!tpu.dma_semaphore, #tpu.memory_space<semaphore_mem>>
      %dma_start3A_14 = tpu.memref_slice %arg3[%add3A_4] : memref<524288xi32, #tpu.memory_space<hbm>> -> memref<2048xi32, #tpu.memory_space<hbm>>
      %dma_start3A_15 = tpu.memref_slice %arg3[%add3A_4] : memref<524288xi32, #tpu.memory_space<hbm>> -> memref<2048xi32, #tpu.memory_space<hbm>>
      tpu.enqueue_dma source(%dma_start3A_15 : memref<2048xi32, #tpu.memory_space<hbm>>) target(%arg5 : memref<2048xi32, #tpu.memory_space<vmem>>) target_semaphore(%run_scoped3A : memref<!tpu.dma_semaphore, #tpu.memory_space<semaphore_mem>>)
      %dma_wait3A = tpu.memref_slice %arg3[%add3A_4] : memref<524288xi32, #tpu.memory_space<hbm>> -> memref<2048xi32, #tpu.memory_space<hbm>>
      %dma_wait3A_16 = tpu.memref_slice %arg3[%add3A_4] : memref<524288xi32, #tpu.memory_space<hbm>> -> memref<2048xi32, #tpu.memory_space<hbm>>
      tpu.wait_dma2 semaphore(%run_scoped3A : memref<!tpu.dma_semaphore, #tpu.memory_space<semaphore_mem>>) src(%dma_wait3A_16 : memref<2048xi32, #tpu.memory_space<hbm>>) dst(%arg5 : memref<2048xi32, #tpu.memory_space<vmem>>)
      tpu.yield
    }) : () -> ()
    %dma_start3A = arith.constant 0 : i32
    %dma_start3A_5 = tpu.memref_slice %arg5[%dma_start3A] : memref<2048xi32, #tpu.memory_space<vmem>> -> memref<128xi32, #tpu.memory_space<vmem>>
    %dma_start3A_6 = arith.constant 0 : i32
    %dma_start3A_7 = arith.constant 0 : i32
    %dma_start3A_8 = tpu.memref_slice %arg2[%dma_start3A_6, %dma_start3A_7] : memref<16384x128xf32, #tpu.memory_space<hbm>> -> memref<16384x128xf32, #tpu.memory_space<hbm>>
    tpu.enqueue_indirect_dma source(%dma_start3A_8 : memref<16384x128xf32, #tpu.memory_space<hbm>>) target(%arg6 : memref<128x128xf32, #tpu.memory_space<vmem>>) offsets(%dma_start3A_5 : memref<128xi32, #tpu.memory_space<vmem>>) semaphore(%arg8 : memref<!tpu.dma_semaphore, #tpu.memory_space<semaphore_mem>>)
    %scan3A = arith.constant 0 : i32
    %scan3A_9 = arith.constant 0 : i32
    %scan3A_10 = arith.constant 8 : i32
    %scan3A_11 = arith.addi %scan3A_9, %scan3A_10 : i32
    %scan3A_12 = arith.constant 1 : i32
    scf.for %scan3A_14 = %scan3A_9 to %scan3A_11 step %scan3A_12  : i32 {
      %mul3A_15 = arith.constant 2 : i32
      %mul3A_16 = arith.muli %mul3A_15, %scan3A_14 : i32
      %add3A_17 = arith.constant 1 : i32
      %add3A_18 = arith.addi %mul3A_16, %add3A_17 : i32
      %mul3A_19 = arith.constant 128 : i32
      %mul3A_20 = arith.muli %add3A_18, %mul3A_19 : i32
      %dma_start3A_21 = tpu.memref_slice %arg5[%mul3A_20] : memref<2048xi32, #tpu.memory_space<vmem>> -> memref<128xi32, #tpu.memory_space<vmem>>
      %dma_start3A_22 = arith.constant 0 : i32
      %dma_start3A_23 = arith.constant 0 : i32
      %dma_start3A_24 = tpu.memref_slice %arg2[%dma_start3A_22, %dma_start3A_23] : memref<16384x128xf32, #tpu.memory_space<hbm>> -> memref<16384x128xf32, #tpu.memory_space<hbm>>
      tpu.enqueue_indirect_dma source(%dma_start3A_24 : memref<16384x128xf32, #tpu.memory_space<hbm>>) target(%arg7 : memref<128x128xf32, #tpu.memory_space<vmem>>) offsets(%dma_start3A_21 : memref<128xi32, #tpu.memory_space<vmem>>) semaphore(%arg9 : memref<!tpu.dma_semaphore, #tpu.memory_space<semaphore_mem>>)
      %dma_wait3A = arith.constant 0 : i32
      %dma_wait3A_25 = tpu.memref_slice %arg5[%dma_wait3A] : memref<2048xi32, #tpu.memory_space<vmem>> -> memref<128xi32, #tpu.memory_space<vmem>>
      %dma_wait3A_26 = arith.constant 0 : i32
      %dma_wait3A_27 = arith.constant 0 : i32
      %dma_wait3A_28 = tpu.memref_slice %arg2[%dma_wait3A_26, %dma_wait3A_27] : memref<16384x128xf32, #tpu.memory_space<hbm>> -> memref<16384x128xf32, #tpu.memory_space<hbm>>
      tpu.wait_indirect_dma semaphore(%arg8 : memref<!tpu.dma_semaphore, #tpu.memory_space<semaphore_mem>>) src(%dma_wait3A_28 : memref<16384x128xf32, #tpu.memory_space<hbm>>) dst(%arg6 : memref<128x128xf32, #tpu.memory_space<vmem>>)
      %mul3A_29 = arith.constant 128 : i32
      %mul3A_30 = arith.muli %mul3A_16, %mul3A_29 : i32
      %add3A_31 = arith.addi %mul3A_2, %mul3A_30 : i32
      "tpu.region"() ({
        %run_scoped3A = tpu.sem_alloc : memref<!tpu.dma_semaphore, #tpu.memory_space<semaphore_mem>>
        %dma_start3A_46 = arith.constant 0 : i32
        %dma_start3A_47 = tpu.memref_slice %arg4[%add3A_31, %dma_start3A_46] : memref<65536x128xf32, #tpu.memory_space<hbm>> -> memref<128x128xf32, #tpu.memory_space<hbm>>
        %dma_start3A_48 = arith.constant 0 : i32
        %dma_start3A_49 = tpu.memref_slice %arg4[%add3A_31, %dma_start3A_48] : memref<65536x128xf32, #tpu.memory_space<hbm>> -> memref<128x128xf32, #tpu.memory_space<hbm>>
        tpu.enqueue_dma source(%arg6 : memref<128x128xf32, #tpu.memory_space<vmem>>) target(%dma_start3A_49 : memref<128x128xf32, #tpu.memory_space<hbm>>) target_semaphore(%run_scoped3A : memref<!tpu.dma_semaphore, #tpu.memory_space<semaphore_mem>>)
        %dma_wait3A_50 = arith.constant 0 : i32
        %dma_wait3A_51 = tpu.memref_slice %arg4[%add3A_31, %dma_wait3A_50] : memref<65536x128xf32, #tpu.memory_space<hbm>> -> memref<128x128xf32, #tpu.memory_space<hbm>>
        %dma_wait3A_52 = arith.constant 0 : i32
        %dma_wait3A_53 = tpu.memref_slice %arg4[%add3A_31, %dma_wait3A_52] : memref<65536x128xf32, #tpu.memory_space<hbm>> -> memref<128x128xf32, #tpu.memory_space<hbm>>
        tpu.wait_dma2 semaphore(%run_scoped3A : memref<!tpu.dma_semaphore, #tpu.memory_space<semaphore_mem>>) src(%arg6 : memref<128x128xf32, #tpu.memory_space<vmem>>) dst(%dma_wait3A_53 : memref<128x128xf32, #tpu.memory_space<hbm>>)
        tpu.yield
      }) : () -> ()
      %add3A_32 = arith.constant 2 : i32
      %add3A_33 = arith.addi %mul3A_16, %add3A_32 : i32
      %lt3A = arith.constant 16 : i32
      %lt3A_34 = arith.cmpi slt, %add3A_33, %lt3A : i32
      %convert_element_type3A = arith.extui %lt3A_34 : i1 to i32
      %cond3A = arith.constant 0 : i32
      %cond3A_35 = arith.cmpi ne, %convert_element_type3A, %cond3A : i32
      scf.if %cond3A_35 {
        %add3A_46 = arith.constant 2 : i32
        %add3A_47 = arith.addi %mul3A_16, %add3A_46 : i32
        %mul3A_48 = arith.constant 128 : i32
        %mul3A_49 = arith.muli %add3A_47, %mul3A_48 : i32
        %dma_start3A_50 = tpu.memref_slice %arg5[%mul3A_49] : memref<2048xi32, #tpu.memory_space<vmem>> -> memref<128xi32, #tpu.memory_space<vmem>>
        %dma_start3A_51 = arith.constant 0 : i32
        %dma_start3A_52 = arith.constant 0 : i32
        %dma_start3A_53 = tpu.memref_slice %arg2[%dma_start3A_51, %dma_start3A_52] : memref<16384x128xf32, #tpu.memory_space<hbm>> -> memref<16384x128xf32, #tpu.memory_space<hbm>>
        tpu.enqueue_indirect_dma source(%dma_start3A_53 : memref<16384x128xf32, #tpu.memory_space<hbm>>) target(%arg6 : memref<128x128xf32, #tpu.memory_space<vmem>>) offsets(%dma_start3A_50 : memref<128xi32, #tpu.memory_space<vmem>>) semaphore(%arg8 : memref<!tpu.dma_semaphore, #tpu.memory_space<semaphore_mem>>)
      } else {
      }
      %dma_wait3A_36 = arith.constant 0 : i32
      %dma_wait3A_37 = tpu.memref_slice %arg5[%dma_wait3A_36] : memref<2048xi32, #tpu.memory_space<vmem>> -> memref<128xi32, #tpu.memory_space<vmem>>
      %dma_wait3A_38 = arith.constant 0 : i32
      %dma_wait3A_39 = arith.constant 0 : i32
      %dma_wait3A_40 = tpu.memref_slice %arg2[%dma_wait3A_38, %dma_wait3A_39] : memref<16384x128xf32, #tpu.memory_space<hbm>> -> memref<16384x128xf32, #tpu.memory_space<hbm>>
      tpu.wait_indirect_dma semaphore(%arg9 : memref<!tpu.dma_semaphore, #tpu.memory_space<semaphore_mem>>) src(%dma_wait3A_40 : memref<16384x128xf32, #tpu.memory_space<hbm>>) dst(%arg7 : memref<128x128xf32, #tpu.memory_space<vmem>>)
      %add3A_41 = arith.constant 1 : i32
      %add3A_42 = arith.addi %mul3A_16, %add3A_41 : i32
      %mul3A_43 = arith.constant 128 : i32
      %mul3A_44 = arith.muli %add3A_42, %mul3A_43 : i32
      %add3A_45 = arith.addi %mul3A_2, %mul3A_44 : i32
      "tpu.region"() ({
        %run_scoped3A = tpu.sem_alloc : memref<!tpu.dma_semaphore, #tpu.memory_space<semaphore_mem>>
        %dma_start3A_46 = arith.constant 0 : i32
        %dma_start3A_47 = tpu.memref_slice %arg4[%add3A_45, %dma_start3A_46] : memref<65536x128xf32, #tpu.memory_space<hbm>> -> memref<128x128xf32, #tpu.memory_space<hbm>>
        %dma_start3A_48 = arith.constant 0 : i32
        %dma_start3A_49 = tpu.memref_slice %arg4[%add3A_45, %dma_start3A_48] : memref<65536x128xf32, #tpu.memory_space<hbm>> -> memref<128x128xf32, #tpu.memory_space<hbm>>
        tpu.enqueue_dma source(%arg7 : memref<128x128xf32, #tpu.memory_space<vmem>>) target(%dma_start3A_49 : memref<128x128xf32, #tpu.memory_space<hbm>>) target_semaphore(%run_scoped3A : memref<!tpu.dma_semaphore, #tpu.memory_space<semaphore_mem>>)
        %dma_wait3A_50 = arith.constant 0 : i32
        %dma_wait3A_51 = tpu.memref_slice %arg4[%add3A_45, %dma_wait3A_50] : memref<65536x128xf32, #tpu.memory_space<hbm>> -> memref<128x128xf32, #tpu.memory_space<hbm>>
        %dma_wait3A_52 = arith.constant 0 : i32
        %dma_wait3A_53 = tpu.memref_slice %arg4[%add3A_45, %dma_wait3A_52] : memref<65536x128xf32, #tpu.memory_space<hbm>> -> memref<128x128xf32, #tpu.memory_space<hbm>>
        tpu.wait_dma2 semaphore(%run_scoped3A : memref<!tpu.dma_semaphore, #tpu.memory_space<semaphore_mem>>) src(%arg7 : memref<128x128xf32, #tpu.memory_space<vmem>>) dst(%dma_wait3A_53 : memref<128x128xf32, #tpu.memory_space<hbm>>)
        tpu.yield
      }) : () -> ()
    }
    %scan3A_13 = arith.constant 8 : i32
    return
  }
}

#map = affine_map<(d0, d1) -> (0, 0)>
#map1 = affine_map<(d0, d1) -> (0)>
module attributes {stable_mosaic.version = 14 : i64} {
  func.func @gather_kernel(%arg0: i32, %arg1: i32, %arg2: memref<16384x128xf32, #tpu.memory_space<hbm>>, %arg3: memref<524288xi32, #tpu.memory_space<hbm>>, %arg4: memref<65536x128xf32, #tpu.memory_space<hbm>>, %arg5: memref<2048xi32, #tpu.memory_space<vmem>>, %arg6: memref<128x128xf32, #tpu.memory_space<vmem>>, %arg7: memref<128x128xf32, #tpu.memory_space<vmem>>, %arg8: memref<!tpu.dma_semaphore, #tpu.memory_space<semaphore_mem>>, %arg9: memref<!tpu.dma_semaphore, #tpu.memory_space<semaphore_mem>>) attributes {dimension_semantics = [#tpu.dimension_semantics<core_parallel>, #tpu.dimension_semantics<subcore_parallel>], iteration_bounds = array<i64: 2, 16>, scalar_prefetch = 0 : i64, scratch_operands = 5 : i64, tpu.core_type = #tpu.core_type<sc_vector_subcore>, window_params = [{transform_indices = #map}, {transform_indices = #map1}, {transform_indices = #map}]} {
    %mul3A = arith.constant 2 : i32
    %mul3A_0 = arith.muli %arg1, %mul3A : i32
    %add3A = arith.addi %mul3A_0, %arg0 : i32
    %mul3A_1 = arith.constant 2048 : i32
    %mul3A_2 = arith.muli %add3A, %mul3A_1 : i32
    %add3A_3 = arith.constant 0 : i32
    %add3A_4 = arith.addi %add3A_3, %mul3A_2 : i32
    "tpu.region"() ({
      %run_scoped3A = tpu.sem_alloc : memref<!tpu.dma_semaphore, #tpu.memory_space<semaphore_mem>>
      %dma_start3A_14 = tpu.memref_slice %arg3[%add3A_4] : memref<524288xi32, #tpu.memory_space<hbm>> -> memref<2048xi32, #tpu.memory_space<hbm>>
      %dma_start3A_15 = tpu.memref_slice %arg3[%add3A_4] : memref<524288xi32, #tpu.memory_space<hbm>> -> memref<2048xi32, #tpu.memory_space<hbm>>
      tpu.enqueue_dma source(%dma_start3A_15 : memref<2048xi32, #tpu.memory_space<hbm>>) target(%arg5 : memref<2048xi32, #tpu.memory_space<vmem>>) target_semaphore(%run_scoped3A : memref<!tpu.dma_semaphore, #tpu.memory_space<semaphore_mem>>)
      %dma_wait3A = tpu.memref_slice %arg3[%add3A_4] : memref<524288xi32, #tpu.memory_space<hbm>> -> memref<2048xi32, #tpu.memory_space<hbm>>
      %dma_wait3A_16 = tpu.memref_slice %arg3[%add3A_4] : memref<524288xi32, #tpu.memory_space<hbm>> -> memref<2048xi32, #tpu.memory_space<hbm>>
      tpu.wait_dma2 semaphore(%run_scoped3A : memref<!tpu.dma_semaphore, #tpu.memory_space<semaphore_mem>>) src(%dma_wait3A_16 : memref<2048xi32, #tpu.memory_space<hbm>>) dst(%arg5 : memref<2048xi32, #tpu.memory_space<vmem>>)
      tpu.yield
    }) : () -> ()
    %dma_start3A = arith.constant 0 : i32
    %dma_start3A_5 = tpu.memref_slice %arg5[%dma_start3A] : memref<2048xi32, #tpu.memory_space<vmem>> -> memref<128xi32, #tpu.memory_space<vmem>>
    %dma_start3A_6 = arith.constant 0 : i32
    %dma_start3A_7 = arith.constant 0 : i32
    %dma_start3A_8 = tpu.memref_slice %arg2[%dma_start3A_6, %dma_start3A_7] : memref<16384x128xf32, #tpu.memory_space<hbm>> -> memref<16384x128xf32, #tpu.memory_space<hbm>>
    tpu.enqueue_indirect_dma source(%dma_start3A_8 : memref<16384x128xf32, #tpu.memory_space<hbm>>) target(%arg6 : memref<128x128xf32, #tpu.memory_space<vmem>>) offsets(%dma_start3A_5 : memref<128xi32, #tpu.memory_space<vmem>>) semaphore(%arg8 : memref<!tpu.dma_semaphore, #tpu.memory_space<semaphore_mem>>)
    %scan3A = arith.constant 0 : i32
    %scan3A_9 = arith.constant 0 : i32
    %scan3A_10 = arith.constant 8 : i32
    %scan3A_11 = arith.addi %scan3A_9, %scan3A_10 : i32
    %scan3A_12 = arith.constant 1 : i32
    scf.for %scan3A_14 = %scan3A_9 to %scan3A_11 step %scan3A_12  : i32 {
      %mul3A_15 = arith.constant 2 : i32
      %mul3A_16 = arith.muli %mul3A_15, %scan3A_14 : i32
      %add3A_17 = arith.constant 1 : i32
      %add3A_18 = arith.addi %mul3A_16, %add3A_17 : i32
      %mul3A_19 = arith.constant 128 : i32
      %mul3A_20 = arith.muli %add3A_18, %mul3A_19 : i32
      %dma_start3A_21 = tpu.memref_slice %arg5[%mul3A_20] : memref<2048xi32, #tpu.memory_space<vmem>> -> memref<128xi32, #tpu.memory_space<vmem>>
      %dma_start3A_22 = arith.constant 0 : i32
      %dma_start3A_23 = arith.constant 0 : i32
      %dma_start3A_24 = tpu.memref_slice %arg2[%dma_start3A_22, %dma_start3A_23] : memref<16384x128xf32, #tpu.memory_space<hbm>> -> memref<16384x128xf32, #tpu.memory_space<hbm>>
      tpu.enqueue_indirect_dma source(%dma_start3A_24 : memref<16384x128xf32, #tpu.memory_space<hbm>>) target(%arg7 : memref<128x128xf32, #tpu.memory_space<vmem>>) offsets(%dma_start3A_21 : memref<128xi32, #tpu.memory_space<vmem>>) semaphore(%arg9 : memref<!tpu.dma_semaphore, #tpu.memory_space<semaphore_mem>>)
      %dma_wait3A = arith.constant 0 : i32
      %dma_wait3A_25 = tpu.memref_slice %arg5[%dma_wait3A] : memref<2048xi32, #tpu.memory_space<vmem>> -> memref<128xi32, #tpu.memory_space<vmem>>
      %dma_wait3A_26 = arith.constant 0 : i32
      %dma_wait3A_27 = arith.constant 0 : i32
      %dma_wait3A_28 = tpu.memref_slice %arg2[%dma_wait3A_26, %dma_wait3A_27] : memref<16384x128xf32, #tpu.memory_space<hbm>> -> memref<16384x128xf32, #tpu.memory_space<hbm>>
      tpu.wait_indirect_dma semaphore(%arg8 : memref<!tpu.dma_semaphore, #tpu.memory_space<semaphore_mem>>) src(%dma_wait3A_28 : memref<16384x128xf32, #tpu.memory_space<hbm>>) dst(%arg6 : memref<128x128xf32, #tpu.memory_space<vmem>>)
      %mul3A_29 = arith.constant 128 : i32
      %mul3A_30 = arith.muli %mul3A_16, %mul3A_29 : i32
      %add3A_31 = arith.addi %mul3A_2, %mul3A_30 : i32
      "tpu.region"() ({
        %run_scoped3A = tpu.sem_alloc : memref<!tpu.dma_semaphore, #tpu.memory_space<semaphore_mem>>
        %dma_start3A_46 = arith.constant 0 : i32
        %dma_start3A_47 = tpu.memref_slice %arg4[%add3A_31, %dma_start3A_46] : memref<65536x128xf32, #tpu.memory_space<hbm>> -> memref<128x128xf32, #tpu.memory_space<hbm>>
        %dma_start3A_48 = arith.constant 0 : i32
        %dma_start3A_49 = tpu.memref_slice %arg4[%add3A_31, %dma_start3A_48] : memref<65536x128xf32, #tpu.memory_space<hbm>> -> memref<128x128xf32, #tpu.memory_space<hbm>>
        tpu.enqueue_dma source(%arg6 : memref<128x128xf32, #tpu.memory_space<vmem>>) target(%dma_start3A_49 : memref<128x128xf32, #tpu.memory_space<hbm>>) target_semaphore(%run_scoped3A : memref<!tpu.dma_semaphore, #tpu.memory_space<semaphore_mem>>)
        %dma_wait3A_50 = arith.constant 0 : i32
        %dma_wait3A_51 = tpu.memref_slice %arg4[%add3A_31, %dma_wait3A_50] : memref<65536x128xf32, #tpu.memory_space<hbm>> -> memref<128x128xf32, #tpu.memory_space<hbm>>
        %dma_wait3A_52 = arith.constant 0 : i32
        %dma_wait3A_53 = tpu.memref_slice %arg4[%add3A_31, %dma_wait3A_52] : memref<65536x128xf32, #tpu.memory_space<hbm>> -> memref<128x128xf32, #tpu.memory_space<hbm>>
        tpu.wait_dma2 semaphore(%run_scoped3A : memref<!tpu.dma_semaphore, #tpu.memory_space<semaphore_mem>>) src(%arg6 : memref<128x128xf32, #tpu.memory_space<vmem>>) dst(%dma_wait3A_53 : memref<128x128xf32, #tpu.memory_space<hbm>>)
        tpu.yield
      }) : () -> ()
      %add3A_32 = arith.constant 2 : i32
      %add3A_33 = arith.addi %mul3A_16, %add3A_32 : i32
      %lt3A = arith.constant 16 : i32
      %lt3A_34 = arith.cmpi slt, %add3A_33, %lt3A : i32
      %convert_element_type3A = arith.extui %lt3A_34 : i1 to i32
      %cond3A = arith.constant 0 : i32
      %cond3A_35 = arith.cmpi ne, %convert_element_type3A, %cond3A : i32
      scf.if %cond3A_35 {
        %add3A_46 = arith.constant 2 : i32
        %add3A_47 = arith.addi %mul3A_16, %add3A_46 : i32
        %mul3A_48 = arith.constant 128 : i32
        %mul3A_49 = arith.muli %add3A_47, %mul3A_48 : i32
        %dma_start3A_50 = tpu.memref_slice %arg5[%mul3A_49] : memref<2048xi32, #tpu.memory_space<vmem>> -> memref<128xi32, #tpu.memory_space<vmem>>
        %dma_start3A_51 = arith.constant 0 : i32
        %dma_start3A_52 = arith.constant 0 : i32
        %dma_start3A_53 = tpu.memref_slice %arg2[%dma_start3A_51, %dma_start3A_52] : memref<16384x128xf32, #tpu.memory_space<hbm>> -> memref<16384x128xf32, #tpu.memory_space<hbm>>
        tpu.enqueue_indirect_dma source(%dma_start3A_53 : memref<16384x128xf32, #tpu.memory_space<hbm>>) target(%arg6 : memref<128x128xf32, #tpu.memory_space<vmem>>) offsets(%dma_start3A_50 : memref<128xi32, #tpu.memory_space<vmem>>) semaphore(%arg8 : memref<!tpu.dma_semaphore, #tpu.memory_space<semaphore_mem>>)
      } else {
      }
      %dma_wait3A_36 = arith.constant 0 : i32
      %dma_wait3A_37 = tpu.memref_slice %arg5[%dma_wait3A_36] : memref<2048xi32, #tpu.memory_space<vmem>> -> memref<128xi32, #tpu.memory_space<vmem>>
      %dma_wait3A_38 = arith.constant 0 : i32
      %dma_wait3A_39 = arith.constant 0 : i32
      %dma_wait3A_40 = tpu.memref_slice %arg2[%dma_wait3A_38, %dma_wait3A_39] : memref<16384x128xf32, #tpu.memory_space<hbm>> -> memref<16384x128xf32, #tpu.memory_space<hbm>>
      tpu.wait_indirect_dma semaphore(%arg9 : memref<!tpu.dma_semaphore, #tpu.memory_space<semaphore_mem>>) src(%dma_wait3A_40 : memref<16384x128xf32, #tpu.memory_space<hbm>>) dst(%arg7 : memref<128x128xf32, #tpu.memory_space<vmem>>)
      %add3A_41 = arith.constant 1 : i32
      %add3A_42 = arith.addi %mul3A_16, %add3A_41 : i32
      %mul3A_43 = arith.constant 128 : i32
      %mul3A_44 = arith.muli %add3A_42, %mul3A_43 : i32
      %add3A_45 = arith.addi %mul3A_2, %mul3A_44 : i32
      "tpu.region"() ({
        %run_scoped3A = tpu.sem_alloc : memref<!tpu.dma_semaphore, #tpu.memory_space<semaphore_mem>>
        %dma_start3A_46 = arith.constant 0 : i32
        %dma_start3A_47 = tpu.memref_slice %arg4[%add3A_45, %dma_start3A_46] : memref<65536x128xf32, #tpu.memory_space<hbm>> -> memref<128x128xf32, #tpu.memory_space<hbm>>
        %dma_start3A_48 = arith.constant 0 : i32
        %dma_start3A_49 = tpu.memref_slice %arg4[%add3A_45, %dma_start3A_48] : memref<65536x128xf32, #tpu.memory_space<hbm>> -> memref<128x128xf32, #tpu.memory_space<hbm>>
        tpu.enqueue_dma source(%arg7 : memref<128x128xf32, #tpu.memory_space<vmem>>) target(%dma_start3A_49 : memref<128x128xf32, #tpu.memory_space<hbm>>) target_semaphore(%run_scoped3A : memref<!tpu.dma_semaphore, #tpu.memory_space<semaphore_mem>>)
        %dma_wait3A_50 = arith.constant 0 : i32
        %dma_wait3A_51 = tpu.memref_slice %arg4[%add3A_45, %dma_wait3A_50] : memref<65536x128xf32, #tpu.memory_space<hbm>> -> memref<128x128xf32, #tpu.memory_space<hbm>>
        %dma_wait3A_52 = arith.constant 0 : i32
        %dma_wait3A_53 = tpu.memref_slice %arg4[%add3A_45, %dma_wait3A_52] : memref<65536x128xf32, #tpu.memory_space<hbm>> -> memref<128x128xf32, #tpu.memory_space<hbm>>
        tpu.wait_dma2 semaphore(%run_scoped3A : memref<!tpu.dma_semaphore, #tpu.memory_space<semaphore_mem>>) src(%arg7 : memref<128x128xf32, #tpu.memory_space<vmem>>) dst(%dma_wait3A_53 : memref<128x128xf32, #tpu.memory_space<hbm>>)
        tpu.yield
      }) : () -> ()
    }
    %scan3A_13 = arith.constant 8 : i32
    return
  }
}

#map = affine_map<(d0, d1) -> (0, 0)>
#map1 = affine_map<(d0, d1) -> (0)>
module attributes {stable_mosaic.version = 14 : i64} {
  func.func @gather_kernel(%arg0: i32, %arg1: i32, %arg2: memref<16384x128xf32, #tpu.memory_space<hbm>>, %arg3: memref<524288xi32, #tpu.memory_space<hbm>>, %arg4: memref<65536x128xf32, #tpu.memory_space<hbm>>, %arg5: memref<2048xi32, #tpu.memory_space<vmem>>, %arg6: memref<128x128xf32, #tpu.memory_space<vmem>>, %arg7: memref<128x128xf32, #tpu.memory_space<vmem>>, %arg8: memref<!tpu.dma_semaphore, #tpu.memory_space<semaphore_mem>>, %arg9: memref<!tpu.dma_semaphore, #tpu.memory_space<semaphore_mem>>) attributes {dimension_semantics = [#tpu.dimension_semantics<core_parallel>, #tpu.dimension_semantics<subcore_parallel>], iteration_bounds = array<i64: 2, 16>, scalar_prefetch = 0 : i64, scratch_operands = 5 : i64, tpu.core_type = #tpu.core_type<sc_vector_subcore>, window_params = [{transform_indices = #map}, {transform_indices = #map1}, {transform_indices = #map}]} {
    %mul3A = arith.constant 2 : i32
    %mul3A_0 = arith.muli %arg1, %mul3A : i32
    %add3A = arith.addi %mul3A_0, %arg0 : i32
    %mul3A_1 = arith.constant 2048 : i32
    %mul3A_2 = arith.muli %add3A, %mul3A_1 : i32
    %add3A_3 = arith.constant 458752 : i32
    %add3A_4 = arith.addi %add3A_3, %mul3A_2 : i32
    "tpu.region"() ({
      %run_scoped3A = tpu.sem_alloc : memref<!tpu.dma_semaphore, #tpu.memory_space<semaphore_mem>>
      %dma_start3A_14 = tpu.memref_slice %arg3[%add3A_4] : memref<524288xi32, #tpu.memory_space<hbm>> -> memref<2048xi32, #tpu.memory_space<hbm>>
      %dma_start3A_15 = tpu.memref_slice %arg3[%add3A_4] : memref<524288xi32, #tpu.memory_space<hbm>> -> memref<2048xi32, #tpu.memory_space<hbm>>
      tpu.enqueue_dma source(%dma_start3A_15 : memref<2048xi32, #tpu.memory_space<hbm>>) target(%arg5 : memref<2048xi32, #tpu.memory_space<vmem>>) target_semaphore(%run_scoped3A : memref<!tpu.dma_semaphore, #tpu.memory_space<semaphore_mem>>)
      %dma_wait3A = tpu.memref_slice %arg3[%add3A_4] : memref<524288xi32, #tpu.memory_space<hbm>> -> memref<2048xi32, #tpu.memory_space<hbm>>
      %dma_wait3A_16 = tpu.memref_slice %arg3[%add3A_4] : memref<524288xi32, #tpu.memory_space<hbm>> -> memref<2048xi32, #tpu.memory_space<hbm>>
      tpu.wait_dma2 semaphore(%run_scoped3A : memref<!tpu.dma_semaphore, #tpu.memory_space<semaphore_mem>>) src(%dma_wait3A_16 : memref<2048xi32, #tpu.memory_space<hbm>>) dst(%arg5 : memref<2048xi32, #tpu.memory_space<vmem>>)
      tpu.yield
    }) : () -> ()
    %dma_start3A = arith.constant 0 : i32
    %dma_start3A_5 = tpu.memref_slice %arg5[%dma_start3A] : memref<2048xi32, #tpu.memory_space<vmem>> -> memref<128xi32, #tpu.memory_space<vmem>>
    %dma_start3A_6 = arith.constant 0 : i32
    %dma_start3A_7 = arith.constant 0 : i32
    %dma_start3A_8 = tpu.memref_slice %arg2[%dma_start3A_6, %dma_start3A_7] : memref<16384x128xf32, #tpu.memory_space<hbm>> -> memref<16384x128xf32, #tpu.memory_space<hbm>>
    tpu.enqueue_indirect_dma source(%dma_start3A_8 : memref<16384x128xf32, #tpu.memory_space<hbm>>) target(%arg6 : memref<128x128xf32, #tpu.memory_space<vmem>>) offsets(%dma_start3A_5 : memref<128xi32, #tpu.memory_space<vmem>>) semaphore(%arg8 : memref<!tpu.dma_semaphore, #tpu.memory_space<semaphore_mem>>)
    %scan3A = arith.constant 0 : i32
    %scan3A_9 = arith.constant 0 : i32
    %scan3A_10 = arith.constant 8 : i32
    %scan3A_11 = arith.addi %scan3A_9, %scan3A_10 : i32
    %scan3A_12 = arith.constant 1 : i32
    scf.for %scan3A_14 = %scan3A_9 to %scan3A_11 step %scan3A_12  : i32 {
      %mul3A_15 = arith.constant 2 : i32
      %mul3A_16 = arith.muli %mul3A_15, %scan3A_14 : i32
      %add3A_17 = arith.constant 1 : i32
      %add3A_18 = arith.addi %mul3A_16, %add3A_17 : i32
      %mul3A_19 = arith.constant 128 : i32
      %mul3A_20 = arith.muli %add3A_18, %mul3A_19 : i32
      %dma_start3A_21 = tpu.memref_slice %arg5[%mul3A_20] : memref<2048xi32, #tpu.memory_space<vmem>> -> memref<128xi32, #tpu.memory_space<vmem>>
      %dma_start3A_22 = arith.constant 0 : i32
      %dma_start3A_23 = arith.constant 0 : i32
      %dma_start3A_24 = tpu.memref_slice %arg2[%dma_start3A_22, %dma_start3A_23] : memref<16384x128xf32, #tpu.memory_space<hbm>> -> memref<16384x128xf32, #tpu.memory_space<hbm>>
      tpu.enqueue_indirect_dma source(%dma_start3A_24 : memref<16384x128xf32, #tpu.memory_space<hbm>>) target(%arg7 : memref<128x128xf32, #tpu.memory_space<vmem>>) offsets(%dma_start3A_21 : memref<128xi32, #tpu.memory_space<vmem>>) semaphore(%arg9 : memref<!tpu.dma_semaphore, #tpu.memory_space<semaphore_mem>>)
      %dma_wait3A = arith.constant 0 : i32
      %dma_wait3A_25 = tpu.memref_slice %arg5[%dma_wait3A] : memref<2048xi32, #tpu.memory_space<vmem>> -> memref<128xi32, #tpu.memory_space<vmem>>
      %dma_wait3A_26 = arith.constant 0 : i32
      %dma_wait3A_27 = arith.constant 0 : i32
      %dma_wait3A_28 = tpu.memref_slice %arg2[%dma_wait3A_26, %dma_wait3A_27] : memref<16384x128xf32, #tpu.memory_space<hbm>> -> memref<16384x128xf32, #tpu.memory_space<hbm>>
      tpu.wait_indirect_dma semaphore(%arg8 : memref<!tpu.dma_semaphore, #tpu.memory_space<semaphore_mem>>) src(%dma_wait3A_28 : memref<16384x128xf32, #tpu.memory_space<hbm>>) dst(%arg6 : memref<128x128xf32, #tpu.memory_space<vmem>>)
      %mul3A_29 = arith.constant 128 : i32
      %mul3A_30 = arith.muli %mul3A_16, %mul3A_29 : i32
      %add3A_31 = arith.addi %mul3A_2, %mul3A_30 : i32
      "tpu.region"() ({
        %run_scoped3A = tpu.sem_alloc : memref<!tpu.dma_semaphore, #tpu.memory_space<semaphore_mem>>
        %dma_start3A_46 = arith.constant 0 : i32
        %dma_start3A_47 = tpu.memref_slice %arg4[%add3A_31, %dma_start3A_46] : memref<65536x128xf32, #tpu.memory_space<hbm>> -> memref<128x128xf32, #tpu.memory_space<hbm>>
        %dma_start3A_48 = arith.constant 0 : i32
        %dma_start3A_49 = tpu.memref_slice %arg4[%add3A_31, %dma_start3A_48] : memref<65536x128xf32, #tpu.memory_space<hbm>> -> memref<128x128xf32, #tpu.memory_space<hbm>>
        tpu.enqueue_dma source(%arg6 : memref<128x128xf32, #tpu.memory_space<vmem>>) target(%dma_start3A_49 : memref<128x128xf32, #tpu.memory_space<hbm>>) target_semaphore(%run_scoped3A : memref<!tpu.dma_semaphore, #tpu.memory_space<semaphore_mem>>)
        %dma_wait3A_50 = arith.constant 0 : i32
        %dma_wait3A_51 = tpu.memref_slice %arg4[%add3A_31, %dma_wait3A_50] : memref<65536x128xf32, #tpu.memory_space<hbm>> -> memref<128x128xf32, #tpu.memory_space<hbm>>
        %dma_wait3A_52 = arith.constant 0 : i32
        %dma_wait3A_53 = tpu.memref_slice %arg4[%add3A_31, %dma_wait3A_52] : memref<65536x128xf32, #tpu.memory_space<hbm>> -> memref<128x128xf32, #tpu.memory_space<hbm>>
        tpu.wait_dma2 semaphore(%run_scoped3A : memref<!tpu.dma_semaphore, #tpu.memory_space<semaphore_mem>>) src(%arg6 : memref<128x128xf32, #tpu.memory_space<vmem>>) dst(%dma_wait3A_53 : memref<128x128xf32, #tpu.memory_space<hbm>>)
        tpu.yield
      }) : () -> ()
      %add3A_32 = arith.constant 2 : i32
      %add3A_33 = arith.addi %mul3A_16, %add3A_32 : i32
      %lt3A = arith.constant 16 : i32
      %lt3A_34 = arith.cmpi slt, %add3A_33, %lt3A : i32
      %convert_element_type3A = arith.extui %lt3A_34 : i1 to i32
      %cond3A = arith.constant 0 : i32
      %cond3A_35 = arith.cmpi ne, %convert_element_type3A, %cond3A : i32
      scf.if %cond3A_35 {
        %add3A_46 = arith.constant 2 : i32
        %add3A_47 = arith.addi %mul3A_16, %add3A_46 : i32
        %mul3A_48 = arith.constant 128 : i32
        %mul3A_49 = arith.muli %add3A_47, %mul3A_48 : i32
        %dma_start3A_50 = tpu.memref_slice %arg5[%mul3A_49] : memref<2048xi32, #tpu.memory_space<vmem>> -> memref<128xi32, #tpu.memory_space<vmem>>
        %dma_start3A_51 = arith.constant 0 : i32
        %dma_start3A_52 = arith.constant 0 : i32
        %dma_start3A_53 = tpu.memref_slice %arg2[%dma_start3A_51, %dma_start3A_52] : memref<16384x128xf32, #tpu.memory_space<hbm>> -> memref<16384x128xf32, #tpu.memory_space<hbm>>
        tpu.enqueue_indirect_dma source(%dma_start3A_53 : memref<16384x128xf32, #tpu.memory_space<hbm>>) target(%arg6 : memref<128x128xf32, #tpu.memory_space<vmem>>) offsets(%dma_start3A_50 : memref<128xi32, #tpu.memory_space<vmem>>) semaphore(%arg8 : memref<!tpu.dma_semaphore, #tpu.memory_space<semaphore_mem>>)
      } else {
      }
      %dma_wait3A_36 = arith.constant 0 : i32
      %dma_wait3A_37 = tpu.memref_slice %arg5[%dma_wait3A_36] : memref<2048xi32, #tpu.memory_space<vmem>> -> memref<128xi32, #tpu.memory_space<vmem>>
      %dma_wait3A_38 = arith.constant 0 : i32
      %dma_wait3A_39 = arith.constant 0 : i32
      %dma_wait3A_40 = tpu.memref_slice %arg2[%dma_wait3A_38, %dma_wait3A_39] : memref<16384x128xf32, #tpu.memory_space<hbm>> -> memref<16384x128xf32, #tpu.memory_space<hbm>>
      tpu.wait_indirect_dma semaphore(%arg9 : memref<!tpu.dma_semaphore, #tpu.memory_space<semaphore_mem>>) src(%dma_wait3A_40 : memref<16384x128xf32, #tpu.memory_space<hbm>>) dst(%arg7 : memref<128x128xf32, #tpu.memory_space<vmem>>)
      %add3A_41 = arith.constant 1 : i32
      %add3A_42 = arith.addi %mul3A_16, %add3A_41 : i32
      %mul3A_43 = arith.constant 128 : i32
      %mul3A_44 = arith.muli %add3A_42, %mul3A_43 : i32
      %add3A_45 = arith.addi %mul3A_2, %mul3A_44 : i32
      "tpu.region"() ({
        %run_scoped3A = tpu.sem_alloc : memref<!tpu.dma_semaphore, #tpu.memory_space<semaphore_mem>>
        %dma_start3A_46 = arith.constant 0 : i32
        %dma_start3A_47 = tpu.memref_slice %arg4[%add3A_45, %dma_start3A_46] : memref<65536x128xf32, #tpu.memory_space<hbm>> -> memref<128x128xf32, #tpu.memory_space<hbm>>
        %dma_start3A_48 = arith.constant 0 : i32
        %dma_start3A_49 = tpu.memref_slice %arg4[%add3A_45, %dma_start3A_48] : memref<65536x128xf32, #tpu.memory_space<hbm>> -> memref<128x128xf32, #tpu.memory_space<hbm>>
        tpu.enqueue_dma source(%arg7 : memref<128x128xf32, #tpu.memory_space<vmem>>) target(%dma_start3A_49 : memref<128x128xf32, #tpu.memory_space<hbm>>) target_semaphore(%run_scoped3A : memref<!tpu.dma_semaphore, #tpu.memory_space<semaphore_mem>>)
        %dma_wait3A_50 = arith.constant 0 : i32
        %dma_wait3A_51 = tpu.memref_slice %arg4[%add3A_45, %dma_wait3A_50] : memref<65536x128xf32, #tpu.memory_space<hbm>> -> memref<128x128xf32, #tpu.memory_space<hbm>>
        %dma_wait3A_52 = arith.constant 0 : i32
        %dma_wait3A_53 = tpu.memref_slice %arg4[%add3A_45, %dma_wait3A_52] : memref<65536x128xf32, #tpu.memory_space<hbm>> -> memref<128x128xf32, #tpu.memory_space<hbm>>
        tpu.wait_dma2 semaphore(%run_scoped3A : memref<!tpu.dma_semaphore, #tpu.memory_space<semaphore_mem>>) src(%arg7 : memref<128x128xf32, #tpu.memory_space<vmem>>) dst(%dma_wait3A_53 : memref<128x128xf32, #tpu.memory_space<hbm>>)
        tpu.yield
      }) : () -> ()
    }
    %scan3A_13 = arith.constant 8 : i32
    return
  }
}

module attributes {stable_mosaic.version = 14 : i64} {
  func.func @_proj_body(%arg0: i32, %arg1: memref<2048x128xf32, #tpu.memory_space<vmem>>, %arg2: memref<128x128xf32, #tpu.memory_space<vmem>>, %arg3: memref<128x128xf32, #tpu.memory_space<vmem>>, %arg4: memref<128x128xf32, #tpu.memory_space<vmem>>, %arg5: memref<128x64xf32, #tpu.memory_space<vmem>>, %arg6: memref<2048x64xf32, #tpu.memory_space<vmem>>, %arg7: memref<2048x128xf32, #tpu.memory_space<vmem>>) attributes {dimension_semantics = [#tpu.dimension_semantics<arbitrary>], iteration_bounds = array<i64: 8>, scalar_prefetch = 0 : i64, scratch_operands = 0 : i64, tpu.core_type = #tpu.core_type<tc>, window_params = [{transform_indices = @transform_0, window_bounds = array<i64: 2048, 128>}, {pipeline_mode = #tpu.pipeline_mode<synchronous>, transform_indices = @transform_1, window_bounds = array<i64: 128, 128>}, {pipeline_mode = #tpu.pipeline_mode<synchronous>, transform_indices = @transform_2, window_bounds = array<i64: 128, 128>}, {pipeline_mode = #tpu.pipeline_mode<synchronous>, transform_indices = @transform_3, window_bounds = array<i64: 128, 128>}, {pipeline_mode = #tpu.pipeline_mode<synchronous>, transform_indices = @transform_4, window_bounds = array<i64: 128, 64>}, {transform_indices = @transform_5, window_bounds = array<i64: 2048, 64>}, {transform_indices = @transform_6, window_bounds = array<i64: 2048, 128>}]} {
    %get3A = arith.constant 0 : index
    %get3A_0 = arith.constant 0 : index
    %get3A_1 = vector.load %arg1[%get3A, %get3A_0] : memref<2048x128xf32, #tpu.memory_space<vmem>>, vector<2048x128xf32>
    %convert_element_type3A = arith.truncf %get3A_1 : vector<2048x128xf32> to vector<2048x128xbf16>
    %get3A_2 = arith.constant 0 : index
    %get3A_3 = arith.constant 0 : index
    %get3A_4 = vector.load %arg5[%get3A_2, %get3A_3] : memref<128x64xf32, #tpu.memory_space<vmem>>, vector<128x64xf32>
    %convert_element_type3A_5 = arith.truncf %get3A_4 : vector<128x64xf32> to vector<128x64xbf16>
    %get3A_6 = arith.constant 0 : index
    %get3A_7 = arith.constant 0 : index
    %get3A_8 = vector.load %arg2[%get3A_6, %get3A_7] : memref<128x128xf32, #tpu.memory_space<vmem>>, vector<128x128xf32>
    %convert_element_type3A_9 = arith.truncf %get3A_8 : vector<128x128xf32> to vector<128x128xbf16>
    %dot_general3A = arith.constant dense<0.000000e+00> : vector<128x64xf32>
    %dot_general3A_10 = tpu.matmul %convert_element_type3A_9, %convert_element_type3A_5, %dot_general3A {dimension_numbers = #tpu.dot_dimension_numbers<[1], [0], [0], [1], [0, 0, 1, 1], [], []>, transpose_lhs_hint = false} : vector<128x128xbf16>, vector<128x64xbf16>, vector<128x64xf32> -> vector<128x64xf32>
    %get3A_11 = arith.constant 0 : index
    %get3A_12 = arith.constant 0 : index
    %get3A_13 = vector.load %arg3[%get3A_11, %get3A_12] : memref<128x128xf32, #tpu.memory_space<vmem>>, vector<128x128xf32>
    %convert_element_type3A_14 = arith.truncf %get3A_13 : vector<128x128xf32> to vector<128x128xbf16>
    %dot_general3A_15 = arith.constant dense<0.000000e+00> : vector<128x64xf32>
    %dot_general3A_16 = tpu.matmul %convert_element_type3A_14, %convert_element_type3A_5, %dot_general3A_15 {dimension_numbers = #tpu.dot_dimension_numbers<[1], [0], [0], [1], [0, 0, 1, 1], [], []>, transpose_lhs_hint = false} : vector<128x128xbf16>, vector<128x64xbf16>, vector<128x64xf32> -> vector<128x64xf32>
    %convert_element_type3A_17 = arith.truncf %dot_general3A_10 : vector<128x64xf32> to vector<128x64xbf16>
    %dot_general3A_18 = arith.constant dense<0.000000e+00> : vector<2048x64xf32>
    %dot_general3A_19 = tpu.matmul %convert_element_type3A, %convert_element_type3A_17, %dot_general3A_18 {dimension_numbers = #tpu.dot_dimension_numbers<[1], [0], [0], [1], [0, 0, 1, 1], [], []>, transpose_lhs_hint = false} : vector<2048x128xbf16>, vector<128x64xbf16>, vector<2048x64xf32> -> vector<2048x64xf32>
    %swap3A = arith.constant 0 : index
    %swap3A_20 = arith.constant 0 : index
    %swap3A_21 = vector.load %arg6[%swap3A, %swap3A_20] : memref<2048x64xf32, #tpu.memory_space<vmem>>, vector<2048x64xf32>
    tpu.vector_store %arg6[%swap3A, %swap3A_20], %dot_general3A_19 {strides = array<i32>} : memref<2048x64xf32, #tpu.memory_space<vmem>>, vector<2048x64xf32>,
    %convert_element_type3A_22 = arith.truncf %dot_general3A_16 : vector<128x64xf32> to vector<128x64xbf16>
    %dot_general3A_23 = arith.constant dense<0.000000e+00> : vector<2048x64xf32>
    %dot_general3A_24 = tpu.matmul %convert_element_type3A, %convert_element_type3A_22, %dot_general3A_23 {dimension_numbers = #tpu.dot_dimension_numbers<[1], [0], [0], [1], [0, 0, 1, 1], [], []>, transpose_lhs_hint = false} : vector<2048x128xbf16>, vector<128x64xbf16>, vector<2048x64xf32> -> vector<2048x64xf32>
    %get3A_25 = arith.constant 0 : index
    %get3A_26 = arith.constant 0 : index
    %get3A_27 = vector.load %arg4[%get3A_25, %get3A_26] : memref<128x128xf32, #tpu.memory_space<vmem>>, vector<128x128xf32>
    %convert_element_type3A_28 = arith.truncf %get3A_27 : vector<128x128xf32> to vector<128x128xbf16>
    %dot_general3A_29 = arith.constant dense<0.000000e+00> : vector<2048x128xf32>
    %dot_general3A_30 = tpu.matmul %convert_element_type3A, %convert_element_type3A_28, %dot_general3A_29 {dimension_numbers = #tpu.dot_dimension_numbers<[1], [0], [0], [1], [0, 0, 1, 1], [], []>, transpose_lhs_hint = false} : vector<2048x128xbf16>, vector<128x128xbf16>, vector<2048x128xf32> -> vector<2048x128xf32>
    %slice3A = vector.extract_strided_slice %dot_general3A_30 {offsets = [0, 0], sizes = [2048, 64], strides = [1, 1]} : vector<2048x128xf32> to vector<2048x64xf32>
    %bitcast_convert_type3A = tpu.bitcast %slice3A : vector<2048x64xf32> -> vector<2048x64xi32>
    %add3A = arith.constant 32767 : i32
    %add3A_31 = vector.broadcast %add3A : i32 to vector<2048x64xi32>
    %add3A_32 = arith.addi %bitcast_convert_type3A, %add3A_31 : vector<2048x64xi32>
    %shift_right_logical3A = arith.constant 16 : i32
    %shift_right_logical3A_33 = vector.broadcast %shift_right_logical3A : i32 to vector<2048x64xi32>
    %shift_right_logical3A_34 = arith.shrui %bitcast_convert_type3A, %shift_right_logical3A_33 : vector<2048x64xi32>
    %and3A = arith.constant 1 : i32
    %and3A_35 = vector.broadcast %and3A : i32 to vector<2048x64xi32>
    %and3A_36 = arith.andi %shift_right_logical3A_34, %and3A_35 : vector<2048x64xi32>
    %add3A_37 = arith.addi %add3A_32, %and3A_36 : vector<2048x64xi32>
    %and3A_38 = arith.constant -65536 : i32
    %and3A_39 = vector.broadcast %and3A_38 : i32 to vector<2048x64xi32>
    %and3A_40 = arith.andi %add3A_37, %and3A_39 : vector<2048x64xi32>
    %shift_right_logical3A_41 = arith.constant 16 : i32
    %shift_right_logical3A_42 = vector.broadcast %shift_right_logical3A_41 : i32 to vector<2048x64xi32>
    %shift_right_logical3A_43 = arith.shrui %and3A_40, %shift_right_logical3A_42 : vector<2048x64xi32>
    %slice3A_44 = vector.extract_strided_slice %dot_general3A_30 {offsets = [0, 64], sizes = [2048, 64], strides = [1, 1]} : vector<2048x128xf32> to vector<2048x64xf32>
    %bitcast_convert_type3A_45 = tpu.bitcast %slice3A_44 : vector<2048x64xf32> -> vector<2048x64xi32>
    %add3A_46 = arith.constant 32767 : i32
    %add3A_47 = vector.broadcast %add3A_46 : i32 to vector<2048x64xi32>
    %add3A_48 = arith.addi %bitcast_convert_type3A_45, %add3A_47 : vector<2048x64xi32>
    %shift_right_logical3A_49 = arith.constant 16 : i32
    %shift_right_logical3A_50 = vector.broadcast %shift_right_logical3A_49 : i32 to vector<2048x64xi32>
    %shift_right_logical3A_51 = arith.shrui %bitcast_convert_type3A_45, %shift_right_logical3A_50 : vector<2048x64xi32>
    %and3A_52 = arith.constant 1 : i32
    %and3A_53 = vector.broadcast %and3A_52 : i32 to vector<2048x64xi32>
    %and3A_54 = arith.andi %shift_right_logical3A_51, %and3A_53 : vector<2048x64xi32>
    %add3A_55 = arith.addi %add3A_48, %and3A_54 : vector<2048x64xi32>
    %and3A_56 = arith.constant -65536 : i32
    %and3A_57 = vector.broadcast %and3A_56 : i32 to vector<2048x64xi32>
    %and3A_58 = arith.andi %add3A_55, %and3A_57 : vector<2048x64xi32>
    %or3A = arith.ori %and3A_58, %shift_right_logical3A_43 : vector<2048x64xi32>
    %bitcast_convert_type3A_59 = tpu.bitcast %or3A : vector<2048x64xi32> -> vector<2048x64xf32>
    %swap3A_60 = arith.constant 0 : index
    %swap3A_61 = arith.constant 0 : index
    %swap3A_62 = vector.load %arg7[%swap3A_60, %swap3A_61] : memref<2048x128xf32, #tpu.memory_space<vmem>>, vector<2048x64xf32>
    tpu.vector_store %arg7[%swap3A_60, %swap3A_61], %dot_general3A_24 {strides = array<i32>} : memref<2048x128xf32, #tpu.memory_space<vmem>>, vector<2048x64xf32>,
    %swap3A_63 = arith.constant 0 : index
    %swap3A_64 = arith.constant 64 : index
    %swap3A_65 = vector.load %arg7[%swap3A_63, %swap3A_64] : memref<2048x128xf32, #tpu.memory_space<vmem>>, vector<2048x64xf32>
    tpu.vector_store %arg7[%swap3A_63, %swap3A_64], %bitcast_convert_type3A_59 {strides = array<i32>} : memref<2048x128xf32, #tpu.memory_space<vmem>>, vector<2048x64xf32>,
    return
  }
  func.func @transform_0(%arg0: i32) -> (i32, i32) {
    %c0_i32 = arith.constant 0 : i32
    %c0_i32_0 = arith.constant 0 : i32
    return %arg0, %c0_i32 : i32, i32
  }
  func.func @transform_1(%arg0: i32) -> (i32, i32) {
    %c0_i32 = arith.constant 0 : i32
    %c0_i32_0 = arith.constant 0 : i32
    %c0_i32_1 = arith.constant 0 : i32
    return %c0_i32, %c0_i32_0 : i32, i32
  }
  func.func @transform_2(%arg0: i32) -> (i32, i32) {
    %c0_i32 = arith.constant 0 : i32
    %c0_i32_0 = arith.constant 0 : i32
    %c0_i32_1 = arith.constant 0 : i32
    return %c0_i32, %c0_i32_0 : i32, i32
  }
  func.func @transform_3(%arg0: i32) -> (i32, i32) {
    %c0_i32 = arith.constant 0 : i32
    %c0_i32_0 = arith.constant 0 : i32
    %c0_i32_1 = arith.constant 0 : i32
    return %c0_i32, %c0_i32_0 : i32, i32
  }
  func.func @transform_4(%arg0: i32) -> (i32, i32) {
    %c0_i32 = arith.constant 0 : i32
    %c0_i32_0 = arith.constant 0 : i32
    %c0_i32_1 = arith.constant 0 : i32
    return %c0_i32, %c0_i32_0 : i32, i32
  }
  func.func @transform_5(%arg0: i32) -> (i32, i32) {
    %c0_i32 = arith.constant 0 : i32
    %c0_i32_0 = arith.constant 0 : i32
    return %arg0, %c0_i32 : i32, i32
  }
  func.func @transform_6(%arg0: i32) -> (i32, i32) {
    %c0_i32 = arith.constant 0 : i32
    %c0_i32_0 = arith.constant 0 : i32
    return %arg0, %c0_i32 : i32, i32
  }
}

module attributes {stable_mosaic.version = 14 : i64} {
  func.func @_attn_body(%arg0: i32, %arg1: memref<8192x128xf32, #tpu.memory_space<vmem>>, %arg2: memref<8192x128xf32, #tpu.memory_space<vmem>>, %arg3: memref<256x64xf32, #tpu.memory_space<vmem>>, %arg4: memref<128x64xf32, #tpu.memory_space<vmem>>, %arg5: memref<64x128xf32, #tpu.memory_space<vmem>>, %arg6: memref<256x128xf32, #tpu.memory_space<vmem>>) attributes {dimension_semantics = [#tpu.dimension_semantics<arbitrary>], iteration_bounds = array<i64: 8>, scalar_prefetch = 0 : i64, scratch_operands = 0 : i64, tpu.core_type = #tpu.core_type<tc>, window_params = [{transform_indices = @transform_0, window_bounds = array<i64: 8192, 128>}, {transform_indices = @transform_1, window_bounds = array<i64: 8192, 128>}, {transform_indices = @transform_2, window_bounds = array<i64: 256, 64>}, {pipeline_mode = #tpu.pipeline_mode<synchronous>, transform_indices = @transform_3, window_bounds = array<i64: 128, 64>}, {pipeline_mode = #tpu.pipeline_mode<synchronous>, transform_indices = @transform_4, window_bounds = array<i64: 64, 128>}, {transform_indices = @transform_5, window_bounds = array<i64: 256, 128>}]} {
    %get3A = arith.constant 0 : index
    %get3A_0 = arith.constant 0 : index
    %get3A_1 = vector.load %arg1[%get3A, %get3A_0] : memref<8192x128xf32, #tpu.memory_space<vmem>>, vector<8192x128xf32>
    %convert_element_type3A = arith.truncf %get3A_1 : vector<8192x128xf32> to vector<8192x128xbf16>
    %get3A_2 = arith.constant 0 : index
    %get3A_3 = arith.constant 0 : index
    %get3A_4 = vector.load %arg4[%get3A_2, %get3A_3] : memref<128x64xf32, #tpu.memory_space<vmem>>, vector<128x64xf32>
    %convert_element_type3A_5 = arith.truncf %get3A_4 : vector<128x64xf32> to vector<128x64xbf16>
    %dot_general3A = arith.constant dense<0.000000e+00> : vector<8192x64xf32>
    %dot_general3A_6 = tpu.matmul %convert_element_type3A, %convert_element_type3A_5, %dot_general3A {dimension_numbers = #tpu.dot_dimension_numbers<[1], [0], [0], [1], [0, 0, 1, 1], [], []>, transpose_lhs_hint = false} : vector<8192x128xbf16>, vector<128x64xbf16>, vector<8192x64xf32> -> vector<8192x64xf32>
    %get3A_7 = arith.constant 0 : index
    %get3A_8 = arith.constant 0 : index
    %get3A_9 = vector.load %arg2[%get3A_7, %get3A_8] : memref<8192x128xf32, #tpu.memory_space<vmem>>, vector<8192x64xf32>
    %get3A_10 = arith.constant 0 : index
    %get3A_11 = arith.constant 64 : index
    %get3A_12 = vector.load %arg2[%get3A_10, %get3A_11] : memref<8192x128xf32, #tpu.memory_space<vmem>>, vector<8192x64xf32>
    %bitcast_convert_type3A = tpu.bitcast %get3A_12 : vector<8192x64xf32> -> vector<8192x64xi32>
    %shift_left3A = arith.constant 16 : i32
    %shift_left3A_13 = vector.broadcast %shift_left3A : i32 to vector<8192x64xi32>
    %shift_left3A_14 = arith.shli %bitcast_convert_type3A, %shift_left3A_13 : vector<8192x64xi32>
    %bitcast_convert_type3A_15 = tpu.bitcast %shift_left3A_14 : vector<8192x64xi32> -> vector<8192x64xf32>
    %and3A = arith.constant -65536 : i32
    %and3A_16 = vector.broadcast %and3A : i32 to vector<8192x64xi32>
    %and3A_17 = arith.andi %bitcast_convert_type3A, %and3A_16 : vector<8192x64xi32>
    %bitcast_convert_type3A_18 = tpu.bitcast %and3A_17 : vector<8192x64xi32> -> vector<8192x64xf32>
    %sub3A = arith.subf %dot_general3A_6, %get3A_9 : vector<8192x64xf32>
    %reshape3A = vector.shape_cast %sub3A : vector<8192x64xf32> to vector<256x32x64xf32>
    %get3A_19 = arith.constant 0 : index
    %get3A_20 = arith.constant 0 : index
    %get3A_21 = vector.load %arg3[%get3A_19, %get3A_20] : memref<256x64xf32, #tpu.memory_space<vmem>>, vector<256x64xf32>
    %broadcast_in_dim3A = vector.shape_cast %get3A_21 : vector<256x64xf32> to vector<256x1x64xf32>
    %add3A = vector.broadcast %broadcast_in_dim3A : vector<256x1x64xf32> to vector<256x32x64xf32>
    %add3A_22 = arith.addf %reshape3A, %add3A : vector<256x32x64xf32>
    %max3A = arith.constant 0.000000e+00 : f32
    %max3A_23 = vector.broadcast %max3A : f32 to vector<256x32x64xf32>
    %max3A_24 = arith.maximumf %add3A_22, %max3A_23 : vector<256x32x64xf32>
    %reshape3A_25 = vector.shape_cast %max3A_24 : vector<256x32x64xf32> to vector<8192x64xf32>
    %convert_element_type3A_26 = arith.truncf %reshape3A_25 : vector<8192x64xf32> to vector<8192x64xbf16>
    %get3A_27 = arith.constant 0 : index
    %get3A_28 = arith.constant 0 : index
    %get3A_29 = vector.load %arg5[%get3A_27, %get3A_28] : memref<64x128xf32, #tpu.memory_space<vmem>>, vector<64x128xf32>
    %convert_element_type3A_30 = arith.truncf %get3A_29 : vector<64x128xf32> to vector<64x128xbf16>
    %dot_general3A_31 = arith.constant dense<0.000000e+00> : vector<8192x128xf32>
    %dot_general3A_32 = tpu.matmul %convert_element_type3A_26, %convert_element_type3A_30, %dot_general3A_31 {dimension_numbers = #tpu.dot_dimension_numbers<[1], [0], [0], [1], [0, 0, 1, 1], [], []>, transpose_lhs_hint = false} : vector<8192x64xbf16>, vector<64x128xbf16>, vector<8192x128xf32> -> vector<8192x128xf32>
    %exp3A = math.exp %dot_general3A_32 : vector<8192x128xf32>
    %reshape3A_33 = vector.shape_cast %exp3A : vector<8192x128xf32> to vector<256x32x128xf32>
    %reduce_sum3A = arith.constant dense<0.000000e+00> : vector<256x128xf32>
    %reduce_sum3A_34 = vector.multi_reduction <add>, %reshape3A_33, %reduce_sum3A [1] : vector<256x32x128xf32> to vector<256x128xf32>
    %concatenate3A = tpu.concatenate %bitcast_convert_type3A_15, %bitcast_convert_type3A_18 in 1 : vector<8192x64xf32>, vector<8192x64xf32> -> vector<8192x128xf32>
    %reshape3A_35 = vector.shape_cast %concatenate3A : vector<8192x128xf32> to vector<256x32x128xf32>
    %reshape3A_36 = vector.shape_cast %get3A_1 : vector<8192x128xf32> to vector<256x32x128xf32>
    %add3A_37 = arith.addf %reshape3A_35, %reshape3A_36 : vector<256x32x128xf32>
    %mul3A = arith.mulf %add3A_37, %reshape3A_33 : vector<256x32x128xf32>
    %reduce_sum3A_38 = arith.constant dense<0.000000e+00> : vector<256x128xf32>
    %reduce_sum3A_39 = vector.multi_reduction <add>, %mul3A, %reduce_sum3A_38 [1] : vector<256x32x128xf32> to vector<256x128xf32>
    %div3A = arith.divf %reduce_sum3A_39, %reduce_sum3A_34 : vector<256x128xf32>
    %swap3A = arith.constant 0 : index
    %swap3A_40 = arith.constant 0 : index
    %swap3A_41 = vector.load %arg6[%swap3A, %swap3A_40] : memref<256x128xf32, #tpu.memory_space<vmem>>, vector<256x128xf32>
    tpu.vector_store %arg6[%swap3A, %swap3A_40], %div3A {strides = array<i32>} : memref<256x128xf32, #tpu.memory_space<vmem>>, vector<256x128xf32>,
    return
  }
  func.func @transform_0(%arg0: i32) -> (i32, i32) {
    %add3A = arith.constant 48 : i32
    %add3A_0 = arith.addi %add3A, %arg0 : i32
    %c0_i32 = arith.constant 0 : i32
    %c0_i32_1 = arith.constant 0 : i32
    return %add3A_0, %c0_i32 : i32, i32
  }
  func.func @transform_1(%arg0: i32) -> (i32, i32) {
    %c0_i32 = arith.constant 0 : i32
    %c0_i32_0 = arith.constant 0 : i32
    return %arg0, %c0_i32 : i32, i32
  }
  func.func @transform_2(%arg0: i32) -> (i32, i32) {
    %add3A = arith.constant 48 : i32
    %add3A_0 = arith.addi %add3A, %arg0 : i32
    %c0_i32 = arith.constant 0 : i32
    %c0_i32_1 = arith.constant 0 : i32
    return %add3A_0, %c0_i32 : i32, i32
  }
  func.func @transform_3(%arg0: i32) -> (i32, i32) {
    %c0_i32 = arith.constant 0 : i32
    %c0_i32_0 = arith.constant 0 : i32
    %c0_i32_1 = arith.constant 0 : i32
    return %c0_i32, %c0_i32_0 : i32, i32
  }
  func.func @transform_4(%arg0: i32) -> (i32, i32) {
    %c0_i32 = arith.constant 0 : i32
    %c0_i32_0 = arith.constant 0 : i32
    %c0_i32_1 = arith.constant 0 : i32
    return %c0_i32, %c0_i32_0 : i32, i32
  }
  func.func @transform_5(%arg0: i32) -> (i32, i32) {
    %c0_i32 = arith.constant 0 : i32
    %c0_i32_0 = arith.constant 0 : i32
    return %arg0, %c0_i32 : i32, i32
  }
}

module attributes {stable_mosaic.version = 14 : i64} {
  func.func @_attn_body(%arg0: i32, %arg1: memref<8192x128xf32, #tpu.memory_space<vmem>>, %arg2: memref<8192x128xf32, #tpu.memory_space<vmem>>, %arg3: memref<256x64xf32, #tpu.memory_space<vmem>>, %arg4: memref<128x64xf32, #tpu.memory_space<vmem>>, %arg5: memref<64x128xf32, #tpu.memory_space<vmem>>, %arg6: memref<256x128xf32, #tpu.memory_space<vmem>>) attributes {dimension_semantics = [#tpu.dimension_semantics<arbitrary>], iteration_bounds = array<i64: 8>, scalar_prefetch = 0 : i64, scratch_operands = 0 : i64, tpu.core_type = #tpu.core_type<tc>, window_params = [{transform_indices = @transform_0, window_bounds = array<i64: 8192, 128>}, {transform_indices = @transform_1, window_bounds = array<i64: 8192, 128>}, {transform_indices = @transform_2, window_bounds = array<i64: 256, 64>}, {pipeline_mode = #tpu.pipeline_mode<synchronous>, transform_indices = @transform_3, window_bounds = array<i64: 128, 64>}, {pipeline_mode = #tpu.pipeline_mode<synchronous>, transform_indices = @transform_4, window_bounds = array<i64: 64, 128>}, {transform_indices = @transform_5, window_bounds = array<i64: 256, 128>}]} {
    %get3A = arith.constant 0 : index
    %get3A_0 = arith.constant 0 : index
    %get3A_1 = vector.load %arg1[%get3A, %get3A_0] : memref<8192x128xf32, #tpu.memory_space<vmem>>, vector<8192x128xf32>
    %convert_element_type3A = arith.truncf %get3A_1 : vector<8192x128xf32> to vector<8192x128xbf16>
    %get3A_2 = arith.constant 0 : index
    %get3A_3 = arith.constant 0 : index
    %get3A_4 = vector.load %arg4[%get3A_2, %get3A_3] : memref<128x64xf32, #tpu.memory_space<vmem>>, vector<128x64xf32>
    %convert_element_type3A_5 = arith.truncf %get3A_4 : vector<128x64xf32> to vector<128x64xbf16>
    %dot_general3A = arith.constant dense<0.000000e+00> : vector<8192x64xf32>
    %dot_general3A_6 = tpu.matmul %convert_element_type3A, %convert_element_type3A_5, %dot_general3A {dimension_numbers = #tpu.dot_dimension_numbers<[1], [0], [0], [1], [0, 0, 1, 1], [], []>, transpose_lhs_hint = false} : vector<8192x128xbf16>, vector<128x64xbf16>, vector<8192x64xf32> -> vector<8192x64xf32>
    %get3A_7 = arith.constant 0 : index
    %get3A_8 = arith.constant 0 : index
    %get3A_9 = vector.load %arg2[%get3A_7, %get3A_8] : memref<8192x128xf32, #tpu.memory_space<vmem>>, vector<8192x64xf32>
    %get3A_10 = arith.constant 0 : index
    %get3A_11 = arith.constant 64 : index
    %get3A_12 = vector.load %arg2[%get3A_10, %get3A_11] : memref<8192x128xf32, #tpu.memory_space<vmem>>, vector<8192x64xf32>
    %bitcast_convert_type3A = tpu.bitcast %get3A_12 : vector<8192x64xf32> -> vector<8192x64xi32>
    %shift_left3A = arith.constant 16 : i32
    %shift_left3A_13 = vector.broadcast %shift_left3A : i32 to vector<8192x64xi32>
    %shift_left3A_14 = arith.shli %bitcast_convert_type3A, %shift_left3A_13 : vector<8192x64xi32>
    %bitcast_convert_type3A_15 = tpu.bitcast %shift_left3A_14 : vector<8192x64xi32> -> vector<8192x64xf32>
    %and3A = arith.constant -65536 : i32
    %and3A_16 = vector.broadcast %and3A : i32 to vector<8192x64xi32>
    %and3A_17 = arith.andi %bitcast_convert_type3A, %and3A_16 : vector<8192x64xi32>
    %bitcast_convert_type3A_18 = tpu.bitcast %and3A_17 : vector<8192x64xi32> -> vector<8192x64xf32>
    %sub3A = arith.subf %dot_general3A_6, %get3A_9 : vector<8192x64xf32>
    %reshape3A = vector.shape_cast %sub3A : vector<8192x64xf32> to vector<256x32x64xf32>
    %get3A_19 = arith.constant 0 : index
    %get3A_20 = arith.constant 0 : index
    %get3A_21 = vector.load %arg3[%get3A_19, %get3A_20] : memref<256x64xf32, #tpu.memory_space<vmem>>, vector<256x64xf32>
    %broadcast_in_dim3A = vector.shape_cast %get3A_21 : vector<256x64xf32> to vector<256x1x64xf32>
    %add3A = vector.broadcast %broadcast_in_dim3A : vector<256x1x64xf32> to vector<256x32x64xf32>
    %add3A_22 = arith.addf %reshape3A, %add3A : vector<256x32x64xf32>
    %max3A = arith.constant 0.000000e+00 : f32
    %max3A_23 = vector.broadcast %max3A : f32 to vector<256x32x64xf32>
    %max3A_24 = arith.maximumf %add3A_22, %max3A_23 : vector<256x32x64xf32>
    %reshape3A_25 = vector.shape_cast %max3A_24 : vector<256x32x64xf32> to vector<8192x64xf32>
    %convert_element_type3A_26 = arith.truncf %reshape3A_25 : vector<8192x64xf32> to vector<8192x64xbf16>
    %get3A_27 = arith.constant 0 : index
    %get3A_28 = arith.constant 0 : index
    %get3A_29 = vector.load %arg5[%get3A_27, %get3A_28] : memref<64x128xf32, #tpu.memory_space<vmem>>, vector<64x128xf32>
    %convert_element_type3A_30 = arith.truncf %get3A_29 : vector<64x128xf32> to vector<64x128xbf16>
    %dot_general3A_31 = arith.constant dense<0.000000e+00> : vector<8192x128xf32>
    %dot_general3A_32 = tpu.matmul %convert_element_type3A_26, %convert_element_type3A_30, %dot_general3A_31 {dimension_numbers = #tpu.dot_dimension_numbers<[1], [0], [0], [1], [0, 0, 1, 1], [], []>, transpose_lhs_hint = false} : vector<8192x64xbf16>, vector<64x128xbf16>, vector<8192x128xf32> -> vector<8192x128xf32>
    %exp3A = math.exp %dot_general3A_32 : vector<8192x128xf32>
    %reshape3A_33 = vector.shape_cast %exp3A : vector<8192x128xf32> to vector<256x32x128xf32>
    %reduce_sum3A = arith.constant dense<0.000000e+00> : vector<256x128xf32>
    %reduce_sum3A_34 = vector.multi_reduction <add>, %reshape3A_33, %reduce_sum3A [1] : vector<256x32x128xf32> to vector<256x128xf32>
    %concatenate3A = tpu.concatenate %bitcast_convert_type3A_15, %bitcast_convert_type3A_18 in 1 : vector<8192x64xf32>, vector<8192x64xf32> -> vector<8192x128xf32>
    %reshape3A_35 = vector.shape_cast %concatenate3A : vector<8192x128xf32> to vector<256x32x128xf32>
    %reshape3A_36 = vector.shape_cast %get3A_1 : vector<8192x128xf32> to vector<256x32x128xf32>
    %add3A_37 = arith.addf %reshape3A_35, %reshape3A_36 : vector<256x32x128xf32>
    %mul3A = arith.mulf %add3A_37, %reshape3A_33 : vector<256x32x128xf32>
    %reduce_sum3A_38 = arith.constant dense<0.000000e+00> : vector<256x128xf32>
    %reduce_sum3A_39 = vector.multi_reduction <add>, %mul3A, %reduce_sum3A_38 [1] : vector<256x32x128xf32> to vector<256x128xf32>
    %div3A = arith.divf %reduce_sum3A_39, %reduce_sum3A_34 : vector<256x128xf32>
    %swap3A = arith.constant 0 : index
    %swap3A_40 = arith.constant 0 : index
    %swap3A_41 = vector.load %arg6[%swap3A, %swap3A_40] : memref<256x128xf32, #tpu.memory_space<vmem>>, vector<256x128xf32>
    tpu.vector_store %arg6[%swap3A, %swap3A_40], %div3A {strides = array<i32>} : memref<256x128xf32, #tpu.memory_space<vmem>>, vector<256x128xf32>,
    return
  }
  func.func @transform_0(%arg0: i32) -> (i32, i32) {
    %add3A = arith.constant 40 : i32
    %add3A_0 = arith.addi %add3A, %arg0 : i32
    %c0_i32 = arith.constant 0 : i32
    %c0_i32_1 = arith.constant 0 : i32
    return %add3A_0, %c0_i32 : i32, i32
  }
  func.func @transform_1(%arg0: i32) -> (i32, i32) {
    %c0_i32 = arith.constant 0 : i32
    %c0_i32_0 = arith.constant 0 : i32
    return %arg0, %c0_i32 : i32, i32
  }
  func.func @transform_2(%arg0: i32) -> (i32, i32) {
    %add3A = arith.constant 40 : i32
    %add3A_0 = arith.addi %add3A, %arg0 : i32
    %c0_i32 = arith.constant 0 : i32
    %c0_i32_1 = arith.constant 0 : i32
    return %add3A_0, %c0_i32 : i32, i32
  }
  func.func @transform_3(%arg0: i32) -> (i32, i32) {
    %c0_i32 = arith.constant 0 : i32
    %c0_i32_0 = arith.constant 0 : i32
    %c0_i32_1 = arith.constant 0 : i32
    return %c0_i32, %c0_i32_0 : i32, i32
  }
  func.func @transform_4(%arg0: i32) -> (i32, i32) {
    %c0_i32 = arith.constant 0 : i32
    %c0_i32_0 = arith.constant 0 : i32
    %c0_i32_1 = arith.constant 0 : i32
    return %c0_i32, %c0_i32_0 : i32, i32
  }
  func.func @transform_5(%arg0: i32) -> (i32, i32) {
    %c0_i32 = arith.constant 0 : i32
    %c0_i32_0 = arith.constant 0 : i32
    return %arg0, %c0_i32 : i32, i32
  }
}

module attributes {stable_mosaic.version = 14 : i64} {
  func.func @_attn_body(%arg0: i32, %arg1: memref<8192x128xf32, #tpu.memory_space<vmem>>, %arg2: memref<8192x128xf32, #tpu.memory_space<vmem>>, %arg3: memref<256x64xf32, #tpu.memory_space<vmem>>, %arg4: memref<128x64xf32, #tpu.memory_space<vmem>>, %arg5: memref<64x128xf32, #tpu.memory_space<vmem>>, %arg6: memref<256x128xf32, #tpu.memory_space<vmem>>) attributes {dimension_semantics = [#tpu.dimension_semantics<arbitrary>], iteration_bounds = array<i64: 8>, scalar_prefetch = 0 : i64, scratch_operands = 0 : i64, tpu.core_type = #tpu.core_type<tc>, window_params = [{transform_indices = @transform_0, window_bounds = array<i64: 8192, 128>}, {transform_indices = @transform_1, window_bounds = array<i64: 8192, 128>}, {transform_indices = @transform_2, window_bounds = array<i64: 256, 64>}, {pipeline_mode = #tpu.pipeline_mode<synchronous>, transform_indices = @transform_3, window_bounds = array<i64: 128, 64>}, {pipeline_mode = #tpu.pipeline_mode<synchronous>, transform_indices = @transform_4, window_bounds = array<i64: 64, 128>}, {transform_indices = @transform_5, window_bounds = array<i64: 256, 128>}]} {
    %get3A = arith.constant 0 : index
    %get3A_0 = arith.constant 0 : index
    %get3A_1 = vector.load %arg1[%get3A, %get3A_0] : memref<8192x128xf32, #tpu.memory_space<vmem>>, vector<8192x128xf32>
    %convert_element_type3A = arith.truncf %get3A_1 : vector<8192x128xf32> to vector<8192x128xbf16>
    %get3A_2 = arith.constant 0 : index
    %get3A_3 = arith.constant 0 : index
    %get3A_4 = vector.load %arg4[%get3A_2, %get3A_3] : memref<128x64xf32, #tpu.memory_space<vmem>>, vector<128x64xf32>
    %convert_element_type3A_5 = arith.truncf %get3A_4 : vector<128x64xf32> to vector<128x64xbf16>
    %dot_general3A = arith.constant dense<0.000000e+00> : vector<8192x64xf32>
    %dot_general3A_6 = tpu.matmul %convert_element_type3A, %convert_element_type3A_5, %dot_general3A {dimension_numbers = #tpu.dot_dimension_numbers<[1], [0], [0], [1], [0, 0, 1, 1], [], []>, transpose_lhs_hint = false} : vector<8192x128xbf16>, vector<128x64xbf16>, vector<8192x64xf32> -> vector<8192x64xf32>
    %get3A_7 = arith.constant 0 : index
    %get3A_8 = arith.constant 0 : index
    %get3A_9 = vector.load %arg2[%get3A_7, %get3A_8] : memref<8192x128xf32, #tpu.memory_space<vmem>>, vector<8192x64xf32>
    %get3A_10 = arith.constant 0 : index
    %get3A_11 = arith.constant 64 : index
    %get3A_12 = vector.load %arg2[%get3A_10, %get3A_11] : memref<8192x128xf32, #tpu.memory_space<vmem>>, vector<8192x64xf32>
    %bitcast_convert_type3A = tpu.bitcast %get3A_12 : vector<8192x64xf32> -> vector<8192x64xi32>
    %shift_left3A = arith.constant 16 : i32
    %shift_left3A_13 = vector.broadcast %shift_left3A : i32 to vector<8192x64xi32>
    %shift_left3A_14 = arith.shli %bitcast_convert_type3A, %shift_left3A_13 : vector<8192x64xi32>
    %bitcast_convert_type3A_15 = tpu.bitcast %shift_left3A_14 : vector<8192x64xi32> -> vector<8192x64xf32>
    %and3A = arith.constant -65536 : i32
    %and3A_16 = vector.broadcast %and3A : i32 to vector<8192x64xi32>
    %and3A_17 = arith.andi %bitcast_convert_type3A, %and3A_16 : vector<8192x64xi32>
    %bitcast_convert_type3A_18 = tpu.bitcast %and3A_17 : vector<8192x64xi32> -> vector<8192x64xf32>
    %sub3A = arith.subf %dot_general3A_6, %get3A_9 : vector<8192x64xf32>
    %reshape3A = vector.shape_cast %sub3A : vector<8192x64xf32> to vector<256x32x64xf32>
    %get3A_19 = arith.constant 0 : index
    %get3A_20 = arith.constant 0 : index
    %get3A_21 = vector.load %arg3[%get3A_19, %get3A_20] : memref<256x64xf32, #tpu.memory_space<vmem>>, vector<256x64xf32>
    %broadcast_in_dim3A = vector.shape_cast %get3A_21 : vector<256x64xf32> to vector<256x1x64xf32>
    %add3A = vector.broadcast %broadcast_in_dim3A : vector<256x1x64xf32> to vector<256x32x64xf32>
    %add3A_22 = arith.addf %reshape3A, %add3A : vector<256x32x64xf32>
    %max3A = arith.constant 0.000000e+00 : f32
    %max3A_23 = vector.broadcast %max3A : f32 to vector<256x32x64xf32>
    %max3A_24 = arith.maximumf %add3A_22, %max3A_23 : vector<256x32x64xf32>
    %reshape3A_25 = vector.shape_cast %max3A_24 : vector<256x32x64xf32> to vector<8192x64xf32>
    %convert_element_type3A_26 = arith.truncf %reshape3A_25 : vector<8192x64xf32> to vector<8192x64xbf16>
    %get3A_27 = arith.constant 0 : index
    %get3A_28 = arith.constant 0 : index
    %get3A_29 = vector.load %arg5[%get3A_27, %get3A_28] : memref<64x128xf32, #tpu.memory_space<vmem>>, vector<64x128xf32>
    %convert_element_type3A_30 = arith.truncf %get3A_29 : vector<64x128xf32> to vector<64x128xbf16>
    %dot_general3A_31 = arith.constant dense<0.000000e+00> : vector<8192x128xf32>
    %dot_general3A_32 = tpu.matmul %convert_element_type3A_26, %convert_element_type3A_30, %dot_general3A_31 {dimension_numbers = #tpu.dot_dimension_numbers<[1], [0], [0], [1], [0, 0, 1, 1], [], []>, transpose_lhs_hint = false} : vector<8192x64xbf16>, vector<64x128xbf16>, vector<8192x128xf32> -> vector<8192x128xf32>
    %exp3A = math.exp %dot_general3A_32 : vector<8192x128xf32>
    %reshape3A_33 = vector.shape_cast %exp3A : vector<8192x128xf32> to vector<256x32x128xf32>
    %reduce_sum3A = arith.constant dense<0.000000e+00> : vector<256x128xf32>
    %reduce_sum3A_34 = vector.multi_reduction <add>, %reshape3A_33, %reduce_sum3A [1] : vector<256x32x128xf32> to vector<256x128xf32>
    %concatenate3A = tpu.concatenate %bitcast_convert_type3A_15, %bitcast_convert_type3A_18 in 1 : vector<8192x64xf32>, vector<8192x64xf32> -> vector<8192x128xf32>
    %reshape3A_35 = vector.shape_cast %concatenate3A : vector<8192x128xf32> to vector<256x32x128xf32>
    %reshape3A_36 = vector.shape_cast %get3A_1 : vector<8192x128xf32> to vector<256x32x128xf32>
    %add3A_37 = arith.addf %reshape3A_35, %reshape3A_36 : vector<256x32x128xf32>
    %mul3A = arith.mulf %add3A_37, %reshape3A_33 : vector<256x32x128xf32>
    %reduce_sum3A_38 = arith.constant dense<0.000000e+00> : vector<256x128xf32>
    %reduce_sum3A_39 = vector.multi_reduction <add>, %mul3A, %reduce_sum3A_38 [1] : vector<256x32x128xf32> to vector<256x128xf32>
    %div3A = arith.divf %reduce_sum3A_39, %reduce_sum3A_34 : vector<256x128xf32>
    %swap3A = arith.constant 0 : index
    %swap3A_40 = arith.constant 0 : index
    %swap3A_41 = vector.load %arg6[%swap3A, %swap3A_40] : memref<256x128xf32, #tpu.memory_space<vmem>>, vector<256x128xf32>
    tpu.vector_store %arg6[%swap3A, %swap3A_40], %div3A {strides = array<i32>} : memref<256x128xf32, #tpu.memory_space<vmem>>, vector<256x128xf32>,
    return
  }
  func.func @transform_0(%arg0: i32) -> (i32, i32) {
    %add3A = arith.constant 32 : i32
    %add3A_0 = arith.addi %add3A, %arg0 : i32
    %c0_i32 = arith.constant 0 : i32
    %c0_i32_1 = arith.constant 0 : i32
    return %add3A_0, %c0_i32 : i32, i32
  }
  func.func @transform_1(%arg0: i32) -> (i32, i32) {
    %c0_i32 = arith.constant 0 : i32
    %c0_i32_0 = arith.constant 0 : i32
    return %arg0, %c0_i32 : i32, i32
  }
  func.func @transform_2(%arg0: i32) -> (i32, i32) {
    %add3A = arith.constant 32 : i32
    %add3A_0 = arith.addi %add3A, %arg0 : i32
    %c0_i32 = arith.constant 0 : i32
    %c0_i32_1 = arith.constant 0 : i32
    return %add3A_0, %c0_i32 : i32, i32
  }
  func.func @transform_3(%arg0: i32) -> (i32, i32) {
    %c0_i32 = arith.constant 0 : i32
    %c0_i32_0 = arith.constant 0 : i32
    %c0_i32_1 = arith.constant 0 : i32
    return %c0_i32, %c0_i32_0 : i32, i32
  }
  func.func @transform_4(%arg0: i32) -> (i32, i32) {
    %c0_i32 = arith.constant 0 : i32
    %c0_i32_0 = arith.constant 0 : i32
    %c0_i32_1 = arith.constant 0 : i32
    return %c0_i32, %c0_i32_0 : i32, i32
  }
  func.func @transform_5(%arg0: i32) -> (i32, i32) {
    %c0_i32 = arith.constant 0 : i32
    %c0_i32_0 = arith.constant 0 : i32
    return %arg0, %c0_i32 : i32, i32
  }
}

module attributes {stable_mosaic.version = 14 : i64} {
  func.func @_attn_body(%arg0: i32, %arg1: memref<8192x128xf32, #tpu.memory_space<vmem>>, %arg2: memref<8192x128xf32, #tpu.memory_space<vmem>>, %arg3: memref<256x64xf32, #tpu.memory_space<vmem>>, %arg4: memref<128x64xf32, #tpu.memory_space<vmem>>, %arg5: memref<64x128xf32, #tpu.memory_space<vmem>>, %arg6: memref<256x128xf32, #tpu.memory_space<vmem>>) attributes {dimension_semantics = [#tpu.dimension_semantics<arbitrary>], iteration_bounds = array<i64: 8>, scalar_prefetch = 0 : i64, scratch_operands = 0 : i64, tpu.core_type = #tpu.core_type<tc>, window_params = [{transform_indices = @transform_0, window_bounds = array<i64: 8192, 128>}, {transform_indices = @transform_1, window_bounds = array<i64: 8192, 128>}, {transform_indices = @transform_2, window_bounds = array<i64: 256, 64>}, {pipeline_mode = #tpu.pipeline_mode<synchronous>, transform_indices = @transform_3, window_bounds = array<i64: 128, 64>}, {pipeline_mode = #tpu.pipeline_mode<synchronous>, transform_indices = @transform_4, window_bounds = array<i64: 64, 128>}, {transform_indices = @transform_5, window_bounds = array<i64: 256, 128>}]} {
    %get3A = arith.constant 0 : index
    %get3A_0 = arith.constant 0 : index
    %get3A_1 = vector.load %arg1[%get3A, %get3A_0] : memref<8192x128xf32, #tpu.memory_space<vmem>>, vector<8192x128xf32>
    %convert_element_type3A = arith.truncf %get3A_1 : vector<8192x128xf32> to vector<8192x128xbf16>
    %get3A_2 = arith.constant 0 : index
    %get3A_3 = arith.constant 0 : index
    %get3A_4 = vector.load %arg4[%get3A_2, %get3A_3] : memref<128x64xf32, #tpu.memory_space<vmem>>, vector<128x64xf32>
    %convert_element_type3A_5 = arith.truncf %get3A_4 : vector<128x64xf32> to vector<128x64xbf16>
    %dot_general3A = arith.constant dense<0.000000e+00> : vector<8192x64xf32>
    %dot_general3A_6 = tpu.matmul %convert_element_type3A, %convert_element_type3A_5, %dot_general3A {dimension_numbers = #tpu.dot_dimension_numbers<[1], [0], [0], [1], [0, 0, 1, 1], [], []>, transpose_lhs_hint = false} : vector<8192x128xbf16>, vector<128x64xbf16>, vector<8192x64xf32> -> vector<8192x64xf32>
    %get3A_7 = arith.constant 0 : index
    %get3A_8 = arith.constant 0 : index
    %get3A_9 = vector.load %arg2[%get3A_7, %get3A_8] : memref<8192x128xf32, #tpu.memory_space<vmem>>, vector<8192x64xf32>
    %get3A_10 = arith.constant 0 : index
    %get3A_11 = arith.constant 64 : index
    %get3A_12 = vector.load %arg2[%get3A_10, %get3A_11] : memref<8192x128xf32, #tpu.memory_space<vmem>>, vector<8192x64xf32>
    %bitcast_convert_type3A = tpu.bitcast %get3A_12 : vector<8192x64xf32> -> vector<8192x64xi32>
    %shift_left3A = arith.constant 16 : i32
    %shift_left3A_13 = vector.broadcast %shift_left3A : i32 to vector<8192x64xi32>
    %shift_left3A_14 = arith.shli %bitcast_convert_type3A, %shift_left3A_13 : vector<8192x64xi32>
    %bitcast_convert_type3A_15 = tpu.bitcast %shift_left3A_14 : vector<8192x64xi32> -> vector<8192x64xf32>
    %and3A = arith.constant -65536 : i32
    %and3A_16 = vector.broadcast %and3A : i32 to vector<8192x64xi32>
    %and3A_17 = arith.andi %bitcast_convert_type3A, %and3A_16 : vector<8192x64xi32>
    %bitcast_convert_type3A_18 = tpu.bitcast %and3A_17 : vector<8192x64xi32> -> vector<8192x64xf32>
    %sub3A = arith.subf %dot_general3A_6, %get3A_9 : vector<8192x64xf32>
    %reshape3A = vector.shape_cast %sub3A : vector<8192x64xf32> to vector<256x32x64xf32>
    %get3A_19 = arith.constant 0 : index
    %get3A_20 = arith.constant 0 : index
    %get3A_21 = vector.load %arg3[%get3A_19, %get3A_20] : memref<256x64xf32, #tpu.memory_space<vmem>>, vector<256x64xf32>
    %broadcast_in_dim3A = vector.shape_cast %get3A_21 : vector<256x64xf32> to vector<256x1x64xf32>
    %add3A = vector.broadcast %broadcast_in_dim3A : vector<256x1x64xf32> to vector<256x32x64xf32>
    %add3A_22 = arith.addf %reshape3A, %add3A : vector<256x32x64xf32>
    %max3A = arith.constant 0.000000e+00 : f32
    %max3A_23 = vector.broadcast %max3A : f32 to vector<256x32x64xf32>
    %max3A_24 = arith.maximumf %add3A_22, %max3A_23 : vector<256x32x64xf32>
    %reshape3A_25 = vector.shape_cast %max3A_24 : vector<256x32x64xf32> to vector<8192x64xf32>
    %convert_element_type3A_26 = arith.truncf %reshape3A_25 : vector<8192x64xf32> to vector<8192x64xbf16>
    %get3A_27 = arith.constant 0 : index
    %get3A_28 = arith.constant 0 : index
    %get3A_29 = vector.load %arg5[%get3A_27, %get3A_28] : memref<64x128xf32, #tpu.memory_space<vmem>>, vector<64x128xf32>
    %convert_element_type3A_30 = arith.truncf %get3A_29 : vector<64x128xf32> to vector<64x128xbf16>
    %dot_general3A_31 = arith.constant dense<0.000000e+00> : vector<8192x128xf32>
    %dot_general3A_32 = tpu.matmul %convert_element_type3A_26, %convert_element_type3A_30, %dot_general3A_31 {dimension_numbers = #tpu.dot_dimension_numbers<[1], [0], [0], [1], [0, 0, 1, 1], [], []>, transpose_lhs_hint = false} : vector<8192x64xbf16>, vector<64x128xbf16>, vector<8192x128xf32> -> vector<8192x128xf32>
    %exp3A = math.exp %dot_general3A_32 : vector<8192x128xf32>
    %reshape3A_33 = vector.shape_cast %exp3A : vector<8192x128xf32> to vector<256x32x128xf32>
    %reduce_sum3A = arith.constant dense<0.000000e+00> : vector<256x128xf32>
    %reduce_sum3A_34 = vector.multi_reduction <add>, %reshape3A_33, %reduce_sum3A [1] : vector<256x32x128xf32> to vector<256x128xf32>
    %concatenate3A = tpu.concatenate %bitcast_convert_type3A_15, %bitcast_convert_type3A_18 in 1 : vector<8192x64xf32>, vector<8192x64xf32> -> vector<8192x128xf32>
    %reshape3A_35 = vector.shape_cast %concatenate3A : vector<8192x128xf32> to vector<256x32x128xf32>
    %reshape3A_36 = vector.shape_cast %get3A_1 : vector<8192x128xf32> to vector<256x32x128xf32>
    %add3A_37 = arith.addf %reshape3A_35, %reshape3A_36 : vector<256x32x128xf32>
    %mul3A = arith.mulf %add3A_37, %reshape3A_33 : vector<256x32x128xf32>
    %reduce_sum3A_38 = arith.constant dense<0.000000e+00> : vector<256x128xf32>
    %reduce_sum3A_39 = vector.multi_reduction <add>, %mul3A, %reduce_sum3A_38 [1] : vector<256x32x128xf32> to vector<256x128xf32>
    %div3A = arith.divf %reduce_sum3A_39, %reduce_sum3A_34 : vector<256x128xf32>
    %swap3A = arith.constant 0 : index
    %swap3A_40 = arith.constant 0 : index
    %swap3A_41 = vector.load %arg6[%swap3A, %swap3A_40] : memref<256x128xf32, #tpu.memory_space<vmem>>, vector<256x128xf32>
    tpu.vector_store %arg6[%swap3A, %swap3A_40], %div3A {strides = array<i32>} : memref<256x128xf32, #tpu.memory_space<vmem>>, vector<256x128xf32>,
    return
  }
  func.func @transform_0(%arg0: i32) -> (i32, i32) {
    %add3A = arith.constant 24 : i32
    %add3A_0 = arith.addi %add3A, %arg0 : i32
    %c0_i32 = arith.constant 0 : i32
    %c0_i32_1 = arith.constant 0 : i32
    return %add3A_0, %c0_i32 : i32, i32
  }
  func.func @transform_1(%arg0: i32) -> (i32, i32) {
    %c0_i32 = arith.constant 0 : i32
    %c0_i32_0 = arith.constant 0 : i32
    return %arg0, %c0_i32 : i32, i32
  }
  func.func @transform_2(%arg0: i32) -> (i32, i32) {
    %add3A = arith.constant 24 : i32
    %add3A_0 = arith.addi %add3A, %arg0 : i32
    %c0_i32 = arith.constant 0 : i32
    %c0_i32_1 = arith.constant 0 : i32
    return %add3A_0, %c0_i32 : i32, i32
  }
  func.func @transform_3(%arg0: i32) -> (i32, i32) {
    %c0_i32 = arith.constant 0 : i32
    %c0_i32_0 = arith.constant 0 : i32
    %c0_i32_1 = arith.constant 0 : i32
    return %c0_i32, %c0_i32_0 : i32, i32
  }
  func.func @transform_4(%arg0: i32) -> (i32, i32) {
    %c0_i32 = arith.constant 0 : i32
    %c0_i32_0 = arith.constant 0 : i32
    %c0_i32_1 = arith.constant 0 : i32
    return %c0_i32, %c0_i32_0 : i32, i32
  }
  func.func @transform_5(%arg0: i32) -> (i32, i32) {
    %c0_i32 = arith.constant 0 : i32
    %c0_i32_0 = arith.constant 0 : i32
    return %arg0, %c0_i32 : i32, i32
  }
}

module attributes {stable_mosaic.version = 14 : i64} {
  func.func @_attn_body(%arg0: i32, %arg1: memref<8192x128xf32, #tpu.memory_space<vmem>>, %arg2: memref<8192x128xf32, #tpu.memory_space<vmem>>, %arg3: memref<256x64xf32, #tpu.memory_space<vmem>>, %arg4: memref<128x64xf32, #tpu.memory_space<vmem>>, %arg5: memref<64x128xf32, #tpu.memory_space<vmem>>, %arg6: memref<256x128xf32, #tpu.memory_space<vmem>>) attributes {dimension_semantics = [#tpu.dimension_semantics<arbitrary>], iteration_bounds = array<i64: 8>, scalar_prefetch = 0 : i64, scratch_operands = 0 : i64, tpu.core_type = #tpu.core_type<tc>, window_params = [{transform_indices = @transform_0, window_bounds = array<i64: 8192, 128>}, {transform_indices = @transform_1, window_bounds = array<i64: 8192, 128>}, {transform_indices = @transform_2, window_bounds = array<i64: 256, 64>}, {pipeline_mode = #tpu.pipeline_mode<synchronous>, transform_indices = @transform_3, window_bounds = array<i64: 128, 64>}, {pipeline_mode = #tpu.pipeline_mode<synchronous>, transform_indices = @transform_4, window_bounds = array<i64: 64, 128>}, {transform_indices = @transform_5, window_bounds = array<i64: 256, 128>}]} {
    %get3A = arith.constant 0 : index
    %get3A_0 = arith.constant 0 : index
    %get3A_1 = vector.load %arg1[%get3A, %get3A_0] : memref<8192x128xf32, #tpu.memory_space<vmem>>, vector<8192x128xf32>
    %convert_element_type3A = arith.truncf %get3A_1 : vector<8192x128xf32> to vector<8192x128xbf16>
    %get3A_2 = arith.constant 0 : index
    %get3A_3 = arith.constant 0 : index
    %get3A_4 = vector.load %arg4[%get3A_2, %get3A_3] : memref<128x64xf32, #tpu.memory_space<vmem>>, vector<128x64xf32>
    %convert_element_type3A_5 = arith.truncf %get3A_4 : vector<128x64xf32> to vector<128x64xbf16>
    %dot_general3A = arith.constant dense<0.000000e+00> : vector<8192x64xf32>
    %dot_general3A_6 = tpu.matmul %convert_element_type3A, %convert_element_type3A_5, %dot_general3A {dimension_numbers = #tpu.dot_dimension_numbers<[1], [0], [0], [1], [0, 0, 1, 1], [], []>, transpose_lhs_hint = false} : vector<8192x128xbf16>, vector<128x64xbf16>, vector<8192x64xf32> -> vector<8192x64xf32>
    %get3A_7 = arith.constant 0 : index
    %get3A_8 = arith.constant 0 : index
    %get3A_9 = vector.load %arg2[%get3A_7, %get3A_8] : memref<8192x128xf32, #tpu.memory_space<vmem>>, vector<8192x64xf32>
    %get3A_10 = arith.constant 0 : index
    %get3A_11 = arith.constant 64 : index
    %get3A_12 = vector.load %arg2[%get3A_10, %get3A_11] : memref<8192x128xf32, #tpu.memory_space<vmem>>, vector<8192x64xf32>
    %bitcast_convert_type3A = tpu.bitcast %get3A_12 : vector<8192x64xf32> -> vector<8192x64xi32>
    %shift_left3A = arith.constant 16 : i32
    %shift_left3A_13 = vector.broadcast %shift_left3A : i32 to vector<8192x64xi32>
    %shift_left3A_14 = arith.shli %bitcast_convert_type3A, %shift_left3A_13 : vector<8192x64xi32>
    %bitcast_convert_type3A_15 = tpu.bitcast %shift_left3A_14 : vector<8192x64xi32> -> vector<8192x64xf32>
    %and3A = arith.constant -65536 : i32
    %and3A_16 = vector.broadcast %and3A : i32 to vector<8192x64xi32>
    %and3A_17 = arith.andi %bitcast_convert_type3A, %and3A_16 : vector<8192x64xi32>
    %bitcast_convert_type3A_18 = tpu.bitcast %and3A_17 : vector<8192x64xi32> -> vector<8192x64xf32>
    %sub3A = arith.subf %dot_general3A_6, %get3A_9 : vector<8192x64xf32>
    %reshape3A = vector.shape_cast %sub3A : vector<8192x64xf32> to vector<256x32x64xf32>
    %get3A_19 = arith.constant 0 : index
    %get3A_20 = arith.constant 0 : index
    %get3A_21 = vector.load %arg3[%get3A_19, %get3A_20] : memref<256x64xf32, #tpu.memory_space<vmem>>, vector<256x64xf32>
    %broadcast_in_dim3A = vector.shape_cast %get3A_21 : vector<256x64xf32> to vector<256x1x64xf32>
    %add3A = vector.broadcast %broadcast_in_dim3A : vector<256x1x64xf32> to vector<256x32x64xf32>
    %add3A_22 = arith.addf %reshape3A, %add3A : vector<256x32x64xf32>
    %max3A = arith.constant 0.000000e+00 : f32
    %max3A_23 = vector.broadcast %max3A : f32 to vector<256x32x64xf32>
    %max3A_24 = arith.maximumf %add3A_22, %max3A_23 : vector<256x32x64xf32>
    %reshape3A_25 = vector.shape_cast %max3A_24 : vector<256x32x64xf32> to vector<8192x64xf32>
    %convert_element_type3A_26 = arith.truncf %reshape3A_25 : vector<8192x64xf32> to vector<8192x64xbf16>
    %get3A_27 = arith.constant 0 : index
    %get3A_28 = arith.constant 0 : index
    %get3A_29 = vector.load %arg5[%get3A_27, %get3A_28] : memref<64x128xf32, #tpu.memory_space<vmem>>, vector<64x128xf32>
    %convert_element_type3A_30 = arith.truncf %get3A_29 : vector<64x128xf32> to vector<64x128xbf16>
    %dot_general3A_31 = arith.constant dense<0.000000e+00> : vector<8192x128xf32>
    %dot_general3A_32 = tpu.matmul %convert_element_type3A_26, %convert_element_type3A_30, %dot_general3A_31 {dimension_numbers = #tpu.dot_dimension_numbers<[1], [0], [0], [1], [0, 0, 1, 1], [], []>, transpose_lhs_hint = false} : vector<8192x64xbf16>, vector<64x128xbf16>, vector<8192x128xf32> -> vector<8192x128xf32>
    %exp3A = math.exp %dot_general3A_32 : vector<8192x128xf32>
    %reshape3A_33 = vector.shape_cast %exp3A : vector<8192x128xf32> to vector<256x32x128xf32>
    %reduce_sum3A = arith.constant dense<0.000000e+00> : vector<256x128xf32>
    %reduce_sum3A_34 = vector.multi_reduction <add>, %reshape3A_33, %reduce_sum3A [1] : vector<256x32x128xf32> to vector<256x128xf32>
    %concatenate3A = tpu.concatenate %bitcast_convert_type3A_15, %bitcast_convert_type3A_18 in 1 : vector<8192x64xf32>, vector<8192x64xf32> -> vector<8192x128xf32>
    %reshape3A_35 = vector.shape_cast %concatenate3A : vector<8192x128xf32> to vector<256x32x128xf32>
    %reshape3A_36 = vector.shape_cast %get3A_1 : vector<8192x128xf32> to vector<256x32x128xf32>
    %add3A_37 = arith.addf %reshape3A_35, %reshape3A_36 : vector<256x32x128xf32>
    %mul3A = arith.mulf %add3A_37, %reshape3A_33 : vector<256x32x128xf32>
    %reduce_sum3A_38 = arith.constant dense<0.000000e+00> : vector<256x128xf32>
    %reduce_sum3A_39 = vector.multi_reduction <add>, %mul3A, %reduce_sum3A_38 [1] : vector<256x32x128xf32> to vector<256x128xf32>
    %div3A = arith.divf %reduce_sum3A_39, %reduce_sum3A_34 : vector<256x128xf32>
    %swap3A = arith.constant 0 : index
    %swap3A_40 = arith.constant 0 : index
    %swap3A_41 = vector.load %arg6[%swap3A, %swap3A_40] : memref<256x128xf32, #tpu.memory_space<vmem>>, vector<256x128xf32>
    tpu.vector_store %arg6[%swap3A, %swap3A_40], %div3A {strides = array<i32>} : memref<256x128xf32, #tpu.memory_space<vmem>>, vector<256x128xf32>,
    return
  }
  func.func @transform_0(%arg0: i32) -> (i32, i32) {
    %add3A = arith.constant 16 : i32
    %add3A_0 = arith.addi %add3A, %arg0 : i32
    %c0_i32 = arith.constant 0 : i32
    %c0_i32_1 = arith.constant 0 : i32
    return %add3A_0, %c0_i32 : i32, i32
  }
  func.func @transform_1(%arg0: i32) -> (i32, i32) {
    %c0_i32 = arith.constant 0 : i32
    %c0_i32_0 = arith.constant 0 : i32
    return %arg0, %c0_i32 : i32, i32
  }
  func.func @transform_2(%arg0: i32) -> (i32, i32) {
    %add3A = arith.constant 16 : i32
    %add3A_0 = arith.addi %add3A, %arg0 : i32
    %c0_i32 = arith.constant 0 : i32
    %c0_i32_1 = arith.constant 0 : i32
    return %add3A_0, %c0_i32 : i32, i32
  }
  func.func @transform_3(%arg0: i32) -> (i32, i32) {
    %c0_i32 = arith.constant 0 : i32
    %c0_i32_0 = arith.constant 0 : i32
    %c0_i32_1 = arith.constant 0 : i32
    return %c0_i32, %c0_i32_0 : i32, i32
  }
  func.func @transform_4(%arg0: i32) -> (i32, i32) {
    %c0_i32 = arith.constant 0 : i32
    %c0_i32_0 = arith.constant 0 : i32
    %c0_i32_1 = arith.constant 0 : i32
    return %c0_i32, %c0_i32_0 : i32, i32
  }
  func.func @transform_5(%arg0: i32) -> (i32, i32) {
    %c0_i32 = arith.constant 0 : i32
    %c0_i32_0 = arith.constant 0 : i32
    return %arg0, %c0_i32 : i32, i32
  }
}

module attributes {stable_mosaic.version = 14 : i64} {
  func.func @_attn_body(%arg0: i32, %arg1: memref<8192x128xf32, #tpu.memory_space<vmem>>, %arg2: memref<8192x128xf32, #tpu.memory_space<vmem>>, %arg3: memref<256x64xf32, #tpu.memory_space<vmem>>, %arg4: memref<128x64xf32, #tpu.memory_space<vmem>>, %arg5: memref<64x128xf32, #tpu.memory_space<vmem>>, %arg6: memref<256x128xf32, #tpu.memory_space<vmem>>) attributes {dimension_semantics = [#tpu.dimension_semantics<arbitrary>], iteration_bounds = array<i64: 8>, scalar_prefetch = 0 : i64, scratch_operands = 0 : i64, tpu.core_type = #tpu.core_type<tc>, window_params = [{transform_indices = @transform_0, window_bounds = array<i64: 8192, 128>}, {transform_indices = @transform_1, window_bounds = array<i64: 8192, 128>}, {transform_indices = @transform_2, window_bounds = array<i64: 256, 64>}, {pipeline_mode = #tpu.pipeline_mode<synchronous>, transform_indices = @transform_3, window_bounds = array<i64: 128, 64>}, {pipeline_mode = #tpu.pipeline_mode<synchronous>, transform_indices = @transform_4, window_bounds = array<i64: 64, 128>}, {transform_indices = @transform_5, window_bounds = array<i64: 256, 128>}]} {
    %get3A = arith.constant 0 : index
    %get3A_0 = arith.constant 0 : index
    %get3A_1 = vector.load %arg1[%get3A, %get3A_0] : memref<8192x128xf32, #tpu.memory_space<vmem>>, vector<8192x128xf32>
    %convert_element_type3A = arith.truncf %get3A_1 : vector<8192x128xf32> to vector<8192x128xbf16>
    %get3A_2 = arith.constant 0 : index
    %get3A_3 = arith.constant 0 : index
    %get3A_4 = vector.load %arg4[%get3A_2, %get3A_3] : memref<128x64xf32, #tpu.memory_space<vmem>>, vector<128x64xf32>
    %convert_element_type3A_5 = arith.truncf %get3A_4 : vector<128x64xf32> to vector<128x64xbf16>
    %dot_general3A = arith.constant dense<0.000000e+00> : vector<8192x64xf32>
    %dot_general3A_6 = tpu.matmul %convert_element_type3A, %convert_element_type3A_5, %dot_general3A {dimension_numbers = #tpu.dot_dimension_numbers<[1], [0], [0], [1], [0, 0, 1, 1], [], []>, transpose_lhs_hint = false} : vector<8192x128xbf16>, vector<128x64xbf16>, vector<8192x64xf32> -> vector<8192x64xf32>
    %get3A_7 = arith.constant 0 : index
    %get3A_8 = arith.constant 0 : index
    %get3A_9 = vector.load %arg2[%get3A_7, %get3A_8] : memref<8192x128xf32, #tpu.memory_space<vmem>>, vector<8192x64xf32>
    %get3A_10 = arith.constant 0 : index
    %get3A_11 = arith.constant 64 : index
    %get3A_12 = vector.load %arg2[%get3A_10, %get3A_11] : memref<8192x128xf32, #tpu.memory_space<vmem>>, vector<8192x64xf32>
    %bitcast_convert_type3A = tpu.bitcast %get3A_12 : vector<8192x64xf32> -> vector<8192x64xi32>
    %shift_left3A = arith.constant 16 : i32
    %shift_left3A_13 = vector.broadcast %shift_left3A : i32 to vector<8192x64xi32>
    %shift_left3A_14 = arith.shli %bitcast_convert_type3A, %shift_left3A_13 : vector<8192x64xi32>
    %bitcast_convert_type3A_15 = tpu.bitcast %shift_left3A_14 : vector<8192x64xi32> -> vector<8192x64xf32>
    %and3A = arith.constant -65536 : i32
    %and3A_16 = vector.broadcast %and3A : i32 to vector<8192x64xi32>
    %and3A_17 = arith.andi %bitcast_convert_type3A, %and3A_16 : vector<8192x64xi32>
    %bitcast_convert_type3A_18 = tpu.bitcast %and3A_17 : vector<8192x64xi32> -> vector<8192x64xf32>
    %sub3A = arith.subf %dot_general3A_6, %get3A_9 : vector<8192x64xf32>
    %reshape3A = vector.shape_cast %sub3A : vector<8192x64xf32> to vector<256x32x64xf32>
    %get3A_19 = arith.constant 0 : index
    %get3A_20 = arith.constant 0 : index
    %get3A_21 = vector.load %arg3[%get3A_19, %get3A_20] : memref<256x64xf32, #tpu.memory_space<vmem>>, vector<256x64xf32>
    %broadcast_in_dim3A = vector.shape_cast %get3A_21 : vector<256x64xf32> to vector<256x1x64xf32>
    %add3A = vector.broadcast %broadcast_in_dim3A : vector<256x1x64xf32> to vector<256x32x64xf32>
    %add3A_22 = arith.addf %reshape3A, %add3A : vector<256x32x64xf32>
    %max3A = arith.constant 0.000000e+00 : f32
    %max3A_23 = vector.broadcast %max3A : f32 to vector<256x32x64xf32>
    %max3A_24 = arith.maximumf %add3A_22, %max3A_23 : vector<256x32x64xf32>
    %reshape3A_25 = vector.shape_cast %max3A_24 : vector<256x32x64xf32> to vector<8192x64xf32>
    %convert_element_type3A_26 = arith.truncf %reshape3A_25 : vector<8192x64xf32> to vector<8192x64xbf16>
    %get3A_27 = arith.constant 0 : index
    %get3A_28 = arith.constant 0 : index
    %get3A_29 = vector.load %arg5[%get3A_27, %get3A_28] : memref<64x128xf32, #tpu.memory_space<vmem>>, vector<64x128xf32>
    %convert_element_type3A_30 = arith.truncf %get3A_29 : vector<64x128xf32> to vector<64x128xbf16>
    %dot_general3A_31 = arith.constant dense<0.000000e+00> : vector<8192x128xf32>
    %dot_general3A_32 = tpu.matmul %convert_element_type3A_26, %convert_element_type3A_30, %dot_general3A_31 {dimension_numbers = #tpu.dot_dimension_numbers<[1], [0], [0], [1], [0, 0, 1, 1], [], []>, transpose_lhs_hint = false} : vector<8192x64xbf16>, vector<64x128xbf16>, vector<8192x128xf32> -> vector<8192x128xf32>
    %exp3A = math.exp %dot_general3A_32 : vector<8192x128xf32>
    %reshape3A_33 = vector.shape_cast %exp3A : vector<8192x128xf32> to vector<256x32x128xf32>
    %reduce_sum3A = arith.constant dense<0.000000e+00> : vector<256x128xf32>
    %reduce_sum3A_34 = vector.multi_reduction <add>, %reshape3A_33, %reduce_sum3A [1] : vector<256x32x128xf32> to vector<256x128xf32>
    %concatenate3A = tpu.concatenate %bitcast_convert_type3A_15, %bitcast_convert_type3A_18 in 1 : vector<8192x64xf32>, vector<8192x64xf32> -> vector<8192x128xf32>
    %reshape3A_35 = vector.shape_cast %concatenate3A : vector<8192x128xf32> to vector<256x32x128xf32>
    %reshape3A_36 = vector.shape_cast %get3A_1 : vector<8192x128xf32> to vector<256x32x128xf32>
    %add3A_37 = arith.addf %reshape3A_35, %reshape3A_36 : vector<256x32x128xf32>
    %mul3A = arith.mulf %add3A_37, %reshape3A_33 : vector<256x32x128xf32>
    %reduce_sum3A_38 = arith.constant dense<0.000000e+00> : vector<256x128xf32>
    %reduce_sum3A_39 = vector.multi_reduction <add>, %mul3A, %reduce_sum3A_38 [1] : vector<256x32x128xf32> to vector<256x128xf32>
    %div3A = arith.divf %reduce_sum3A_39, %reduce_sum3A_34 : vector<256x128xf32>
    %swap3A = arith.constant 0 : index
    %swap3A_40 = arith.constant 0 : index
    %swap3A_41 = vector.load %arg6[%swap3A, %swap3A_40] : memref<256x128xf32, #tpu.memory_space<vmem>>, vector<256x128xf32>
    tpu.vector_store %arg6[%swap3A, %swap3A_40], %div3A {strides = array<i32>} : memref<256x128xf32, #tpu.memory_space<vmem>>, vector<256x128xf32>,
    return
  }
  func.func @transform_0(%arg0: i32) -> (i32, i32) {
    %add3A = arith.constant 8 : i32
    %add3A_0 = arith.addi %add3A, %arg0 : i32
    %c0_i32 = arith.constant 0 : i32
    %c0_i32_1 = arith.constant 0 : i32
    return %add3A_0, %c0_i32 : i32, i32
  }
  func.func @transform_1(%arg0: i32) -> (i32, i32) {
    %c0_i32 = arith.constant 0 : i32
    %c0_i32_0 = arith.constant 0 : i32
    return %arg0, %c0_i32 : i32, i32
  }
  func.func @transform_2(%arg0: i32) -> (i32, i32) {
    %add3A = arith.constant 8 : i32
    %add3A_0 = arith.addi %add3A, %arg0 : i32
    %c0_i32 = arith.constant 0 : i32
    %c0_i32_1 = arith.constant 0 : i32
    return %add3A_0, %c0_i32 : i32, i32
  }
  func.func @transform_3(%arg0: i32) -> (i32, i32) {
    %c0_i32 = arith.constant 0 : i32
    %c0_i32_0 = arith.constant 0 : i32
    %c0_i32_1 = arith.constant 0 : i32
    return %c0_i32, %c0_i32_0 : i32, i32
  }
  func.func @transform_4(%arg0: i32) -> (i32, i32) {
    %c0_i32 = arith.constant 0 : i32
    %c0_i32_0 = arith.constant 0 : i32
    %c0_i32_1 = arith.constant 0 : i32
    return %c0_i32, %c0_i32_0 : i32, i32
  }
  func.func @transform_5(%arg0: i32) -> (i32, i32) {
    %c0_i32 = arith.constant 0 : i32
    %c0_i32_0 = arith.constant 0 : i32
    return %arg0, %c0_i32 : i32, i32
  }
}

module attributes {stable_mosaic.version = 14 : i64} {
  func.func @_attn_body(%arg0: i32, %arg1: memref<8192x128xf32, #tpu.memory_space<vmem>>, %arg2: memref<8192x128xf32, #tpu.memory_space<vmem>>, %arg3: memref<256x64xf32, #tpu.memory_space<vmem>>, %arg4: memref<128x64xf32, #tpu.memory_space<vmem>>, %arg5: memref<64x128xf32, #tpu.memory_space<vmem>>, %arg6: memref<256x128xf32, #tpu.memory_space<vmem>>) attributes {dimension_semantics = [#tpu.dimension_semantics<arbitrary>], iteration_bounds = array<i64: 8>, scalar_prefetch = 0 : i64, scratch_operands = 0 : i64, tpu.core_type = #tpu.core_type<tc>, window_params = [{transform_indices = @transform_0, window_bounds = array<i64: 8192, 128>}, {transform_indices = @transform_1, window_bounds = array<i64: 8192, 128>}, {transform_indices = @transform_2, window_bounds = array<i64: 256, 64>}, {pipeline_mode = #tpu.pipeline_mode<synchronous>, transform_indices = @transform_3, window_bounds = array<i64: 128, 64>}, {pipeline_mode = #tpu.pipeline_mode<synchronous>, transform_indices = @transform_4, window_bounds = array<i64: 64, 128>}, {transform_indices = @transform_5, window_bounds = array<i64: 256, 128>}]} {
    %get3A = arith.constant 0 : index
    %get3A_0 = arith.constant 0 : index
    %get3A_1 = vector.load %arg1[%get3A, %get3A_0] : memref<8192x128xf32, #tpu.memory_space<vmem>>, vector<8192x128xf32>
    %convert_element_type3A = arith.truncf %get3A_1 : vector<8192x128xf32> to vector<8192x128xbf16>
    %get3A_2 = arith.constant 0 : index
    %get3A_3 = arith.constant 0 : index
    %get3A_4 = vector.load %arg4[%get3A_2, %get3A_3] : memref<128x64xf32, #tpu.memory_space<vmem>>, vector<128x64xf32>
    %convert_element_type3A_5 = arith.truncf %get3A_4 : vector<128x64xf32> to vector<128x64xbf16>
    %dot_general3A = arith.constant dense<0.000000e+00> : vector<8192x64xf32>
    %dot_general3A_6 = tpu.matmul %convert_element_type3A, %convert_element_type3A_5, %dot_general3A {dimension_numbers = #tpu.dot_dimension_numbers<[1], [0], [0], [1], [0, 0, 1, 1], [], []>, transpose_lhs_hint = false} : vector<8192x128xbf16>, vector<128x64xbf16>, vector<8192x64xf32> -> vector<8192x64xf32>
    %get3A_7 = arith.constant 0 : index
    %get3A_8 = arith.constant 0 : index
    %get3A_9 = vector.load %arg2[%get3A_7, %get3A_8] : memref<8192x128xf32, #tpu.memory_space<vmem>>, vector<8192x64xf32>
    %get3A_10 = arith.constant 0 : index
    %get3A_11 = arith.constant 64 : index
    %get3A_12 = vector.load %arg2[%get3A_10, %get3A_11] : memref<8192x128xf32, #tpu.memory_space<vmem>>, vector<8192x64xf32>
    %bitcast_convert_type3A = tpu.bitcast %get3A_12 : vector<8192x64xf32> -> vector<8192x64xi32>
    %shift_left3A = arith.constant 16 : i32
    %shift_left3A_13 = vector.broadcast %shift_left3A : i32 to vector<8192x64xi32>
    %shift_left3A_14 = arith.shli %bitcast_convert_type3A, %shift_left3A_13 : vector<8192x64xi32>
    %bitcast_convert_type3A_15 = tpu.bitcast %shift_left3A_14 : vector<8192x64xi32> -> vector<8192x64xf32>
    %and3A = arith.constant -65536 : i32
    %and3A_16 = vector.broadcast %and3A : i32 to vector<8192x64xi32>
    %and3A_17 = arith.andi %bitcast_convert_type3A, %and3A_16 : vector<8192x64xi32>
    %bitcast_convert_type3A_18 = tpu.bitcast %and3A_17 : vector<8192x64xi32> -> vector<8192x64xf32>
    %sub3A = arith.subf %dot_general3A_6, %get3A_9 : vector<8192x64xf32>
    %reshape3A = vector.shape_cast %sub3A : vector<8192x64xf32> to vector<256x32x64xf32>
    %get3A_19 = arith.constant 0 : index
    %get3A_20 = arith.constant 0 : index
    %get3A_21 = vector.load %arg3[%get3A_19, %get3A_20] : memref<256x64xf32, #tpu.memory_space<vmem>>, vector<256x64xf32>
    %broadcast_in_dim3A = vector.shape_cast %get3A_21 : vector<256x64xf32> to vector<256x1x64xf32>
    %add3A = vector.broadcast %broadcast_in_dim3A : vector<256x1x64xf32> to vector<256x32x64xf32>
    %add3A_22 = arith.addf %reshape3A, %add3A : vector<256x32x64xf32>
    %max3A = arith.constant 0.000000e+00 : f32
    %max3A_23 = vector.broadcast %max3A : f32 to vector<256x32x64xf32>
    %max3A_24 = arith.maximumf %add3A_22, %max3A_23 : vector<256x32x64xf32>
    %reshape3A_25 = vector.shape_cast %max3A_24 : vector<256x32x64xf32> to vector<8192x64xf32>
    %convert_element_type3A_26 = arith.truncf %reshape3A_25 : vector<8192x64xf32> to vector<8192x64xbf16>
    %get3A_27 = arith.constant 0 : index
    %get3A_28 = arith.constant 0 : index
    %get3A_29 = vector.load %arg5[%get3A_27, %get3A_28] : memref<64x128xf32, #tpu.memory_space<vmem>>, vector<64x128xf32>
    %convert_element_type3A_30 = arith.truncf %get3A_29 : vector<64x128xf32> to vector<64x128xbf16>
    %dot_general3A_31 = arith.constant dense<0.000000e+00> : vector<8192x128xf32>
    %dot_general3A_32 = tpu.matmul %convert_element_type3A_26, %convert_element_type3A_30, %dot_general3A_31 {dimension_numbers = #tpu.dot_dimension_numbers<[1], [0], [0], [1], [0, 0, 1, 1], [], []>, transpose_lhs_hint = false} : vector<8192x64xbf16>, vector<64x128xbf16>, vector<8192x128xf32> -> vector<8192x128xf32>
    %exp3A = math.exp %dot_general3A_32 : vector<8192x128xf32>
    %reshape3A_33 = vector.shape_cast %exp3A : vector<8192x128xf32> to vector<256x32x128xf32>
    %reduce_sum3A = arith.constant dense<0.000000e+00> : vector<256x128xf32>
    %reduce_sum3A_34 = vector.multi_reduction <add>, %reshape3A_33, %reduce_sum3A [1] : vector<256x32x128xf32> to vector<256x128xf32>
    %concatenate3A = tpu.concatenate %bitcast_convert_type3A_15, %bitcast_convert_type3A_18 in 1 : vector<8192x64xf32>, vector<8192x64xf32> -> vector<8192x128xf32>
    %reshape3A_35 = vector.shape_cast %concatenate3A : vector<8192x128xf32> to vector<256x32x128xf32>
    %reshape3A_36 = vector.shape_cast %get3A_1 : vector<8192x128xf32> to vector<256x32x128xf32>
    %add3A_37 = arith.addf %reshape3A_35, %reshape3A_36 : vector<256x32x128xf32>
    %mul3A = arith.mulf %add3A_37, %reshape3A_33 : vector<256x32x128xf32>
    %reduce_sum3A_38 = arith.constant dense<0.000000e+00> : vector<256x128xf32>
    %reduce_sum3A_39 = vector.multi_reduction <add>, %mul3A, %reduce_sum3A_38 [1] : vector<256x32x128xf32> to vector<256x128xf32>
    %div3A = arith.divf %reduce_sum3A_39, %reduce_sum3A_34 : vector<256x128xf32>
    %swap3A = arith.constant 0 : index
    %swap3A_40 = arith.constant 0 : index
    %swap3A_41 = vector.load %arg6[%swap3A, %swap3A_40] : memref<256x128xf32, #tpu.memory_space<vmem>>, vector<256x128xf32>
    tpu.vector_store %arg6[%swap3A, %swap3A_40], %div3A {strides = array<i32>} : memref<256x128xf32, #tpu.memory_space<vmem>>, vector<256x128xf32>,
    return
  }
  func.func @transform_0(%arg0: i32) -> (i32, i32) {
    %add3A = arith.constant 0 : i32
    %add3A_0 = arith.addi %add3A, %arg0 : i32
    %c0_i32 = arith.constant 0 : i32
    %c0_i32_1 = arith.constant 0 : i32
    return %add3A_0, %c0_i32 : i32, i32
  }
  func.func @transform_1(%arg0: i32) -> (i32, i32) {
    %c0_i32 = arith.constant 0 : i32
    %c0_i32_0 = arith.constant 0 : i32
    return %arg0, %c0_i32 : i32, i32
  }
  func.func @transform_2(%arg0: i32) -> (i32, i32) {
    %add3A = arith.constant 0 : i32
    %add3A_0 = arith.addi %add3A, %arg0 : i32
    %c0_i32 = arith.constant 0 : i32
    %c0_i32_1 = arith.constant 0 : i32
    return %add3A_0, %c0_i32 : i32, i32
  }
  func.func @transform_3(%arg0: i32) -> (i32, i32) {
    %c0_i32 = arith.constant 0 : i32
    %c0_i32_0 = arith.constant 0 : i32
    %c0_i32_1 = arith.constant 0 : i32
    return %c0_i32, %c0_i32_0 : i32, i32
  }
  func.func @transform_4(%arg0: i32) -> (i32, i32) {
    %c0_i32 = arith.constant 0 : i32
    %c0_i32_0 = arith.constant 0 : i32
    %c0_i32_1 = arith.constant 0 : i32
    return %c0_i32, %c0_i32_0 : i32, i32
  }
  func.func @transform_5(%arg0: i32) -> (i32, i32) {
    %c0_i32 = arith.constant 0 : i32
    %c0_i32_0 = arith.constant 0 : i32
    return %arg0, %c0_i32 : i32, i32
  }
}

module attributes {stable_mosaic.version = 14 : i64} {
  func.func @_attn_body(%arg0: i32, %arg1: memref<8192x128xf32, #tpu.memory_space<vmem>>, %arg2: memref<8192x128xf32, #tpu.memory_space<vmem>>, %arg3: memref<256x64xf32, #tpu.memory_space<vmem>>, %arg4: memref<128x64xf32, #tpu.memory_space<vmem>>, %arg5: memref<64x128xf32, #tpu.memory_space<vmem>>, %arg6: memref<256x128xf32, #tpu.memory_space<vmem>>) attributes {dimension_semantics = [#tpu.dimension_semantics<arbitrary>], iteration_bounds = array<i64: 8>, scalar_prefetch = 0 : i64, scratch_operands = 0 : i64, tpu.core_type = #tpu.core_type<tc>, window_params = [{transform_indices = @transform_0, window_bounds = array<i64: 8192, 128>}, {transform_indices = @transform_1, window_bounds = array<i64: 8192, 128>}, {transform_indices = @transform_2, window_bounds = array<i64: 256, 64>}, {pipeline_mode = #tpu.pipeline_mode<synchronous>, transform_indices = @transform_3, window_bounds = array<i64: 128, 64>}, {pipeline_mode = #tpu.pipeline_mode<synchronous>, transform_indices = @transform_4, window_bounds = array<i64: 64, 128>}, {transform_indices = @transform_5, window_bounds = array<i64: 256, 128>}]} {
    %get3A = arith.constant 0 : index
    %get3A_0 = arith.constant 0 : index
    %get3A_1 = vector.load %arg1[%get3A, %get3A_0] : memref<8192x128xf32, #tpu.memory_space<vmem>>, vector<8192x128xf32>
    %convert_element_type3A = arith.truncf %get3A_1 : vector<8192x128xf32> to vector<8192x128xbf16>
    %get3A_2 = arith.constant 0 : index
    %get3A_3 = arith.constant 0 : index
    %get3A_4 = vector.load %arg4[%get3A_2, %get3A_3] : memref<128x64xf32, #tpu.memory_space<vmem>>, vector<128x64xf32>
    %convert_element_type3A_5 = arith.truncf %get3A_4 : vector<128x64xf32> to vector<128x64xbf16>
    %dot_general3A = arith.constant dense<0.000000e+00> : vector<8192x64xf32>
    %dot_general3A_6 = tpu.matmul %convert_element_type3A, %convert_element_type3A_5, %dot_general3A {dimension_numbers = #tpu.dot_dimension_numbers<[1], [0], [0], [1], [0, 0, 1, 1], [], []>, transpose_lhs_hint = false} : vector<8192x128xbf16>, vector<128x64xbf16>, vector<8192x64xf32> -> vector<8192x64xf32>
    %get3A_7 = arith.constant 0 : index
    %get3A_8 = arith.constant 0 : index
    %get3A_9 = vector.load %arg2[%get3A_7, %get3A_8] : memref<8192x128xf32, #tpu.memory_space<vmem>>, vector<8192x64xf32>
    %get3A_10 = arith.constant 0 : index
    %get3A_11 = arith.constant 64 : index
    %get3A_12 = vector.load %arg2[%get3A_10, %get3A_11] : memref<8192x128xf32, #tpu.memory_space<vmem>>, vector<8192x64xf32>
    %bitcast_convert_type3A = tpu.bitcast %get3A_12 : vector<8192x64xf32> -> vector<8192x64xi32>
    %shift_left3A = arith.constant 16 : i32
    %shift_left3A_13 = vector.broadcast %shift_left3A : i32 to vector<8192x64xi32>
    %shift_left3A_14 = arith.shli %bitcast_convert_type3A, %shift_left3A_13 : vector<8192x64xi32>
    %bitcast_convert_type3A_15 = tpu.bitcast %shift_left3A_14 : vector<8192x64xi32> -> vector<8192x64xf32>
    %and3A = arith.constant -65536 : i32
    %and3A_16 = vector.broadcast %and3A : i32 to vector<8192x64xi32>
    %and3A_17 = arith.andi %bitcast_convert_type3A, %and3A_16 : vector<8192x64xi32>
    %bitcast_convert_type3A_18 = tpu.bitcast %and3A_17 : vector<8192x64xi32> -> vector<8192x64xf32>
    %sub3A = arith.subf %dot_general3A_6, %get3A_9 : vector<8192x64xf32>
    %reshape3A = vector.shape_cast %sub3A : vector<8192x64xf32> to vector<256x32x64xf32>
    %get3A_19 = arith.constant 0 : index
    %get3A_20 = arith.constant 0 : index
    %get3A_21 = vector.load %arg3[%get3A_19, %get3A_20] : memref<256x64xf32, #tpu.memory_space<vmem>>, vector<256x64xf32>
    %broadcast_in_dim3A = vector.shape_cast %get3A_21 : vector<256x64xf32> to vector<256x1x64xf32>
    %add3A = vector.broadcast %broadcast_in_dim3A : vector<256x1x64xf32> to vector<256x32x64xf32>
    %add3A_22 = arith.addf %reshape3A, %add3A : vector<256x32x64xf32>
    %max3A = arith.constant 0.000000e+00 : f32
    %max3A_23 = vector.broadcast %max3A : f32 to vector<256x32x64xf32>
    %max3A_24 = arith.maximumf %add3A_22, %max3A_23 : vector<256x32x64xf32>
    %reshape3A_25 = vector.shape_cast %max3A_24 : vector<256x32x64xf32> to vector<8192x64xf32>
    %convert_element_type3A_26 = arith.truncf %reshape3A_25 : vector<8192x64xf32> to vector<8192x64xbf16>
    %get3A_27 = arith.constant 0 : index
    %get3A_28 = arith.constant 0 : index
    %get3A_29 = vector.load %arg5[%get3A_27, %get3A_28] : memref<64x128xf32, #tpu.memory_space<vmem>>, vector<64x128xf32>
    %convert_element_type3A_30 = arith.truncf %get3A_29 : vector<64x128xf32> to vector<64x128xbf16>
    %dot_general3A_31 = arith.constant dense<0.000000e+00> : vector<8192x128xf32>
    %dot_general3A_32 = tpu.matmul %convert_element_type3A_26, %convert_element_type3A_30, %dot_general3A_31 {dimension_numbers = #tpu.dot_dimension_numbers<[1], [0], [0], [1], [0, 0, 1, 1], [], []>, transpose_lhs_hint = false} : vector<8192x64xbf16>, vector<64x128xbf16>, vector<8192x128xf32> -> vector<8192x128xf32>
    %exp3A = math.exp %dot_general3A_32 : vector<8192x128xf32>
    %reshape3A_33 = vector.shape_cast %exp3A : vector<8192x128xf32> to vector<256x32x128xf32>
    %reduce_sum3A = arith.constant dense<0.000000e+00> : vector<256x128xf32>
    %reduce_sum3A_34 = vector.multi_reduction <add>, %reshape3A_33, %reduce_sum3A [1] : vector<256x32x128xf32> to vector<256x128xf32>
    %concatenate3A = tpu.concatenate %bitcast_convert_type3A_15, %bitcast_convert_type3A_18 in 1 : vector<8192x64xf32>, vector<8192x64xf32> -> vector<8192x128xf32>
    %reshape3A_35 = vector.shape_cast %concatenate3A : vector<8192x128xf32> to vector<256x32x128xf32>
    %reshape3A_36 = vector.shape_cast %get3A_1 : vector<8192x128xf32> to vector<256x32x128xf32>
    %add3A_37 = arith.addf %reshape3A_35, %reshape3A_36 : vector<256x32x128xf32>
    %mul3A = arith.mulf %add3A_37, %reshape3A_33 : vector<256x32x128xf32>
    %reduce_sum3A_38 = arith.constant dense<0.000000e+00> : vector<256x128xf32>
    %reduce_sum3A_39 = vector.multi_reduction <add>, %mul3A, %reduce_sum3A_38 [1] : vector<256x32x128xf32> to vector<256x128xf32>
    %div3A = arith.divf %reduce_sum3A_39, %reduce_sum3A_34 : vector<256x128xf32>
    %swap3A = arith.constant 0 : index
    %swap3A_40 = arith.constant 0 : index
    %swap3A_41 = vector.load %arg6[%swap3A, %swap3A_40] : memref<256x128xf32, #tpu.memory_space<vmem>>, vector<256x128xf32>
    tpu.vector_store %arg6[%swap3A, %swap3A_40], %div3A {strides = array<i32>} : memref<256x128xf32, #tpu.memory_space<vmem>>, vector<256x128xf32>,
    return
  }
  func.func @transform_0(%arg0: i32) -> (i32, i32) {
    %add3A = arith.constant 56 : i32
    %add3A_0 = arith.addi %add3A, %arg0 : i32
    %c0_i32 = arith.constant 0 : i32
    %c0_i32_1 = arith.constant 0 : i32
    return %add3A_0, %c0_i32 : i32, i32
  }
  func.func @transform_1(%arg0: i32) -> (i32, i32) {
    %c0_i32 = arith.constant 0 : i32
    %c0_i32_0 = arith.constant 0 : i32
    return %arg0, %c0_i32 : i32, i32
  }
  func.func @transform_2(%arg0: i32) -> (i32, i32) {
    %add3A = arith.constant 56 : i32
    %add3A_0 = arith.addi %add3A, %arg0 : i32
    %c0_i32 = arith.constant 0 : i32
    %c0_i32_1 = arith.constant 0 : i32
    return %add3A_0, %c0_i32 : i32, i32
  }
  func.func @transform_3(%arg0: i32) -> (i32, i32) {
    %c0_i32 = arith.constant 0 : i32
    %c0_i32_0 = arith.constant 0 : i32
    %c0_i32_1 = arith.constant 0 : i32
    return %c0_i32, %c0_i32_0 : i32, i32
  }
  func.func @transform_4(%arg0: i32) -> (i32, i32) {
    %c0_i32 = arith.constant 0 : i32
    %c0_i32_0 = arith.constant 0 : i32
    %c0_i32_1 = arith.constant 0 : i32
    return %c0_i32, %c0_i32_0 : i32, i32
  }
  func.func @transform_5(%arg0: i32) -> (i32, i32) {
    %c0_i32 = arith.constant 0 : i32
    %c0_i32_0 = arith.constant 0 : i32
    return %arg0, %c0_i32 : i32, i32
  }
}

</mosaic_0001>

<sc_bundles>
// kernel: kernel.19.cloned.1.call-start
scs
__scs_entry_jumppad:
0x0: {  	(pc) =	sbr.rel $0x88, $3  }
0x1: {  	(tag) =	ssettag $0x0;
	lr =	simm.s32 $0x1  }
0x2: {  	[smem:$0x3F99] =	sst lr;
	_ =	strace $0xD0000000  }
0x3: {  	_ = 	snop  }
0x4: {  	_ = 	snop  }
0x5: {  	_ = 	snop  }
0x6: {  	_ = 	snop  }
0x7: {  	_ = 	snop  }
__scs_overlays_trampoline_lowered:
0x8: {  	[smem:$0x3FA8] =	sst s0  }
0x9: {  	[smem:$0x3FA9] =	sst s1  }
0xa: {  	[smem:$0x3FAA] =	sst s2  }
0xb: {  	[smem:$0x3FAB] =	sst s3  }
0xc: {  	[smem:$0x3FAC] =	sst s4  }
0xd: {  	[smem:$0x3FAD] =	sst s5  }
0xe: {  	[smem:$0x3FAE] =	sst s6  }
0xf: {  	[smem:$0x3FAF] =	sst s7  }
0x10: {  	[smem:$0x3FB0] =	sst s8  }
0x11: {  	[smem:$0x3FB1] =	sst s9;
	s0 =	simm.s32 @!p0 $0x0  }
0x12: {  	s1 =	sld [smem:$0x3F97];
	s0 =	simm.s32 @p0 $0x1  }
0x13: {  	[smem:$0x3FB2] =	sst s0;
	s0 =	simm.s32 @!p1 $0x0  }
0x14: {  	s2 =	sld [smem:$0x3F96];
	s0 =	simm.s32 @p1 $0x1  }
0x15: {  	[smem:$0x3FB3] =	sst s0;
	s0 =	simm.s32 @!p2 $0x0  }
0x16: {  	s3 =	sld [smem:$0x3FDB];
	s0 =	simm.s32 @p2 $0x1  }
0x17: {  	s4 =	simm.s32 $0x1BF5;
	[smem:$0x3FB5] =	sst s0  }
0x18: {  	s0 =	sld [smem:$0x3F98];
	_ =	swait.ge [sflag:s4], $0x0  }
0x19: {  	s7 =	sld [smem:$0x3F99]  }
0x1a: {  	s8 =	sadd.s32 $0xFFFFE003, lr  }
0x1b: {  	s9 =	sadd.s32 $0xFFFFFEF7, lr;
	s5 =	simm.s32 $0xFFFFFFFF;
	p2 =	slt.u32 s8, $0xFFFFF086  }
0x1c: {  	p1 =	slt.u32 s9, $0xF7A;
	s5 =	simm.s32 @!p2 $0x0  }
0x1d: {  	s5 =	simm.s32 @p1 $0x1;
	p0 =	seq.s32 s7, s2  }
0x1e: {  	s7 =	smul.u32 @!p0 $0xF7A, s2;
	p2 =	seq.s32 @!p0 s5, $0x0  }
0x1f: {  	s9 =	smul.u32 $0xF7A, s1;
	s8 =	simm.s32 @!p0 $0x1BF5;
	p2 =	por !p2, p0  }
0x20: {  	[sflag:s8] =	ssyncset.s32 @!p0 $0xFFFFF086;
	s6 =	sadd.s32 @!p0 s3, s7;
	s7 =	simm.s32 @!p0 $0x108  }
0x21: {  	s3 =	sadd.s32 s3, s9;
	s6 =	sadd.s32 @!p0 $0x88, s6;
	s7 =	simm.s32 @p2 $0x1082  }
0x22: {  	[simem:s7], [sflag:s8] =	dma.local @!p0 [hbm:s6], $0xF7A  }
0x23: {  	s9 =	sor.u32 $0xD0000000, s2;
	s6 =	simm.s32 $0x108;
	_ =	swait.ge @!p0 [sflag:s8], $0x0  }
0x24: {  	s3 =	sadd.s32 $0x88, s3;
	s6 =	simm.s32 @!p1 $0x1082;
	[sflag:s4] =	ssyncset.s32 $0xFFFFF086  }
0x25: {  	[simem:s6], [sflag:s4] =	dma.local [hbm:s3], $0xF7A  }
0x26: {  	[smem:$0x3F99] =	sst s1;
	(tag) =	ssettag s2;
	_ =	strace s9  }
0x27: {  	s1 =	sld [smem:$0x3FA9]  }
0x28: {  	s2 =	sld [smem:$0x3FAA]  }
0x29: {  	s4 =	sld [smem:$0x3FAC]  }
0x2a: {  	p0 =	seq.s32 s5, $0x0;
	s5 =	sld [smem:$0x3FAD]  }
0x2b: {  	s6 =	sld [smem:$0x3FAE]  }
0x2c: {  	s7 =	sld [smem:$0x3FAF]  }
0x2d: {  	s3 =	simm.s32 $0x108;
	s8 =	sld [smem:$0x3FB0]  }
0x2e: {  	s3 =	simm.s32 @!p0 $0x1082;
	s9 =	sld [smem:$0x3FB1]  }
0x2f: {  	lr =	sadd.s32 s0, s3;
	s0 =	sld [smem:$0x3FA8]  }
0x30: {  	s3 =	sld [smem:$0x3FAB]  }
0x31: {  	[smem:$0x3FB4] =	sst s10  }
0x32: {  	s10 =	sld [smem:$0x3FB2];
	_ =	sdelay $0x3  }
0x33: {  	p0 =	seq.s32 s10, $0x1;
	s10 =	sld [smem:$0x3FB4];
	_ =	sdelay $0x3  }
0x34: {  	[smem:$0x3FB4] =	sst s10  }
0x35: {  	s10 =	sld [smem:$0x3FB3];
	_ =	sdelay $0x3  }
0x36: {  	p1 =	seq.s32 s10, $0x1;
	s10 =	sld [smem:$0x3FB4];
	_ =	sdelay $0x3  }
0x37: {  	[smem:$0x3FB4] =	sst s10  }
0x38: {  	s10 =	sld [smem:$0x3FB5]  }
0x39: {  	_ = 	snop;
	(pc) =	sbr.ind lr, $3  }
0x3a: {  	_ = 	snop  }
0x3b: {  	_ = 	snop  }
0x3c: {  	p2 =	seq.s32 s10, $0x1;
	s10 =	sld [smem:$0x3FB4]  }
0x3d: {  	_ =	shalt  }
0x3e: {  	_ =	shalt  }
0x3f: {  	_ =	shalt  }
0x40: {  	_ =	shalt  }
0x41: {  	_ =	shalt  }
0x42: {  	_ =	shalt  }
0x43: {  	_ =	shalt  }
0x44: {  	_ =	shalt  }
0x45: {  	_ =	shalt  }
0x46: {  	_ =	shalt  }
0x47: {  	_ =	shalt  }
0x48: {  	_ =	shalt  }
0x49: {  	_ =	shalt  }
0x4a: {  	_ =	shalt  }
0x4b: {  	_ =	shalt  }
0x4c: {  	_ =	shalt  }
0x4d: {  	_ =	shalt  }
0x4e: {  	_ =	shalt  }
0x4f: {  	_ =	shalt  }
0x50: {  	_ =	shalt  }
0x51: {  	_ =	shalt  }
0x52: {  	_ =	shalt  }
0x53: {  	_ =	shalt  }
0x54: {  	_ =	shalt  }
0x55: {  	_ =	shalt  }
0x56: {  	_ =	shalt  }
0x57: {  	_ =	shalt  }
0x58: {  	_ =	shalt  }
0x59: {  	_ =	shalt  }
0x5a: {  	_ =	shalt  }
0x5b: {  	_ =	shalt  }
0x5c: {  	_ =	shalt  }
0x5d: {  	_ =	shalt  }
0x5e: {  	_ =	shalt  }
0x5f: {  	_ =	shalt  }
0x60: {  	_ =	shalt  }
0x61: {  	_ =	shalt  }
0x62: {  	_ =	shalt  }
0x63: {  	_ =	shalt  }
0x64: {  	_ =	shalt  }
0x65: {  	_ =	shalt  }
0x66: {  	_ =	shalt  }
0x67: {  	_ =	shalt  }
0x68: {  	_ =	shalt  }
0x69: {  	_ =	shalt  }
0x6a: {  	_ =	shalt  }
0x6b: {  	_ =	shalt  }
0x6c: {  	_ =	shalt  }
0x6d: {  	_ =	shalt  }
0x6e: {  	_ =	shalt  }
0x6f: {  	_ =	shalt  }
0x70: {  	_ =	shalt  }
0x71: {  	_ =	shalt  }
0x72: {  	_ =	shalt  }
0x73: {  	_ =	shalt  }
0x74: {  	_ =	shalt  }
0x75: {  	_ =	shalt  }
0x76: {  	_ =	shalt  }
0x77: {  	_ =	shalt  }
0x78: {  	_ =	shalt  }
0x79: {  	_ =	shalt  }
0x7a: {  	_ =	shalt  }
0x7b: {  	_ =	shalt  }
0x7c: {  	_ =	shalt  }
0x7d: {  	_ =	shalt  }
0x7e: {  	_ =	shalt  }
0x7f: {  	_ =	shalt  }
0x80: {  	_ =	shalt  }
0x81: {  	_ =	shalt  }
0x82: {  	_ =	shalt  }
0x83: {  	_ =	shalt  }
0x84: {  	_ =	shalt  }
0x85: {  	_ =	shalt  }
0x86: {  	_ =	shalt  }
0x87: {  	_ =	shalt  }
.Lfunc_end0:
.L_simem_size_0:
called_computation_lowered:
.L_overlay_start_0:
0x88: {  	s2 =	sld [smem:$0x3FD9]  }
0x89: {  	s3 =	sld [smem:$0x3FFE];
	_ =	sdelay $0x1  }
0x8a: {  	s1 =	srdreg.scid  }
0x8b: {  	s0 =	sand.u32 $0x1, s1  }
0x8c: {  	s17 =	sshll.u32 s0, $0xA;
	s2 =	sadd.s32 s3, s2  }
0x8d: {  	s2 =	sadd.s32 s2, s17  }
0x8e: {  	[smem:$0x3FC0] =	sst s2  }
0x8f: {  	_ = 	snop  }
0x90: {  	s18 =	sld [smem:$0x3FD0];
	(tm) =	ssettm $0x1  }
0x91: {  	s19 =	sld [smem:$0x3FFB];
	_ =	sdelay $0x3  }
0x92: {  	_ =	strace s19  }
0x93: {  	s2 =	sld [smem:$0x3FFC];
	_ =	sdelay $0x3  }
0x94: {  	_ =	strace s2  }
0x95: {  	s2 =	sld [smem:$0x3FFD];
	_ =	sdelay $0x3  }
0x96: {  	_ =	strace s2  }
0x97: {  	_ =	strace $0x8FFFFFFF  }
0x98: {  	s20 =	sld [smem:$0x3FDB];
	_ =	sdelay $0x1  }
0x99: {  	s4 =	simm.s32 $_scs_section_size  }
0x9a: {  	s5 =	simm.s32 $_size__tile_overlayer_lowered;
	s6 =	simm.s32 $_tile_overlayer_lowered  }
0x9b: {  	s7 =	simm.s32 $0x1BFF;
	s21 =	sshll.u32 s6, $0x1;
	s4 =	sadd.s32 s4, s20  }
0x9c: {  	s22 =	simm.s32 $0x0;
	s5 =	sshll.u32 s5, $0x1;
	s6 =	sadd.s32 s21, s4  }
0x9d: {  	[timem:s22], [sflag:s7] =	dma.local [hbm:s6], s5  }
0x9e: {  	_ =	swait.ge [sflag:s7], s5  }
0x9f: {  	s5 =	ssub.s32 $0x0, s5;
	[sflag:s7] =	ssyncset.done $0x0  }
0xa0: {  	[sflag:s7] =	ssyncadd.s32 s5;
	_ =	sdelay $0x1  }
0xa1: {  	s23 =	simm.s32 $0x1B8B  }
0xa2: {  	_ =	swait.ge [sflag:s23], $0x1  }
0xa3: {  	[sflag:s23] =	ssyncset.done $0x0  }
0xa4: {  	[sflag:s23] =	ssyncadd.s32 $0xFFFFFFFF  }
0xa5: {  	s5 =	sld [smem:$0x0]  }
0xa6: {  	s6 =	sand.u32 $0xFFFFFFFE, s1  }
0xa7: {  	p0 =	sne.s32 s1, s6  }
0xa8: {  	s6 =	sshll.u32 @p0 s6, $0xE  }
0xa9: {  	s6 =	sadd.s32 @p0 $0x11B8D, s6;
	s7 =	sshll.u32 @p0 s5, $0x11  }
0xaa: {  	s6 =	sor.u32 @p0 s7, s6  }
0xab: {  	[sflag:s6] =	ssyncadd.remote.s32 @p0 $0x1;
	_ =	sdelay $0x1  }
0xac: {  	s6 =	simm.s32 @p0 $0x1B8D  }
0xad: {  	_ =	swait.eq @p0 [sflag:s6], $0x1  }
0xae: {  	[sflag:s6] =	ssyncadd.s32 @p0 $0xFFFFFFFF  }
0xaf: {  	s7 =	sshll.u32 @!p0 s1, $0xE  }
0xb0: {  	s7 =	sor.u32 @!p0 $0x4000, s7;
	s6 =	simm.s32 @!p0 $0x1B8D  }
0xb1: {  	s5 =	sshll.u32 @!p0 s5, $0x11;
	s7 =	sadd.s32 @!p0 $0x11B8D, s7;
	_ =	swait.eq @!p0 [sflag:s6], $0x1  }
0xb2: {  	s5 =	sor.u32 @!p0 s5, s7;
	[sflag:s6] =	ssyncadd.s32 @!p0 $0xFFFFFFFF  }
0xb3: {  	s25 =	simm.s32 $0x1B8E;
	s24 =	sld [smem:$0x3FFE];
	[sflag:s5] =	ssyncadd.remote.s32 @!p0 $0x1  }
0xb4: {  	s26 =	simm.s32 $execute0_lowered;
	[smem:$0x3FD2] =	sst s25  }
0xb5: {  	s6 =	sshll.u32 s26, $0x1;
	_ =	strace $0x80000058;
	[dreg:$0x1] =	wrdreg $0xFFFFFFFF  }
0xb6: {  	s28 =	simm.s32 $_size_execute0_lowered;
	s4 =	sadd.s32 s4, s6;
	[dreg:$0x0] =	wrdreg $0x0  }
0xb7: {  	s6 =	sshll.u32 s28, $0x1;
	[dreg:$0x2] =	wrdreg s4  }
0xb8: {  	[dreg:$0x3] =	wrdreg s6  }
0xb9: {  	[dreg:$0x4] =	wrdreg $0xC0  }
0xba: {  	_ =	task [dreg:s22], $0x5FFFF  }
0xbb: {  	[dreg:$0x1] =	wrdreg $0xFFFFFFFF  }
0xbc: {  	[dreg:$0x0] =	wrdreg $0x60  }
0xbd: {  	[dreg:$0x2] =	wrdreg s18  }
0xbe: {  	[dreg:$0x3] =	wrdreg s24  }
0xbf: {  	[dreg:$0x4] =	wrdreg $0x9  }
0xc0: {  	_ =	task.clear_ibuf [dreg:s22], $0x5FFFF;
	_ =	strace $0x90000058  }
0xc1: {  	s29 =	simm.s32 $0x9;
	_ =	strace $0x8000005A  }
0xc2: {  	_ =	swait.ge [sflag:s29], $0x1  }
0xc3: {  	[sflag:s29] =	ssyncadd.s32 $0xFFFFFFFF  }
0xc4: {  	_ =	strace $0x9000005A  }
0xc5: {  	_ =	sfence  }
0xc6: {  	s30 =	sld [smem:$0x0];
	_ =	sdelay $0x2  }
0xc7: {  	s31 =	sshll.u32 s1, $0xD;
	s1 =	sshrl.u32 s1, $0x2  }
0xc8: {  	s4 =	sand.u32 $0x4000, s31;
	s1 =	sadd.s32 s1, s30  }
0xc9: {  	s0 =	sor.u32 s4, s0;
	s1 =	sshll.u32 s1, $0x11  }
0xca: {  	s0 =	sor.u32 s1, s0  }
0xcb: {  	s0 =	sadd.s32 $0x8F2B, s0  }
0xcc: {  	[sflag:s0] =	ssyncadd.remote.s32 $0x1  }
0xcd: {  	_ =	sfence.sel $0xFFFF  }
0xce: {  	[dreg:$0x0] =	wrdreg $0xFFFFFFFF;
	(pc) =	sbr.abs _section_cstart, $3  }
0xcf: {  	[dreg:$0x1] =	wrdreg $0xFFFFFFFF  }
0xd0: {  	_ =	task.clear_ibuf [dreg:s22], $0x2FFFF;
	_ =	strace $0x9FFFFFFF  }
0xd1: {  	(tm) =	ssettm $0x7FFFFFFF  }
tec
execute0_lowered:
.L_overlay_start_1:
0x0: {  	(tag) =	ssettag $0x1  }
0x1: {  	s1 =	srdreg.scid  }
0x2: {  	s0 =	stileid.u32;
	s1 =	sand.u32 $0x1, s1  }
0x3: {  	s3 =	sshll.u32 s0, $0xC;
	s4 =	sshll.u32 s1, $0xB  }
0x4: {  	s2 =	rddreg [dreg:$0x0];
	s4 =	sor.u32 s4, s3  }
0x5: {  	s5 =	rddreg [dreg:$0x1];
	s6 =	sshrl.u32 s4, $0x3  }
0x6: {  	s3 =	simm.s32 $0x0;
	s4 =	sshll.u32 s4, $0x4;
	s6 =	sadd.s32 s6, s5  }
0x7: {  	[smem:$0x7FF] =	sst s3;
	s30 =	sadd.s32 s4, s5;
	s16 =	sadd.s32 $0x5800, s6  }
0x8: {  	_ =	strace $0x80000059;
	s17 =	sadd.s32 $0x655800, s30;
	[dreg:$0x3] =	wrdreg s16  }
0x9: {  	s18 =	sadd.s32 $0x65C800, s30;
	[dreg:$0x4] =	wrdreg s17  }
0xa: {  	s19 =	sadd.s32 $0x65D000, s30;
	[dreg:$0x5] =	wrdreg s18  }
0xb: {  	s20 =	sadd.s32 $0x656000, s30;
	[dreg:$0x6] =	wrdreg s19  }
0xc: {  	s21 =	sadd.s32 $0x656800, s30;
	[dreg:$0x7] =	wrdreg s20  }
0xd: {  	s22 =	sadd.s32 $0x657000, s30;
	[dreg:$0x8] =	wrdreg s21  }
0xe: {  	s23 =	sadd.s32 $0x657800, s30;
	[dreg:$0x9] =	wrdreg s22  }
0xf: {  	s24 =	sadd.s32 $0x658000, s30;
	[dreg:$0xa] =	wrdreg s23  }
0x10: {  	s26 =	sadd.s32 $0x658800, s30;
	[dreg:$0xb] =	wrdreg s24  }
0x11: {  	[dreg:$0xc] =	wrdreg s26  }
0x12: {  	s4 =	simm.s32 $0x3;
	s25 =	rddreg [dreg:$0x3]  }
0x13: {  	[tilespmem:s3], [sflag:$0x3] =	stream.linear.gather [hbm4b:s25+s3], $0x800, $0x38;
	[tilespmem:$0x8800] =	vst v63  }
0x14: {  	_ =	swait.ge [sflag:s4], $0x800  }
0x15: {  	[sflag:s4] =	ssyncset.done $0x0  }
0x16: {  	s5 =	simm.s32 $0x80;
	s6 =	simm.s32 $0x800;
	[sflag:s4] =	ssyncadd.s32 $0xFFFFF800  }
0x17: {  	[tilespmem:s6], [sflag:$0x1] =	stream.indirect.gather [hbm4b:s2+s5], $0x80, s3, s5, $0xb8;
	[tilespmem:$0x8800] =	vst v63  }
0x18: {  	s7 =	simm.s32 $0x4800;
	s8 =	simm.s32 $0x1  }
0x19: {  	[tilespmem:s7], [sflag:$0x2] =	stream.indirect.gather [hbm4b:s2+s5], $0x80, s5, s5, $0xb8;
	[tilespmem:$0x8800] =	vst v63  }
0x1a: {  	_ =	swait.ge [sflag:s8], $0x4000  }
0x1b: {  	[sflag:s8] =	ssyncset.done $0x0  }
0x1c: {  	s9 =	rddreg [dreg:$0x4];
	[sflag:s8] =	ssyncadd.s32 $0xFFFFC000  }
0x1d: {  	[hbm4b:s9+s3] =	stream.linear.scatter [tilespmem:s6], [sflag:$0x3], $0x4000, $0x38;
	[tilespmem:$0x8800] =	vst v63  }
0x1e: {  	_ =	swait.ge [sflag:s4], $0x4000  }
0x1f: {  	[sflag:s4] =	ssyncset.done $0x0  }
0x20: {  	s10 =	simm.s32 $0x2;
	s9 =	simm.s32 $0x100;
	[sflag:s4] =	ssyncadd.s32 $0xFFFFC000  }
0x21: {  	[tilespmem:s6], [sflag:$0x1] =	stream.indirect.gather [hbm4b:s2+s5], $0x80, s9, s5, $0xb8;
	[tilespmem:$0x8800] =	vst v63  }
0x22: {  	_ =	swait.ge [sflag:s10], $0x4000  }
0x23: {  	[sflag:s10] =	ssyncset.done $0x0  }
0x24: {  	s11 =	rddreg [dreg:$0x7];
	[sflag:s10] =	ssyncadd.s32 $0xFFFFC000  }
0x25: {  	[hbm4b:s11+s3] =	stream.linear.scatter [tilespmem:s7], [sflag:$0x3], $0x4000, $0x38;
	[tilespmem:$0x8800] =	vst v63  }
0x26: {  	_ =	swait.ge [sflag:s4], $0x4000  }
0x27: {  	[sflag:s4] =	ssyncset.done $0x0  }
0x28: {  	s11 =	simm.s32 $0x180;
	[sflag:s4] =	ssyncadd.s32 $0xFFFFC000  }
0x29: {  	[tilespmem:s7], [sflag:$0x2] =	stream.indirect.gather [hbm4b:s2+s5], $0x80, s11, s5, $0xb8;
	[tilespmem:$0x8800] =	vst v63  }
0x2a: {  	_ =	swait.ge [sflag:s8], $0x4000  }
0x2b: {  	[sflag:s8] =	ssyncset.done $0x0  }
0x2c: {  	s12 =	rddreg [dreg:$0x8];
	[sflag:s8] =	ssyncadd.s32 $0xFFFFC000  }
0x2d: {  	[hbm4b:s12+s3] =	stream.linear.scatter [tilespmem:s6], [sflag:$0x3], $0x4000, $0x38;
	[tilespmem:$0x8800] =	vst v63  }
0x2e: {  	_ =	swait.ge [sflag:s4], $0x4000  }
0x2f: {  	[sflag:s4] =	ssyncset.done $0x0  }
0x30: {  	s12 =	simm.s32 $0x200;
	[sflag:s4] =	ssyncadd.s32 $0xFFFFC000  }
0x31: {  	[tilespmem:s6], [sflag:$0x1] =	stream.indirect.gather [hbm4b:s2+s5], $0x80, s12, s5, $0xb8;
	[tilespmem:$0x8800] =	vst v63  }
0x32: {  	_ =	swait.ge [sflag:s10], $0x4000  }
0x33: {  	[sflag:s10] =	ssyncset.done $0x0  }
0x34: {  	s13 =	rddreg [dreg:$0x9];
	[sflag:s10] =	ssyncadd.s32 $0xFFFFC000  }
0x35: {  	[hbm4b:s13+s3] =	stream.linear.scatter [tilespmem:s7], [sflag:$0x3], $0x4000, $0x38;
	[tilespmem:$0x8800] =	vst v63  }
0x36: {  	_ =	swait.ge [sflag:s4], $0x4000  }
0x37: {  	[sflag:s4] =	ssyncset.done $0x0  }
0x38: {  	s13 =	simm.s32 $0x280;
	[sflag:s4] =	ssyncadd.s32 $0xFFFFC000  }
0x39: {  	[tilespmem:s7], [sflag:$0x2] =	stream.indirect.gather [hbm4b:s2+s5], $0x80, s13, s5, $0xb8;
	[tilespmem:$0x8800] =	vst v63  }
0x3a: {  	_ =	swait.ge [sflag:s8], $0x4000  }
0x3b: {  	[sflag:s8] =	ssyncset.done $0x0  }
0x3c: {  	s14 =	rddreg [dreg:$0xa];
	[sflag:s8] =	ssyncadd.s32 $0xFFFFC000  }
0x3d: {  	[hbm4b:s14+s3] =	stream.linear.scatter [tilespmem:s6], [sflag:$0x3], $0x4000, $0x38;
	[tilespmem:$0x8800] =	vst v63  }
0x3e: {  	_ =	swait.ge [sflag:s4], $0x4000  }
0x3f: {  	[sflag:s4] =	ssyncset.done $0x0  }
0x40: {  	s14 =	simm.s32 $0x300;
	[sflag:s4] =	ssyncadd.s32 $0xFFFFC000  }
0x41: {  	[tilespmem:s6], [sflag:$0x1] =	stream.indirect.gather [hbm4b:s2+s5], $0x80, s14, s5, $0xb8;
	[tilespmem:$0x8800] =	vst v63  }
0x42: {  	_ =	swait.ge [sflag:s10], $0x4000  }
0x43: {  	[sflag:s10] =	ssyncset.done $0x0  }
0x44: {  	s15 =	rddreg [dreg:$0xb];
	[sflag:s10] =	ssyncadd.s32 $0xFFFFC000  }
0x45: {  	[hbm4b:s15+s3] =	stream.linear.scatter [tilespmem:s7], [sflag:$0x3], $0x4000, $0x38;
	[tilespmem:$0x8800] =	vst v63  }
0x46: {  	_ =	swait.ge [sflag:s4], $0x4000  }
0x47: {  	[sflag:s4] =	ssyncset.done $0x0  }
0x48: {  	s15 =	simm.s32 $0x380;
	[sflag:s4] =	ssyncadd.s32 $0xFFFFC000  }
0x49: {  	[tilespmem:s7], [sflag:$0x2] =	stream.indirect.gather [hbm4b:s2+s5], $0x80, s15, s5, $0xb8;
	[tilespmem:$0x8800] =	vst v63  }
0x4a: {  	_ =	swait.ge [sflag:s8], $0x4000  }
0x4b: {  	[sflag:s8] =	ssyncset.done $0x0  }
0x4c: {  	s16 =	rddreg [dreg:$0xc];
	[sflag:s8] =	ssyncadd.s32 $0xFFFFC000  }
0x4d: {  	[hbm4b:s16+s3] =	stream.linear.scatter [tilespmem:s6], [sflag:$0x3], $0x4000, $0x38;
	[tilespmem:$0x8800] =	vst v63  }
0x4e: {  	_ =	swait.ge [sflag:s4], $0x4000  }
0x4f: {  	[sflag:s4] =	ssyncset.done $0x0  }
0x50: {  	s16 =	simm.s32 $0x400;
	[sflag:s4] =	ssyncadd.s32 $0xFFFFC000  }
0x51: {  	[tilespmem:s6], [sflag:$0x1] =	stream.indirect.gather [hbm4b:s2+s5], $0x80, s16, s5, $0xb8;
	[tilespmem:$0x8800] =	vst v63  }
0x52: {  	_ =	swait.ge [sflag:s10], $0x4000  }
0x53: {  	[sflag:s10] =	ssyncset.done $0x0  }
0x54: {  	s17 =	sadd.s32 $0x659000, s30;
	[sflag:s10] =	ssyncadd.s32 $0xFFFFC000  }
0x55: {  	[hbm4b:s17+s3] =	stream.linear.scatter [tilespmem:s7], [sflag:$0x3], $0x4000, $0x38;
	[tilespmem:$0x8800] =	vst v63  }
0x56: {  	_ =	swait.ge [sflag:s4], $0x4000  }
0x57: {  	[sflag:s4] =	ssyncset.done $0x0  }
0x58: {  	s18 =	simm.s32 $0x480;
	[sflag:s4] =	ssyncadd.s32 $0xFFFFC000  }
0x59: {  	[tilespmem:s7], [sflag:$0x2] =	stream.indirect.gather [hbm4b:s2+s5], $0x80, s18, s5, $0xb8;
	[tilespmem:$0x8800] =	vst v63  }
0x5a: {  	_ =	swait.ge [sflag:s8], $0x4000  }
0x5b: {  	[sflag:s8] =	ssyncset.done $0x0  }
0x5c: {  	s19 =	sadd.s32 $0x659800, s30;
	[sflag:s8] =	ssyncadd.s32 $0xFFFFC000  }
0x5d: {  	[hbm4b:s19+s3] =	stream.linear.scatter [tilespmem:s6], [sflag:$0x3], $0x4000, $0x38;
	[tilespmem:$0x8800] =	vst v63  }
0x5e: {  	_ =	swait.ge [sflag:s4], $0x4000  }
0x5f: {  	[sflag:s4] =	ssyncset.done $0x0  }
0x60: {  	s20 =	simm.s32 $0x500;
	[sflag:s4] =	ssyncadd.s32 $0xFFFFC000  }
0x61: {  	[tilespmem:s6], [sflag:$0x1] =	stream.indirect.gather [hbm4b:s2+s5], $0x80, s20, s5, $0xb8;
	[tilespmem:$0x8800] =	vst v63  }
0x62: {  	_ =	swait.ge [sflag:s10], $0x4000  }
0x63: {  	[sflag:s10] =	ssyncset.done $0x0  }
0x64: {  	s21 =	sadd.s32 $0x65A000, s30;
	[sflag:s10] =	ssyncadd.s32 $0xFFFFC000  }
0x65: {  	[hbm4b:s21+s3] =	stream.linear.scatter [tilespmem:s7], [sflag:$0x3], $0x4000, $0x38;
	[tilespmem:$0x8800] =	vst v63  }
0x66: {  	_ =	swait.ge [sflag:s4], $0x4000  }
0x67: {  	[sflag:s4] =	ssyncset.done $0x0  }
0x68: {  	s22 =	simm.s32 $0x580;
	[sflag:s4] =	ssyncadd.s32 $0xFFFFC000  }
0x69: {  	[tilespmem:s7], [sflag:$0x2] =	stream.indirect.gather [hbm4b:s2+s5], $0x80, s22, s5, $0xb8;
	[tilespmem:$0x8800] =	vst v63  }
0x6a: {  	_ =	swait.ge [sflag:s8], $0x4000  }
0x6b: {  	[sflag:s8] =	ssyncset.done $0x0  }
0x6c: {  	s23 =	sadd.s32 $0x65A800, s30;
	[sflag:s8] =	ssyncadd.s32 $0xFFFFC000  }
0x6d: {  	[hbm4b:s23+s3] =	stream.linear.scatter [tilespmem:s6], [sflag:$0x3], $0x4000, $0x38;
	[tilespmem:$0x8800] =	vst v63  }
0x6e: {  	_ =	swait.ge [sflag:s4], $0x4000  }
0x6f: {  	[sflag:s4] =	ssyncset.done $0x0  }
0x70: {  	s24 =	simm.s32 $0x600;
	[sflag:s4] =	ssyncadd.s32 $0xFFFFC000  }
0x71: {  	[tilespmem:s6], [sflag:$0x1] =	stream.indirect.gather [hbm4b:s2+s5], $0x80, s24, s5, $0xb8;
	[tilespmem:$0x8800] =	vst v63  }
0x72: {  	_ =	swait.ge [sflag:s10], $0x4000  }
0x73: {  	[sflag:s10] =	ssyncset.done $0x0  }
0x74: {  	s25 =	sadd.s32 $0x65B000, s30;
	[sflag:s10] =	ssyncadd.s32 $0xFFFFC000  }
0x75: {  	[hbm4b:s25+s3] =	stream.linear.scatter [tilespmem:s7], [sflag:$0x3], $0x4000, $0x38;
	[tilespmem:$0x8800] =	vst v63  }
0x76: {  	_ =	swait.ge [sflag:s4], $0x4000  }
0x77: {  	[sflag:s4] =	ssyncset.done $0x0  }
0x78: {  	s26 =	simm.s32 $0x680;
	[sflag:s4] =	ssyncadd.s32 $0xFFFFC000  }
0x79: {  	[tilespmem:s7], [sflag:$0x2] =	stream.indirect.gather [hbm4b:s2+s5], $0x80, s26, s5, $0xb8;
	[tilespmem:$0x8800] =	vst v63  }
0x7a: {  	_ =	swait.ge [sflag:s8], $0x4000  }
0x7b: {  	[sflag:s8] =	ssyncset.done $0x0  }
0x7c: {  	s28 =	sadd.s32 $0x65B800, s30;
	[sflag:s8] =	ssyncadd.s32 $0xFFFFC000  }
0x7d: {  	[hbm4b:s28+s3] =	stream.linear.scatter [tilespmem:s6], [sflag:$0x3], $0x4000, $0x38;
	[tilespmem:$0x8800] =	vst v63  }
0x7e: {  	_ =	swait.ge [sflag:s4], $0x4000  }
0x7f: {  	[sflag:s4] =	ssyncset.done $0x0  }
0x80: {  	s29 =	simm.s32 $0x700;
	[sflag:s4] =	ssyncadd.s32 $0xFFFFC000  }
0x81: {  	[tilespmem:s6], [sflag:$0x1] =	stream.indirect.gather [hbm4b:s2+s5], $0x80, s29, s5, $0xb8;
	[tilespmem:$0x8800] =	vst v63  }
0x82: {  	_ =	swait.ge [sflag:s10], $0x4000  }
0x83: {  	[sflag:s10] =	ssyncset.done $0x0  }
0x84: {  	s30 =	sadd.s32 $0x65C000, s30;
	[sflag:s10] =	ssyncadd.s32 $0xFFFFC000  }
0x85: {  	[hbm4b:s30+s3] =	stream.linear.scatter [tilespmem:s7], [sflag:$0x3], $0x4000, $0x38;
	[tilespmem:$0x8800] =	vst v63  }
0x86: {  	_ =	swait.ge [sflag:s4], $0x4000  }
0x87: {  	[sflag:s4] =	ssyncset.done $0x0  }
0x88: {  	s31 =	simm.s32 $0x780;
	[sflag:s4] =	ssyncadd.s32 $0xFFFFC000  }
0x89: {  	[tilespmem:s7], [sflag:$0x2] =	stream.indirect.gather [hbm4b:s2+s5], $0x80, s31, s5, $0xb8;
	[tilespmem:$0x8800] =	vst v63  }
0x8a: {  	_ =	swait.ge [sflag:s8], $0x4000  }
0x8b: {  	[sflag:s8] =	ssyncset.done $0x0  }
0x8c: {  	s0 =	rddreg [dreg:$0x5];
	[sflag:s8] =	ssyncadd.s32 $0xFFFFC000  }
0x8d: {  	[hbm4b:s0+s3] =	stream.linear.scatter [tilespmem:s6], [sflag:$0x3], $0x4000, $0x38;
	[tilespmem:$0x8800] =	vst v63  }
0x8e: {  	_ =	swait.ge [sflag:s4], $0x4000  }
0x8f: {  	[sflag:s4] =	ssyncset.done $0x0  }
0x90: {  	[sflag:s4] =	ssyncadd.s32 $0xFFFFC000  }
0x91: {  	_ =	swait.ge [sflag:s10], $0x4000  }
0x92: {  	s0 =	ssub.s32 $0x2, s1;
	s1 =	rddreg [dreg:$0x6]  }
0x93: {  	[dreg:$0xd] =	wrdreg s1;
	s1 =	sshrl.u32 s0, $0x1  }
0x94: {  	s0 =	ssub.s32 s0, s1  }
0x95: {  	s0 =	smax.u32 s0, $0x1  }
0x96: {  	p0 =	sne.s32 s0, $0x1  }
.Ltmp0:
0x97: {  	_ = 	snop;
	(pc) =	sbr.rel @!p0 .LBB2_2-.Ltmp0, $4  }
0x98: {  	[sflag:s10] =	ssyncset.done $0x0  }
0x99: {  	[sflag:s10] =	ssyncadd.s32 $0xFFFFC000;
	s1 =	rddreg [dreg:$0xd]  }
0x9a: {  	[hbm4b:s1+s3] =	stream.linear.scatter [tilespmem:s7], [sflag:$0x3], $0x4000, $0x38;
	[tilespmem:$0x8800] =	vst v63  }
0x9b: {  	s1 =	sadd.s32 $0xFFFFFFFF, s0;
	_ =	swait.ge [sflag:s4], $0x4000  }
.LBB2_1:
0x9c: {  	[sflag:s4] =	ssyncset.done $0x0  }
0x9d: {  	s0 =	rddreg [dreg:$0x3];
	[sflag:s4] =	ssyncadd.s32 $0xFFFFC000  }
0x9e: {  	[tilespmem:s3], [sflag:$0x3] =	stream.linear.gather [hbm4b:s0+s3], $0x800, $0x38;
	[tilespmem:$0x8800] =	vst v63  }
0x9f: {  	_ =	swait.ge [sflag:s4], $0x800  }
0xa0: {  	[sflag:s4] =	ssyncset.done $0x0  }
0xa1: {  	[sflag:s4] =	ssyncadd.s32 $0xFFFFF800  }
0xa2: {  	[tilespmem:s6], [sflag:$0x1] =	stream.indirect.gather [hbm4b:s2+s5], $0x80, s3, s5, $0xb8;
	[tilespmem:$0x8800] =	vst v63  }
0xa3: {  	_ = 	snop  }
0xa4: {  	[tilespmem:s7], [sflag:$0x2] =	stream.indirect.gather [hbm4b:s2+s5], $0x80, s5, s5, $0xb8;
	[tilespmem:$0x8800] =	vst v63  }
0xa5: {  	_ =	swait.ge [sflag:s8], $0x4000  }
0xa6: {  	[sflag:s8] =	ssyncset.done $0x0  }
0xa7: {  	s0 =	rddreg [dreg:$0x4];
	[sflag:s8] =	ssyncadd.s32 $0xFFFFC000  }
0xa8: {  	[hbm4b:s0+s3] =	stream.linear.scatter [tilespmem:s6], [sflag:$0x3], $0x4000, $0x38;
	[tilespmem:$0x8800] =	vst v63  }
0xa9: {  	_ =	swait.ge [sflag:s4], $0x4000  }
0xaa: {  	[sflag:s4] =	ssyncset.done $0x0  }
0xab: {  	[sflag:s4] =	ssyncadd.s32 $0xFFFFC000  }
0xac: {  	[tilespmem:s6], [sflag:$0x1] =	stream.indirect.gather [hbm4b:s2+s5], $0x80, s9, s5, $0xb8;
	[tilespmem:$0x8800] =	vst v63  }
0xad: {  	_ =	swait.ge [sflag:s10], $0x4000  }
0xae: {  	[sflag:s10] =	ssyncset.done $0x0  }
0xaf: {  	s0 =	rddreg [dreg:$0x7];
	[sflag:s10] =	ssyncadd.s32 $0xFFFFC000  }
0xb0: {  	[hbm4b:s0+s3] =	stream.linear.scatter [tilespmem:s7], [sflag:$0x3], $0x4000, $0x38;
	[tilespmem:$0x8800] =	vst v63  }
0xb1: {  	_ =	swait.ge [sflag:s4], $0x4000  }
0xb2: {  	[sflag:s4] =	ssyncset.done $0x0  }
0xb3: {  	[sflag:s4] =	ssyncadd.s32 $0xFFFFC000  }
0xb4: {  	[tilespmem:s7], [sflag:$0x2] =	stream.indirect.gather [hbm4b:s2+s5], $0x80, s11, s5, $0xb8;
	[tilespmem:$0x8800] =	vst v63  }
0xb5: {  	_ =	swait.ge [sflag:s8], $0x4000  }
0xb6: {  	[sflag:s8] =	ssyncset.done $0x0  }
0xb7: {  	s0 =	rddreg [dreg:$0x8];
	[sflag:s8] =	ssyncadd.s32 $0xFFFFC000  }
0xb8: {  	[hbm4b:s0+s3] =	stream.linear.scatter [tilespmem:s6], [sflag:$0x3], $0x4000, $0x38;
	[tilespmem:$0x8800] =	vst v63  }
0xb9: {  	_ =	swait.ge [sflag:s4], $0x4000  }
0xba: {  	[sflag:s4] =	ssyncset.done $0x0  }
0xbb: {  	[sflag:s4] =	ssyncadd.s32 $0xFFFFC000  }
0xbc: {  	[tilespmem:s6], [sflag:$0x1] =	stream.indirect.gather [hbm4b:s2+s5], $0x80, s12, s5, $0xb8;
	[tilespmem:$0x8800] =	vst v63  }
0xbd: {  	_ =	swait.ge [sflag:s10], $0x4000  }
0xbe: {  	[sflag:s10] =	ssyncset.done $0x0  }
0xbf: {  	s0 =	rddreg [dreg:$0x9];
	[sflag:s10] =	ssyncadd.s32 $0xFFFFC000  }
0xc0: {  	[hbm4b:s0+s3] =	stream.linear.scatter [tilespmem:s7], [sflag:$0x3], $0x4000, $0x38;
	[tilespmem:$0x8800] =	vst v63  }
0xc1: {  	_ =	swait.ge [sflag:s4], $0x4000  }
0xc2: {  	[sflag:s4] =	ssyncset.done $0x0  }
0xc3: {  	[sflag:s4] =	ssyncadd.s32 $0xFFFFC000  }
0xc4: {  	[tilespmem:s7], [sflag:$0x2] =	stream.indirect.gather [hbm4b:s2+s5], $0x80, s13, s5, $0xb8;
	[tilespmem:$0x8800] =	vst v63  }
0xc5: {  	_ =	swait.ge [sflag:s8], $0x4000  }
0xc6: {  	[sflag:s8] =	ssyncset.done $0x0  }
0xc7: {  	s0 =	rddreg [dreg:$0xa];
	[sflag:s8] =	ssyncadd.s32 $0xFFFFC000  }
0xc8: {  	[hbm4b:s0+s3] =	stream.linear.scatter [tilespmem:s6], [sflag:$0x3], $0x4000, $0x38;
	[tilespmem:$0x8800] =	vst v63  }
0xc9: {  	_ =	swait.ge [sflag:s4], $0x4000  }
0xca: {  	[sflag:s4] =	ssyncset.done $0x0  }
0xcb: {  	[sflag:s4] =	ssyncadd.s32 $0xFFFFC000  }
0xcc: {  	[tilespmem:s6], [sflag:$0x1] =	stream.indirect.gather [hbm4b:s2+s5], $0x80, s14, s5, $0xb8;
	[tilespmem:$0x8800] =	vst v63  }
0xcd: {  	_ =	swait.ge [sflag:s10], $0x4000  }
0xce: {  	[sflag:s10] =	ssyncset.done $0x0  }
0xcf: {  	s0 =	rddreg [dreg:$0xb];
	[sflag:s10] =	ssyncadd.s32 $0xFFFFC000  }
0xd0: {  	[hbm4b:s0+s3] =	stream.linear.scatter [tilespmem:s7], [sflag:$0x3], $0x4000, $0x38;
	[tilespmem:$0x8800] =	vst v63  }
0xd1: {  	_ =	swait.ge [sflag:s4], $0x4000  }
0xd2: {  	[sflag:s4] =	ssyncset.done $0x0  }
0xd3: {  	[sflag:s4] =	ssyncadd.s32 $0xFFFFC000  }
0xd4: {  	[tilespmem:s7], [sflag:$0x2] =	stream.indirect.gather [hbm4b:s2+s5], $0x80, s15, s5, $0xb8;
	[tilespmem:$0x8800] =	vst v63  }
0xd5: {  	_ =	swait.ge [sflag:s8], $0x4000  }
0xd6: {  	[sflag:s8] =	ssyncset.done $0x0  }
0xd7: {  	s0 =	rddreg [dreg:$0xc];
	[sflag:s8] =	ssyncadd.s32 $0xFFFFC000  }
0xd8: {  	[hbm4b:s0+s3] =	stream.linear.scatter [tilespmem:s6], [sflag:$0x3], $0x4000, $0x38;
	[tilespmem:$0x8800] =	vst v63  }
0xd9: {  	_ =	swait.ge [sflag:s4], $0x4000  }
0xda: {  	[sflag:s4] =	ssyncset.done $0x0  }
0xdb: {  	[sflag:s4] =	ssyncadd.s32 $0xFFFFC000  }
0xdc: {  	[tilespmem:s6], [sflag:$0x1] =	stream.indirect.gather [hbm4b:s2+s5], $0x80, s16, s5, $0xb8;
	[tilespmem:$0x8800] =	vst v63  }
0xdd: {  	_ =	swait.ge [sflag:s10], $0x4000  }
0xde: {  	[sflag:s10] =	ssyncset.done $0x0  }
0xdf: {  	[sflag:s10] =	ssyncadd.s32 $0xFFFFC000  }
0xe0: {  	[hbm4b:s17+s3] =	stream.linear.scatter [tilespmem:s7], [sflag:$0x3], $0x4000, $0x38;
	[tilespmem:$0x8800] =	vst v63  }
0xe1: {  	_ =	swait.ge [sflag:s4], $0x4000  }
0xe2: {  	[sflag:s4] =	ssyncset.done $0x0  }
0xe3: {  	[sflag:s4] =	ssyncadd.s32 $0xFFFFC000  }
0xe4: {  	[tilespmem:s7], [sflag:$0x2] =	stream.indirect.gather [hbm4b:s2+s5], $0x80, s18, s5, $0xb8;
	[tilespmem:$0x8800] =	vst v63  }
0xe5: {  	_ =	swait.ge [sflag:s8], $0x4000  }
0xe6: {  	[sflag:s8] =	ssyncset.done $0x0  }
0xe7: {  	[sflag:s8] =	ssyncadd.s32 $0xFFFFC000  }
0xe8: {  	[hbm4b:s19+s3] =	stream.linear.scatter [tilespmem:s6], [sflag:$0x3], $0x4000, $0x38;
	[tilespmem:$0x8800] =	vst v63  }
0xe9: {  	_ =	swait.ge [sflag:s4], $0x4000  }
0xea: {  	[sflag:s4] =	ssyncset.done $0x0  }
0xeb: {  	[sflag:s4] =	ssyncadd.s32 $0xFFFFC000  }
0xec: {  	[tilespmem:s6], [sflag:$0x1] =	stream.indirect.gather [hbm4b:s2+s5], $0x80, s20, s5, $0xb8;
	[tilespmem:$0x8800] =	vst v63  }
0xed: {  	_ =	swait.ge [sflag:s10], $0x4000  }
0xee: {  	[sflag:s10] =	ssyncset.done $0x0  }
0xef: {  	[sflag:s10] =	ssyncadd.s32 $0xFFFFC000  }
0xf0: {  	[hbm4b:s21+s3] =	stream.linear.scatter [tilespmem:s7], [sflag:$0x3], $0x4000, $0x38;
	[tilespmem:$0x8800] =	vst v63  }
0xf1: {  	_ =	swait.ge [sflag:s4], $0x4000  }
0xf2: {  	[sflag:s4] =	ssyncset.done $0x0  }
0xf3: {  	[sflag:s4] =	ssyncadd.s32 $0xFFFFC000  }
0xf4: {  	[tilespmem:s7], [sflag:$0x2] =	stream.indirect.gather [hbm4b:s2+s5], $0x80, s22, s5, $0xb8;
	[tilespmem:$0x8800] =	vst v63  }
0xf5: {  	_ =	swait.ge [sflag:s8], $0x4000  }
0xf6: {  	[sflag:s8] =	ssyncset.done $0x0  }
0xf7: {  	[sflag:s8] =	ssyncadd.s32 $0xFFFFC000  }
0xf8: {  	[hbm4b:s23+s3] =	stream.linear.scatter [tilespmem:s6], [sflag:$0x3], $0x4000, $0x38;
	[tilespmem:$0x8800] =	vst v63  }
0xf9: {  	_ =	swait.ge [sflag:s4], $0x4000  }
0xfa: {  	[sflag:s4] =	ssyncset.done $0x0  }
0xfb: {  	[sflag:s4] =	ssyncadd.s32 $0xFFFFC000  }
0xfc: {  	[tilespmem:s6], [sflag:$0x1] =	stream.indirect.gather [hbm4b:s2+s5], $0x80, s24, s5, $0xb8;
	[tilespmem:$0x8800] =	vst v63  }
0xfd: {  	_ =	swait.ge [sflag:s10], $0x4000  }
0xfe: {  	[sflag:s10] =	ssyncset.done $0x0  }
0xff: {  	[sflag:s10] =	ssyncadd.s32 $0xFFFFC000  }
0x100: {  	[hbm4b:s25+s3] =	stream.linear.scatter [tilespmem:s7], [sflag:$0x3], $0x4000, $0x38;
	[tilespmem:$0x8800] =	vst v63  }
0x101: {  	_ =	swait.ge [sflag:s4], $0x4000  }
0x102: {  	[sflag:s4] =	ssyncset.done $0x0  }
0x103: {  	[sflag:s4] =	ssyncadd.s32 $0xFFFFC000  }
0x104: {  	[tilespmem:s7], [sflag:$0x2] =	stream.indirect.gather [hbm4b:s2+s5], $0x80, s26, s5, $0xb8;
	[tilespmem:$0x8800] =	vst v63  }
0x105: {  	_ =	swait.ge [sflag:s8], $0x4000  }
0x106: {  	[sflag:s8] =	ssyncset.done $0x0  }
0x107: {  	[sflag:s8] =	ssyncadd.s32 $0xFFFFC000  }
0x108: {  	[hbm4b:s28+s3] =	stream.linear.scatter [tilespmem:s6], [sflag:$0x3], $0x4000, $0x38;
	[tilespmem:$0x8800] =	vst v63  }
0x109: {  	_ =	swait.ge [sflag:s4], $0x4000  }
0x10a: {  	[sflag:s4] =	ssyncset.done $0x0  }
0x10b: {  	[sflag:s4] =	ssyncadd.s32 $0xFFFFC000  }
0x10c: {  	[tilespmem:s6], [sflag:$0x1] =	stream.indirect.gather [hbm4b:s2+s5], $0x80, s29, s5, $0xb8;
	[tilespmem:$0x8800] =	vst v63  }
0x10d: {  	_ =	swait.ge [sflag:s10], $0x4000  }
0x10e: {  	[sflag:s10] =	ssyncset.done $0x0  }
0x10f: {  	[sflag:s10] =	ssyncadd.s32 $0xFFFFC000  }
0x110: {  	[hbm4b:s30+s3] =	stream.linear.scatter [tilespmem:s7], [sflag:$0x3], $0x4000, $0x38;
	[tilespmem:$0x8800] =	vst v63  }
0x111: {  	_ =	swait.ge [sflag:s4], $0x4000  }
0x112: {  	[sflag:s4] =	ssyncset.done $0x0  }
0x113: {  	[sflag:s4] =	ssyncadd.s32 $0xFFFFC000  }
0x114: {  	[tilespmem:s7], [sflag:$0x2] =	stream.indirect.gather [hbm4b:s2+s5], $0x80, s31, s5, $0xb8;
	[tilespmem:$0x8800] =	vst v63  }
0x115: {  	_ =	swait.ge [sflag:s8], $0x4000  }
0x116: {  	[sflag:s8] =	ssyncset.done $0x0  }
0x117: {  	s0 =	rddreg [dreg:$0x5];
	[sflag:s8] =	ssyncadd.s32 $0xFFFFC000  }
0x118: {  	[hbm4b:s0+s3] =	stream.linear.scatter [tilespmem:s6], [sflag:$0x3], $0x4000, $0x38;
	[tilespmem:$0x8800] =	vst v63  }
0x119: {  	_ =	swait.ge [sflag:s4], $0x4000  }
0x11a: {  	[sflag:s4] =	ssyncset.done $0x0  }
0x11b: {  	p0 =	sne.s32 s1, $0x1;
	[sflag:s4] =	ssyncadd.s32 $0xFFFFC000  }
.Ltmp1:
0x11c: {  	_ =	swait.ge [sflag:s10], $0x4000;
	(pc) =	sbr.rel @p0 .LBB2_1-.Ltmp1, $4  }
0x11d: {  	[sflag:s10] =	ssyncset.done $0x0  }
0x11e: {  	s0 =	rddreg [dreg:$0x6];
	[sflag:s10] =	ssyncadd.s32 $0xFFFFC000  }
0x11f: {  	[hbm4b:s0+s3] =	stream.linear.scatter [tilespmem:s7], [sflag:$0x3], $0x4000, $0x38;
	[tilespmem:$0x8800] =	vst v63  }
0x120: {  	s1 =	sadd.s32 $0xFFFFFFFF, s1;
	_ =	swait.ge [sflag:s4], $0x4000  }
.LBB2_2:
0x121: {  	[sflag:s4] =	ssyncset.done $0x0  }
0x122: {  	[sflag:s4] =	ssyncadd.s32 $0xFFFFC000  }
0x123: {  	_ =	sfence.sel $0x180000  }
0x124: {  	[bflag:$0x0] =	sbarrier.arrive $0xFFFF  }
0x125: {  	_ =	strace $0x90000059  }
0x126: {  	s0 =	stileid.u32;
	[bflag:$0x2] =	sbarrier.arrive $0xFFFF  }
0x127: {  	p0 =	sne.s32 s0, $0x0;
	s0 =	rddreg [dreg:$0x2]  }
0x128: {  	s0 =	sadd.s32 @!p0 $0x100000, s0  }
0x129: {  	[sflag:s0] =	ssyncadd.tile.s32 @!p0 $0x1;
	_ =	shalt  }
.Lfunc_end2:
_tile_overlayer_lowered:
.L_overlay_start_2:
0x12a: {  	(tag) =	ssettag $0x2  }
0x12b: {  	s0 =	rddreg [dreg:$0x0];
	s2 =	stileid.u32  }
0x12c: {  	s1 =	rddreg [dreg:$0x1];
	p0 =	sne.s32 s2, $0x0  }
0x12d: {  	s3 =	rddreg [dreg:$0x2];
	[bflag:$0x3] =	sbarrier.arrive $0xFFFF;
	s2 =	simm.s32 @!p0 $0x1C03  }
0x12e: {  	[timem:s3], [sflag:s2] =	dma.local @!p0 [hbm:s0], s1  }
0x12f: {  	s0 =	simm.s32 @!p0 $0x3  }
0x130: {  	_ =	swait.ge @!p0 [sflag:s0], s1  }
0x131: {  	s1 =	ssub.s32 @!p0 $0x0, s1;
	[sflag:s0] =	ssyncset.done @!p0 $0x0  }
0x132: {  	[sflag:s0] =	ssyncadd.s32 @!p0 s1  }
0x133: {  	[bflag:$0x3] =	sbarrier.arrive $0xFFFF  }
0x134: {  	_ =	shalt  }

// kernel: kernel.22.cloned.1.call-start
scs
__scs_entry_jumppad:
0x0: {  	(pc) =	sbr.rel $0x88, $3  }
0x1: {  	(tag) =	ssettag $0x0;
	lr =	simm.s32 $0x1  }
0x2: {  	[smem:$0x3F99] =	sst lr;
	_ =	strace $0xD0000000  }
0x3: {  	_ = 	snop  }
0x4: {  	_ = 	snop  }
0x5: {  	_ = 	snop  }
0x6: {  	_ = 	snop  }
0x7: {  	_ = 	snop  }
__scs_overlays_trampoline_lowered:
0x8: {  	[smem:$0x3FA8] =	sst s0  }
0x9: {  	[smem:$0x3FA9] =	sst s1  }
0xa: {  	[smem:$0x3FAA] =	sst s2  }
0xb: {  	[smem:$0x3FAB] =	sst s3  }
0xc: {  	[smem:$0x3FAC] =	sst s4  }
0xd: {  	[smem:$0x3FAD] =	sst s5  }
0xe: {  	[smem:$0x3FAE] =	sst s6  }
0xf: {  	[smem:$0x3FAF] =	sst s7  }
0x10: {  	[smem:$0x3FB0] =	sst s8  }
0x11: {  	[smem:$0x3FB1] =	sst s9;
	s0 =	simm.s32 @!p0 $0x0  }
0x12: {  	s1 =	sld [smem:$0x3F97];
	s0 =	simm.s32 @p0 $0x1  }
0x13: {  	[smem:$0x3FB2] =	sst s0;
	s0 =	simm.s32 @!p1 $0x0  }
0x14: {  	s2 =	sld [smem:$0x3F96];
	s0 =	simm.s32 @p1 $0x1  }
0x15: {  	[smem:$0x3FB3] =	sst s0;
	s0 =	simm.s32 @!p2 $0x0  }
0x16: {  	s3 =	sld [smem:$0x3FDB];
	s0 =	simm.s32 @p2 $0x1  }
0x17: {  	s4 =	simm.s32 $0x1BF5;
	[smem:$0x3FB5] =	sst s0  }
0x18: {  	s0 =	sld [smem:$0x3F98];
	_ =	swait.ge [sflag:s4], $0x0  }
0x19: {  	s7 =	sld [smem:$0x3F99]  }
0x1a: {  	s8 =	sadd.s32 $0xFFFFE003, lr  }
0x1b: {  	s9 =	sadd.s32 $0xFFFFFEF7, lr;
	s5 =	simm.s32 $0xFFFFFFFF;
	p2 =	slt.u32 s8, $0xFFFFF086  }
0x1c: {  	p1 =	slt.u32 s9, $0xF7A;
	s5 =	simm.s32 @!p2 $0x0  }
0x1d: {  	s5 =	simm.s32 @p1 $0x1;
	p0 =	seq.s32 s7, s2  }
0x1e: {  	s7 =	smul.u32 @!p0 $0xF7A, s2;
	p2 =	seq.s32 @!p0 s5, $0x0  }
0x1f: {  	s9 =	smul.u32 $0xF7A, s1;
	s8 =	simm.s32 @!p0 $0x1BF5;
	p2 =	por !p2, p0  }
0x20: {  	[sflag:s8] =	ssyncset.s32 @!p0 $0xFFFFF086;
	s6 =	sadd.s32 @!p0 s3, s7;
	s7 =	simm.s32 @!p0 $0x108  }
0x21: {  	s3 =	sadd.s32 s3, s9;
	s6 =	sadd.s32 @!p0 $0x88, s6;
	s7 =	simm.s32 @p2 $0x1082  }
0x22: {  	[simem:s7], [sflag:s8] =	dma.local @!p0 [hbm:s6], $0xF7A  }
0x23: {  	s9 =	sor.u32 $0xD0000000, s2;
	s6 =	simm.s32 $0x108;
	_ =	swait.ge @!p0 [sflag:s8], $0x0  }
0x24: {  	s3 =	sadd.s32 $0x88, s3;
	s6 =	simm.s32 @!p1 $0x1082;
	[sflag:s4] =	ssyncset.s32 $0xFFFFF086  }
0x25: {  	[simem:s6], [sflag:s4] =	dma.local [hbm:s3], $0xF7A  }
0x26: {  	[smem:$0x3F99] =	sst s1;
	(tag) =	ssettag s2;
	_ =	strace s9  }
0x27: {  	s1 =	sld [smem:$0x3FA9]  }
0x28: {  	s2 =	sld [smem:$0x3FAA]  }
0x29: {  	s4 =	sld [smem:$0x3FAC]  }
0x2a: {  	p0 =	seq.s32 s5, $0x0;
	s5 =	sld [smem:$0x3FAD]  }
0x2b: {  	s6 =	sld [smem:$0x3FAE]  }
0x2c: {  	s7 =	sld [smem:$0x3FAF]  }
0x2d: {  	s3 =	simm.s32 $0x108;
	s8 =	sld [smem:$0x3FB0]  }
0x2e: {  	s3 =	simm.s32 @!p0 $0x1082;
	s9 =	sld [smem:$0x3FB1]  }
0x2f: {  	lr =	sadd.s32 s0, s3;
	s0 =	sld [smem:$0x3FA8]  }
0x30: {  	s3 =	sld [smem:$0x3FAB]  }
0x31: {  	[smem:$0x3FB4] =	sst s10  }
0x32: {  	s10 =	sld [smem:$0x3FB2];
	_ =	sdelay $0x3  }
0x33: {  	p0 =	seq.s32 s10, $0x1;
	s10 =	sld [smem:$0x3FB4];
	_ =	sdelay $0x3  }
0x34: {  	[smem:$0x3FB4] =	sst s10  }
0x35: {  	s10 =	sld [smem:$0x3FB3];
	_ =	sdelay $0x3  }
0x36: {  	p1 =	seq.s32 s10, $0x1;
	s10 =	sld [smem:$0x3FB4];
	_ =	sdelay $0x3  }
0x37: {  	[smem:$0x3FB4] =	sst s10  }
0x38: {  	s10 =	sld [smem:$0x3FB5]  }
0x39: {  	_ = 	snop;
	(pc) =	sbr.ind lr, $3  }
0x3a: {  	_ = 	snop  }
0x3b: {  	_ = 	snop  }
0x3c: {  	p2 =	seq.s32 s10, $0x1;
	s10 =	sld [smem:$0x3FB4]  }
0x3d: {  	_ =	shalt  }
0x3e: {  	_ =	shalt  }
0x3f: {  	_ =	shalt  }
0x40: {  	_ =	shalt  }
0x41: {  	_ =	shalt  }
0x42: {  	_ =	shalt  }
0x43: {  	_ =	shalt  }
0x44: {  	_ =	shalt  }
0x45: {  	_ =	shalt  }
0x46: {  	_ =	shalt  }
0x47: {  	_ =	shalt  }
0x48: {  	_ =	shalt  }
0x49: {  	_ =	shalt  }
0x4a: {  	_ =	shalt  }
0x4b: {  	_ =	shalt  }
0x4c: {  	_ =	shalt  }
0x4d: {  	_ =	shalt  }
0x4e: {  	_ =	shalt  }
0x4f: {  	_ =	shalt  }
0x50: {  	_ =	shalt  }
0x51: {  	_ =	shalt  }
0x52: {  	_ =	shalt  }
0x53: {  	_ =	shalt  }
0x54: {  	_ =	shalt  }
0x55: {  	_ =	shalt  }
0x56: {  	_ =	shalt  }
0x57: {  	_ =	shalt  }
0x58: {  	_ =	shalt  }
0x59: {  	_ =	shalt  }
0x5a: {  	_ =	shalt  }
0x5b: {  	_ =	shalt  }
0x5c: {  	_ =	shalt  }
0x5d: {  	_ =	shalt  }
0x5e: {  	_ =	shalt  }
0x5f: {  	_ =	shalt  }
0x60: {  	_ =	shalt  }
0x61: {  	_ =	shalt  }
0x62: {  	_ =	shalt  }
0x63: {  	_ =	shalt  }
0x64: {  	_ =	shalt  }
0x65: {  	_ =	shalt  }
0x66: {  	_ =	shalt  }
0x67: {  	_ =	shalt  }
0x68: {  	_ =	shalt  }
0x69: {  	_ =	shalt  }
0x6a: {  	_ =	shalt  }
0x6b: {  	_ =	shalt  }
0x6c: {  	_ =	shalt  }
0x6d: {  	_ =	shalt  }
0x6e: {  	_ =	shalt  }
0x6f: {  	_ =	shalt  }
0x70: {  	_ =	shalt  }
0x71: {  	_ =	shalt  }
0x72: {  	_ =	shalt  }
0x73: {  	_ =	shalt  }
0x74: {  	_ =	shalt  }
0x75: {  	_ =	shalt  }
0x76: {  	_ =	shalt  }
0x77: {  	_ =	shalt  }
0x78: {  	_ =	shalt  }
0x79: {  	_ =	shalt  }
0x7a: {  	_ =	shalt  }
0x7b: {  	_ =	shalt  }
0x7c: {  	_ =	shalt  }
0x7d: {  	_ =	shalt  }
0x7e: {  	_ =	shalt  }
0x7f: {  	_ =	shalt  }
0x80: {  	_ =	shalt  }
0x81: {  	_ =	shalt  }
0x82: {  	_ =	shalt  }
0x83: {  	_ =	shalt  }
0x84: {  	_ =	shalt  }
0x85: {  	_ =	shalt  }
0x86: {  	_ =	shalt  }
0x87: {  	_ =	shalt  }
.Lfunc_end0:
.L_simem_size_0:
called_computation.1_lowered:
.L_overlay_start_0:
0x88: {  	s2 =	sld [smem:$0x3FD9]  }
0x89: {  	s3 =	sld [smem:$0x3FFE];
	_ =	sdelay $0x1  }
0x8a: {  	s1 =	srdreg.scid  }
0x8b: {  	s0 =	sand.u32 $0x1, s1  }
0x8c: {  	s17 =	sshll.u32 s0, $0xA;
	s2 =	sadd.s32 s3, s2  }
0x8d: {  	s2 =	sadd.s32 s2, s17  }
0x8e: {  	[smem:$0x3FC0] =	sst s2  }
0x8f: {  	_ = 	snop  }
0x90: {  	s18 =	sld [smem:$0x3FD0];
	(tm) =	ssettm $0x1  }
0x91: {  	s19 =	sld [smem:$0x3FFB];
	_ =	sdelay $0x3  }
0x92: {  	_ =	strace s19  }
0x93: {  	s2 =	sld [smem:$0x3FFC];
	_ =	sdelay $0x3  }
0x94: {  	_ =	strace s2  }
0x95: {  	s2 =	sld [smem:$0x3FFD];
	_ =	sdelay $0x3  }
0x96: {  	_ =	strace s2  }
0x97: {  	_ =	strace $0x8FFFFFFF  }
0x98: {  	s20 =	sld [smem:$0x3FDB];
	_ =	sdelay $0x1  }
0x99: {  	s4 =	simm.s32 $_scs_section_size  }
0x9a: {  	s5 =	simm.s32 $_size__tile_overlayer_lowered;
	s6 =	simm.s32 $_tile_overlayer_lowered  }
0x9b: {  	s7 =	simm.s32 $0x1BFF;
	s21 =	sshll.u32 s6, $0x1;
	s4 =	sadd.s32 s4, s20  }
0x9c: {  	s22 =	simm.s32 $0x0;
	s5 =	sshll.u32 s5, $0x1;
	s6 =	sadd.s32 s21, s4  }
0x9d: {  	[timem:s22], [sflag:s7] =	dma.local [hbm:s6], s5  }
0x9e: {  	_ =	swait.ge [sflag:s7], s5  }
0x9f: {  	s5 =	ssub.s32 $0x0, s5;
	[sflag:s7] =	ssyncset.done $0x0  }
0xa0: {  	[sflag:s7] =	ssyncadd.s32 s5;
	_ =	sdelay $0x1  }
0xa1: {  	s23 =	simm.s32 $0x1B8B  }
0xa2: {  	_ =	swait.ge [sflag:s23], $0x1  }
0xa3: {  	[sflag:s23] =	ssyncset.done $0x0  }
0xa4: {  	[sflag:s23] =	ssyncadd.s32 $0xFFFFFFFF  }
0xa5: {  	s5 =	sld [smem:$0x0]  }
0xa6: {  	s6 =	sand.u32 $0xFFFFFFFE, s1  }
0xa7: {  	p0 =	sne.s32 s1, s6  }
0xa8: {  	s6 =	sshll.u32 @p0 s6, $0xE  }
0xa9: {  	s6 =	sadd.s32 @p0 $0x11B8D, s6;
	s7 =	sshll.u32 @p0 s5, $0x11  }
0xaa: {  	s6 =	sor.u32 @p0 s7, s6  }
0xab: {  	[sflag:s6] =	ssyncadd.remote.s32 @p0 $0x1;
	_ =	sdelay $0x1  }
0xac: {  	s6 =	simm.s32 @p0 $0x1B8D  }
0xad: {  	_ =	swait.eq @p0 [sflag:s6], $0x1  }
0xae: {  	[sflag:s6] =	ssyncadd.s32 @p0 $0xFFFFFFFF  }
0xaf: {  	s7 =	sshll.u32 @!p0 s1, $0xE  }
0xb0: {  	s7 =	sor.u32 @!p0 $0x4000, s7;
	s6 =	simm.s32 @!p0 $0x1B8D  }
0xb1: {  	s5 =	sshll.u32 @!p0 s5, $0x11;
	s7 =	sadd.s32 @!p0 $0x11B8D, s7;
	_ =	swait.eq @!p0 [sflag:s6], $0x1  }
0xb2: {  	s5 =	sor.u32 @!p0 s5, s7;
	[sflag:s6] =	ssyncadd.s32 @!p0 $0xFFFFFFFF  }
0xb3: {  	s25 =	simm.s32 $0x1B8E;
	s24 =	sld [smem:$0x3FFE];
	[sflag:s5] =	ssyncadd.remote.s32 @!p0 $0x1  }
0xb4: {  	s26 =	simm.s32 $execute0_lowered;
	[smem:$0x3FD2] =	sst s25  }
0xb5: {  	s6 =	sshll.u32 s26, $0x1;
	_ =	strace $0x80000055;
	[dreg:$0x1] =	wrdreg $0xFFFFFFFF  }
0xb6: {  	s28 =	simm.s32 $_size_execute0_lowered;
	s4 =	sadd.s32 s4, s6;
	[dreg:$0x0] =	wrdreg $0x0  }
0xb7: {  	s6 =	sshll.u32 s28, $0x1;
	[dreg:$0x2] =	wrdreg s4  }
0xb8: {  	[dreg:$0x3] =	wrdreg s6  }
0xb9: {  	[dreg:$0x4] =	wrdreg $0xC0  }
0xba: {  	_ =	task [dreg:s22], $0x5FFFF  }
0xbb: {  	[dreg:$0x1] =	wrdreg $0xFFFFFFFF  }
0xbc: {  	[dreg:$0x0] =	wrdreg $0x60  }
0xbd: {  	[dreg:$0x2] =	wrdreg s18  }
0xbe: {  	[dreg:$0x3] =	wrdreg s24  }
0xbf: {  	[dreg:$0x4] =	wrdreg $0xA  }
0xc0: {  	_ =	task.clear_ibuf [dreg:s22], $0x5FFFF;
	_ =	strace $0x90000055  }
0xc1: {  	s29 =	simm.s32 $0xA;
	_ =	strace $0x80000057  }
0xc2: {  	_ =	swait.ge [sflag:s29], $0x1  }
0xc3: {  	[sflag:s29] =	ssyncadd.s32 $0xFFFFFFFF  }
0xc4: {  	_ =	strace $0x90000057  }
0xc5: {  	_ =	sfence  }
0xc6: {  	s30 =	sld [smem:$0x0];
	_ =	sdelay $0x2  }
0xc7: {  	s31 =	sshll.u32 s1, $0xD;
	s1 =	sshrl.u32 s1, $0x2  }
0xc8: {  	s4 =	sand.u32 $0x4000, s31;
	s1 =	sadd.s32 s1, s30  }
0xc9: {  	s0 =	sor.u32 s4, s0;
	s1 =	sshll.u32 s1, $0x11  }
0xca: {  	s0 =	sor.u32 s1, s0  }
0xcb: {  	s0 =	sadd.s32 $0x8F2B, s0  }
0xcc: {  	[sflag:s0] =	ssyncadd.remote.s32 $0x1  }
0xcd: {  	_ =	sfence.sel $0xFFFF  }
0xce: {  	[dreg:$0x0] =	wrdreg $0xFFFFFFFF;
	(pc) =	sbr.abs _section_cstart, $3  }
0xcf: {  	[dreg:$0x1] =	wrdreg $0xFFFFFFFF  }
0xd0: {  	_ =	task.clear_ibuf [dreg:s22], $0x2FFFF;
	_ =	strace $0x9FFFFFFF  }
0xd1: {  	(tm) =	ssettm $0x7FFFFFFF  }
tec
execute0_lowered:
.L_overlay_start_1:
0x0: {  	(tag) =	ssettag $0x1  }
0x1: {  	s1 =	srdreg.scid  }
0x2: {  	s0 =	stileid.u32;
	s1 =	sand.u32 $0x1, s1  }
0x3: {  	s3 =	sshll.u32 s0, $0xC;
	s4 =	sshll.u32 s1, $0xB  }
0x4: {  	s2 =	rddreg [dreg:$0x0];
	s4 =	sor.u32 s4, s3  }
0x5: {  	s5 =	rddreg [dreg:$0x1];
	s6 =	sshrl.u32 s4, $0x3  }
0x6: {  	s3 =	simm.s32 $0x0;
	s4 =	sshll.u32 s4, $0x4;
	s6 =	sadd.s32 s6, s5  }
0x7: {  	[smem:$0x7FF] =	sst s3;
	s30 =	sadd.s32 s4, s5;
	s16 =	sadd.s32 $0x7800, s6  }
0x8: {  	_ =	strace $0x80000056;
	s17 =	sadd.s32 $0x555800, s30;
	[dreg:$0x3] =	wrdreg s16  }
0x9: {  	s18 =	sadd.s32 $0x55C800, s30;
	[dreg:$0x4] =	wrdreg s17  }
0xa: {  	s19 =	sadd.s32 $0x55D000, s30;
	[dreg:$0x5] =	wrdreg s18  }
0xb: {  	s20 =	sadd.s32 $0x556000, s30;
	[dreg:$0x6] =	wrdreg s19  }
0xc: {  	s21 =	sadd.s32 $0x556800, s30;
	[dreg:$0x7] =	wrdreg s20  }
0xd: {  	s22 =	sadd.s32 $0x557000, s30;
	[dreg:$0x8] =	wrdreg s21  }
0xe: {  	s23 =	sadd.s32 $0x557800, s30;
	[dreg:$0x9] =	wrdreg s22  }
0xf: {  	s24 =	sadd.s32 $0x558000, s30;
	[dreg:$0xa] =	wrdreg s23  }
0x10: {  	s26 =	sadd.s32 $0x558800, s30;
	[dreg:$0xb] =	wrdreg s24  }
0x11: {  	[dreg:$0xc] =	wrdreg s26  }
0x12: {  	s4 =	simm.s32 $0x3;
	s25 =	rddreg [dreg:$0x3]  }
0x13: {  	[tilespmem:s3], [sflag:$0x3] =	stream.linear.gather [hbm4b:s25+s3], $0x800, $0x38;
	[tilespmem:$0x8800] =	vst v63  }
0x14: {  	_ =	swait.ge [sflag:s4], $0x800  }
0x15: {  	[sflag:s4] =	ssyncset.done $0x0  }
0x16: {  	s5 =	simm.s32 $0x80;
	s6 =	simm.s32 $0x800;
	[sflag:s4] =	ssyncadd.s32 $0xFFFFF800  }
0x17: {  	[tilespmem:s6], [sflag:$0x1] =	stream.indirect.gather [hbm4b:s2+s5], $0x80, s3, s5, $0xb8;
	[tilespmem:$0x8800] =	vst v63  }
0x18: {  	s7 =	simm.s32 $0x4800;
	s8 =	simm.s32 $0x1  }
0x19: {  	[tilespmem:s7], [sflag:$0x2] =	stream.indirect.gather [hbm4b:s2+s5], $0x80, s5, s5, $0xb8;
	[tilespmem:$0x8800] =	vst v63  }
0x1a: {  	_ =	swait.ge [sflag:s8], $0x4000  }
0x1b: {  	[sflag:s8] =	ssyncset.done $0x0  }
0x1c: {  	s9 =	rddreg [dreg:$0x4];
	[sflag:s8] =	ssyncadd.s32 $0xFFFFC000  }
0x1d: {  	[hbm4b:s9+s3] =	stream.linear.scatter [tilespmem:s6], [sflag:$0x3], $0x4000, $0x38;
	[tilespmem:$0x8800] =	vst v63  }
0x1e: {  	_ =	swait.ge [sflag:s4], $0x4000  }
0x1f: {  	[sflag:s4] =	ssyncset.done $0x0  }
0x20: {  	s10 =	simm.s32 $0x2;
	s9 =	simm.s32 $0x100;
	[sflag:s4] =	ssyncadd.s32 $0xFFFFC000  }
0x21: {  	[tilespmem:s6], [sflag:$0x1] =	stream.indirect.gather [hbm4b:s2+s5], $0x80, s9, s5, $0xb8;
	[tilespmem:$0x8800] =	vst v63  }
0x22: {  	_ =	swait.ge [sflag:s10], $0x4000  }
0x23: {  	[sflag:s10] =	ssyncset.done $0x0  }
0x24: {  	s11 =	rddreg [dreg:$0x7];
	[sflag:s10] =	ssyncadd.s32 $0xFFFFC000  }
0x25: {  	[hbm4b:s11+s3] =	stream.linear.scatter [tilespmem:s7], [sflag:$0x3], $0x4000, $0x38;
	[tilespmem:$0x8800] =	vst v63  }
0x26: {  	_ =	swait.ge [sflag:s4], $0x4000  }
0x27: {  	[sflag:s4] =	ssyncset.done $0x0  }
0x28: {  	s11 =	simm.s32 $0x180;
	[sflag:s4] =	ssyncadd.s32 $0xFFFFC000  }
0x29: {  	[tilespmem:s7], [sflag:$0x2] =	stream.indirect.gather [hbm4b:s2+s5], $0x80, s11, s5, $0xb8;
	[tilespmem:$0x8800] =	vst v63  }
0x2a: {  	_ =	swait.ge [sflag:s8], $0x4000  }
0x2b: {  	[sflag:s8] =	ssyncset.done $0x0  }
0x2c: {  	s12 =	rddreg [dreg:$0x8];
	[sflag:s8] =	ssyncadd.s32 $0xFFFFC000  }
0x2d: {  	[hbm4b:s12+s3] =	stream.linear.scatter [tilespmem:s6], [sflag:$0x3], $0x4000, $0x38;
	[tilespmem:$0x8800] =	vst v63  }
0x2e: {  	_ =	swait.ge [sflag:s4], $0x4000  }
0x2f: {  	[sflag:s4] =	ssyncset.done $0x0  }
0x30: {  	s12 =	simm.s32 $0x200;
	[sflag:s4] =	ssyncadd.s32 $0xFFFFC000  }
0x31: {  	[tilespmem:s6], [sflag:$0x1] =	stream.indirect.gather [hbm4b:s2+s5], $0x80, s12, s5, $0xb8;
	[tilespmem:$0x8800] =	vst v63  }
0x32: {  	_ =	swait.ge [sflag:s10], $0x4000  }
0x33: {  	[sflag:s10] =	ssyncset.done $0x0  }
0x34: {  	s13 =	rddreg [dreg:$0x9];
	[sflag:s10] =	ssyncadd.s32 $0xFFFFC000  }
0x35: {  	[hbm4b:s13+s3] =	stream.linear.scatter [tilespmem:s7], [sflag:$0x3], $0x4000, $0x38;
	[tilespmem:$0x8800] =	vst v63  }
0x36: {  	_ =	swait.ge [sflag:s4], $0x4000  }
0x37: {  	[sflag:s4] =	ssyncset.done $0x0  }
0x38: {  	s13 =	simm.s32 $0x280;
	[sflag:s4] =	ssyncadd.s32 $0xFFFFC000  }
0x39: {  	[tilespmem:s7], [sflag:$0x2] =	stream.indirect.gather [hbm4b:s2+s5], $0x80, s13, s5, $0xb8;
	[tilespmem:$0x8800] =	vst v63  }
0x3a: {  	_ =	swait.ge [sflag:s8], $0x4000  }
0x3b: {  	[sflag:s8] =	ssyncset.done $0x0  }
0x3c: {  	s14 =	rddreg [dreg:$0xa];
	[sflag:s8] =	ssyncadd.s32 $0xFFFFC000  }
0x3d: {  	[hbm4b:s14+s3] =	stream.linear.scatter [tilespmem:s6], [sflag:$0x3], $0x4000, $0x38;
	[tilespmem:$0x8800] =	vst v63  }
0x3e: {  	_ =	swait.ge [sflag:s4], $0x4000  }
0x3f: {  	[sflag:s4] =	ssyncset.done $0x0  }
0x40: {  	s14 =	simm.s32 $0x300;
	[sflag:s4] =	ssyncadd.s32 $0xFFFFC000  }
0x41: {  	[tilespmem:s6], [sflag:$0x1] =	stream.indirect.gather [hbm4b:s2+s5], $0x80, s14, s5, $0xb8;
	[tilespmem:$0x8800] =	vst v63  }
0x42: {  	_ =	swait.ge [sflag:s10], $0x4000  }
0x43: {  	[sflag:s10] =	ssyncset.done $0x0  }
0x44: {  	s15 =	rddreg [dreg:$0xb];
	[sflag:s10] =	ssyncadd.s32 $0xFFFFC000  }
0x45: {  	[hbm4b:s15+s3] =	stream.linear.scatter [tilespmem:s7], [sflag:$0x3], $0x4000, $0x38;
	[tilespmem:$0x8800] =	vst v63  }
0x46: {  	_ =	swait.ge [sflag:s4], $0x4000  }
0x47: {  	[sflag:s4] =	ssyncset.done $0x0  }
0x48: {  	s15 =	simm.s32 $0x380;
	[sflag:s4] =	ssyncadd.s32 $0xFFFFC000  }
0x49: {  	[tilespmem:s7], [sflag:$0x2] =	stream.indirect.gather [hbm4b:s2+s5], $0x80, s15, s5, $0xb8;
	[tilespmem:$0x8800] =	vst v63  }
0x4a: {  	_ =	swait.ge [sflag:s8], $0x4000  }
0x4b: {  	[sflag:s8] =	ssyncset.done $0x0  }
0x4c: {  	s16 =	rddreg [dreg:$0xc];
	[sflag:s8] =	ssyncadd.s32 $0xFFFFC000  }
0x4d: {  	[hbm4b:s16+s3] =	stream.linear.scatter [tilespmem:s6], [sflag:$0x3], $0x4000, $0x38;
	[tilespmem:$0x8800] =	vst v63  }
0x4e: {  	_ =	swait.ge [sflag:s4], $0x4000  }
0x4f: {  	[sflag:s4] =	ssyncset.done $0x0  }
0x50: {  	s16 =	simm.s32 $0x400;
	[sflag:s4] =	ssyncadd.s32 $0xFFFFC000  }
0x51: {  	[tilespmem:s6], [sflag:$0x1] =	stream.indirect.gather [hbm4b:s2+s5], $0x80, s16, s5, $0xb8;
	[tilespmem:$0x8800] =	vst v63  }
0x52: {  	_ =	swait.ge [sflag:s10], $0x4000  }
0x53: {  	[sflag:s10] =	ssyncset.done $0x0  }
0x54: {  	s17 =	sadd.s32 $0x559000, s30;
	[sflag:s10] =	ssyncadd.s32 $0xFFFFC000  }
0x55: {  	[hbm4b:s17+s3] =	stream.linear.scatter [tilespmem:s7], [sflag:$0x3], $0x4000, $0x38;
	[tilespmem:$0x8800] =	vst v63  }
0x56: {  	_ =	swait.ge [sflag:s4], $0x4000  }
0x57: {  	[sflag:s4] =	ssyncset.done $0x0  }
0x58: {  	s18 =	simm.s32 $0x480;
	[sflag:s4] =	ssyncadd.s32 $0xFFFFC000  }
0x59: {  	[tilespmem:s7], [sflag:$0x2] =	stream.indirect.gather [hbm4b:s2+s5], $0x80, s18, s5, $0xb8;
	[tilespmem:$0x8800] =	vst v63  }
0x5a: {  	_ =	swait.ge [sflag:s8], $0x4000  }
0x5b: {  	[sflag:s8] =	ssyncset.done $0x0  }
0x5c: {  	s19 =	sadd.s32 $0x559800, s30;
	[sflag:s8] =	ssyncadd.s32 $0xFFFFC000  }
0x5d: {  	[hbm4b:s19+s3] =	stream.linear.scatter [tilespmem:s6], [sflag:$0x3], $0x4000, $0x38;
	[tilespmem:$0x8800] =	vst v63  }
0x5e: {  	_ =	swait.ge [sflag:s4], $0x4000  }
0x5f: {  	[sflag:s4] =	ssyncset.done $0x0  }
0x60: {  	s20 =	simm.s32 $0x500;
	[sflag:s4] =	ssyncadd.s32 $0xFFFFC000  }
0x61: {  	[tilespmem:s6], [sflag:$0x1] =	stream.indirect.gather [hbm4b:s2+s5], $0x80, s20, s5, $0xb8;
	[tilespmem:$0x8800] =	vst v63  }
0x62: {  	_ =	swait.ge [sflag:s10], $0x4000  }
0x63: {  	[sflag:s10] =	ssyncset.done $0x0  }
0x64: {  	s21 =	sadd.s32 $0x55A000, s30;
	[sflag:s10] =	ssyncadd.s32 $0xFFFFC000  }
0x65: {  	[hbm4b:s21+s3] =	stream.linear.scatter [tilespmem:s7], [sflag:$0x3], $0x4000, $0x38;
	[tilespmem:$0x8800] =	vst v63  }
0x66: {  	_ =	swait.ge [sflag:s4], $0x4000  }
0x67: {  	[sflag:s4] =	ssyncset.done $0x0  }
0x68: {  	s22 =	simm.s32 $0x580;
	[sflag:s4] =	ssyncadd.s32 $0xFFFFC000  }
0x69: {  	[tilespmem:s7], [sflag:$0x2] =	stream.indirect.gather [hbm4b:s2+s5], $0x80, s22, s5, $0xb8;
	[tilespmem:$0x8800] =	vst v63  }
0x6a: {  	_ =	swait.ge [sflag:s8], $0x4000  }
0x6b: {  	[sflag:s8] =	ssyncset.done $0x0  }
0x6c: {  	s23 =	sadd.s32 $0x55A800, s30;
	[sflag:s8] =	ssyncadd.s32 $0xFFFFC000  }
0x6d: {  	[hbm4b:s23+s3] =	stream.linear.scatter [tilespmem:s6], [sflag:$0x3], $0x4000, $0x38;
	[tilespmem:$0x8800] =	vst v63  }
0x6e: {  	_ =	swait.ge [sflag:s4], $0x4000  }
0x6f: {  	[sflag:s4] =	ssyncset.done $0x0  }
0x70: {  	s24 =	simm.s32 $0x600;
	[sflag:s4] =	ssyncadd.s32 $0xFFFFC000  }
0x71: {  	[tilespmem:s6], [sflag:$0x1] =	stream.indirect.gather [hbm4b:s2+s5], $0x80, s24, s5, $0xb8;
	[tilespmem:$0x8800] =	vst v63  }
0x72: {  	_ =	swait.ge [sflag:s10], $0x4000  }
0x73: {  	[sflag:s10] =	ssyncset.done $0x0  }
0x74: {  	s25 =	sadd.s32 $0x55B000, s30;
	[sflag:s10] =	ssyncadd.s32 $0xFFFFC000  }
0x75: {  	[hbm4b:s25+s3] =	stream.linear.scatter [tilespmem:s7], [sflag:$0x3], $0x4000, $0x38;
	[tilespmem:$0x8800] =	vst v63  }
0x76: {  	_ =	swait.ge [sflag:s4], $0x4000  }
0x77: {  	[sflag:s4] =	ssyncset.done $0x0  }
0x78: {  	s26 =	simm.s32 $0x680;
	[sflag:s4] =	ssyncadd.s32 $0xFFFFC000  }
0x79: {  	[tilespmem:s7], [sflag:$0x2] =	stream.indirect.gather [hbm4b:s2+s5], $0x80, s26, s5, $0xb8;
	[tilespmem:$0x8800] =	vst v63  }
0x7a: {  	_ =	swait.ge [sflag:s8], $0x4000  }
0x7b: {  	[sflag:s8] =	ssyncset.done $0x0  }
0x7c: {  	s28 =	sadd.s32 $0x55B800, s30;
	[sflag:s8] =	ssyncadd.s32 $0xFFFFC000  }
0x7d: {  	[hbm4b:s28+s3] =	stream.linear.scatter [tilespmem:s6], [sflag:$0x3], $0x4000, $0x38;
	[tilespmem:$0x8800] =	vst v63  }
0x7e: {  	_ =	swait.ge [sflag:s4], $0x4000  }
0x7f: {  	[sflag:s4] =	ssyncset.done $0x0  }
0x80: {  	s29 =	simm.s32 $0x700;
	[sflag:s4] =	ssyncadd.s32 $0xFFFFC000  }
0x81: {  	[tilespmem:s6], [sflag:$0x1] =	stream.indirect.gather [hbm4b:s2+s5], $0x80, s29, s5, $0xb8;
	[tilespmem:$0x8800] =	vst v63  }
0x82: {  	_ =	swait.ge [sflag:s10], $0x4000  }
0x83: {  	[sflag:s10] =	ssyncset.done $0x0  }
0x84: {  	s30 =	sadd.s32 $0x55C000, s30;
	[sflag:s10] =	ssyncadd.s32 $0xFFFFC000  }
0x85: {  	[hbm4b:s30+s3] =	stream.linear.scatter [tilespmem:s7], [sflag:$0x3], $0x4000, $0x38;
	[tilespmem:$0x8800] =	vst v63  }
0x86: {  	_ =	swait.ge [sflag:s4], $0x4000  }
0x87: {  	[sflag:s4] =	ssyncset.done $0x0  }
0x88: {  	s31 =	simm.s32 $0x780;
	[sflag:s4] =	ssyncadd.s32 $0xFFFFC000  }
0x89: {  	[tilespmem:s7], [sflag:$0x2] =	stream.indirect.gather [hbm4b:s2+s5], $0x80, s31, s5, $0xb8;
	[tilespmem:$0x8800] =	vst v63  }
0x8a: {  	_ =	swait.ge [sflag:s8], $0x4000  }
0x8b: {  	[sflag:s8] =	ssyncset.done $0x0  }
0x8c: {  	s0 =	rddreg [dreg:$0x5];
	[sflag:s8] =	ssyncadd.s32 $0xFFFFC000  }
0x8d: {  	[hbm4b:s0+s3] =	stream.linear.scatter [tilespmem:s6], [sflag:$0x3], $0x4000, $0x38;
	[tilespmem:$0x8800] =	vst v63  }
0x8e: {  	_ =	swait.ge [sflag:s4], $0x4000  }
0x8f: {  	[sflag:s4] =	ssyncset.done $0x0  }
0x90: {  	[sflag:s4] =	ssyncadd.s32 $0xFFFFC000  }
0x91: {  	_ =	swait.ge [sflag:s10], $0x4000  }
0x92: {  	s0 =	ssub.s32 $0x2, s1;
	s1 =	rddreg [dreg:$0x6]  }
0x93: {  	[dreg:$0xd] =	wrdreg s1;
	s1 =	sshrl.u32 s0, $0x1  }
0x94: {  	s0 =	ssub.s32 s0, s1  }
0x95: {  	s0 =	smax.u32 s0, $0x1  }
0x96: {  	p0 =	sne.s32 s0, $0x1  }
.Ltmp0:
0x97: {  	_ = 	snop;
	(pc) =	sbr.rel @!p0 .LBB2_2-.Ltmp0, $4  }
0x98: {  	[sflag:s10] =	ssyncset.done $0x0  }
0x99: {  	[sflag:s10] =	ssyncadd.s32 $0xFFFFC000;
	s1 =	rddreg [dreg:$0xd]  }
0x9a: {  	[hbm4b:s1+s3] =	stream.linear.scatter [tilespmem:s7], [sflag:$0x3], $0x4000, $0x38;
	[tilespmem:$0x8800] =	vst v63  }
0x9b: {  	s1 =	sadd.s32 $0xFFFFFFFF, s0;
	_ =	swait.ge [sflag:s4], $0x4000  }
.LBB2_1:
0x9c: {  	[sflag:s4] =	ssyncset.done $0x0  }
0x9d: {  	s0 =	rddreg [dreg:$0x3];
	[sflag:s4] =	ssyncadd.s32 $0xFFFFC000  }
0x9e: {  	[tilespmem:s3], [sflag:$0x3] =	stream.linear.gather [hbm4b:s0+s3], $0x800, $0x38;
	[tilespmem:$0x8800] =	vst v63  }
0x9f: {  	_ =	swait.ge [sflag:s4], $0x800  }
0xa0: {  	[sflag:s4] =	ssyncset.done $0x0  }
0xa1: {  	[sflag:s4] =	ssyncadd.s32 $0xFFFFF800  }
0xa2: {  	[tilespmem:s6], [sflag:$0x1] =	stream.indirect.gather [hbm4b:s2+s5], $0x80, s3, s5, $0xb8;
	[tilespmem:$0x8800] =	vst v63  }
0xa3: {  	_ = 	snop  }
0xa4: {  	[tilespmem:s7], [sflag:$0x2] =	stream.indirect.gather [hbm4b:s2+s5], $0x80, s5, s5, $0xb8;
	[tilespmem:$0x8800] =	vst v63  }
0xa5: {  	_ =	swait.ge [sflag:s8], $0x4000  }
0xa6: {  	[sflag:s8] =	ssyncset.done $0x0  }
0xa7: {  	s0 =	rddreg [dreg:$0x4];
	[sflag:s8] =	ssyncadd.s32 $0xFFFFC000  }
0xa8: {  	[hbm4b:s0+s3] =	stream.linear.scatter [tilespmem:s6], [sflag:$0x3], $0x4000, $0x38;
	[tilespmem:$0x8800] =	vst v63  }
0xa9: {  	_ =	swait.ge [sflag:s4], $0x4000  }
0xaa: {  	[sflag:s4] =	ssyncset.done $0x0  }
0xab: {  	[sflag:s4] =	ssyncadd.s32 $0xFFFFC000  }
0xac: {  	[tilespmem:s6], [sflag:$0x1] =	stream.indirect.gather [hbm4b:s2+s5], $0x80, s9, s5, $0xb8;
	[tilespmem:$0x8800] =	vst v63  }
0xad: {  	_ =	swait.ge [sflag:s10], $0x4000  }
0xae: {  	[sflag:s10] =	ssyncset.done $0x0  }
0xaf: {  	s0 =	rddreg [dreg:$0x7];
	[sflag:s10] =	ssyncadd.s32 $0xFFFFC000  }
0xb0: {  	[hbm4b:s0+s3] =	stream.linear.scatter [tilespmem:s7], [sflag:$0x3], $0x4000, $0x38;
	[tilespmem:$0x8800] =	vst v63  }
0xb1: {  	_ =	swait.ge [sflag:s4], $0x4000  }
0xb2: {  	[sflag:s4] =	ssyncset.done $0x0  }
0xb3: {  	[sflag:s4] =	ssyncadd.s32 $0xFFFFC000  }
0xb4: {  	[tilespmem:s7], [sflag:$0x2] =	stream.indirect.gather [hbm4b:s2+s5], $0x80, s11, s5, $0xb8;
	[tilespmem:$0x8800] =	vst v63  }
0xb5: {  	_ =	swait.ge [sflag:s8], $0x4000  }
0xb6: {  	[sflag:s8] =	ssyncset.done $0x0  }
0xb7: {  	s0 =	rddreg [dreg:$0x8];
	[sflag:s8] =	ssyncadd.s32 $0xFFFFC000  }
0xb8: {  	[hbm4b:s0+s3] =	stream.linear.scatter [tilespmem:s6], [sflag:$0x3], $0x4000, $0x38;
	[tilespmem:$0x8800] =	vst v63  }
0xb9: {  	_ =	swait.ge [sflag:s4], $0x4000  }
0xba: {  	[sflag:s4] =	ssyncset.done $0x0  }
0xbb: {  	[sflag:s4] =	ssyncadd.s32 $0xFFFFC000  }
0xbc: {  	[tilespmem:s6], [sflag:$0x1] =	stream.indirect.gather [hbm4b:s2+s5], $0x80, s12, s5, $0xb8;
	[tilespmem:$0x8800] =	vst v63  }
0xbd: {  	_ =	swait.ge [sflag:s10], $0x4000  }
0xbe: {  	[sflag:s10] =	ssyncset.done $0x0  }
0xbf: {  	s0 =	rddreg [dreg:$0x9];
	[sflag:s10] =	ssyncadd.s32 $0xFFFFC000  }
0xc0: {  	[hbm4b:s0+s3] =	stream.linear.scatter [tilespmem:s7], [sflag:$0x3], $0x4000, $0x38;
	[tilespmem:$0x8800] =	vst v63  }
0xc1: {  	_ =	swait.ge [sflag:s4], $0x4000  }
0xc2: {  	[sflag:s4] =	ssyncset.done $0x0  }
0xc3: {  	[sflag:s4] =	ssyncadd.s32 $0xFFFFC000  }
0xc4: {  	[tilespmem:s7], [sflag:$0x2] =	stream.indirect.gather [hbm4b:s2+s5], $0x80, s13, s5, $0xb8;
	[tilespmem:$0x8800] =	vst v63  }
0xc5: {  	_ =	swait.ge [sflag:s8], $0x4000  }
0xc6: {  	[sflag:s8] =	ssyncset.done $0x0  }
0xc7: {  	s0 =	rddreg [dreg:$0xa];
	[sflag:s8] =	ssyncadd.s32 $0xFFFFC000  }
0xc8: {  	[hbm4b:s0+s3] =	stream.linear.scatter [tilespmem:s6], [sflag:$0x3], $0x4000, $0x38;
	[tilespmem:$0x8800] =	vst v63  }
0xc9: {  	_ =	swait.ge [sflag:s4], $0x4000  }
0xca: {  	[sflag:s4] =	ssyncset.done $0x0  }
0xcb: {  	[sflag:s4] =	ssyncadd.s32 $0xFFFFC000  }
0xcc: {  	[tilespmem:s6], [sflag:$0x1] =	stream.indirect.gather [hbm4b:s2+s5], $0x80, s14, s5, $0xb8;
	[tilespmem:$0x8800] =	vst v63  }
0xcd: {  	_ =	swait.ge [sflag:s10], $0x4000  }
0xce: {  	[sflag:s10] =	ssyncset.done $0x0  }
0xcf: {  	s0 =	rddreg [dreg:$0xb];
	[sflag:s10] =	ssyncadd.s32 $0xFFFFC000  }
0xd0: {  	[hbm4b:s0+s3] =	stream.linear.scatter [tilespmem:s7], [sflag:$0x3], $0x4000, $0x38;
	[tilespmem:$0x8800] =	vst v63  }
0xd1: {  	_ =	swait.ge [sflag:s4], $0x4000  }
0xd2: {  	[sflag:s4] =	ssyncset.done $0x0  }
0xd3: {  	[sflag:s4] =	ssyncadd.s32 $0xFFFFC000  }
0xd4: {  	[tilespmem:s7], [sflag:$0x2] =	stream.indirect.gather [hbm4b:s2+s5], $0x80, s15, s5, $0xb8;
	[tilespmem:$0x8800] =	vst v63  }
0xd5: {  	_ =	swait.ge [sflag:s8], $0x4000  }
0xd6: {  	[sflag:s8] =	ssyncset.done $0x0  }
0xd7: {  	s0 =	rddreg [dreg:$0xc];
	[sflag:s8] =	ssyncadd.s32 $0xFFFFC000  }
0xd8: {  	[hbm4b:s0+s3] =	stream.linear.scatter [tilespmem:s6], [sflag:$0x3], $0x4000, $0x38;
	[tilespmem:$0x8800] =	vst v63  }
0xd9: {  	_ =	swait.ge [sflag:s4], $0x4000  }
0xda: {  	[sflag:s4] =	ssyncset.done $0x0  }
0xdb: {  	[sflag:s4] =	ssyncadd.s32 $0xFFFFC000  }
0xdc: {  	[tilespmem:s6], [sflag:$0x1] =	stream.indirect.gather [hbm4b:s2+s5], $0x80, s16, s5, $0xb8;
	[tilespmem:$0x8800] =	vst v63  }
0xdd: {  	_ =	swait.ge [sflag:s10], $0x4000  }
0xde: {  	[sflag:s10] =	ssyncset.done $0x0  }
0xdf: {  	[sflag:s10] =	ssyncadd.s32 $0xFFFFC000  }
0xe0: {  	[hbm4b:s17+s3] =	stream.linear.scatter [tilespmem:s7], [sflag:$0x3], $0x4000, $0x38;
	[tilespmem:$0x8800] =	vst v63  }
0xe1: {  	_ =	swait.ge [sflag:s4], $0x4000  }
0xe2: {  	[sflag:s4] =	ssyncset.done $0x0  }
0xe3: {  	[sflag:s4] =	ssyncadd.s32 $0xFFFFC000  }
0xe4: {  	[tilespmem:s7], [sflag:$0x2] =	stream.indirect.gather [hbm4b:s2+s5], $0x80, s18, s5, $0xb8;
	[tilespmem:$0x8800] =	vst v63  }
0xe5: {  	_ =	swait.ge [sflag:s8], $0x4000  }
0xe6: {  	[sflag:s8] =	ssyncset.done $0x0  }
0xe7: {  	[sflag:s8] =	ssyncadd.s32 $0xFFFFC000  }
0xe8: {  	[hbm4b:s19+s3] =	stream.linear.scatter [tilespmem:s6], [sflag:$0x3], $0x4000, $0x38;
	[tilespmem:$0x8800] =	vst v63  }
0xe9: {  	_ =	swait.ge [sflag:s4], $0x4000  }
0xea: {  	[sflag:s4] =	ssyncset.done $0x0  }
0xeb: {  	[sflag:s4] =	ssyncadd.s32 $0xFFFFC000  }
0xec: {  	[tilespmem:s6], [sflag:$0x1] =	stream.indirect.gather [hbm4b:s2+s5], $0x80, s20, s5, $0xb8;
	[tilespmem:$0x8800] =	vst v63  }
0xed: {  	_ =	swait.ge [sflag:s10], $0x4000  }
0xee: {  	[sflag:s10] =	ssyncset.done $0x0  }
0xef: {  	[sflag:s10] =	ssyncadd.s32 $0xFFFFC000  }
0xf0: {  	[hbm4b:s21+s3] =	stream.linear.scatter [tilespmem:s7], [sflag:$0x3], $0x4000, $0x38;
	[tilespmem:$0x8800] =	vst v63  }
0xf1: {  	_ =	swait.ge [sflag:s4], $0x4000  }
0xf2: {  	[sflag:s4] =	ssyncset.done $0x0  }
0xf3: {  	[sflag:s4] =	ssyncadd.s32 $0xFFFFC000  }
0xf4: {  	[tilespmem:s7], [sflag:$0x2] =	stream.indirect.gather [hbm4b:s2+s5], $0x80, s22, s5, $0xb8;
	[tilespmem:$0x8800] =	vst v63  }
0xf5: {  	_ =	swait.ge [sflag:s8], $0x4000  }
0xf6: {  	[sflag:s8] =	ssyncset.done $0x0  }
0xf7: {  	[sflag:s8] =	ssyncadd.s32 $0xFFFFC000  }
0xf8: {  	[hbm4b:s23+s3] =	stream.linear.scatter [tilespmem:s6], [sflag:$0x3], $0x4000, $0x38;
	[tilespmem:$0x8800] =	vst v63  }
0xf9: {  	_ =	swait.ge [sflag:s4], $0x4000  }
0xfa: {  	[sflag:s4] =	ssyncset.done $0x0  }
0xfb: {  	[sflag:s4] =	ssyncadd.s32 $0xFFFFC000  }
0xfc: {  	[tilespmem:s6], [sflag:$0x1] =	stream.indirect.gather [hbm4b:s2+s5], $0x80, s24, s5, $0xb8;
	[tilespmem:$0x8800] =	vst v63  }
0xfd: {  	_ =	swait.ge [sflag:s10], $0x4000  }
0xfe: {  	[sflag:s10] =	ssyncset.done $0x0  }
0xff: {  	[sflag:s10] =	ssyncadd.s32 $0xFFFFC000  }
0x100: {  	[hbm4b:s25+s3] =	stream.linear.scatter [tilespmem:s7], [sflag:$0x3], $0x4000, $0x38;
	[tilespmem:$0x8800] =	vst v63  }
0x101: {  	_ =	swait.ge [sflag:s4], $0x4000  }
0x102: {  	[sflag:s4] =	ssyncset.done $0x0  }
0x103: {  	[sflag:s4] =	ssyncadd.s32 $0xFFFFC000  }
0x104: {  	[tilespmem:s7], [sflag:$0x2] =	stream.indirect.gather [hbm4b:s2+s5], $0x80, s26, s5, $0xb8;
	[tilespmem:$0x8800] =	vst v63  }
0x105: {  	_ =	swait.ge [sflag:s8], $0x4000  }
0x106: {  	[sflag:s8] =	ssyncset.done $0x0  }
0x107: {  	[sflag:s8] =	ssyncadd.s32 $0xFFFFC000  }
0x108: {  	[hbm4b:s28+s3] =	stream.linear.scatter [tilespmem:s6], [sflag:$0x3], $0x4000, $0x38;
	[tilespmem:$0x8800] =	vst v63  }
0x109: {  	_ =	swait.ge [sflag:s4], $0x4000  }
0x10a: {  	[sflag:s4] =	ssyncset.done $0x0  }
0x10b: {  	[sflag:s4] =	ssyncadd.s32 $0xFFFFC000  }
0x10c: {  	[tilespmem:s6], [sflag:$0x1] =	stream.indirect.gather [hbm4b:s2+s5], $0x80, s29, s5, $0xb8;
	[tilespmem:$0x8800] =	vst v63  }
0x10d: {  	_ =	swait.ge [sflag:s10], $0x4000  }
0x10e: {  	[sflag:s10] =	ssyncset.done $0x0  }
0x10f: {  	[sflag:s10] =	ssyncadd.s32 $0xFFFFC000  }
0x110: {  	[hbm4b:s30+s3] =	stream.linear.scatter [tilespmem:s7], [sflag:$0x3], $0x4000, $0x38;
	[tilespmem:$0x8800] =	vst v63  }
0x111: {  	_ =	swait.ge [sflag:s4], $0x4000  }
0x112: {  	[sflag:s4] =	ssyncset.done $0x0  }
0x113: {  	[sflag:s4] =	ssyncadd.s32 $0xFFFFC000  }
0x114: {  	[tilespmem:s7], [sflag:$0x2] =	stream.indirect.gather [hbm4b:s2+s5], $0x80, s31, s5, $0xb8;
	[tilespmem:$0x8800] =	vst v63  }
0x115: {  	_ =	swait.ge [sflag:s8], $0x4000  }
0x116: {  	[sflag:s8] =	ssyncset.done $0x0  }
0x117: {  	s0 =	rddreg [dreg:$0x5];
	[sflag:s8] =	ssyncadd.s32 $0xFFFFC000  }
0x118: {  	[hbm4b:s0+s3] =	stream.linear.scatter [tilespmem:s6], [sflag:$0x3], $0x4000, $0x38;
	[tilespmem:$0x8800] =	vst v63  }
0x119: {  	_ =	swait.ge [sflag:s4], $0x4000  }
0x11a: {  	[sflag:s4] =	ssyncset.done $0x0  }
0x11b: {  	p0 =	sne.s32 s1, $0x1;
	[sflag:s4] =	ssyncadd.s32 $0xFFFFC000  }
.Ltmp1:
0x11c: {  	_ =	swait.ge [sflag:s10], $0x4000;
	(pc) =	sbr.rel @p0 .LBB2_1-.Ltmp1, $4  }
0x11d: {  	[sflag:s10] =	ssyncset.done $0x0  }
0x11e: {  	s0 =	rddreg [dreg:$0x6];
	[sflag:s10] =	ssyncadd.s32 $0xFFFFC000  }
0x11f: {  	[hbm4b:s0+s3] =	stream.linear.scatter [tilespmem:s7], [sflag:$0x3], $0x4000, $0x38;
	[tilespmem:$0x8800] =	vst v63  }
0x120: {  	s1 =	sadd.s32 $0xFFFFFFFF, s1;
	_ =	swait.ge [sflag:s4], $0x4000  }
.LBB2_2:
0x121: {  	[sflag:s4] =	ssyncset.done $0x0  }
0x122: {  	[sflag:s4] =	ssyncadd.s32 $0xFFFFC000  }
0x123: {  	_ =	sfence.sel $0x180000  }
0x124: {  	[bflag:$0x0] =	sbarrier.arrive $0xFFFF  }
0x125: {  	_ =	strace $0x90000056  }
0x126: {  	s0 =	stileid.u32;
	[bflag:$0x2] =	sbarrier.arrive $0xFFFF  }
0x127: {  	p0 =	sne.s32 s0, $0x0;
	s0 =	rddreg [dreg:$0x2]  }
0x128: {  	s0 =	sadd.s32 @!p0 $0x100000, s0  }
0x129: {  	[sflag:s0] =	ssyncadd.tile.s32 @!p0 $0x1;
	_ =	shalt  }
.Lfunc_end2:
_tile_overlayer_lowered:
.L_overlay_start_2:
0x12a: {  	(tag) =	ssettag $0x2  }
0x12b: {  	s0 =	rddreg [dreg:$0x0];
	s2 =	stileid.u32  }
0x12c: {  	s1 =	rddreg [dreg:$0x1];
	p0 =	sne.s32 s2, $0x0  }
0x12d: {  	s3 =	rddreg [dreg:$0x2];
	[bflag:$0x3] =	sbarrier.arrive $0xFFFF;
	s2 =	simm.s32 @!p0 $0x1C03  }
0x12e: {  	[timem:s3], [sflag:s2] =	dma.local @!p0 [hbm:s0], s1  }
0x12f: {  	s0 =	simm.s32 @!p0 $0x3  }
0x130: {  	_ =	swait.ge @!p0 [sflag:s0], s1  }
0x131: {  	s1 =	ssub.s32 @!p0 $0x0, s1;
	[sflag:s0] =	ssyncset.done @!p0 $0x0  }
0x132: {  	[sflag:s0] =	ssyncadd.s32 @!p0 s1  }
0x133: {  	[bflag:$0x3] =	sbarrier.arrive $0xFFFF  }
0x134: {  	_ =	shalt  }

// kernel: kernel.25.cloned.1.call-start
scs
__scs_entry_jumppad:
0x0: {  	(pc) =	sbr.rel $0x88, $3  }
0x1: {  	(tag) =	ssettag $0x0;
	lr =	simm.s32 $0x1  }
0x2: {  	[smem:$0x3F99] =	sst lr;
	_ =	strace $0xD0000000  }
0x3: {  	_ = 	snop  }
0x4: {  	_ = 	snop  }
0x5: {  	_ = 	snop  }
0x6: {  	_ = 	snop  }
0x7: {  	_ = 	snop  }
__scs_overlays_trampoline_lowered:
0x8: {  	[smem:$0x3FA8] =	sst s0  }
0x9: {  	[smem:$0x3FA9] =	sst s1  }
0xa: {  	[smem:$0x3FAA] =	sst s2  }
0xb: {  	[smem:$0x3FAB] =	sst s3  }
0xc: {  	[smem:$0x3FAC] =	sst s4  }
0xd: {  	[smem:$0x3FAD] =	sst s5  }
0xe: {  	[smem:$0x3FAE] =	sst s6  }
0xf: {  	[smem:$0x3FAF] =	sst s7  }
0x10: {  	[smem:$0x3FB0] =	sst s8  }
0x11: {  	[smem:$0x3FB1] =	sst s9;
	s0 =	simm.s32 @!p0 $0x0  }
0x12: {  	s1 =	sld [smem:$0x3F97];
	s0 =	simm.s32 @p0 $0x1  }
0x13: {  	[smem:$0x3FB2] =	sst s0;
	s0 =	simm.s32 @!p1 $0x0  }
0x14: {  	s2 =	sld [smem:$0x3F96];
	s0 =	simm.s32 @p1 $0x1  }
0x15: {  	[smem:$0x3FB3] =	sst s0;
	s0 =	simm.s32 @!p2 $0x0  }
0x16: {  	s3 =	sld [smem:$0x3FDB];
	s0 =	simm.s32 @p2 $0x1  }
0x17: {  	s4 =	simm.s32 $0x1BF5;
	[smem:$0x3FB5] =	sst s0  }
0x18: {  	s0 =	sld [smem:$0x3F98];
	_ =	swait.ge [sflag:s4], $0x0  }
0x19: {  	s7 =	sld [smem:$0x3F99]  }
0x1a: {  	s8 =	sadd.s32 $0xFFFFE003, lr  }
0x1b: {  	s9 =	sadd.s32 $0xFFFFFEF7, lr;
	s5 =	simm.s32 $0xFFFFFFFF;
	p2 =	slt.u32 s8, $0xFFFFF086  }
0x1c: {  	p1 =	slt.u32 s9, $0xF7A;
	s5 =	simm.s32 @!p2 $0x0  }
0x1d: {  	s5 =	simm.s32 @p1 $0x1;
	p0 =	seq.s32 s7, s2  }
0x1e: {  	s7 =	smul.u32 @!p0 $0xF7A, s2;
	p2 =	seq.s32 @!p0 s5, $0x0  }
0x1f: {  	s9 =	smul.u32 $0xF7A, s1;
	s8 =	simm.s32 @!p0 $0x1BF5;
	p2 =	por !p2, p0  }
0x20: {  	[sflag:s8] =	ssyncset.s32 @!p0 $0xFFFFF086;
	s6 =	sadd.s32 @!p0 s3, s7;
	s7 =	simm.s32 @!p0 $0x108  }
0x21: {  	s3 =	sadd.s32 s3, s9;
	s6 =	sadd.s32 @!p0 $0x88, s6;
	s7 =	simm.s32 @p2 $0x1082  }
0x22: {  	[simem:s7], [sflag:s8] =	dma.local @!p0 [hbm:s6], $0xF7A  }
0x23: {  	s9 =	sor.u32 $0xD0000000, s2;
	s6 =	simm.s32 $0x108;
	_ =	swait.ge @!p0 [sflag:s8], $0x0  }
0x24: {  	s3 =	sadd.s32 $0x88, s3;
	s6 =	simm.s32 @!p1 $0x1082;
	[sflag:s4] =	ssyncset.s32 $0xFFFFF086  }
0x25: {  	[simem:s6], [sflag:s4] =	dma.local [hbm:s3], $0xF7A  }
0x26: {  	[smem:$0x3F99] =	sst s1;
	(tag) =	ssettag s2;
	_ =	strace s9  }
0x27: {  	s1 =	sld [smem:$0x3FA9]  }
0x28: {  	s2 =	sld [smem:$0x3FAA]  }
0x29: {  	s4 =	sld [smem:$0x3FAC]  }
0x2a: {  	p0 =	seq.s32 s5, $0x0;
	s5 =	sld [smem:$0x3FAD]  }
0x2b: {  	s6 =	sld [smem:$0x3FAE]  }
0x2c: {  	s7 =	sld [smem:$0x3FAF]  }
0x2d: {  	s3 =	simm.s32 $0x108;
	s8 =	sld [smem:$0x3FB0]  }
0x2e: {  	s3 =	simm.s32 @!p0 $0x1082;
	s9 =	sld [smem:$0x3FB1]  }
0x2f: {  	lr =	sadd.s32 s0, s3;
	s0 =	sld [smem:$0x3FA8]  }
0x30: {  	s3 =	sld [smem:$0x3FAB]  }
0x31: {  	[smem:$0x3FB4] =	sst s10  }
0x32: {  	s10 =	sld [smem:$0x3FB2];
	_ =	sdelay $0x3  }
0x33: {  	p0 =	seq.s32 s10, $0x1;
	s10 =	sld [smem:$0x3FB4];
	_ =	sdelay $0x3  }
0x34: {  	[smem:$0x3FB4] =	sst s10  }
0x35: {  	s10 =	sld [smem:$0x3FB3];
	_ =	sdelay $0x3  }
0x36: {  	p1 =	seq.s32 s10, $0x1;
	s10 =	sld [smem:$0x3FB4];
	_ =	sdelay $0x3  }
0x37: {  	[smem:$0x3FB4] =	sst s10  }
0x38: {  	s10 =	sld [smem:$0x3FB5]  }
0x39: {  	_ = 	snop;
	(pc) =	sbr.ind lr, $3  }
0x3a: {  	_ = 	snop  }
0x3b: {  	_ = 	snop  }
0x3c: {  	p2 =	seq.s32 s10, $0x1;
	s10 =	sld [smem:$0x3FB4]  }
0x3d: {  	_ =	shalt  }
0x3e: {  	_ =	shalt  }
0x3f: {  	_ =	shalt  }
0x40: {  	_ =	shalt  }
0x41: {  	_ =	shalt  }
0x42: {  	_ =	shalt  }
0x43: {  	_ =	shalt  }
0x44: {  	_ =	shalt  }
0x45: {  	_ =	shalt  }
0x46: {  	_ =	shalt  }
0x47: {  	_ =	shalt  }
0x48: {  	_ =	shalt  }
0x49: {  	_ =	shalt  }
0x4a: {  	_ =	shalt  }
0x4b: {  	_ =	shalt  }
0x4c: {  	_ =	shalt  }
0x4d: {  	_ =	shalt  }
0x4e: {  	_ =	shalt  }
0x4f: {  	_ =	shalt  }
0x50: {  	_ =	shalt  }
0x51: {  	_ =	shalt  }
0x52: {  	_ =	shalt  }
0x53: {  	_ =	shalt  }
0x54: {  	_ =	shalt  }
0x55: {  	_ =	shalt  }
0x56: {  	_ =	shalt  }
0x57: {  	_ =	shalt  }
0x58: {  	_ =	shalt  }
0x59: {  	_ =	shalt  }
0x5a: {  	_ =	shalt  }
0x5b: {  	_ =	shalt  }
0x5c: {  	_ =	shalt  }
0x5d: {  	_ =	shalt  }
0x5e: {  	_ =	shalt  }
0x5f: {  	_ =	shalt  }
0x60: {  	_ =	shalt  }
0x61: {  	_ =	shalt  }
0x62: {  	_ =	shalt  }
0x63: {  	_ =	shalt  }
0x64: {  	_ =	shalt  }
0x65: {  	_ =	shalt  }
0x66: {  	_ =	shalt  }
0x67: {  	_ =	shalt  }
0x68: {  	_ =	shalt  }
0x69: {  	_ =	shalt  }
0x6a: {  	_ =	shalt  }
0x6b: {  	_ =	shalt  }
0x6c: {  	_ =	shalt  }
0x6d: {  	_ =	shalt  }
0x6e: {  	_ =	shalt  }
0x6f: {  	_ =	shalt  }
0x70: {  	_ =	shalt  }
0x71: {  	_ =	shalt  }
0x72: {  	_ =	shalt  }
0x73: {  	_ =	shalt  }
0x74: {  	_ =	shalt  }
0x75: {  	_ =	shalt  }
0x76: {  	_ =	shalt  }
0x77: {  	_ =	shalt  }
0x78: {  	_ =	shalt  }
0x79: {  	_ =	shalt  }
0x7a: {  	_ =	shalt  }
0x7b: {  	_ =	shalt  }
0x7c: {  	_ =	shalt  }
0x7d: {  	_ =	shalt  }
0x7e: {  	_ =	shalt  }
0x7f: {  	_ =	shalt  }
0x80: {  	_ =	shalt  }
0x81: {  	_ =	shalt  }
0x82: {  	_ =	shalt  }
0x83: {  	_ =	shalt  }
0x84: {  	_ =	shalt  }
0x85: {  	_ =	shalt  }
0x86: {  	_ =	shalt  }
0x87: {  	_ =	shalt  }
.Lfunc_end0:
.L_simem_size_0:
called_computation.2_lowered:
.L_overlay_start_0:
0x88: {  	s2 =	sld [smem:$0x3FD9]  }
0x89: {  	s3 =	sld [smem:$0x3FFE];
	_ =	sdelay $0x1  }
0x8a: {  	s1 =	srdreg.scid  }
0x8b: {  	s0 =	sand.u32 $0x1, s1  }
0x8c: {  	s17 =	sshll.u32 s0, $0xA;
	s2 =	sadd.s32 s3, s2  }
0x8d: {  	s2 =	sadd.s32 s2, s17  }
0x8e: {  	[smem:$0x3FC0] =	sst s2  }
0x8f: {  	_ = 	snop  }
0x90: {  	s18 =	sld [smem:$0x3FD0];
	(tm) =	ssettm $0x1  }
0x91: {  	s19 =	sld [smem:$0x3FFB];
	_ =	sdelay $0x3  }
0x92: {  	_ =	strace s19  }
0x93: {  	s2 =	sld [smem:$0x3FFC];
	_ =	sdelay $0x3  }
0x94: {  	_ =	strace s2  }
0x95: {  	s2 =	sld [smem:$0x3FFD];
	_ =	sdelay $0x3  }
0x96: {  	_ =	strace s2  }
0x97: {  	_ =	strace $0x8FFFFFFF  }
0x98: {  	s20 =	sld [smem:$0x3FDB];
	_ =	sdelay $0x1  }
0x99: {  	s4 =	simm.s32 $_scs_section_size  }
0x9a: {  	s5 =	simm.s32 $_size__tile_overlayer_lowered;
	s6 =	simm.s32 $_tile_overlayer_lowered  }
0x9b: {  	s7 =	simm.s32 $0x1BFF;
	s21 =	sshll.u32 s6, $0x1;
	s4 =	sadd.s32 s4, s20  }
0x9c: {  	s22 =	simm.s32 $0x0;
	s5 =	sshll.u32 s5, $0x1;
	s6 =	sadd.s32 s21, s4  }
0x9d: {  	[timem:s22], [sflag:s7] =	dma.local [hbm:s6], s5  }
0x9e: {  	_ =	swait.ge [sflag:s7], s5  }
0x9f: {  	s5 =	ssub.s32 $0x0, s5;
	[sflag:s7] =	ssyncset.done $0x0  }
0xa0: {  	[sflag:s7] =	ssyncadd.s32 s5;
	_ =	sdelay $0x1  }
0xa1: {  	s23 =	simm.s32 $0x1B8B  }
0xa2: {  	_ =	swait.ge [sflag:s23], $0x1  }
0xa3: {  	[sflag:s23] =	ssyncset.done $0x0  }
0xa4: {  	[sflag:s23] =	ssyncadd.s32 $0xFFFFFFFF  }
0xa5: {  	s5 =	sld [smem:$0x0]  }
0xa6: {  	s6 =	sand.u32 $0xFFFFFFFE, s1  }
0xa7: {  	p0 =	sne.s32 s1, s6  }
0xa8: {  	s6 =	sshll.u32 @p0 s6, $0xE  }
0xa9: {  	s6 =	sadd.s32 @p0 $0x11B8D, s6;
	s7 =	sshll.u32 @p0 s5, $0x11  }
0xaa: {  	s6 =	sor.u32 @p0 s7, s6  }
0xab: {  	[sflag:s6] =	ssyncadd.remote.s32 @p0 $0x1;
	_ =	sdelay $0x1  }
0xac: {  	s6 =	simm.s32 @p0 $0x1B8D  }
0xad: {  	_ =	swait.eq @p0 [sflag:s6], $0x1  }
0xae: {  	[sflag:s6] =	ssyncadd.s32 @p0 $0xFFFFFFFF  }
0xaf: {  	s7 =	sshll.u32 @!p0 s1, $0xE  }
0xb0: {  	s7 =	sor.u32 @!p0 $0x4000, s7;
	s6 =	simm.s32 @!p0 $0x1B8D  }
0xb1: {  	s5 =	sshll.u32 @!p0 s5, $0x11;
	s7 =	sadd.s32 @!p0 $0x11B8D, s7;
	_ =	swait.eq @!p0 [sflag:s6], $0x1  }
0xb2: {  	s5 =	sor.u32 @!p0 s5, s7;
	[sflag:s6] =	ssyncadd.s32 @!p0 $0xFFFFFFFF  }
0xb3: {  	s25 =	simm.s32 $0x1B8E;
	s24 =	sld [smem:$0x3FFE];
	[sflag:s5] =	ssyncadd.remote.s32 @!p0 $0x1  }
0xb4: {  	s26 =	simm.s32 $execute0_lowered;
	[smem:$0x3FD2] =	sst s25  }
0xb5: {  	s6 =	sshll.u32 s26, $0x1;
	_ =	strace $0x80000052;
	[dreg:$0x1] =	wrdreg $0xFFFFFFFF  }
0xb6: {  	s28 =	simm.s32 $_size_execute0_lowered;
	s4 =	sadd.s32 s4, s6;
	[dreg:$0x0] =	wrdreg $0x0  }
0xb7: {  	s6 =	sshll.u32 s28, $0x1;
	[dreg:$0x2] =	wrdreg s4  }
0xb8: {  	[dreg:$0x3] =	wrdreg s6  }
0xb9: {  	[dreg:$0x4] =	wrdreg $0xC0  }
0xba: {  	_ =	task [dreg:s22], $0x5FFFF  }
0xbb: {  	[dreg:$0x1] =	wrdreg $0xFFFFFFFF  }
0xbc: {  	[dreg:$0x0] =	wrdreg $0x60  }
0xbd: {  	[dreg:$0x2] =	wrdreg s18  }
0xbe: {  	[dreg:$0x3] =	wrdreg s24  }
0xbf: {  	[dreg:$0x4] =	wrdreg $0xB  }
0xc0: {  	_ =	task.clear_ibuf [dreg:s22], $0x5FFFF;
	_ =	strace $0x90000052  }
0xc1: {  	s29 =	simm.s32 $0xB;
	_ =	strace $0x80000054  }
0xc2: {  	_ =	swait.ge [sflag:s29], $0x1  }
0xc3: {  	[sflag:s29] =	ssyncadd.s32 $0xFFFFFFFF  }
0xc4: {  	_ =	strace $0x90000054  }
0xc5: {  	_ =	sfence  }
0xc6: {  	s30 =	sld [smem:$0x0];
	_ =	sdelay $0x2  }
0xc7: {  	s31 =	sshll.u32 s1, $0xD;
	s1 =	sshrl.u32 s1, $0x2  }
0xc8: {  	s4 =	sand.u32 $0x4000, s31;
	s1 =	sadd.s32 s1, s30  }
0xc9: {  	s0 =	sor.u32 s4, s0;
	s1 =	sshll.u32 s1, $0x11  }
0xca: {  	s0 =	sor.u32 s1, s0  }
0xcb: {  	s0 =	sadd.s32 $0x8F2B, s0  }
0xcc: {  	[sflag:s0] =	ssyncadd.remote.s32 $0x1  }
0xcd: {  	_ =	sfence.sel $0xFFFF  }
0xce: {  	[dreg:$0x0] =	wrdreg $0xFFFFFFFF;
	(pc) =	sbr.abs _section_cstart, $3  }
0xcf: {  	[dreg:$0x1] =	wrdreg $0xFFFFFFFF  }
0xd0: {  	_ =	task.clear_ibuf [dreg:s22], $0x2FFFF;
	_ =	strace $0x9FFFFFFF  }
0xd1: {  	(tm) =	ssettm $0x7FFFFFFF  }
tec
execute0_lowered:
.L_overlay_start_1:
0x0: {  	(tag) =	ssettag $0x1  }
0x1: {  	s1 =	srdreg.scid  }
0x2: {  	s0 =	stileid.u32;
	s1 =	sand.u32 $0x1, s1  }
0x3: {  	s3 =	sshll.u32 s0, $0xC;
	s4 =	sshll.u32 s1, $0xB  }
0x4: {  	s2 =	rddreg [dreg:$0x0];
	s4 =	sor.u32 s4, s3  }
0x5: {  	s5 =	rddreg [dreg:$0x1];
	s6 =	sshrl.u32 s4, $0x3  }
0x6: {  	s3 =	simm.s32 $0x0;
	s4 =	sshll.u32 s4, $0x4;
	s6 =	sadd.s32 s6, s5  }
0x7: {  	[smem:$0x7FF] =	sst s3;
	s30 =	sadd.s32 s4, s5;
	s16 =	sadd.s32 $0x9800, s6  }
0x8: {  	_ =	strace $0x80000053;
	s17 =	sadd.s32 $0x455800, s30;
	[dreg:$0x3] =	wrdreg s16  }
0x9: {  	s18 =	sadd.s32 $0x45C800, s30;
	[dreg:$0x4] =	wrdreg s17  }
0xa: {  	s19 =	sadd.s32 $0x45D000, s30;
	[dreg:$0x5] =	wrdreg s18  }
0xb: {  	s20 =	sadd.s32 $0x456000, s30;
	[dreg:$0x6] =	wrdreg s19  }
0xc: {  	s21 =	sadd.s32 $0x456800, s30;
	[dreg:$0x7] =	wrdreg s20  }
0xd: {  	s22 =	sadd.s32 $0x457000, s30;
	[dreg:$0x8] =	wrdreg s21  }
0xe: {  	s23 =	sadd.s32 $0x457800, s30;
	[dreg:$0x9] =	wrdreg s22  }
0xf: {  	s24 =	sadd.s32 $0x458000, s30;
	[dreg:$0xa] =	wrdreg s23  }
0x10: {  	s26 =	sadd.s32 $0x458800, s30;
	[dreg:$0xb] =	wrdreg s24  }
0x11: {  	[dreg:$0xc] =	wrdreg s26  }
0x12: {  	s4 =	simm.s32 $0x3;
	s25 =	rddreg [dreg:$0x3]  }
0x13: {  	[tilespmem:s3], [sflag:$0x3] =	stream.linear.gather [hbm4b:s25+s3], $0x800, $0x38;
	[tilespmem:$0x8800] =	vst v63  }
0x14: {  	_ =	swait.ge [sflag:s4], $0x800  }
0x15: {  	[sflag:s4] =	ssyncset.done $0x0  }
0x16: {  	s5 =	simm.s32 $0x80;
	s6 =	simm.s32 $0x800;
	[sflag:s4] =	ssyncadd.s32 $0xFFFFF800  }
0x17: {  	[tilespmem:s6], [sflag:$0x1] =	stream.indirect.gather [hbm4b:s2+s5], $0x80, s3, s5, $0xb8;
	[tilespmem:$0x8800] =	vst v63  }
0x18: {  	s7 =	simm.s32 $0x4800;
	s8 =	simm.s32 $0x1  }
0x19: {  	[tilespmem:s7], [sflag:$0x2] =	stream.indirect.gather [hbm4b:s2+s5], $0x80, s5, s5, $0xb8;
	[tilespmem:$0x8800] =	vst v63  }
0x1a: {  	_ =	swait.ge [sflag:s8], $0x4000  }
0x1b: {  	[sflag:s8] =	ssyncset.done $0x0  }
0x1c: {  	s9 =	rddreg [dreg:$0x4];
	[sflag:s8] =	ssyncadd.s32 $0xFFFFC000  }
0x1d: {  	[hbm4b:s9+s3] =	stream.linear.scatter [tilespmem:s6], [sflag:$0x3], $0x4000, $0x38;
	[tilespmem:$0x8800] =	vst v63  }
0x1e: {  	_ =	swait.ge [sflag:s4], $0x4000  }
0x1f: {  	[sflag:s4] =	ssyncset.done $0x0  }
0x20: {  	s10 =	simm.s32 $0x2;
	s9 =	simm.s32 $0x100;
	[sflag:s4] =	ssyncadd.s32 $0xFFFFC000  }
0x21: {  	[tilespmem:s6], [sflag:$0x1] =	stream.indirect.gather [hbm4b:s2+s5], $0x80, s9, s5, $0xb8;
	[tilespmem:$0x8800] =	vst v63  }
0x22: {  	_ =	swait.ge [sflag:s10], $0x4000  }
0x23: {  	[sflag:s10] =	ssyncset.done $0x0  }
0x24: {  	s11 =	rddreg [dreg:$0x7];
	[sflag:s10] =	ssyncadd.s32 $0xFFFFC000  }
0x25: {  	[hbm4b:s11+s3] =	stream.linear.scatter [tilespmem:s7], [sflag:$0x3], $0x4000, $0x38;
	[tilespmem:$0x8800] =	vst v63  }
0x26: {  	_ =	swait.ge [sflag:s4], $0x4000  }
0x27: {  	[sflag:s4] =	ssyncset.done $0x0  }
0x28: {  	s11 =	simm.s32 $0x180;
	[sflag:s4] =	ssyncadd.s32 $0xFFFFC000  }
0x29: {  	[tilespmem:s7], [sflag:$0x2] =	stream.indirect.gather [hbm4b:s2+s5], $0x80, s11, s5, $0xb8;
	[tilespmem:$0x8800] =	vst v63  }
0x2a: {  	_ =	swait.ge [sflag:s8], $0x4000  }
0x2b: {  	[sflag:s8] =	ssyncset.done $0x0  }
0x2c: {  	s12 =	rddreg [dreg:$0x8];
	[sflag:s8] =	ssyncadd.s32 $0xFFFFC000  }
0x2d: {  	[hbm4b:s12+s3] =	stream.linear.scatter [tilespmem:s6], [sflag:$0x3], $0x4000, $0x38;
	[tilespmem:$0x8800] =	vst v63  }
0x2e: {  	_ =	swait.ge [sflag:s4], $0x4000  }
0x2f: {  	[sflag:s4] =	ssyncset.done $0x0  }
0x30: {  	s12 =	simm.s32 $0x200;
	[sflag:s4] =	ssyncadd.s32 $0xFFFFC000  }
0x31: {  	[tilespmem:s6], [sflag:$0x1] =	stream.indirect.gather [hbm4b:s2+s5], $0x80, s12, s5, $0xb8;
	[tilespmem:$0x8800] =	vst v63  }
0x32: {  	_ =	swait.ge [sflag:s10], $0x4000  }
0x33: {  	[sflag:s10] =	ssyncset.done $0x0  }
0x34: {  	s13 =	rddreg [dreg:$0x9];
	[sflag:s10] =	ssyncadd.s32 $0xFFFFC000  }
0x35: {  	[hbm4b:s13+s3] =	stream.linear.scatter [tilespmem:s7], [sflag:$0x3], $0x4000, $0x38;
	[tilespmem:$0x8800] =	vst v63  }
0x36: {  	_ =	swait.ge [sflag:s4], $0x4000  }
0x37: {  	[sflag:s4] =	ssyncset.done $0x0  }
0x38: {  	s13 =	simm.s32 $0x280;
	[sflag:s4] =	ssyncadd.s32 $0xFFFFC000  }
0x39: {  	[tilespmem:s7], [sflag:$0x2] =	stream.indirect.gather [hbm4b:s2+s5], $0x80, s13, s5, $0xb8;
	[tilespmem:$0x8800] =	vst v63  }
0x3a: {  	_ =	swait.ge [sflag:s8], $0x4000  }
0x3b: {  	[sflag:s8] =	ssyncset.done $0x0  }
0x3c: {  	s14 =	rddreg [dreg:$0xa];
	[sflag:s8] =	ssyncadd.s32 $0xFFFFC000  }
0x3d: {  	[hbm4b:s14+s3] =	stream.linear.scatter [tilespmem:s6], [sflag:$0x3], $0x4000, $0x38;
	[tilespmem:$0x8800] =	vst v63  }
0x3e: {  	_ =	swait.ge [sflag:s4], $0x4000  }
0x3f: {  	[sflag:s4] =	ssyncset.done $0x0  }
0x40: {  	s14 =	simm.s32 $0x300;
	[sflag:s4] =	ssyncadd.s32 $0xFFFFC000  }
0x41: {  	[tilespmem:s6], [sflag:$0x1] =	stream.indirect.gather [hbm4b:s2+s5], $0x80, s14, s5, $0xb8;
	[tilespmem:$0x8800] =	vst v63  }
0x42: {  	_ =	swait.ge [sflag:s10], $0x4000  }
0x43: {  	[sflag:s10] =	ssyncset.done $0x0  }
0x44: {  	s15 =	rddreg [dreg:$0xb];
	[sflag:s10] =	ssyncadd.s32 $0xFFFFC000  }
0x45: {  	[hbm4b:s15+s3] =	stream.linear.scatter [tilespmem:s7], [sflag:$0x3], $0x4000, $0x38;
	[tilespmem:$0x8800] =	vst v63  }
0x46: {  	_ =	swait.ge [sflag:s4], $0x4000  }
0x47: {  	[sflag:s4] =	ssyncset.done $0x0  }
0x48: {  	s15 =	simm.s32 $0x380;
	[sflag:s4] =	ssyncadd.s32 $0xFFFFC000  }
0x49: {  	[tilespmem:s7], [sflag:$0x2] =	stream.indirect.gather [hbm4b:s2+s5], $0x80, s15, s5, $0xb8;
	[tilespmem:$0x8800] =	vst v63  }
0x4a: {  	_ =	swait.ge [sflag:s8], $0x4000  }
0x4b: {  	[sflag:s8] =	ssyncset.done $0x0  }
0x4c: {  	s16 =	rddreg [dreg:$0xc];
	[sflag:s8] =	ssyncadd.s32 $0xFFFFC000  }
0x4d: {  	[hbm4b:s16+s3] =	stream.linear.scatter [tilespmem:s6], [sflag:$0x3], $0x4000, $0x38;
	[tilespmem:$0x8800] =	vst v63  }
0x4e: {  	_ =	swait.ge [sflag:s4], $0x4000  }
0x4f: {  	[sflag:s4] =	ssyncset.done $0x0  }
0x50: {  	s16 =	simm.s32 $0x400;
	[sflag:s4] =	ssyncadd.s32 $0xFFFFC000  }
0x51: {  	[tilespmem:s6], [sflag:$0x1] =	stream.indirect.gather [hbm4b:s2+s5], $0x80, s16, s5, $0xb8;
	[tilespmem:$0x8800] =	vst v63  }
0x52: {  	_ =	swait.ge [sflag:s10], $0x4000  }
0x53: {  	[sflag:s10] =	ssyncset.done $0x0  }
0x54: {  	s17 =	sadd.s32 $0x459000, s30;
	[sflag:s10] =	ssyncadd.s32 $0xFFFFC000  }
0x55: {  	[hbm4b:s17+s3] =	stream.linear.scatter [tilespmem:s7], [sflag:$0x3], $0x4000, $0x38;
	[tilespmem:$0x8800] =	vst v63  }
0x56: {  	_ =	swait.ge [sflag:s4], $0x4000  }
0x57: {  	[sflag:s4] =	ssyncset.done $0x0  }
0x58: {  	s18 =	simm.s32 $0x480;
	[sflag:s4] =	ssyncadd.s32 $0xFFFFC000  }
0x59: {  	[tilespmem:s7], [sflag:$0x2] =	stream.indirect.gather [hbm4b:s2+s5], $0x80, s18, s5, $0xb8;
	[tilespmem:$0x8800] =	vst v63  }
0x5a: {  	_ =	swait.ge [sflag:s8], $0x4000  }
0x5b: {  	[sflag:s8] =	ssyncset.done $0x0  }
0x5c: {  	s19 =	sadd.s32 $0x459800, s30;
	[sflag:s8] =	ssyncadd.s32 $0xFFFFC000  }
0x5d: {  	[hbm4b:s19+s3] =	stream.linear.scatter [tilespmem:s6], [sflag:$0x3], $0x4000, $0x38;
	[tilespmem:$0x8800] =	vst v63  }
0x5e: {  	_ =	swait.ge [sflag:s4], $0x4000  }
0x5f: {  	[sflag:s4] =	ssyncset.done $0x0  }
0x60: {  	s20 =	simm.s32 $0x500;
	[sflag:s4] =	ssyncadd.s32 $0xFFFFC000  }
0x61: {  	[tilespmem:s6], [sflag:$0x1] =	stream.indirect.gather [hbm4b:s2+s5], $0x80, s20, s5, $0xb8;
	[tilespmem:$0x8800] =	vst v63  }
0x62: {  	_ =	swait.ge [sflag:s10], $0x4000  }
0x63: {  	[sflag:s10] =	ssyncset.done $0x0  }
0x64: {  	s21 =	sadd.s32 $0x45A000, s30;
	[sflag:s10] =	ssyncadd.s32 $0xFFFFC000  }
0x65: {  	[hbm4b:s21+s3] =	stream.linear.scatter [tilespmem:s7], [sflag:$0x3], $0x4000, $0x38;
	[tilespmem:$0x8800] =	vst v63  }
0x66: {  	_ =	swait.ge [sflag:s4], $0x4000  }
0x67: {  	[sflag:s4] =	ssyncset.done $0x0  }
0x68: {  	s22 =	simm.s32 $0x580;
	[sflag:s4] =	ssyncadd.s32 $0xFFFFC000  }
0x69: {  	[tilespmem:s7], [sflag:$0x2] =	stream.indirect.gather [hbm4b:s2+s5], $0x80, s22, s5, $0xb8;
	[tilespmem:$0x8800] =	vst v63  }
0x6a: {  	_ =	swait.ge [sflag:s8], $0x4000  }
0x6b: {  	[sflag:s8] =	ssyncset.done $0x0  }
0x6c: {  	s23 =	sadd.s32 $0x45A800, s30;
	[sflag:s8] =	ssyncadd.s32 $0xFFFFC000  }
0x6d: {  	[hbm4b:s23+s3] =	stream.linear.scatter [tilespmem:s6], [sflag:$0x3], $0x4000, $0x38;
	[tilespmem:$0x8800] =	vst v63  }
0x6e: {  	_ =	swait.ge [sflag:s4], $0x4000  }
0x6f: {  	[sflag:s4] =	ssyncset.done $0x0  }
0x70: {  	s24 =	simm.s32 $0x600;
	[sflag:s4] =	ssyncadd.s32 $0xFFFFC000  }
0x71: {  	[tilespmem:s6], [sflag:$0x1] =	stream.indirect.gather [hbm4b:s2+s5], $0x80, s24, s5, $0xb8;
	[tilespmem:$0x8800] =	vst v63  }
0x72: {  	_ =	swait.ge [sflag:s10], $0x4000  }
0x73: {  	[sflag:s10] =	ssyncset.done $0x0  }
0x74: {  	s25 =	sadd.s32 $0x45B000, s30;
	[sflag:s10] =	ssyncadd.s32 $0xFFFFC000  }
0x75: {  	[hbm4b:s25+s3] =	stream.linear.scatter [tilespmem:s7], [sflag:$0x3], $0x4000, $0x38;
	[tilespmem:$0x8800] =	vst v63  }
0x76: {  	_ =	swait.ge [sflag:s4], $0x4000  }
0x77: {  	[sflag:s4] =	ssyncset.done $0x0  }
0x78: {  	s26 =	simm.s32 $0x680;
	[sflag:s4] =	ssyncadd.s32 $0xFFFFC000  }
0x79: {  	[tilespmem:s7], [sflag:$0x2] =	stream.indirect.gather [hbm4b:s2+s5], $0x80, s26, s5, $0xb8;
	[tilespmem:$0x8800] =	vst v63  }
0x7a: {  	_ =	swait.ge [sflag:s8], $0x4000  }
0x7b: {  	[sflag:s8] =	ssyncset.done $0x0  }
0x7c: {  	s28 =	sadd.s32 $0x45B800, s30;
	[sflag:s8] =	ssyncadd.s32 $0xFFFFC000  }
0x7d: {  	[hbm4b:s28+s3] =	stream.linear.scatter [tilespmem:s6], [sflag:$0x3], $0x4000, $0x38;
	[tilespmem:$0x8800] =	vst v63  }
0x7e: {  	_ =	swait.ge [sflag:s4], $0x4000  }
0x7f: {  	[sflag:s4] =	ssyncset.done $0x0  }
0x80: {  	s29 =	simm.s32 $0x700;
	[sflag:s4] =	ssyncadd.s32 $0xFFFFC000  }
0x81: {  	[tilespmem:s6], [sflag:$0x1] =	stream.indirect.gather [hbm4b:s2+s5], $0x80, s29, s5, $0xb8;
	[tilespmem:$0x8800] =	vst v63  }
0x82: {  	_ =	swait.ge [sflag:s10], $0x4000  }
0x83: {  	[sflag:s10] =	ssyncset.done $0x0  }
0x84: {  	s30 =	sadd.s32 $0x45C000, s30;
	[sflag:s10] =	ssyncadd.s32 $0xFFFFC000  }
0x85: {  	[hbm4b:s30+s3] =	stream.linear.scatter [tilespmem:s7], [sflag:$0x3], $0x4000, $0x38;
	[tilespmem:$0x8800] =	vst v63  }
0x86: {  	_ =	swait.ge [sflag:s4], $0x4000  }
0x87: {  	[sflag:s4] =	ssyncset.done $0x0  }
0x88: {  	s31 =	simm.s32 $0x780;
	[sflag:s4] =	ssyncadd.s32 $0xFFFFC000  }
0x89: {  	[tilespmem:s7], [sflag:$0x2] =	stream.indirect.gather [hbm4b:s2+s5], $0x80, s31, s5, $0xb8;
	[tilespmem:$0x8800] =	vst v63  }
0x8a: {  	_ =	swait.ge [sflag:s8], $0x4000  }
0x8b: {  	[sflag:s8] =	ssyncset.done $0x0  }
0x8c: {  	s0 =	rddreg [dreg:$0x5];
	[sflag:s8] =	ssyncadd.s32 $0xFFFFC000  }
0x8d: {  	[hbm4b:s0+s3] =	stream.linear.scatter [tilespmem:s6], [sflag:$0x3], $0x4000, $0x38;
	[tilespmem:$0x8800] =	vst v63  }
0x8e: {  	_ =	swait.ge [sflag:s4], $0x4000  }
0x8f: {  	[sflag:s4] =	ssyncset.done $0x0  }
0x90: {  	[sflag:s4] =	ssyncadd.s32 $0xFFFFC000  }
0x91: {  	_ =	swait.ge [sflag:s10], $0x4000  }
0x92: {  	s0 =	ssub.s32 $0x2, s1;
	s1 =	rddreg [dreg:$0x6]  }
0x93: {  	[dreg:$0xd] =	wrdreg s1;
	s1 =	sshrl.u32 s0, $0x1  }
0x94: {  	s0 =	ssub.s32 s0, s1  }
0x95: {  	s0 =	smax.u32 s0, $0x1  }
0x96: {  	p0 =	sne.s32 s0, $0x1  }
.Ltmp0:
0x97: {  	_ = 	snop;
	(pc) =	sbr.rel @!p0 .LBB2_2-.Ltmp0, $4  }
0x98: {  	[sflag:s10] =	ssyncset.done $0x0  }
0x99: {  	[sflag:s10] =	ssyncadd.s32 $0xFFFFC000;
	s1 =	rddreg [dreg:$0xd]  }
0x9a: {  	[hbm4b:s1+s3] =	stream.linear.scatter [tilespmem:s7], [sflag:$0x3], $0x4000, $0x38;
	[tilespmem:$0x8800] =	vst v63  }
0x9b: {  	s1 =	sadd.s32 $0xFFFFFFFF, s0;
	_ =	swait.ge [sflag:s4], $0x4000  }
.LBB2_1:
0x9c: {  	[sflag:s4] =	ssyncset.done $0x0  }
0x9d: {  	s0 =	rddreg [dreg:$0x3];
	[sflag:s4] =	ssyncadd.s32 $0xFFFFC000  }
0x9e: {  	[tilespmem:s3], [sflag:$0x3] =	stream.linear.gather [hbm4b:s0+s3], $0x800, $0x38;
	[tilespmem:$0x8800] =	vst v63  }
0x9f: {  	_ =	swait.ge [sflag:s4], $0x800  }
0xa0: {  	[sflag:s4] =	ssyncset.done $0x0  }
0xa1: {  	[sflag:s4] =	ssyncadd.s32 $0xFFFFF800  }
0xa2: {  	[tilespmem:s6], [sflag:$0x1] =	stream.indirect.gather [hbm4b:s2+s5], $0x80, s3, s5, $0xb8;
	[tilespmem:$0x8800] =	vst v63  }
0xa3: {  	_ = 	snop  }
0xa4: {  	[tilespmem:s7], [sflag:$0x2] =	stream.indirect.gather [hbm4b:s2+s5], $0x80, s5, s5, $0xb8;
	[tilespmem:$0x8800] =	vst v63  }
0xa5: {  	_ =	swait.ge [sflag:s8], $0x4000  }
0xa6: {  	[sflag:s8] =	ssyncset.done $0x0  }
0xa7: {  	s0 =	rddreg [dreg:$0x4];
	[sflag:s8] =	ssyncadd.s32 $0xFFFFC000  }
0xa8: {  	[hbm4b:s0+s3] =	stream.linear.scatter [tilespmem:s6], [sflag:$0x3], $0x4000, $0x38;
	[tilespmem:$0x8800] =	vst v63  }
0xa9: {  	_ =	swait.ge [sflag:s4], $0x4000  }
0xaa: {  	[sflag:s4] =	ssyncset.done $0x0  }
0xab: {  	[sflag:s4] =	ssyncadd.s32 $0xFFFFC000  }
0xac: {  	[tilespmem:s6], [sflag:$0x1] =	stream.indirect.gather [hbm4b:s2+s5], $0x80, s9, s5, $0xb8;
	[tilespmem:$0x8800] =	vst v63  }
0xad: {  	_ =	swait.ge [sflag:s10], $0x4000  }
0xae: {  	[sflag:s10] =	ssyncset.done $0x0  }
0xaf: {  	s0 =	rddreg [dreg:$0x7];
	[sflag:s10] =	ssyncadd.s32 $0xFFFFC000  }
0xb0: {  	[hbm4b:s0+s3] =	stream.linear.scatter [tilespmem:s7], [sflag:$0x3], $0x4000, $0x38;
	[tilespmem:$0x8800] =	vst v63  }
0xb1: {  	_ =	swait.ge [sflag:s4], $0x4000  }
0xb2: {  	[sflag:s4] =	ssyncset.done $0x0  }
0xb3: {  	[sflag:s4] =	ssyncadd.s32 $0xFFFFC000  }
0xb4: {  	[tilespmem:s7], [sflag:$0x2] =	stream.indirect.gather [hbm4b:s2+s5], $0x80, s11, s5, $0xb8;
	[tilespmem:$0x8800] =	vst v63  }
0xb5: {  	_ =	swait.ge [sflag:s8], $0x4000  }
0xb6: {  	[sflag:s8] =	ssyncset.done $0x0  }
0xb7: {  	s0 =	rddreg [dreg:$0x8];
	[sflag:s8] =	ssyncadd.s32 $0xFFFFC000  }
0xb8: {  	[hbm4b:s0+s3] =	stream.linear.scatter [tilespmem:s6], [sflag:$0x3], $0x4000, $0x38;
	[tilespmem:$0x8800] =	vst v63  }
0xb9: {  	_ =	swait.ge [sflag:s4], $0x4000  }
0xba: {  	[sflag:s4] =	ssyncset.done $0x0  }
0xbb: {  	[sflag:s4] =	ssyncadd.s32 $0xFFFFC000  }
0xbc: {  	[tilespmem:s6], [sflag:$0x1] =	stream.indirect.gather [hbm4b:s2+s5], $0x80, s12, s5, $0xb8;
	[tilespmem:$0x8800] =	vst v63  }
0xbd: {  	_ =	swait.ge [sflag:s10], $0x4000  }
0xbe: {  	[sflag:s10] =	ssyncset.done $0x0  }
0xbf: {  	s0 =	rddreg [dreg:$0x9];
	[sflag:s10] =	ssyncadd.s32 $0xFFFFC000  }
0xc0: {  	[hbm4b:s0+s3] =	stream.linear.scatter [tilespmem:s7], [sflag:$0x3], $0x4000, $0x38;
	[tilespmem:$0x8800] =	vst v63  }
0xc1: {  	_ =	swait.ge [sflag:s4], $0x4000  }
0xc2: {  	[sflag:s4] =	ssyncset.done $0x0  }
0xc3: {  	[sflag:s4] =	ssyncadd.s32 $0xFFFFC000  }
0xc4: {  	[tilespmem:s7], [sflag:$0x2] =	stream.indirect.gather [hbm4b:s2+s5], $0x80, s13, s5, $0xb8;
	[tilespmem:$0x8800] =	vst v63  }
0xc5: {  	_ =	swait.ge [sflag:s8], $0x4000  }
0xc6: {  	[sflag:s8] =	ssyncset.done $0x0  }
0xc7: {  	s0 =	rddreg [dreg:$0xa];
	[sflag:s8] =	ssyncadd.s32 $0xFFFFC000  }
0xc8: {  	[hbm4b:s0+s3] =	stream.linear.scatter [tilespmem:s6], [sflag:$0x3], $0x4000, $0x38;
	[tilespmem:$0x8800] =	vst v63  }
0xc9: {  	_ =	swait.ge [sflag:s4], $0x4000  }
0xca: {  	[sflag:s4] =	ssyncset.done $0x0  }
0xcb: {  	[sflag:s4] =	ssyncadd.s32 $0xFFFFC000  }
0xcc: {  	[tilespmem:s6], [sflag:$0x1] =	stream.indirect.gather [hbm4b:s2+s5], $0x80, s14, s5, $0xb8;
	[tilespmem:$0x8800] =	vst v63  }
0xcd: {  	_ =	swait.ge [sflag:s10], $0x4000  }
0xce: {  	[sflag:s10] =	ssyncset.done $0x0  }
0xcf: {  	s0 =	rddreg [dreg:$0xb];
	[sflag:s10] =	ssyncadd.s32 $0xFFFFC000  }
0xd0: {  	[hbm4b:s0+s3] =	stream.linear.scatter [tilespmem:s7], [sflag:$0x3], $0x4000, $0x38;
	[tilespmem:$0x8800] =	vst v63  }
0xd1: {  	_ =	swait.ge [sflag:s4], $0x4000  }
0xd2: {  	[sflag:s4] =	ssyncset.done $0x0  }
0xd3: {  	[sflag:s4] =	ssyncadd.s32 $0xFFFFC000  }
0xd4: {  	[tilespmem:s7], [sflag:$0x2] =	stream.indirect.gather [hbm4b:s2+s5], $0x80, s15, s5, $0xb8;
	[tilespmem:$0x8800] =	vst v63  }
0xd5: {  	_ =	swait.ge [sflag:s8], $0x4000  }
0xd6: {  	[sflag:s8] =	ssyncset.done $0x0  }
0xd7: {  	s0 =	rddreg [dreg:$0xc];
	[sflag:s8] =	ssyncadd.s32 $0xFFFFC000  }
0xd8: {  	[hbm4b:s0+s3] =	stream.linear.scatter [tilespmem:s6], [sflag:$0x3], $0x4000, $0x38;
	[tilespmem:$0x8800] =	vst v63  }
0xd9: {  	_ =	swait.ge [sflag:s4], $0x4000  }
0xda: {  	[sflag:s4] =	ssyncset.done $0x0  }
0xdb: {  	[sflag:s4] =	ssyncadd.s32 $0xFFFFC000  }
0xdc: {  	[tilespmem:s6], [sflag:$0x1] =	stream.indirect.gather [hbm4b:s2+s5], $0x80, s16, s5, $0xb8;
	[tilespmem:$0x8800] =	vst v63  }
0xdd: {  	_ =	swait.ge [sflag:s10], $0x4000  }
0xde: {  	[sflag:s10] =	ssyncset.done $0x0  }
0xdf: {  	[sflag:s10] =	ssyncadd.s32 $0xFFFFC000  }
0xe0: {  	[hbm4b:s17+s3] =	stream.linear.scatter [tilespmem:s7], [sflag:$0x3], $0x4000, $0x38;
	[tilespmem:$0x8800] =	vst v63  }
0xe1: {  	_ =	swait.ge [sflag:s4], $0x4000  }
0xe2: {  	[sflag:s4] =	ssyncset.done $0x0  }
0xe3: {  	[sflag:s4] =	ssyncadd.s32 $0xFFFFC000  }
0xe4: {  	[tilespmem:s7], [sflag:$0x2] =	stream.indirect.gather [hbm4b:s2+s5], $0x80, s18, s5, $0xb8;
	[tilespmem:$0x8800] =	vst v63  }
0xe5: {  	_ =	swait.ge [sflag:s8], $0x4000  }
0xe6: {  	[sflag:s8] =	ssyncset.done $0x0  }
0xe7: {  	[sflag:s8] =	ssyncadd.s32 $0xFFFFC000  }
0xe8: {  	[hbm4b:s19+s3] =	stream.linear.scatter [tilespmem:s6], [sflag:$0x3], $0x4000, $0x38;
	[tilespmem:$0x8800] =	vst v63  }
0xe9: {  	_ =	swait.ge [sflag:s4], $0x4000  }
0xea: {  	[sflag:s4] =	ssyncset.done $0x0  }
0xeb: {  	[sflag:s4] =	ssyncadd.s32 $0xFFFFC000  }
0xec: {  	[tilespmem:s6], [sflag:$0x1] =	stream.indirect.gather [hbm4b:s2+s5], $0x80, s20, s5, $0xb8;
	[tilespmem:$0x8800] =	vst v63  }
0xed: {  	_ =	swait.ge [sflag:s10], $0x4000  }
0xee: {  	[sflag:s10] =	ssyncset.done $0x0  }
0xef: {  	[sflag:s10] =	ssyncadd.s32 $0xFFFFC000  }
0xf0: {  	[hbm4b:s21+s3] =	stream.linear.scatter [tilespmem:s7], [sflag:$0x3], $0x4000, $0x38;
	[tilespmem:$0x8800] =	vst v63  }
0xf1: {  	_ =	swait.ge [sflag:s4], $0x4000  }
0xf2: {  	[sflag:s4] =	ssyncset.done $0x0  }
0xf3: {  	[sflag:s4] =	ssyncadd.s32 $0xFFFFC000  }
0xf4: {  	[tilespmem:s7], [sflag:$0x2] =	stream.indirect.gather [hbm4b:s2+s5], $0x80, s22, s5, $0xb8;
	[tilespmem:$0x8800] =	vst v63  }
0xf5: {  	_ =	swait.ge [sflag:s8], $0x4000  }
0xf6: {  	[sflag:s8] =	ssyncset.done $0x0  }
0xf7: {  	[sflag:s8] =	ssyncadd.s32 $0xFFFFC000  }
0xf8: {  	[hbm4b:s23+s3] =	stream.linear.scatter [tilespmem:s6], [sflag:$0x3], $0x4000, $0x38;
	[tilespmem:$0x8800] =	vst v63  }
0xf9: {  	_ =	swait.ge [sflag:s4], $0x4000  }
0xfa: {  	[sflag:s4] =	ssyncset.done $0x0  }
0xfb: {  	[sflag:s4] =	ssyncadd.s32 $0xFFFFC000  }
0xfc: {  	[tilespmem:s6], [sflag:$0x1] =	stream.indirect.gather [hbm4b:s2+s5], $0x80, s24, s5, $0xb8;
	[tilespmem:$0x8800] =	vst v63  }
0xfd: {  	_ =	swait.ge [sflag:s10], $0x4000  }
0xfe: {  	[sflag:s10] =	ssyncset.done $0x0  }
0xff: {  	[sflag:s10] =	ssyncadd.s32 $0xFFFFC000  }
0x100: {  	[hbm4b:s25+s3] =	stream.linear.scatter [tilespmem:s7], [sflag:$0x3], $0x4000, $0x38;
	[tilespmem:$0x8800] =	vst v63  }
0x101: {  	_ =	swait.ge [sflag:s4], $0x4000  }
0x102: {  	[sflag:s4] =	ssyncset.done $0x0  }
0x103: {  	[sflag:s4] =	ssyncadd.s32 $0xFFFFC000  }
0x104: {  	[tilespmem:s7], [sflag:$0x2] =	stream.indirect.gather [hbm4b:s2+s5], $0x80, s26, s5, $0xb8;
	[tilespmem:$0x8800] =	vst v63  }
0x105: {  	_ =	swait.ge [sflag:s8], $0x4000  }
0x106: {  	[sflag:s8] =	ssyncset.done $0x0  }
0x107: {  	[sflag:s8] =	ssyncadd.s32 $0xFFFFC000  }
0x108: {  	[hbm4b:s28+s3] =	stream.linear.scatter [tilespmem:s6], [sflag:$0x3], $0x4000, $0x38;
	[tilespmem:$0x8800] =	vst v63  }
0x109: {  	_ =	swait.ge [sflag:s4], $0x4000  }
0x10a: {  	[sflag:s4] =	ssyncset.done $0x0  }
0x10b: {  	[sflag:s4] =	ssyncadd.s32 $0xFFFFC000  }
0x10c: {  	[tilespmem:s6], [sflag:$0x1] =	stream.indirect.gather [hbm4b:s2+s5], $0x80, s29, s5, $0xb8;
	[tilespmem:$0x8800] =	vst v63  }
0x10d: {  	_ =	swait.ge [sflag:s10], $0x4000  }
0x10e: {  	[sflag:s10] =	ssyncset.done $0x0  }
0x10f: {  	[sflag:s10] =	ssyncadd.s32 $0xFFFFC000  }
0x110: {  	[hbm4b:s30+s3] =	stream.linear.scatter [tilespmem:s7], [sflag:$0x3], $0x4000, $0x38;
	[tilespmem:$0x8800] =	vst v63  }
0x111: {  	_ =	swait.ge [sflag:s4], $0x4000  }
0x112: {  	[sflag:s4] =	ssyncset.done $0x0  }
0x113: {  	[sflag:s4] =	ssyncadd.s32 $0xFFFFC000  }
0x114: {  	[tilespmem:s7], [sflag:$0x2] =	stream.indirect.gather [hbm4b:s2+s5], $0x80, s31, s5, $0xb8;
	[tilespmem:$0x8800] =	vst v63  }
0x115: {  	_ =	swait.ge [sflag:s8], $0x4000  }
0x116: {  	[sflag:s8] =	ssyncset.done $0x0  }
0x117: {  	s0 =	rddreg [dreg:$0x5];
	[sflag:s8] =	ssyncadd.s32 $0xFFFFC000  }
0x118: {  	[hbm4b:s0+s3] =	stream.linear.scatter [tilespmem:s6], [sflag:$0x3], $0x4000, $0x38;
	[tilespmem:$0x8800] =	vst v63  }
0x119: {  	_ =	swait.ge [sflag:s4], $0x4000  }
0x11a: {  	[sflag:s4] =	ssyncset.done $0x0  }
0x11b: {  	p0 =	sne.s32 s1, $0x1;
	[sflag:s4] =	ssyncadd.s32 $0xFFFFC000  }
.Ltmp1:
0x11c: {  	_ =	swait.ge [sflag:s10], $0x4000;
	(pc) =	sbr.rel @p0 .LBB2_1-.Ltmp1, $4  }
0x11d: {  	[sflag:s10] =	ssyncset.done $0x0  }
0x11e: {  	s0 =	rddreg [dreg:$0x6];
	[sflag:s10] =	ssyncadd.s32 $0xFFFFC000  }
0x11f: {  	[hbm4b:s0+s3] =	stream.linear.scatter [tilespmem:s7], [sflag:$0x3], $0x4000, $0x38;
	[tilespmem:$0x8800] =	vst v63  }
0x120: {  	s1 =	sadd.s32 $0xFFFFFFFF, s1;
	_ =	swait.ge [sflag:s4], $0x4000  }
.LBB2_2:
0x121: {  	[sflag:s4] =	ssyncset.done $0x0  }
0x122: {  	[sflag:s4] =	ssyncadd.s32 $0xFFFFC000  }
0x123: {  	_ =	sfence.sel $0x180000  }
0x124: {  	[bflag:$0x0] =	sbarrier.arrive $0xFFFF  }
0x125: {  	_ =	strace $0x90000053  }
0x126: {  	s0 =	stileid.u32;
	[bflag:$0x2] =	sbarrier.arrive $0xFFFF  }
0x127: {  	p0 =	sne.s32 s0, $0x0;
	s0 =	rddreg [dreg:$0x2]  }
0x128: {  	s0 =	sadd.s32 @!p0 $0x100000, s0  }
0x129: {  	[sflag:s0] =	ssyncadd.tile.s32 @!p0 $0x1;
	_ =	shalt  }
.Lfunc_end2:
_tile_overlayer_lowered:
.L_overlay_start_2:
0x12a: {  	(tag) =	ssettag $0x2  }
0x12b: {  	s0 =	rddreg [dreg:$0x0];
	s2 =	stileid.u32  }
0x12c: {  	s1 =	rddreg [dreg:$0x1];
	p0 =	sne.s32 s2, $0x0  }
0x12d: {  	s3 =	rddreg [dreg:$0x2];
	[bflag:$0x3] =	sbarrier.arrive $0xFFFF;
	s2 =	simm.s32 @!p0 $0x1C03  }
0x12e: {  	[timem:s3], [sflag:s2] =	dma.local @!p0 [hbm:s0], s1  }
0x12f: {  	s0 =	simm.s32 @!p0 $0x3  }
0x130: {  	_ =	swait.ge @!p0 [sflag:s0], s1  }
0x131: {  	s1 =	ssub.s32 @!p0 $0x0, s1;
	[sflag:s0] =	ssyncset.done @!p0 $0x0  }
0x132: {  	[sflag:s0] =	ssyncadd.s32 @!p0 s1  }
0x133: {  	[bflag:$0x3] =	sbarrier.arrive $0xFFFF  }
0x134: {  	_ =	shalt  }

// kernel: kernel.28.cloned.1.call-start
scs
__scs_entry_jumppad:
0x0: {  	(pc) =	sbr.rel $0x88, $3  }
0x1: {  	(tag) =	ssettag $0x0;
	lr =	simm.s32 $0x1  }
0x2: {  	[smem:$0x3F99] =	sst lr;
	_ =	strace $0xD0000000  }
0x3: {  	_ = 	snop  }
0x4: {  	_ = 	snop  }
0x5: {  	_ = 	snop  }
0x6: {  	_ = 	snop  }
0x7: {  	_ = 	snop  }
__scs_overlays_trampoline_lowered:
0x8: {  	[smem:$0x3FA8] =	sst s0  }
0x9: {  	[smem:$0x3FA9] =	sst s1  }
0xa: {  	[smem:$0x3FAA] =	sst s2  }
0xb: {  	[smem:$0x3FAB] =	sst s3  }
0xc: {  	[smem:$0x3FAC] =	sst s4  }
0xd: {  	[smem:$0x3FAD] =	sst s5  }
0xe: {  	[smem:$0x3FAE] =	sst s6  }
0xf: {  	[smem:$0x3FAF] =	sst s7  }
0x10: {  	[smem:$0x3FB0] =	sst s8  }
0x11: {  	[smem:$0x3FB1] =	sst s9;
	s0 =	simm.s32 @!p0 $0x0  }
0x12: {  	s1 =	sld [smem:$0x3F97];
	s0 =	simm.s32 @p0 $0x1  }
0x13: {  	[smem:$0x3FB2] =	sst s0;
	s0 =	simm.s32 @!p1 $0x0  }
0x14: {  	s2 =	sld [smem:$0x3F96];
	s0 =	simm.s32 @p1 $0x1  }
0x15: {  	[smem:$0x3FB3] =	sst s0;
	s0 =	simm.s32 @!p2 $0x0  }
0x16: {  	s3 =	sld [smem:$0x3FDB];
	s0 =	simm.s32 @p2 $0x1  }
0x17: {  	s4 =	simm.s32 $0x1BF5;
	[smem:$0x3FB5] =	sst s0  }
0x18: {  	s0 =	sld [smem:$0x3F98];
	_ =	swait.ge [sflag:s4], $0x0  }
0x19: {  	s7 =	sld [smem:$0x3F99]  }
0x1a: {  	s8 =	sadd.s32 $0xFFFFE003, lr  }
0x1b: {  	s9 =	sadd.s32 $0xFFFFFEF7, lr;
	s5 =	simm.s32 $0xFFFFFFFF;
	p2 =	slt.u32 s8, $0xFFFFF086  }
0x1c: {  	p1 =	slt.u32 s9, $0xF7A;
	s5 =	simm.s32 @!p2 $0x0  }
0x1d: {  	s5 =	simm.s32 @p1 $0x1;
	p0 =	seq.s32 s7, s2  }
0x1e: {  	s7 =	smul.u32 @!p0 $0xF7A, s2;
	p2 =	seq.s32 @!p0 s5, $0x0  }
0x1f: {  	s9 =	smul.u32 $0xF7A, s1;
	s8 =	simm.s32 @!p0 $0x1BF5;
	p2 =	por !p2, p0  }
0x20: {  	[sflag:s8] =	ssyncset.s32 @!p0 $0xFFFFF086;
	s6 =	sadd.s32 @!p0 s3, s7;
	s7 =	simm.s32 @!p0 $0x108  }
0x21: {  	s3 =	sadd.s32 s3, s9;
	s6 =	sadd.s32 @!p0 $0x88, s6;
	s7 =	simm.s32 @p2 $0x1082  }
0x22: {  	[simem:s7], [sflag:s8] =	dma.local @!p0 [hbm:s6], $0xF7A  }
0x23: {  	s9 =	sor.u32 $0xD0000000, s2;
	s6 =	simm.s32 $0x108;
	_ =	swait.ge @!p0 [sflag:s8], $0x0  }
0x24: {  	s3 =	sadd.s32 $0x88, s3;
	s6 =	simm.s32 @!p1 $0x1082;
	[sflag:s4] =	ssyncset.s32 $0xFFFFF086  }
0x25: {  	[simem:s6], [sflag:s4] =	dma.local [hbm:s3], $0xF7A  }
0x26: {  	[smem:$0x3F99] =	sst s1;
	(tag) =	ssettag s2;
	_ =	strace s9  }
0x27: {  	s1 =	sld [smem:$0x3FA9]  }
0x28: {  	s2 =	sld [smem:$0x3FAA]  }
0x29: {  	s4 =	sld [smem:$0x3FAC]  }
0x2a: {  	p0 =	seq.s32 s5, $0x0;
	s5 =	sld [smem:$0x3FAD]  }
0x2b: {  	s6 =	sld [smem:$0x3FAE]  }
0x2c: {  	s7 =	sld [smem:$0x3FAF]  }
0x2d: {  	s3 =	simm.s32 $0x108;
	s8 =	sld [smem:$0x3FB0]  }
0x2e: {  	s3 =	simm.s32 @!p0 $0x1082;
	s9 =	sld [smem:$0x3FB1]  }
0x2f: {  	lr =	sadd.s32 s0, s3;
	s0 =	sld [smem:$0x3FA8]  }
0x30: {  	s3 =	sld [smem:$0x3FAB]  }
0x31: {  	[smem:$0x3FB4] =	sst s10  }
0x32: {  	s10 =	sld [smem:$0x3FB2];
	_ =	sdelay $0x3  }
0x33: {  	p0 =	seq.s32 s10, $0x1;
	s10 =	sld [smem:$0x3FB4];
	_ =	sdelay $0x3  }
0x34: {  	[smem:$0x3FB4] =	sst s10  }
0x35: {  	s10 =	sld [smem:$0x3FB3];
	_ =	sdelay $0x3  }
0x36: {  	p1 =	seq.s32 s10, $0x1;
	s10 =	sld [smem:$0x3FB4];
	_ =	sdelay $0x3  }
0x37: {  	[smem:$0x3FB4] =	sst s10  }
0x38: {  	s10 =	sld [smem:$0x3FB5]  }
0x39: {  	_ = 	snop;
	(pc) =	sbr.ind lr, $3  }
0x3a: {  	_ = 	snop  }
0x3b: {  	_ = 	snop  }
0x3c: {  	p2 =	seq.s32 s10, $0x1;
	s10 =	sld [smem:$0x3FB4]  }
0x3d: {  	_ =	shalt  }
0x3e: {  	_ =	shalt  }
0x3f: {  	_ =	shalt  }
0x40: {  	_ =	shalt  }
0x41: {  	_ =	shalt  }
0x42: {  	_ =	shalt  }
0x43: {  	_ =	shalt  }
0x44: {  	_ =	shalt  }
0x45: {  	_ =	shalt  }
0x46: {  	_ =	shalt  }
0x47: {  	_ =	shalt  }
0x48: {  	_ =	shalt  }
0x49: {  	_ =	shalt  }
0x4a: {  	_ =	shalt  }
0x4b: {  	_ =	shalt  }
0x4c: {  	_ =	shalt  }
0x4d: {  	_ =	shalt  }
0x4e: {  	_ =	shalt  }
0x4f: {  	_ =	shalt  }
0x50: {  	_ =	shalt  }
0x51: {  	_ =	shalt  }
0x52: {  	_ =	shalt  }
0x53: {  	_ =	shalt  }
0x54: {  	_ =	shalt  }
0x55: {  	_ =	shalt  }
0x56: {  	_ =	shalt  }
0x57: {  	_ =	shalt  }
0x58: {  	_ =	shalt  }
0x59: {  	_ =	shalt  }
0x5a: {  	_ =	shalt  }
0x5b: {  	_ =	shalt  }
0x5c: {  	_ =	shalt  }
0x5d: {  	_ =	shalt  }
0x5e: {  	_ =	shalt  }
0x5f: {  	_ =	shalt  }
0x60: {  	_ =	shalt  }
0x61: {  	_ =	shalt  }
0x62: {  	_ =	shalt  }
0x63: {  	_ =	shalt  }
0x64: {  	_ =	shalt  }
0x65: {  	_ =	shalt  }
0x66: {  	_ =	shalt  }
0x67: {  	_ =	shalt  }
0x68: {  	_ =	shalt  }
0x69: {  	_ =	shalt  }
0x6a: {  	_ =	shalt  }
0x6b: {  	_ =	shalt  }
0x6c: {  	_ =	shalt  }
0x6d: {  	_ =	shalt  }
0x6e: {  	_ =	shalt  }
0x6f: {  	_ =	shalt  }
0x70: {  	_ =	shalt  }
0x71: {  	_ =	shalt  }
0x72: {  	_ =	shalt  }
0x73: {  	_ =	shalt  }
0x74: {  	_ =	shalt  }
0x75: {  	_ =	shalt  }
0x76: {  	_ =	shalt  }
0x77: {  	_ =	shalt  }
0x78: {  	_ =	shalt  }
0x79: {  	_ =	shalt  }
0x7a: {  	_ =	shalt  }
0x7b: {  	_ =	shalt  }
0x7c: {  	_ =	shalt  }
0x7d: {  	_ =	shalt  }
0x7e: {  	_ =	shalt  }
0x7f: {  	_ =	shalt  }
0x80: {  	_ =	shalt  }
0x81: {  	_ =	shalt  }
0x82: {  	_ =	shalt  }
0x83: {  	_ =	shalt  }
0x84: {  	_ =	shalt  }
0x85: {  	_ =	shalt  }
0x86: {  	_ =	shalt  }
0x87: {  	_ =	shalt  }
.Lfunc_end0:
.L_simem_size_0:
called_computation.3_lowered:
.L_overlay_start_0:
0x88: {  	s2 =	sld [smem:$0x3FD9]  }
0x89: {  	s3 =	sld [smem:$0x3FFE];
	_ =	sdelay $0x1  }
0x8a: {  	s1 =	srdreg.scid  }
0x8b: {  	s0 =	sand.u32 $0x1, s1  }
0x8c: {  	s17 =	sshll.u32 s0, $0xA;
	s2 =	sadd.s32 s3, s2  }
0x8d: {  	s2 =	sadd.s32 s2, s17  }
0x8e: {  	[smem:$0x3FC0] =	sst s2  }
0x8f: {  	_ = 	snop  }
0x90: {  	s18 =	sld [smem:$0x3FD0];
	(tm) =	ssettm $0x1  }
0x91: {  	s19 =	sld [smem:$0x3FFB];
	_ =	sdelay $0x3  }
0x92: {  	_ =	strace s19  }
0x93: {  	s2 =	sld [smem:$0x3FFC];
	_ =	sdelay $0x3  }
0x94: {  	_ =	strace s2  }
0x95: {  	s2 =	sld [smem:$0x3FFD];
	_ =	sdelay $0x3  }
0x96: {  	_ =	strace s2  }
0x97: {  	_ =	strace $0x8FFFFFFF  }
0x98: {  	s20 =	sld [smem:$0x3FDB];
	_ =	sdelay $0x1  }
0x99: {  	s4 =	simm.s32 $_scs_section_size  }
0x9a: {  	s5 =	simm.s32 $_size__tile_overlayer_lowered;
	s6 =	simm.s32 $_tile_overlayer_lowered  }
0x9b: {  	s7 =	simm.s32 $0x1BFF;
	s21 =	sshll.u32 s6, $0x1;
	s4 =	sadd.s32 s4, s20  }
0x9c: {  	s22 =	simm.s32 $0x0;
	s5 =	sshll.u32 s5, $0x1;
	s6 =	sadd.s32 s21, s4  }
0x9d: {  	[timem:s22], [sflag:s7] =	dma.local [hbm:s6], s5  }
0x9e: {  	_ =	swait.ge [sflag:s7], s5  }
0x9f: {  	s5 =	ssub.s32 $0x0, s5;
	[sflag:s7] =	ssyncset.done $0x0  }
0xa0: {  	[sflag:s7] =	ssyncadd.s32 s5;
	_ =	sdelay $0x1  }
0xa1: {  	s23 =	simm.s32 $0x1B8B  }
0xa2: {  	_ =	swait.ge [sflag:s23], $0x1  }
0xa3: {  	[sflag:s23] =	ssyncset.done $0x0  }
0xa4: {  	[sflag:s23] =	ssyncadd.s32 $0xFFFFFFFF  }
0xa5: {  	s5 =	sld [smem:$0x0]  }
0xa6: {  	s6 =	sand.u32 $0xFFFFFFFE, s1  }
0xa7: {  	p0 =	sne.s32 s1, s6  }
0xa8: {  	s6 =	sshll.u32 @p0 s6, $0xE  }
0xa9: {  	s6 =	sadd.s32 @p0 $0x11B8D, s6;
	s7 =	sshll.u32 @p0 s5, $0x11  }
0xaa: {  	s6 =	sor.u32 @p0 s7, s6  }
0xab: {  	[sflag:s6] =	ssyncadd.remote.s32 @p0 $0x1;
	_ =	sdelay $0x1  }
0xac: {  	s6 =	simm.s32 @p0 $0x1B8D  }
0xad: {  	_ =	swait.eq @p0 [sflag:s6], $0x1  }
0xae: {  	[sflag:s6] =	ssyncadd.s32 @p0 $0xFFFFFFFF  }
0xaf: {  	s7 =	sshll.u32 @!p0 s1, $0xE  }
0xb0: {  	s7 =	sor.u32 @!p0 $0x4000, s7;
	s6 =	simm.s32 @!p0 $0x1B8D  }
0xb1: {  	s5 =	sshll.u32 @!p0 s5, $0x11;
	s7 =	sadd.s32 @!p0 $0x11B8D, s7;
	_ =	swait.eq @!p0 [sflag:s6], $0x1  }
0xb2: {  	s5 =	sor.u32 @!p0 s5, s7;
	[sflag:s6] =	ssyncadd.s32 @!p0 $0xFFFFFFFF  }
0xb3: {  	s25 =	simm.s32 $0x1B8E;
	s24 =	sld [smem:$0x3FFE];
	[sflag:s5] =	ssyncadd.remote.s32 @!p0 $0x1  }
0xb4: {  	s26 =	simm.s32 $execute0_lowered;
	[smem:$0x3FD2] =	sst s25  }
0xb5: {  	s6 =	sshll.u32 s26, $0x1;
	_ =	strace $0x8000004F;
	[dreg:$0x1] =	wrdreg $0xFFFFFFFF  }
0xb6: {  	s28 =	simm.s32 $_size_execute0_lowered;
	s4 =	sadd.s32 s4, s6;
	[dreg:$0x0] =	wrdreg $0x0  }
0xb7: {  	s6 =	sshll.u32 s28, $0x1;
	[dreg:$0x2] =	wrdreg s4  }
0xb8: {  	[dreg:$0x3] =	wrdreg s6  }
0xb9: {  	[dreg:$0x4] =	wrdreg $0xC0  }
0xba: {  	_ =	task [dreg:s22], $0x5FFFF  }
0xbb: {  	[dreg:$0x1] =	wrdreg $0xFFFFFFFF  }
0xbc: {  	[dreg:$0x0] =	wrdreg $0x60  }
0xbd: {  	[dreg:$0x2] =	wrdreg s18  }
0xbe: {  	[dreg:$0x3] =	wrdreg s24  }
0xbf: {  	[dreg:$0x4] =	wrdreg $0xC  }
0xc0: {  	_ =	task.clear_ibuf [dreg:s22], $0x5FFFF;
	_ =	strace $0x9000004F  }
0xc1: {  	s29 =	simm.s32 $0xC;
	_ =	strace $0x80000051  }
0xc2: {  	_ =	swait.ge [sflag:s29], $0x1  }
0xc3: {  	[sflag:s29] =	ssyncadd.s32 $0xFFFFFFFF  }
0xc4: {  	_ =	strace $0x90000051  }
0xc5: {  	_ =	sfence  }
0xc6: {  	s30 =	sld [smem:$0x0];
	_ =	sdelay $0x2  }
0xc7: {  	s31 =	sshll.u32 s1, $0xD;
	s1 =	sshrl.u32 s1, $0x2  }
0xc8: {  	s4 =	sand.u32 $0x4000, s31;
	s1 =	sadd.s32 s1, s30  }
0xc9: {  	s0 =	sor.u32 s4, s0;
	s1 =	sshll.u32 s1, $0x11  }
0xca: {  	s0 =	sor.u32 s1, s0  }
0xcb: {  	s0 =	sadd.s32 $0x8F2B, s0  }
0xcc: {  	[sflag:s0] =	ssyncadd.remote.s32 $0x1  }
0xcd: {  	_ =	sfence.sel $0xFFFF  }
0xce: {  	[dreg:$0x0] =	wrdreg $0xFFFFFFFF;
	(pc) =	sbr.abs _section_cstart, $3  }
0xcf: {  	[dreg:$0x1] =	wrdreg $0xFFFFFFFF  }
0xd0: {  	_ =	task.clear_ibuf [dreg:s22], $0x2FFFF;
	_ =	strace $0x9FFFFFFF  }
0xd1: {  	(tm) =	ssettm $0x7FFFFFFF  }
tec
execute0_lowered:
.L_overlay_start_1:
0x0: {  	(tag) =	ssettag $0x1  }
0x1: {  	s1 =	srdreg.scid  }
0x2: {  	s0 =	stileid.u32;
	s1 =	sand.u32 $0x1, s1  }
0x3: {  	s3 =	sshll.u32 s0, $0xC;
	s4 =	sshll.u32 s1, $0xB  }
0x4: {  	s2 =	rddreg [dreg:$0x0];
	s4 =	sor.u32 s4, s3  }
0x5: {  	s5 =	rddreg [dreg:$0x1];
	s6 =	sshrl.u32 s4, $0x3  }
0x6: {  	s3 =	simm.s32 $0x0;
	s4 =	sshll.u32 s4, $0x4;
	s6 =	sadd.s32 s6, s5  }
0x7: {  	[smem:$0x7FF] =	sst s3;
	s30 =	sadd.s32 s4, s5;
	s16 =	sadd.s32 $0xB800, s6  }
0x8: {  	_ =	strace $0x80000050;
	s17 =	sadd.s32 $0x355800, s30;
	[dreg:$0x3] =	wrdreg s16  }
0x9: {  	s18 =	sadd.s32 $0x35C800, s30;
	[dreg:$0x4] =	wrdreg s17  }
0xa: {  	s19 =	sadd.s32 $0x35D000, s30;
	[dreg:$0x5] =	wrdreg s18  }
0xb: {  	s20 =	sadd.s32 $0x356000, s30;
	[dreg:$0x6] =	wrdreg s19  }
0xc: {  	s21 =	sadd.s32 $0x356800, s30;
	[dreg:$0x7] =	wrdreg s20  }
0xd: {  	s22 =	sadd.s32 $0x357000, s30;
	[dreg:$0x8] =	wrdreg s21  }
0xe: {  	s23 =	sadd.s32 $0x357800, s30;
	[dreg:$0x9] =	wrdreg s22  }
0xf: {  	s24 =	sadd.s32 $0x358000, s30;
	[dreg:$0xa] =	wrdreg s23  }
0x10: {  	s26 =	sadd.s32 $0x358800, s30;
	[dreg:$0xb] =	wrdreg s24  }
0x11: {  	[dreg:$0xc] =	wrdreg s26  }
0x12: {  	s4 =	simm.s32 $0x3;
	s25 =	rddreg [dreg:$0x3]  }
0x13: {  	[tilespmem:s3], [sflag:$0x3] =	stream.linear.gather [hbm4b:s25+s3], $0x800, $0x38;
	[tilespmem:$0x8800] =	vst v63  }
0x14: {  	_ =	swait.ge [sflag:s4], $0x800  }
0x15: {  	[sflag:s4] =	ssyncset.done $0x0  }
0x16: {  	s5 =	simm.s32 $0x80;
	s6 =	simm.s32 $0x800;
	[sflag:s4] =	ssyncadd.s32 $0xFFFFF800  }
0x17: {  	[tilespmem:s6], [sflag:$0x1] =	stream.indirect.gather [hbm4b:s2+s5], $0x80, s3, s5, $0xb8;
	[tilespmem:$0x8800] =	vst v63  }
0x18: {  	s7 =	simm.s32 $0x4800;
	s8 =	simm.s32 $0x1  }
0x19: {  	[tilespmem:s7], [sflag:$0x2] =	stream.indirect.gather [hbm4b:s2+s5], $0x80, s5, s5, $0xb8;
	[tilespmem:$0x8800] =	vst v63  }
0x1a: {  	_ =	swait.ge [sflag:s8], $0x4000  }
0x1b: {  	[sflag:s8] =	ssyncset.done $0x0  }
0x1c: {  	s9 =	rddreg [dreg:$0x4];
	[sflag:s8] =	ssyncadd.s32 $0xFFFFC000  }
0x1d: {  	[hbm4b:s9+s3] =	stream.linear.scatter [tilespmem:s6], [sflag:$0x3], $0x4000, $0x38;
	[tilespmem:$0x8800] =	vst v63  }
0x1e: {  	_ =	swait.ge [sflag:s4], $0x4000  }
0x1f: {  	[sflag:s4] =	ssyncset.done $0x0  }
0x20: {  	s10 =	simm.s32 $0x2;
	s9 =	simm.s32 $0x100;
	[sflag:s4] =	ssyncadd.s32 $0xFFFFC000  }
0x21: {  	[tilespmem:s6], [sflag:$0x1] =	stream.indirect.gather [hbm4b:s2+s5], $0x80, s9, s5, $0xb8;
	[tilespmem:$0x8800] =	vst v63  }
0x22: {  	_ =	swait.ge [sflag:s10], $0x4000  }
0x23: {  	[sflag:s10] =	ssyncset.done $0x0  }
0x24: {  	s11 =	rddreg [dreg:$0x7];
	[sflag:s10] =	ssyncadd.s32 $0xFFFFC000  }
0x25: {  	[hbm4b:s11+s3] =	stream.linear.scatter [tilespmem:s7], [sflag:$0x3], $0x4000, $0x38;
	[tilespmem:$0x8800] =	vst v63  }
0x26: {  	_ =	swait.ge [sflag:s4], $0x4000  }
0x27: {  	[sflag:s4] =	ssyncset.done $0x0  }
0x28: {  	s11 =	simm.s32 $0x180;
	[sflag:s4] =	ssyncadd.s32 $0xFFFFC000  }
0x29: {  	[tilespmem:s7], [sflag:$0x2] =	stream.indirect.gather [hbm4b:s2+s5], $0x80, s11, s5, $0xb8;
	[tilespmem:$0x8800] =	vst v63  }
0x2a: {  	_ =	swait.ge [sflag:s8], $0x4000  }
0x2b: {  	[sflag:s8] =	ssyncset.done $0x0  }
0x2c: {  	s12 =	rddreg [dreg:$0x8];
	[sflag:s8] =	ssyncadd.s32 $0xFFFFC000  }
0x2d: {  	[hbm4b:s12+s3] =	stream.linear.scatter [tilespmem:s6], [sflag:$0x3], $0x4000, $0x38;
	[tilespmem:$0x8800] =	vst v63  }
0x2e: {  	_ =	swait.ge [sflag:s4], $0x4000  }
0x2f: {  	[sflag:s4] =	ssyncset.done $0x0  }
0x30: {  	s12 =	simm.s32 $0x200;
	[sflag:s4] =	ssyncadd.s32 $0xFFFFC000  }
0x31: {  	[tilespmem:s6], [sflag:$0x1] =	stream.indirect.gather [hbm4b:s2+s5], $0x80, s12, s5, $0xb8;
	[tilespmem:$0x8800] =	vst v63  }
0x32: {  	_ =	swait.ge [sflag:s10], $0x4000  }
0x33: {  	[sflag:s10] =	ssyncset.done $0x0  }
0x34: {  	s13 =	rddreg [dreg:$0x9];
	[sflag:s10] =	ssyncadd.s32 $0xFFFFC000  }
0x35: {  	[hbm4b:s13+s3] =	stream.linear.scatter [tilespmem:s7], [sflag:$0x3], $0x4000, $0x38;
	[tilespmem:$0x8800] =	vst v63  }
0x36: {  	_ =	swait.ge [sflag:s4], $0x4000  }
0x37: {  	[sflag:s4] =	ssyncset.done $0x0  }
0x38: {  	s13 =	simm.s32 $0x280;
	[sflag:s4] =	ssyncadd.s32 $0xFFFFC000  }
0x39: {  	[tilespmem:s7], [sflag:$0x2] =	stream.indirect.gather [hbm4b:s2+s5], $0x80, s13, s5, $0xb8;
	[tilespmem:$0x8800] =	vst v63  }
0x3a: {  	_ =	swait.ge [sflag:s8], $0x4000  }
0x3b: {  	[sflag:s8] =	ssyncset.done $0x0  }
0x3c: {  	s14 =	rddreg [dreg:$0xa];
	[sflag:s8] =	ssyncadd.s32 $0xFFFFC000  }
0x3d: {  	[hbm4b:s14+s3] =	stream.linear.scatter [tilespmem:s6], [sflag:$0x3], $0x4000, $0x38;
	[tilespmem:$0x8800] =	vst v63  }
0x3e: {  	_ =	swait.ge [sflag:s4], $0x4000  }
0x3f: {  	[sflag:s4] =	ssyncset.done $0x0  }
0x40: {  	s14 =	simm.s32 $0x300;
	[sflag:s4] =	ssyncadd.s32 $0xFFFFC000  }
0x41: {  	[tilespmem:s6], [sflag:$0x1] =	stream.indirect.gather [hbm4b:s2+s5], $0x80, s14, s5, $0xb8;
	[tilespmem:$0x8800] =	vst v63  }
0x42: {  	_ =	swait.ge [sflag:s10], $0x4000  }
0x43: {  	[sflag:s10] =	ssyncset.done $0x0  }
0x44: {  	s15 =	rddreg [dreg:$0xb];
	[sflag:s10] =	ssyncadd.s32 $0xFFFFC000  }
0x45: {  	[hbm4b:s15+s3] =	stream.linear.scatter [tilespmem:s7], [sflag:$0x3], $0x4000, $0x38;
	[tilespmem:$0x8800] =	vst v63  }
0x46: {  	_ =	swait.ge [sflag:s4], $0x4000  }
0x47: {  	[sflag:s4] =	ssyncset.done $0x0  }
0x48: {  	s15 =	simm.s32 $0x380;
	[sflag:s4] =	ssyncadd.s32 $0xFFFFC000  }
0x49: {  	[tilespmem:s7], [sflag:$0x2] =	stream.indirect.gather [hbm4b:s2+s5], $0x80, s15, s5, $0xb8;
	[tilespmem:$0x8800] =	vst v63  }
0x4a: {  	_ =	swait.ge [sflag:s8], $0x4000  }
0x4b: {  	[sflag:s8] =	ssyncset.done $0x0  }
0x4c: {  	s16 =	rddreg [dreg:$0xc];
	[sflag:s8] =	ssyncadd.s32 $0xFFFFC000  }
0x4d: {  	[hbm4b:s16+s3] =	stream.linear.scatter [tilespmem:s6], [sflag:$0x3], $0x4000, $0x38;
	[tilespmem:$0x8800] =	vst v63  }
0x4e: {  	_ =	swait.ge [sflag:s4], $0x4000  }
0x4f: {  	[sflag:s4] =	ssyncset.done $0x0  }
0x50: {  	s16 =	simm.s32 $0x400;
	[sflag:s4] =	ssyncadd.s32 $0xFFFFC000  }
0x51: {  	[tilespmem:s6], [sflag:$0x1] =	stream.indirect.gather [hbm4b:s2+s5], $0x80, s16, s5, $0xb8;
	[tilespmem:$0x8800] =	vst v63  }
0x52: {  	_ =	swait.ge [sflag:s10], $0x4000  }
0x53: {  	[sflag:s10] =	ssyncset.done $0x0  }
0x54: {  	s17 =	sadd.s32 $0x359000, s30;
	[sflag:s10] =	ssyncadd.s32 $0xFFFFC000  }
0x55: {  	[hbm4b:s17+s3] =	stream.linear.scatter [tilespmem:s7], [sflag:$0x3], $0x4000, $0x38;
	[tilespmem:$0x8800] =	vst v63  }
0x56: {  	_ =	swait.ge [sflag:s4], $0x4000  }
0x57: {  	[sflag:s4] =	ssyncset.done $0x0  }
0x58: {  	s18 =	simm.s32 $0x480;
	[sflag:s4] =	ssyncadd.s32 $0xFFFFC000  }
0x59: {  	[tilespmem:s7], [sflag:$0x2] =	stream.indirect.gather [hbm4b:s2+s5], $0x80, s18, s5, $0xb8;
	[tilespmem:$0x8800] =	vst v63  }
0x5a: {  	_ =	swait.ge [sflag:s8], $0x4000  }
0x5b: {  	[sflag:s8] =	ssyncset.done $0x0  }
0x5c: {  	s19 =	sadd.s32 $0x359800, s30;
	[sflag:s8] =	ssyncadd.s32 $0xFFFFC000  }
0x5d: {  	[hbm4b:s19+s3] =	stream.linear.scatter [tilespmem:s6], [sflag:$0x3], $0x4000, $0x38;
	[tilespmem:$0x8800] =	vst v63  }
0x5e: {  	_ =	swait.ge [sflag:s4], $0x4000  }
0x5f: {  	[sflag:s4] =	ssyncset.done $0x0  }
0x60: {  	s20 =	simm.s32 $0x500;
	[sflag:s4] =	ssyncadd.s32 $0xFFFFC000  }
0x61: {  	[tilespmem:s6], [sflag:$0x1] =	stream.indirect.gather [hbm4b:s2+s5], $0x80, s20, s5, $0xb8;
	[tilespmem:$0x8800] =	vst v63  }
0x62: {  	_ =	swait.ge [sflag:s10], $0x4000  }
0x63: {  	[sflag:s10] =	ssyncset.done $0x0  }
0x64: {  	s21 =	sadd.s32 $0x35A000, s30;
	[sflag:s10] =	ssyncadd.s32 $0xFFFFC000  }
0x65: {  	[hbm4b:s21+s3] =	stream.linear.scatter [tilespmem:s7], [sflag:$0x3], $0x4000, $0x38;
	[tilespmem:$0x8800] =	vst v63  }
0x66: {  	_ =	swait.ge [sflag:s4], $0x4000  }
0x67: {  	[sflag:s4] =	ssyncset.done $0x0  }
0x68: {  	s22 =	simm.s32 $0x580;
	[sflag:s4] =	ssyncadd.s32 $0xFFFFC000  }
0x69: {  	[tilespmem:s7], [sflag:$0x2] =	stream.indirect.gather [hbm4b:s2+s5], $0x80, s22, s5, $0xb8;
	[tilespmem:$0x8800] =	vst v63  }
0x6a: {  	_ =	swait.ge [sflag:s8], $0x4000  }
0x6b: {  	[sflag:s8] =	ssyncset.done $0x0  }
0x6c: {  	s23 =	sadd.s32 $0x35A800, s30;
	[sflag:s8] =	ssyncadd.s32 $0xFFFFC000  }
0x6d: {  	[hbm4b:s23+s3] =	stream.linear.scatter [tilespmem:s6], [sflag:$0x3], $0x4000, $0x38;
	[tilespmem:$0x8800] =	vst v63  }
0x6e: {  	_ =	swait.ge [sflag:s4], $0x4000  }
0x6f: {  	[sflag:s4] =	ssyncset.done $0x0  }
0x70: {  	s24 =	simm.s32 $0x600;
	[sflag:s4] =	ssyncadd.s32 $0xFFFFC000  }
0x71: {  	[tilespmem:s6], [sflag:$0x1] =	stream.indirect.gather [hbm4b:s2+s5], $0x80, s24, s5, $0xb8;
	[tilespmem:$0x8800] =	vst v63  }
0x72: {  	_ =	swait.ge [sflag:s10], $0x4000  }
0x73: {  	[sflag:s10] =	ssyncset.done $0x0  }
0x74: {  	s25 =	sadd.s32 $0x35B000, s30;
	[sflag:s10] =	ssyncadd.s32 $0xFFFFC000  }
0x75: {  	[hbm4b:s25+s3] =	stream.linear.scatter [tilespmem:s7], [sflag:$0x3], $0x4000, $0x38;
	[tilespmem:$0x8800] =	vst v63  }
0x76: {  	_ =	swait.ge [sflag:s4], $0x4000  }
0x77: {  	[sflag:s4] =	ssyncset.done $0x0  }
0x78: {  	s26 =	simm.s32 $0x680;
	[sflag:s4] =	ssyncadd.s32 $0xFFFFC000  }
0x79: {  	[tilespmem:s7], [sflag:$0x2] =	stream.indirect.gather [hbm4b:s2+s5], $0x80, s26, s5, $0xb8;
	[tilespmem:$0x8800] =	vst v63  }
0x7a: {  	_ =	swait.ge [sflag:s8], $0x4000  }
0x7b: {  	[sflag:s8] =	ssyncset.done $0x0  }
0x7c: {  	s28 =	sadd.s32 $0x35B800, s30;
	[sflag:s8] =	ssyncadd.s32 $0xFFFFC000  }
0x7d: {  	[hbm4b:s28+s3] =	stream.linear.scatter [tilespmem:s6], [sflag:$0x3], $0x4000, $0x38;
	[tilespmem:$0x8800] =	vst v63  }
0x7e: {  	_ =	swait.ge [sflag:s4], $0x4000  }
0x7f: {  	[sflag:s4] =	ssyncset.done $0x0  }
0x80: {  	s29 =	simm.s32 $0x700;
	[sflag:s4] =	ssyncadd.s32 $0xFFFFC000  }
0x81: {  	[tilespmem:s6], [sflag:$0x1] =	stream.indirect.gather [hbm4b:s2+s5], $0x80, s29, s5, $0xb8;
	[tilespmem:$0x8800] =	vst v63  }
0x82: {  	_ =	swait.ge [sflag:s10], $0x4000  }
0x83: {  	[sflag:s10] =	ssyncset.done $0x0  }
0x84: {  	s30 =	sadd.s32 $0x35C000, s30;
	[sflag:s10] =	ssyncadd.s32 $0xFFFFC000  }
0x85: {  	[hbm4b:s30+s3] =	stream.linear.scatter [tilespmem:s7], [sflag:$0x3], $0x4000, $0x38;
	[tilespmem:$0x8800] =	vst v63  }
0x86: {  	_ =	swait.ge [sflag:s4], $0x4000  }
0x87: {  	[sflag:s4] =	ssyncset.done $0x0  }
0x88: {  	s31 =	simm.s32 $0x780;
	[sflag:s4] =	ssyncadd.s32 $0xFFFFC000  }
0x89: {  	[tilespmem:s7], [sflag:$0x2] =	stream.indirect.gather [hbm4b:s2+s5], $0x80, s31, s5, $0xb8;
	[tilespmem:$0x8800] =	vst v63  }
0x8a: {  	_ =	swait.ge [sflag:s8], $0x4000  }
0x8b: {  	[sflag:s8] =	ssyncset.done $0x0  }
0x8c: {  	s0 =	rddreg [dreg:$0x5];
	[sflag:s8] =	ssyncadd.s32 $0xFFFFC000  }
0x8d: {  	[hbm4b:s0+s3] =	stream.linear.scatter [tilespmem:s6], [sflag:$0x3], $0x4000, $0x38;
	[tilespmem:$0x8800] =	vst v63  }
0x8e: {  	_ =	swait.ge [sflag:s4], $0x4000  }
0x8f: {  	[sflag:s4] =	ssyncset.done $0x0  }
0x90: {  	[sflag:s4] =	ssyncadd.s32 $0xFFFFC000  }
0x91: {  	_ =	swait.ge [sflag:s10], $0x4000  }
0x92: {  	s0 =	ssub.s32 $0x2, s1;
	s1 =	rddreg [dreg:$0x6]  }
0x93: {  	[dreg:$0xd] =	wrdreg s1;
	s1 =	sshrl.u32 s0, $0x1  }
0x94: {  	s0 =	ssub.s32 s0, s1  }
0x95: {  	s0 =	smax.u32 s0, $0x1  }
0x96: {  	p0 =	sne.s32 s0, $0x1  }
.Ltmp0:
0x97: {  	_ = 	snop;
	(pc) =	sbr.rel @!p0 .LBB2_2-.Ltmp0, $4  }
0x98: {  	[sflag:s10] =	ssyncset.done $0x0  }
0x99: {  	[sflag:s10] =	ssyncadd.s32 $0xFFFFC000;
	s1 =	rddreg [dreg:$0xd]  }
0x9a: {  	[hbm4b:s1+s3] =	stream.linear.scatter [tilespmem:s7], [sflag:$0x3], $0x4000, $0x38;
	[tilespmem:$0x8800] =	vst v63  }
0x9b: {  	s1 =	sadd.s32 $0xFFFFFFFF, s0;
	_ =	swait.ge [sflag:s4], $0x4000  }
.LBB2_1:
0x9c: {  	[sflag:s4] =	ssyncset.done $0x0  }
0x9d: {  	s0 =	rddreg [dreg:$0x3];
	[sflag:s4] =	ssyncadd.s32 $0xFFFFC000  }
0x9e: {  	[tilespmem:s3], [sflag:$0x3] =	stream.linear.gather [hbm4b:s0+s3], $0x800, $0x38;
	[tilespmem:$0x8800] =	vst v63  }
0x9f: {  	_ =	swait.ge [sflag:s4], $0x800  }
0xa0: {  	[sflag:s4] =	ssyncset.done $0x0  }
0xa1: {  	[sflag:s4] =	ssyncadd.s32 $0xFFFFF800  }
0xa2: {  	[tilespmem:s6], [sflag:$0x1] =	stream.indirect.gather [hbm4b:s2+s5], $0x80, s3, s5, $0xb8;
	[tilespmem:$0x8800] =	vst v63  }
0xa3: {  	_ = 	snop  }
0xa4: {  	[tilespmem:s7], [sflag:$0x2] =	stream.indirect.gather [hbm4b:s2+s5], $0x80, s5, s5, $0xb8;
	[tilespmem:$0x8800] =	vst v63  }
0xa5: {  	_ =	swait.ge [sflag:s8], $0x4000  }
0xa6: {  	[sflag:s8] =	ssyncset.done $0x0  }
0xa7: {  	s0 =	rddreg [dreg:$0x4];
	[sflag:s8] =	ssyncadd.s32 $0xFFFFC000  }
0xa8: {  	[hbm4b:s0+s3] =	stream.linear.scatter [tilespmem:s6], [sflag:$0x3], $0x4000, $0x38;
	[tilespmem:$0x8800] =	vst v63  }
0xa9: {  	_ =	swait.ge [sflag:s4], $0x4000  }
0xaa: {  	[sflag:s4] =	ssyncset.done $0x0  }
0xab: {  	[sflag:s4] =	ssyncadd.s32 $0xFFFFC000  }
0xac: {  	[tilespmem:s6], [sflag:$0x1] =	stream.indirect.gather [hbm4b:s2+s5], $0x80, s9, s5, $0xb8;
	[tilespmem:$0x8800] =	vst v63  }
0xad: {  	_ =	swait.ge [sflag:s10], $0x4000  }
0xae: {  	[sflag:s10] =	ssyncset.done $0x0  }
0xaf: {  	s0 =	rddreg [dreg:$0x7];
	[sflag:s10] =	ssyncadd.s32 $0xFFFFC000  }
0xb0: {  	[hbm4b:s0+s3] =	stream.linear.scatter [tilespmem:s7], [sflag:$0x3], $0x4000, $0x38;
	[tilespmem:$0x8800] =	vst v63  }
0xb1: {  	_ =	swait.ge [sflag:s4], $0x4000  }
0xb2: {  	[sflag:s4] =	ssyncset.done $0x0  }
0xb3: {  	[sflag:s4] =	ssyncadd.s32 $0xFFFFC000  }
0xb4: {  	[tilespmem:s7], [sflag:$0x2] =	stream.indirect.gather [hbm4b:s2+s5], $0x80, s11, s5, $0xb8;
	[tilespmem:$0x8800] =	vst v63  }
0xb5: {  	_ =	swait.ge [sflag:s8], $0x4000  }
0xb6: {  	[sflag:s8] =	ssyncset.done $0x0  }
0xb7: {  	s0 =	rddreg [dreg:$0x8];
	[sflag:s8] =	ssyncadd.s32 $0xFFFFC000  }
0xb8: {  	[hbm4b:s0+s3] =	stream.linear.scatter [tilespmem:s6], [sflag:$0x3], $0x4000, $0x38;
	[tilespmem:$0x8800] =	vst v63  }
0xb9: {  	_ =	swait.ge [sflag:s4], $0x4000  }
0xba: {  	[sflag:s4] =	ssyncset.done $0x0  }
0xbb: {  	[sflag:s4] =	ssyncadd.s32 $0xFFFFC000  }
0xbc: {  	[tilespmem:s6], [sflag:$0x1] =	stream.indirect.gather [hbm4b:s2+s5], $0x80, s12, s5, $0xb8;
	[tilespmem:$0x8800] =	vst v63  }
0xbd: {  	_ =	swait.ge [sflag:s10], $0x4000  }
0xbe: {  	[sflag:s10] =	ssyncset.done $0x0  }
0xbf: {  	s0 =	rddreg [dreg:$0x9];
	[sflag:s10] =	ssyncadd.s32 $0xFFFFC000  }
0xc0: {  	[hbm4b:s0+s3] =	stream.linear.scatter [tilespmem:s7], [sflag:$0x3], $0x4000, $0x38;
	[tilespmem:$0x8800] =	vst v63  }
0xc1: {  	_ =	swait.ge [sflag:s4], $0x4000  }
0xc2: {  	[sflag:s4] =	ssyncset.done $0x0  }
0xc3: {  	[sflag:s4] =	ssyncadd.s32 $0xFFFFC000  }
0xc4: {  	[tilespmem:s7], [sflag:$0x2] =	stream.indirect.gather [hbm4b:s2+s5], $0x80, s13, s5, $0xb8;
	[tilespmem:$0x8800] =	vst v63  }
0xc5: {  	_ =	swait.ge [sflag:s8], $0x4000  }
0xc6: {  	[sflag:s8] =	ssyncset.done $0x0  }
0xc7: {  	s0 =	rddreg [dreg:$0xa];
	[sflag:s8] =	ssyncadd.s32 $0xFFFFC000  }
0xc8: {  	[hbm4b:s0+s3] =	stream.linear.scatter [tilespmem:s6], [sflag:$0x3], $0x4000, $0x38;
	[tilespmem:$0x8800] =	vst v63  }
0xc9: {  	_ =	swait.ge [sflag:s4], $0x4000  }
0xca: {  	[sflag:s4] =	ssyncset.done $0x0  }
0xcb: {  	[sflag:s4] =	ssyncadd.s32 $0xFFFFC000  }
0xcc: {  	[tilespmem:s6], [sflag:$0x1] =	stream.indirect.gather [hbm4b:s2+s5], $0x80, s14, s5, $0xb8;
	[tilespmem:$0x8800] =	vst v63  }
0xcd: {  	_ =	swait.ge [sflag:s10], $0x4000  }
0xce: {  	[sflag:s10] =	ssyncset.done $0x0  }
0xcf: {  	s0 =	rddreg [dreg:$0xb];
	[sflag:s10] =	ssyncadd.s32 $0xFFFFC000  }
0xd0: {  	[hbm4b:s0+s3] =	stream.linear.scatter [tilespmem:s7], [sflag:$0x3], $0x4000, $0x38;
	[tilespmem:$0x8800] =	vst v63  }
0xd1: {  	_ =	swait.ge [sflag:s4], $0x4000  }
0xd2: {  	[sflag:s4] =	ssyncset.done $0x0  }
0xd3: {  	[sflag:s4] =	ssyncadd.s32 $0xFFFFC000  }
0xd4: {  	[tilespmem:s7], [sflag:$0x2] =	stream.indirect.gather [hbm4b:s2+s5], $0x80, s15, s5, $0xb8;
	[tilespmem:$0x8800] =	vst v63  }
0xd5: {  	_ =	swait.ge [sflag:s8], $0x4000  }
0xd6: {  	[sflag:s8] =	ssyncset.done $0x0  }
0xd7: {  	s0 =	rddreg [dreg:$0xc];
	[sflag:s8] =	ssyncadd.s32 $0xFFFFC000  }
0xd8: {  	[hbm4b:s0+s3] =	stream.linear.scatter [tilespmem:s6], [sflag:$0x3], $0x4000, $0x38;
	[tilespmem:$0x8800] =	vst v63  }
0xd9: {  	_ =	swait.ge [sflag:s4], $0x4000  }
0xda: {  	[sflag:s4] =	ssyncset.done $0x0  }
0xdb: {  	[sflag:s4] =	ssyncadd.s32 $0xFFFFC000  }
0xdc: {  	[tilespmem:s6], [sflag:$0x1] =	stream.indirect.gather [hbm4b:s2+s5], $0x80, s16, s5, $0xb8;
	[tilespmem:$0x8800] =	vst v63  }
0xdd: {  	_ =	swait.ge [sflag:s10], $0x4000  }
0xde: {  	[sflag:s10] =	ssyncset.done $0x0  }
0xdf: {  	[sflag:s10] =	ssyncadd.s32 $0xFFFFC000  }
0xe0: {  	[hbm4b:s17+s3] =	stream.linear.scatter [tilespmem:s7], [sflag:$0x3], $0x4000, $0x38;
	[tilespmem:$0x8800] =	vst v63  }
0xe1: {  	_ =	swait.ge [sflag:s4], $0x4000  }
0xe2: {  	[sflag:s4] =	ssyncset.done $0x0  }
0xe3: {  	[sflag:s4] =	ssyncadd.s32 $0xFFFFC000  }
0xe4: {  	[tilespmem:s7], [sflag:$0x2] =	stream.indirect.gather [hbm4b:s2+s5], $0x80, s18, s5, $0xb8;
	[tilespmem:$0x8800] =	vst v63  }
0xe5: {  	_ =	swait.ge [sflag:s8], $0x4000  }
0xe6: {  	[sflag:s8] =	ssyncset.done $0x0  }
0xe7: {  	[sflag:s8] =	ssyncadd.s32 $0xFFFFC000  }
0xe8: {  	[hbm4b:s19+s3] =	stream.linear.scatter [tilespmem:s6], [sflag:$0x3], $0x4000, $0x38;
	[tilespmem:$0x8800] =	vst v63  }
0xe9: {  	_ =	swait.ge [sflag:s4], $0x4000  }
0xea: {  	[sflag:s4] =	ssyncset.done $0x0  }
0xeb: {  	[sflag:s4] =	ssyncadd.s32 $0xFFFFC000  }
0xec: {  	[tilespmem:s6], [sflag:$0x1] =	stream.indirect.gather [hbm4b:s2+s5], $0x80, s20, s5, $0xb8;
	[tilespmem:$0x8800] =	vst v63  }
0xed: {  	_ =	swait.ge [sflag:s10], $0x4000  }
0xee: {  	[sflag:s10] =	ssyncset.done $0x0  }
0xef: {  	[sflag:s10] =	ssyncadd.s32 $0xFFFFC000  }
0xf0: {  	[hbm4b:s21+s3] =	stream.linear.scatter [tilespmem:s7], [sflag:$0x3], $0x4000, $0x38;
	[tilespmem:$0x8800] =	vst v63  }
0xf1: {  	_ =	swait.ge [sflag:s4], $0x4000  }
0xf2: {  	[sflag:s4] =	ssyncset.done $0x0  }
0xf3: {  	[sflag:s4] =	ssyncadd.s32 $0xFFFFC000  }
0xf4: {  	[tilespmem:s7], [sflag:$0x2] =	stream.indirect.gather [hbm4b:s2+s5], $0x80, s22, s5, $0xb8;
	[tilespmem:$0x8800] =	vst v63  }
0xf5: {  	_ =	swait.ge [sflag:s8], $0x4000  }
0xf6: {  	[sflag:s8] =	ssyncset.done $0x0  }
0xf7: {  	[sflag:s8] =	ssyncadd.s32 $0xFFFFC000  }
0xf8: {  	[hbm4b:s23+s3] =	stream.linear.scatter [tilespmem:s6], [sflag:$0x3], $0x4000, $0x38;
	[tilespmem:$0x8800] =	vst v63  }
0xf9: {  	_ =	swait.ge [sflag:s4], $0x4000  }
0xfa: {  	[sflag:s4] =	ssyncset.done $0x0  }
0xfb: {  	[sflag:s4] =	ssyncadd.s32 $0xFFFFC000  }
0xfc: {  	[tilespmem:s6], [sflag:$0x1] =	stream.indirect.gather [hbm4b:s2+s5], $0x80, s24, s5, $0xb8;
	[tilespmem:$0x8800] =	vst v63  }
0xfd: {  	_ =	swait.ge [sflag:s10], $0x4000  }
0xfe: {  	[sflag:s10] =	ssyncset.done $0x0  }
0xff: {  	[sflag:s10] =	ssyncadd.s32 $0xFFFFC000  }
0x100: {  	[hbm4b:s25+s3] =	stream.linear.scatter [tilespmem:s7], [sflag:$0x3], $0x4000, $0x38;
	[tilespmem:$0x8800] =	vst v63  }
0x101: {  	_ =	swait.ge [sflag:s4], $0x4000  }
0x102: {  	[sflag:s4] =	ssyncset.done $0x0  }
0x103: {  	[sflag:s4] =	ssyncadd.s32 $0xFFFFC000  }
0x104: {  	[tilespmem:s7], [sflag:$0x2] =	stream.indirect.gather [hbm4b:s2+s5], $0x80, s26, s5, $0xb8;
	[tilespmem:$0x8800] =	vst v63  }
0x105: {  	_ =	swait.ge [sflag:s8], $0x4000  }
0x106: {  	[sflag:s8] =	ssyncset.done $0x0  }
0x107: {  	[sflag:s8] =	ssyncadd.s32 $0xFFFFC000  }
0x108: {  	[hbm4b:s28+s3] =	stream.linear.scatter [tilespmem:s6], [sflag:$0x3], $0x4000, $0x38;
	[tilespmem:$0x8800] =	vst v63  }
0x109: {  	_ =	swait.ge [sflag:s4], $0x4000  }
0x10a: {  	[sflag:s4] =	ssyncset.done $0x0  }
0x10b: {  	[sflag:s4] =	ssyncadd.s32 $0xFFFFC000  }
0x10c: {  	[tilespmem:s6], [sflag:$0x1] =	stream.indirect.gather [hbm4b:s2+s5], $0x80, s29, s5, $0xb8;
	[tilespmem:$0x8800] =	vst v63  }
0x10d: {  	_ =	swait.ge [sflag:s10], $0x4000  }
0x10e: {  	[sflag:s10] =	ssyncset.done $0x0  }
0x10f: {  	[sflag:s10] =	ssyncadd.s32 $0xFFFFC000  }
0x110: {  	[hbm4b:s30+s3] =	stream.linear.scatter [tilespmem:s7], [sflag:$0x3], $0x4000, $0x38;
	[tilespmem:$0x8800] =	vst v63  }
0x111: {  	_ =	swait.ge [sflag:s4], $0x4000  }
0x112: {  	[sflag:s4] =	ssyncset.done $0x0  }
0x113: {  	[sflag:s4] =	ssyncadd.s32 $0xFFFFC000  }
0x114: {  	[tilespmem:s7], [sflag:$0x2] =	stream.indirect.gather [hbm4b:s2+s5], $0x80, s31, s5, $0xb8;
	[tilespmem:$0x8800] =	vst v63  }
0x115: {  	_ =	swait.ge [sflag:s8], $0x4000  }
0x116: {  	[sflag:s8] =	ssyncset.done $0x0  }
0x117: {  	s0 =	rddreg [dreg:$0x5];
	[sflag:s8] =	ssyncadd.s32 $0xFFFFC000  }
0x118: {  	[hbm4b:s0+s3] =	stream.linear.scatter [tilespmem:s6], [sflag:$0x3], $0x4000, $0x38;
	[tilespmem:$0x8800] =	vst v63  }
0x119: {  	_ =	swait.ge [sflag:s4], $0x4000  }
0x11a: {  	[sflag:s4] =	ssyncset.done $0x0  }
0x11b: {  	p0 =	sne.s32 s1, $0x1;
	[sflag:s4] =	ssyncadd.s32 $0xFFFFC000  }
.Ltmp1:
0x11c: {  	_ =	swait.ge [sflag:s10], $0x4000;
	(pc) =	sbr.rel @p0 .LBB2_1-.Ltmp1, $4  }
0x11d: {  	[sflag:s10] =	ssyncset.done $0x0  }
0x11e: {  	s0 =	rddreg [dreg:$0x6];
	[sflag:s10] =	ssyncadd.s32 $0xFFFFC000  }
0x11f: {  	[hbm4b:s0+s3] =	stream.linear.scatter [tilespmem:s7], [sflag:$0x3], $0x4000, $0x38;
	[tilespmem:$0x8800] =	vst v63  }
0x120: {  	s1 =	sadd.s32 $0xFFFFFFFF, s1;
	_ =	swait.ge [sflag:s4], $0x4000  }
.LBB2_2:
0x121: {  	[sflag:s4] =	ssyncset.done $0x0  }
0x122: {  	[sflag:s4] =	ssyncadd.s32 $0xFFFFC000  }
0x123: {  	_ =	sfence.sel $0x180000  }
0x124: {  	[bflag:$0x0] =	sbarrier.arrive $0xFFFF  }
0x125: {  	_ =	strace $0x90000050  }
0x126: {  	s0 =	stileid.u32;
	[bflag:$0x2] =	sbarrier.arrive $0xFFFF  }
0x127: {  	p0 =	sne.s32 s0, $0x0;
	s0 =	rddreg [dreg:$0x2]  }
0x128: {  	s0 =	sadd.s32 @!p0 $0x100000, s0  }
0x129: {  	[sflag:s0] =	ssyncadd.tile.s32 @!p0 $0x1;
	_ =	shalt  }
.Lfunc_end2:
_tile_overlayer_lowered:
.L_overlay_start_2:
0x12a: {  	(tag) =	ssettag $0x2  }
0x12b: {  	s0 =	rddreg [dreg:$0x0];
	s2 =	stileid.u32  }
0x12c: {  	s1 =	rddreg [dreg:$0x1];
	p0 =	sne.s32 s2, $0x0  }
0x12d: {  	s3 =	rddreg [dreg:$0x2];
	[bflag:$0x3] =	sbarrier.arrive $0xFFFF;
	s2 =	simm.s32 @!p0 $0x1C03  }
0x12e: {  	[timem:s3], [sflag:s2] =	dma.local @!p0 [hbm:s0], s1  }
0x12f: {  	s0 =	simm.s32 @!p0 $0x3  }
0x130: {  	_ =	swait.ge @!p0 [sflag:s0], s1  }
0x131: {  	s1 =	ssub.s32 @!p0 $0x0, s1;
	[sflag:s0] =	ssyncset.done @!p0 $0x0  }
0x132: {  	[sflag:s0] =	ssyncadd.s32 @!p0 s1  }
0x133: {  	[bflag:$0x3] =	sbarrier.arrive $0xFFFF  }
0x134: {  	_ =	shalt  }

// kernel: kernel.31.cloned.1.call-start
scs
__scs_entry_jumppad:
0x0: {  	(pc) =	sbr.rel $0x88, $3  }
0x1: {  	(tag) =	ssettag $0x0;
	lr =	simm.s32 $0x1  }
0x2: {  	[smem:$0x3F99] =	sst lr;
	_ =	strace $0xD0000000  }
0x3: {  	_ = 	snop  }
0x4: {  	_ = 	snop  }
0x5: {  	_ = 	snop  }
0x6: {  	_ = 	snop  }
0x7: {  	_ = 	snop  }
__scs_overlays_trampoline_lowered:
0x8: {  	[smem:$0x3FA8] =	sst s0  }
0x9: {  	[smem:$0x3FA9] =	sst s1  }
0xa: {  	[smem:$0x3FAA] =	sst s2  }
0xb: {  	[smem:$0x3FAB] =	sst s3  }
0xc: {  	[smem:$0x3FAC] =	sst s4  }
0xd: {  	[smem:$0x3FAD] =	sst s5  }
0xe: {  	[smem:$0x3FAE] =	sst s6  }
0xf: {  	[smem:$0x3FAF] =	sst s7  }
0x10: {  	[smem:$0x3FB0] =	sst s8  }
0x11: {  	[smem:$0x3FB1] =	sst s9;
	s0 =	simm.s32 @!p0 $0x0  }
0x12: {  	s1 =	sld [smem:$0x3F97];
	s0 =	simm.s32 @p0 $0x1  }
0x13: {  	[smem:$0x3FB2] =	sst s0;
	s0 =	simm.s32 @!p1 $0x0  }
0x14: {  	s2 =	sld [smem:$0x3F96];
	s0 =	simm.s32 @p1 $0x1  }
0x15: {  	[smem:$0x3FB3] =	sst s0;
	s0 =	simm.s32 @!p2 $0x0  }
0x16: {  	s3 =	sld [smem:$0x3FDB];
	s0 =	simm.s32 @p2 $0x1  }
0x17: {  	s4 =	simm.s32 $0x1BF5;
	[smem:$0x3FB5] =	sst s0  }
0x18: {  	s0 =	sld [smem:$0x3F98];
	_ =	swait.ge [sflag:s4], $0x0  }
0x19: {  	s7 =	sld [smem:$0x3F99]  }
0x1a: {  	s8 =	sadd.s32 $0xFFFFE003, lr  }
0x1b: {  	s9 =	sadd.s32 $0xFFFFFEF7, lr;
	s5 =	simm.s32 $0xFFFFFFFF;
	p2 =	slt.u32 s8, $0xFFFFF086  }
0x1c: {  	p1 =	slt.u32 s9, $0xF7A;
	s5 =	simm.s32 @!p2 $0x0  }
0x1d: {  	s5 =	simm.s32 @p1 $0x1;
	p0 =	seq.s32 s7, s2  }
0x1e: {  	s7 =	smul.u32 @!p0 $0xF7A, s2;
	p2 =	seq.s32 @!p0 s5, $0x0  }
0x1f: {  	s9 =	smul.u32 $0xF7A, s1;
	s8 =	simm.s32 @!p0 $0x1BF5;
	p2 =	por !p2, p0  }
0x20: {  	[sflag:s8] =	ssyncset.s32 @!p0 $0xFFFFF086;
	s6 =	sadd.s32 @!p0 s3, s7;
	s7 =	simm.s32 @!p0 $0x108  }
0x21: {  	s3 =	sadd.s32 s3, s9;
	s6 =	sadd.s32 @!p0 $0x88, s6;
	s7 =	simm.s32 @p2 $0x1082  }
0x22: {  	[simem:s7], [sflag:s8] =	dma.local @!p0 [hbm:s6], $0xF7A  }
0x23: {  	s9 =	sor.u32 $0xD0000000, s2;
	s6 =	simm.s32 $0x108;
	_ =	swait.ge @!p0 [sflag:s8], $0x0  }
0x24: {  	s3 =	sadd.s32 $0x88, s3;
	s6 =	simm.s32 @!p1 $0x1082;
	[sflag:s4] =	ssyncset.s32 $0xFFFFF086  }
0x25: {  	[simem:s6], [sflag:s4] =	dma.local [hbm:s3], $0xF7A  }
0x26: {  	[smem:$0x3F99] =	sst s1;
	(tag) =	ssettag s2;
	_ =	strace s9  }
0x27: {  	s1 =	sld [smem:$0x3FA9]  }
0x28: {  	s2 =	sld [smem:$0x3FAA]  }
0x29: {  	s4 =	sld [smem:$0x3FAC]  }
0x2a: {  	p0 =	seq.s32 s5, $0x0;
	s5 =	sld [smem:$0x3FAD]  }
0x2b: {  	s6 =	sld [smem:$0x3FAE]  }
0x2c: {  	s7 =	sld [smem:$0x3FAF]  }
0x2d: {  	s3 =	simm.s32 $0x108;
	s8 =	sld [smem:$0x3FB0]  }
0x2e: {  	s3 =	simm.s32 @!p0 $0x1082;
	s9 =	sld [smem:$0x3FB1]  }
0x2f: {  	lr =	sadd.s32 s0, s3;
	s0 =	sld [smem:$0x3FA8]  }
0x30: {  	s3 =	sld [smem:$0x3FAB]  }
0x31: {  	[smem:$0x3FB4] =	sst s10  }
0x32: {  	s10 =	sld [smem:$0x3FB2];
	_ =	sdelay $0x3  }
0x33: {  	p0 =	seq.s32 s10, $0x1;
	s10 =	sld [smem:$0x3FB4];
	_ =	sdelay $0x3  }
0x34: {  	[smem:$0x3FB4] =	sst s10  }
0x35: {  	s10 =	sld [smem:$0x3FB3];
	_ =	sdelay $0x3  }
0x36: {  	p1 =	seq.s32 s10, $0x1;
	s10 =	sld [smem:$0x3FB4];
	_ =	sdelay $0x3  }
0x37: {  	[smem:$0x3FB4] =	sst s10  }
0x38: {  	s10 =	sld [smem:$0x3FB5]  }
0x39: {  	_ = 	snop;
	(pc) =	sbr.ind lr, $3  }
0x3a: {  	_ = 	snop  }
0x3b: {  	_ = 	snop  }
0x3c: {  	p2 =	seq.s32 s10, $0x1;
	s10 =	sld [smem:$0x3FB4]  }
0x3d: {  	_ =	shalt  }
0x3e: {  	_ =	shalt  }
0x3f: {  	_ =	shalt  }
0x40: {  	_ =	shalt  }
0x41: {  	_ =	shalt  }
0x42: {  	_ =	shalt  }
0x43: {  	_ =	shalt  }
0x44: {  	_ =	shalt  }
0x45: {  	_ =	shalt  }
0x46: {  	_ =	shalt  }
0x47: {  	_ =	shalt  }
0x48: {  	_ =	shalt  }
0x49: {  	_ =	shalt  }
0x4a: {  	_ =	shalt  }
0x4b: {  	_ =	shalt  }
0x4c: {  	_ =	shalt  }
0x4d: {  	_ =	shalt  }
0x4e: {  	_ =	shalt  }
0x4f: {  	_ =	shalt  }
0x50: {  	_ =	shalt  }
0x51: {  	_ =	shalt  }
0x52: {  	_ =	shalt  }
0x53: {  	_ =	shalt  }
0x54: {  	_ =	shalt  }
0x55: {  	_ =	shalt  }
0x56: {  	_ =	shalt  }
0x57: {  	_ =	shalt  }
0x58: {  	_ =	shalt  }
0x59: {  	_ =	shalt  }
0x5a: {  	_ =	shalt  }
0x5b: {  	_ =	shalt  }
0x5c: {  	_ =	shalt  }
0x5d: {  	_ =	shalt  }
0x5e: {  	_ =	shalt  }
0x5f: {  	_ =	shalt  }
0x60: {  	_ =	shalt  }
0x61: {  	_ =	shalt  }
0x62: {  	_ =	shalt  }
0x63: {  	_ =	shalt  }
0x64: {  	_ =	shalt  }
0x65: {  	_ =	shalt  }
0x66: {  	_ =	shalt  }
0x67: {  	_ =	shalt  }
0x68: {  	_ =	shalt  }
0x69: {  	_ =	shalt  }
0x6a: {  	_ =	shalt  }
0x6b: {  	_ =	shalt  }
0x6c: {  	_ =	shalt  }
0x6d: {  	_ =	shalt  }
0x6e: {  	_ =	shalt  }
0x6f: {  	_ =	shalt  }
0x70: {  	_ =	shalt  }
0x71: {  	_ =	shalt  }
0x72: {  	_ =	shalt  }
0x73: {  	_ =	shalt  }
0x74: {  	_ =	shalt  }
0x75: {  	_ =	shalt  }
0x76: {  	_ =	shalt  }
0x77: {  	_ =	shalt  }
0x78: {  	_ =	shalt  }
0x79: {  	_ =	shalt  }
0x7a: {  	_ =	shalt  }
0x7b: {  	_ =	shalt  }
0x7c: {  	_ =	shalt  }
0x7d: {  	_ =	shalt  }
0x7e: {  	_ =	shalt  }
0x7f: {  	_ =	shalt  }
0x80: {  	_ =	shalt  }
0x81: {  	_ =	shalt  }
0x82: {  	_ =	shalt  }
0x83: {  	_ =	shalt  }
0x84: {  	_ =	shalt  }
0x85: {  	_ =	shalt  }
0x86: {  	_ =	shalt  }
0x87: {  	_ =	shalt  }
.Lfunc_end0:
.L_simem_size_0:
called_computation.4_lowered:
.L_overlay_start_0:
0x88: {  	s2 =	sld [smem:$0x3FD9]  }
0x89: {  	s3 =	sld [smem:$0x3FFE];
	_ =	sdelay $0x1  }
0x8a: {  	s1 =	srdreg.scid  }
0x8b: {  	s0 =	sand.u32 $0x1, s1  }
0x8c: {  	s17 =	sshll.u32 s0, $0xA;
	s2 =	sadd.s32 s3, s2  }
0x8d: {  	s2 =	sadd.s32 s2, s17  }
0x8e: {  	[smem:$0x3FC0] =	sst s2  }
0x8f: {  	_ = 	snop  }
0x90: {  	s18 =	sld [smem:$0x3FD0];
	(tm) =	ssettm $0x1  }
0x91: {  	s19 =	sld [smem:$0x3FFB];
	_ =	sdelay $0x3  }
0x92: {  	_ =	strace s19  }
0x93: {  	s2 =	sld [smem:$0x3FFC];
	_ =	sdelay $0x3  }
0x94: {  	_ =	strace s2  }
0x95: {  	s2 =	sld [smem:$0x3FFD];
	_ =	sdelay $0x3  }
0x96: {  	_ =	strace s2  }
0x97: {  	_ =	strace $0x8FFFFFFF  }
0x98: {  	s20 =	sld [smem:$0x3FDB];
	_ =	sdelay $0x1  }
0x99: {  	s4 =	simm.s32 $_scs_section_size  }
0x9a: {  	s5 =	simm.s32 $_size__tile_overlayer_lowered;
	s6 =	simm.s32 $_tile_overlayer_lowered  }
0x9b: {  	s7 =	simm.s32 $0x1BFF;
	s21 =	sshll.u32 s6, $0x1;
	s4 =	sadd.s32 s4, s20  }
0x9c: {  	s22 =	simm.s32 $0x0;
	s5 =	sshll.u32 s5, $0x1;
	s6 =	sadd.s32 s21, s4  }
0x9d: {  	[timem:s22], [sflag:s7] =	dma.local [hbm:s6], s5  }
0x9e: {  	_ =	swait.ge [sflag:s7], s5  }
0x9f: {  	s5 =	ssub.s32 $0x0, s5;
	[sflag:s7] =	ssyncset.done $0x0  }
0xa0: {  	[sflag:s7] =	ssyncadd.s32 s5;
	_ =	sdelay $0x1  }
0xa1: {  	s23 =	simm.s32 $0x1B8B  }
0xa2: {  	_ =	swait.ge [sflag:s23], $0x1  }
0xa3: {  	[sflag:s23] =	ssyncset.done $0x0  }
0xa4: {  	[sflag:s23] =	ssyncadd.s32 $0xFFFFFFFF  }
0xa5: {  	s5 =	sld [smem:$0x0]  }
0xa6: {  	s6 =	sand.u32 $0xFFFFFFFE, s1  }
0xa7: {  	p0 =	sne.s32 s1, s6  }
0xa8: {  	s6 =	sshll.u32 @p0 s6, $0xE  }
0xa9: {  	s6 =	sadd.s32 @p0 $0x11B8D, s6;
	s7 =	sshll.u32 @p0 s5, $0x11  }
0xaa: {  	s6 =	sor.u32 @p0 s7, s6  }
0xab: {  	[sflag:s6] =	ssyncadd.remote.s32 @p0 $0x1;
	_ =	sdelay $0x1  }
0xac: {  	s6 =	simm.s32 @p0 $0x1B8D  }
0xad: {  	_ =	swait.eq @p0 [sflag:s6], $0x1  }
0xae: {  	[sflag:s6] =	ssyncadd.s32 @p0 $0xFFFFFFFF  }
0xaf: {  	s7 =	sshll.u32 @!p0 s1, $0xE  }
0xb0: {  	s7 =	sor.u32 @!p0 $0x4000, s7;
	s6 =	simm.s32 @!p0 $0x1B8D  }
0xb1: {  	s5 =	sshll.u32 @!p0 s5, $0x11;
	s7 =	sadd.s32 @!p0 $0x11B8D, s7;
	_ =	swait.eq @!p0 [sflag:s6], $0x1  }
0xb2: {  	s5 =	sor.u32 @!p0 s5, s7;
	[sflag:s6] =	ssyncadd.s32 @!p0 $0xFFFFFFFF  }
0xb3: {  	s25 =	simm.s32 $0x1B8E;
	s24 =	sld [smem:$0x3FFE];
	[sflag:s5] =	ssyncadd.remote.s32 @!p0 $0x1  }
0xb4: {  	s26 =	simm.s32 $execute0_lowered;
	[smem:$0x3FD2] =	sst s25  }
0xb5: {  	s6 =	sshll.u32 s26, $0x1;
	_ =	strace $0x8000004C;
	[dreg:$0x1] =	wrdreg $0xFFFFFFFF  }
0xb6: {  	s28 =	simm.s32 $_size_execute0_lowered;
	s4 =	sadd.s32 s4, s6;
	[dreg:$0x0] =	wrdreg $0x0  }
0xb7: {  	s6 =	sshll.u32 s28, $0x1;
	[dreg:$0x2] =	wrdreg s4  }
0xb8: {  	[dreg:$0x3] =	wrdreg s6  }
0xb9: {  	[dreg:$0x4] =	wrdreg $0xC0  }
0xba: {  	_ =	task [dreg:s22], $0x5FFFF  }
0xbb: {  	[dreg:$0x1] =	wrdreg $0xFFFFFFFF  }
0xbc: {  	[dreg:$0x0] =	wrdreg $0x60  }
0xbd: {  	[dreg:$0x2] =	wrdreg s18  }
0xbe: {  	[dreg:$0x3] =	wrdreg s24  }
0xbf: {  	[dreg:$0x4] =	wrdreg $0xD  }
0xc0: {  	_ =	task.clear_ibuf [dreg:s22], $0x5FFFF;
	_ =	strace $0x9000004C  }
0xc1: {  	s29 =	simm.s32 $0xD;
	_ =	strace $0x8000004E  }
0xc2: {  	_ =	swait.ge [sflag:s29], $0x1  }
0xc3: {  	[sflag:s29] =	ssyncadd.s32 $0xFFFFFFFF  }
0xc4: {  	_ =	strace $0x9000004E  }
0xc5: {  	_ =	sfence  }
0xc6: {  	s30 =	sld [smem:$0x0];
	_ =	sdelay $0x2  }
0xc7: {  	s31 =	sshll.u32 s1, $0xD;
	s1 =	sshrl.u32 s1, $0x2  }
0xc8: {  	s4 =	sand.u32 $0x4000, s31;
	s1 =	sadd.s32 s1, s30  }
0xc9: {  	s0 =	sor.u32 s4, s0;
	s1 =	sshll.u32 s1, $0x11  }
0xca: {  	s0 =	sor.u32 s1, s0  }
0xcb: {  	s0 =	sadd.s32 $0x8F2B, s0  }
0xcc: {  	[sflag:s0] =	ssyncadd.remote.s32 $0x1  }
0xcd: {  	_ =	sfence.sel $0xFFFF  }
0xce: {  	[dreg:$0x0] =	wrdreg $0xFFFFFFFF;
	(pc) =	sbr.abs _section_cstart, $3  }
0xcf: {  	[dreg:$0x1] =	wrdreg $0xFFFFFFFF  }
0xd0: {  	_ =	task.clear_ibuf [dreg:s22], $0x2FFFF;
	_ =	strace $0x9FFFFFFF  }
0xd1: {  	(tm) =	ssettm $0x7FFFFFFF  }
tec
execute0_lowered:
.L_overlay_start_1:
0x0: {  	(tag) =	ssettag $0x1  }
0x1: {  	s1 =	srdreg.scid  }
0x2: {  	s0 =	stileid.u32;
	s1 =	sand.u32 $0x1, s1  }
0x3: {  	s3 =	sshll.u32 s0, $0xC;
	s4 =	sshll.u32 s1, $0xB  }
0x4: {  	s2 =	rddreg [dreg:$0x0];
	s4 =	sor.u32 s4, s3  }
0x5: {  	s5 =	rddreg [dreg:$0x1];
	s6 =	sshrl.u32 s4, $0x3  }
0x6: {  	s3 =	simm.s32 $0x0;
	s4 =	sshll.u32 s4, $0x4;
	s6 =	sadd.s32 s6, s5  }
0x7: {  	[smem:$0x7FF] =	sst s3;
	s30 =	sadd.s32 s4, s5;
	s16 =	sadd.s32 $0xD800, s6  }
0x8: {  	_ =	strace $0x8000004D;
	s17 =	sadd.s32 $0x255800, s30;
	[dreg:$0x3] =	wrdreg s16  }
0x9: {  	s18 =	sadd.s32 $0x25C800, s30;
	[dreg:$0x4] =	wrdreg s17  }
0xa: {  	s19 =	sadd.s32 $0x25D000, s30;
	[dreg:$0x5] =	wrdreg s18  }
0xb: {  	s20 =	sadd.s32 $0x256000, s30;
	[dreg:$0x6] =	wrdreg s19  }
0xc: {  	s21 =	sadd.s32 $0x256800, s30;
	[dreg:$0x7] =	wrdreg s20  }
0xd: {  	s22 =	sadd.s32 $0x257000, s30;
	[dreg:$0x8] =	wrdreg s21  }
0xe: {  	s23 =	sadd.s32 $0x257800, s30;
	[dreg:$0x9] =	wrdreg s22  }
0xf: {  	s24 =	sadd.s32 $0x258000, s30;
	[dreg:$0xa] =	wrdreg s23  }
0x10: {  	s26 =	sadd.s32 $0x258800, s30;
	[dreg:$0xb] =	wrdreg s24  }
0x11: {  	[dreg:$0xc] =	wrdreg s26  }
0x12: {  	s4 =	simm.s32 $0x3;
	s25 =	rddreg [dreg:$0x3]  }
0x13: {  	[tilespmem:s3], [sflag:$0x3] =	stream.linear.gather [hbm4b:s25+s3], $0x800, $0x38;
	[tilespmem:$0x8800] =	vst v63  }
0x14: {  	_ =	swait.ge [sflag:s4], $0x800  }
0x15: {  	[sflag:s4] =	ssyncset.done $0x0  }
0x16: {  	s5 =	simm.s32 $0x80;
	s6 =	simm.s32 $0x800;
	[sflag:s4] =	ssyncadd.s32 $0xFFFFF800  }
0x17: {  	[tilespmem:s6], [sflag:$0x1] =	stream.indirect.gather [hbm4b:s2+s5], $0x80, s3, s5, $0xb8;
	[tilespmem:$0x8800] =	vst v63  }
0x18: {  	s7 =	simm.s32 $0x4800;
	s8 =	simm.s32 $0x1  }
0x19: {  	[tilespmem:s7], [sflag:$0x2] =	stream.indirect.gather [hbm4b:s2+s5], $0x80, s5, s5, $0xb8;
	[tilespmem:$0x8800] =	vst v63  }
0x1a: {  	_ =	swait.ge [sflag:s8], $0x4000  }
0x1b: {  	[sflag:s8] =	ssyncset.done $0x0  }
0x1c: {  	s9 =	rddreg [dreg:$0x4];
	[sflag:s8] =	ssyncadd.s32 $0xFFFFC000  }
0x1d: {  	[hbm4b:s9+s3] =	stream.linear.scatter [tilespmem:s6], [sflag:$0x3], $0x4000, $0x38;
	[tilespmem:$0x8800] =	vst v63  }
0x1e: {  	_ =	swait.ge [sflag:s4], $0x4000  }
0x1f: {  	[sflag:s4] =	ssyncset.done $0x0  }
0x20: {  	s10 =	simm.s32 $0x2;
	s9 =	simm.s32 $0x100;
	[sflag:s4] =	ssyncadd.s32 $0xFFFFC000  }
0x21: {  	[tilespmem:s6], [sflag:$0x1] =	stream.indirect.gather [hbm4b:s2+s5], $0x80, s9, s5, $0xb8;
	[tilespmem:$0x8800] =	vst v63  }
0x22: {  	_ =	swait.ge [sflag:s10], $0x4000  }
0x23: {  	[sflag:s10] =	ssyncset.done $0x0  }
0x24: {  	s11 =	rddreg [dreg:$0x7];
	[sflag:s10] =	ssyncadd.s32 $0xFFFFC000  }
0x25: {  	[hbm4b:s11+s3] =	stream.linear.scatter [tilespmem:s7], [sflag:$0x3], $0x4000, $0x38;
	[tilespmem:$0x8800] =	vst v63  }
0x26: {  	_ =	swait.ge [sflag:s4], $0x4000  }
0x27: {  	[sflag:s4] =	ssyncset.done $0x0  }
0x28: {  	s11 =	simm.s32 $0x180;
	[sflag:s4] =	ssyncadd.s32 $0xFFFFC000  }
0x29: {  	[tilespmem:s7], [sflag:$0x2] =	stream.indirect.gather [hbm4b:s2+s5], $0x80, s11, s5, $0xb8;
	[tilespmem:$0x8800] =	vst v63  }
0x2a: {  	_ =	swait.ge [sflag:s8], $0x4000  }
0x2b: {  	[sflag:s8] =	ssyncset.done $0x0  }
0x2c: {  	s12 =	rddreg [dreg:$0x8];
	[sflag:s8] =	ssyncadd.s32 $0xFFFFC000  }
0x2d: {  	[hbm4b:s12+s3] =	stream.linear.scatter [tilespmem:s6], [sflag:$0x3], $0x4000, $0x38;
	[tilespmem:$0x8800] =	vst v63  }
0x2e: {  	_ =	swait.ge [sflag:s4], $0x4000  }
0x2f: {  	[sflag:s4] =	ssyncset.done $0x0  }
0x30: {  	s12 =	simm.s32 $0x200;
	[sflag:s4] =	ssyncadd.s32 $0xFFFFC000  }
0x31: {  	[tilespmem:s6], [sflag:$0x1] =	stream.indirect.gather [hbm4b:s2+s5], $0x80, s12, s5, $0xb8;
	[tilespmem:$0x8800] =	vst v63  }
0x32: {  	_ =	swait.ge [sflag:s10], $0x4000  }
0x33: {  	[sflag:s10] =	ssyncset.done $0x0  }
0x34: {  	s13 =	rddreg [dreg:$0x9];
	[sflag:s10] =	ssyncadd.s32 $0xFFFFC000  }
0x35: {  	[hbm4b:s13+s3] =	stream.linear.scatter [tilespmem:s7], [sflag:$0x3], $0x4000, $0x38;
	[tilespmem:$0x8800] =	vst v63  }
0x36: {  	_ =	swait.ge [sflag:s4], $0x4000  }
0x37: {  	[sflag:s4] =	ssyncset.done $0x0  }
0x38: {  	s13 =	simm.s32 $0x280;
	[sflag:s4] =	ssyncadd.s32 $0xFFFFC000  }
0x39: {  	[tilespmem:s7], [sflag:$0x2] =	stream.indirect.gather [hbm4b:s2+s5], $0x80, s13, s5, $0xb8;
	[tilespmem:$0x8800] =	vst v63  }
0x3a: {  	_ =	swait.ge [sflag:s8], $0x4000  }
0x3b: {  	[sflag:s8] =	ssyncset.done $0x0  }
0x3c: {  	s14 =	rddreg [dreg:$0xa];
	[sflag:s8] =	ssyncadd.s32 $0xFFFFC000  }
0x3d: {  	[hbm4b:s14+s3] =	stream.linear.scatter [tilespmem:s6], [sflag:$0x3], $0x4000, $0x38;
	[tilespmem:$0x8800] =	vst v63  }
0x3e: {  	_ =	swait.ge [sflag:s4], $0x4000  }
0x3f: {  	[sflag:s4] =	ssyncset.done $0x0  }
0x40: {  	s14 =	simm.s32 $0x300;
	[sflag:s4] =	ssyncadd.s32 $0xFFFFC000  }
0x41: {  	[tilespmem:s6], [sflag:$0x1] =	stream.indirect.gather [hbm4b:s2+s5], $0x80, s14, s5, $0xb8;
	[tilespmem:$0x8800] =	vst v63  }
0x42: {  	_ =	swait.ge [sflag:s10], $0x4000  }
0x43: {  	[sflag:s10] =	ssyncset.done $0x0  }
0x44: {  	s15 =	rddreg [dreg:$0xb];
	[sflag:s10] =	ssyncadd.s32 $0xFFFFC000  }
0x45: {  	[hbm4b:s15+s3] =	stream.linear.scatter [tilespmem:s7], [sflag:$0x3], $0x4000, $0x38;
	[tilespmem:$0x8800] =	vst v63  }
0x46: {  	_ =	swait.ge [sflag:s4], $0x4000  }
0x47: {  	[sflag:s4] =	ssyncset.done $0x0  }
0x48: {  	s15 =	simm.s32 $0x380;
	[sflag:s4] =	ssyncadd.s32 $0xFFFFC000  }
0x49: {  	[tilespmem:s7], [sflag:$0x2] =	stream.indirect.gather [hbm4b:s2+s5], $0x80, s15, s5, $0xb8;
	[tilespmem:$0x8800] =	vst v63  }
0x4a: {  	_ =	swait.ge [sflag:s8], $0x4000  }
0x4b: {  	[sflag:s8] =	ssyncset.done $0x0  }
0x4c: {  	s16 =	rddreg [dreg:$0xc];
	[sflag:s8] =	ssyncadd.s32 $0xFFFFC000  }
0x4d: {  	[hbm4b:s16+s3] =	stream.linear.scatter [tilespmem:s6], [sflag:$0x3], $0x4000, $0x38;
	[tilespmem:$0x8800] =	vst v63  }
0x4e: {  	_ =	swait.ge [sflag:s4], $0x4000  }
0x4f: {  	[sflag:s4] =	ssyncset.done $0x0  }
0x50: {  	s16 =	simm.s32 $0x400;
	[sflag:s4] =	ssyncadd.s32 $0xFFFFC000  }
0x51: {  	[tilespmem:s6], [sflag:$0x1] =	stream.indirect.gather [hbm4b:s2+s5], $0x80, s16, s5, $0xb8;
	[tilespmem:$0x8800] =	vst v63  }
0x52: {  	_ =	swait.ge [sflag:s10], $0x4000  }
0x53: {  	[sflag:s10] =	ssyncset.done $0x0  }
0x54: {  	s17 =	sadd.s32 $0x259000, s30;
	[sflag:s10] =	ssyncadd.s32 $0xFFFFC000  }
0x55: {  	[hbm4b:s17+s3] =	stream.linear.scatter [tilespmem:s7], [sflag:$0x3], $0x4000, $0x38;
	[tilespmem:$0x8800] =	vst v63  }
0x56: {  	_ =	swait.ge [sflag:s4], $0x4000  }
0x57: {  	[sflag:s4] =	ssyncset.done $0x0  }
0x58: {  	s18 =	simm.s32 $0x480;
	[sflag:s4] =	ssyncadd.s32 $0xFFFFC000  }
0x59: {  	[tilespmem:s7], [sflag:$0x2] =	stream.indirect.gather [hbm4b:s2+s5], $0x80, s18, s5, $0xb8;
	[tilespmem:$0x8800] =	vst v63  }
0x5a: {  	_ =	swait.ge [sflag:s8], $0x4000  }
0x5b: {  	[sflag:s8] =	ssyncset.done $0x0  }
0x5c: {  	s19 =	sadd.s32 $0x259800, s30;
	[sflag:s8] =	ssyncadd.s32 $0xFFFFC000  }
0x5d: {  	[hbm4b:s19+s3] =	stream.linear.scatter [tilespmem:s6], [sflag:$0x3], $0x4000, $0x38;
	[tilespmem:$0x8800] =	vst v63  }
0x5e: {  	_ =	swait.ge [sflag:s4], $0x4000  }
0x5f: {  	[sflag:s4] =	ssyncset.done $0x0  }
0x60: {  	s20 =	simm.s32 $0x500;
	[sflag:s4] =	ssyncadd.s32 $0xFFFFC000  }
0x61: {  	[tilespmem:s6], [sflag:$0x1] =	stream.indirect.gather [hbm4b:s2+s5], $0x80, s20, s5, $0xb8;
	[tilespmem:$0x8800] =	vst v63  }
0x62: {  	_ =	swait.ge [sflag:s10], $0x4000  }
0x63: {  	[sflag:s10] =	ssyncset.done $0x0  }
0x64: {  	s21 =	sadd.s32 $0x25A000, s30;
	[sflag:s10] =	ssyncadd.s32 $0xFFFFC000  }
0x65: {  	[hbm4b:s21+s3] =	stream.linear.scatter [tilespmem:s7], [sflag:$0x3], $0x4000, $0x38;
	[tilespmem:$0x8800] =	vst v63  }
0x66: {  	_ =	swait.ge [sflag:s4], $0x4000  }
0x67: {  	[sflag:s4] =	ssyncset.done $0x0  }
0x68: {  	s22 =	simm.s32 $0x580;
	[sflag:s4] =	ssyncadd.s32 $0xFFFFC000  }
0x69: {  	[tilespmem:s7], [sflag:$0x2] =	stream.indirect.gather [hbm4b:s2+s5], $0x80, s22, s5, $0xb8;
	[tilespmem:$0x8800] =	vst v63  }
0x6a: {  	_ =	swait.ge [sflag:s8], $0x4000  }
0x6b: {  	[sflag:s8] =	ssyncset.done $0x0  }
0x6c: {  	s23 =	sadd.s32 $0x25A800, s30;
	[sflag:s8] =	ssyncadd.s32 $0xFFFFC000  }
0x6d: {  	[hbm4b:s23+s3] =	stream.linear.scatter [tilespmem:s6], [sflag:$0x3], $0x4000, $0x38;
	[tilespmem:$0x8800] =	vst v63  }
0x6e: {  	_ =	swait.ge [sflag:s4], $0x4000  }
0x6f: {  	[sflag:s4] =	ssyncset.done $0x0  }
0x70: {  	s24 =	simm.s32 $0x600;
	[sflag:s4] =	ssyncadd.s32 $0xFFFFC000  }
0x71: {  	[tilespmem:s6], [sflag:$0x1] =	stream.indirect.gather [hbm4b:s2+s5], $0x80, s24, s5, $0xb8;
	[tilespmem:$0x8800] =	vst v63  }
0x72: {  	_ =	swait.ge [sflag:s10], $0x4000  }
0x73: {  	[sflag:s10] =	ssyncset.done $0x0  }
0x74: {  	s25 =	sadd.s32 $0x25B000, s30;
	[sflag:s10] =	ssyncadd.s32 $0xFFFFC000  }
0x75: {  	[hbm4b:s25+s3] =	stream.linear.scatter [tilespmem:s7], [sflag:$0x3], $0x4000, $0x38;
	[tilespmem:$0x8800] =	vst v63  }
0x76: {  	_ =	swait.ge [sflag:s4], $0x4000  }
0x77: {  	[sflag:s4] =	ssyncset.done $0x0  }
0x78: {  	s26 =	simm.s32 $0x680;
	[sflag:s4] =	ssyncadd.s32 $0xFFFFC000  }
0x79: {  	[tilespmem:s7], [sflag:$0x2] =	stream.indirect.gather [hbm4b:s2+s5], $0x80, s26, s5, $0xb8;
	[tilespmem:$0x8800] =	vst v63  }
0x7a: {  	_ =	swait.ge [sflag:s8], $0x4000  }
0x7b: {  	[sflag:s8] =	ssyncset.done $0x0  }
0x7c: {  	s28 =	sadd.s32 $0x25B800, s30;
	[sflag:s8] =	ssyncadd.s32 $0xFFFFC000  }
0x7d: {  	[hbm4b:s28+s3] =	stream.linear.scatter [tilespmem:s6], [sflag:$0x3], $0x4000, $0x38;
	[tilespmem:$0x8800] =	vst v63  }
0x7e: {  	_ =	swait.ge [sflag:s4], $0x4000  }
0x7f: {  	[sflag:s4] =	ssyncset.done $0x0  }
0x80: {  	s29 =	simm.s32 $0x700;
	[sflag:s4] =	ssyncadd.s32 $0xFFFFC000  }
0x81: {  	[tilespmem:s6], [sflag:$0x1] =	stream.indirect.gather [hbm4b:s2+s5], $0x80, s29, s5, $0xb8;
	[tilespmem:$0x8800] =	vst v63  }
0x82: {  	_ =	swait.ge [sflag:s10], $0x4000  }
0x83: {  	[sflag:s10] =	ssyncset.done $0x0  }
0x84: {  	s30 =	sadd.s32 $0x25C000, s30;
	[sflag:s10] =	ssyncadd.s32 $0xFFFFC000  }
0x85: {  	[hbm4b:s30+s3] =	stream.linear.scatter [tilespmem:s7], [sflag:$0x3], $0x4000, $0x38;
	[tilespmem:$0x8800] =	vst v63  }
0x86: {  	_ =	swait.ge [sflag:s4], $0x4000  }
0x87: {  	[sflag:s4] =	ssyncset.done $0x0  }
0x88: {  	s31 =	simm.s32 $0x780;
	[sflag:s4] =	ssyncadd.s32 $0xFFFFC000  }
0x89: {  	[tilespmem:s7], [sflag:$0x2] =	stream.indirect.gather [hbm4b:s2+s5], $0x80, s31, s5, $0xb8;
	[tilespmem:$0x8800] =	vst v63  }
0x8a: {  	_ =	swait.ge [sflag:s8], $0x4000  }
0x8b: {  	[sflag:s8] =	ssyncset.done $0x0  }
0x8c: {  	s0 =	rddreg [dreg:$0x5];
	[sflag:s8] =	ssyncadd.s32 $0xFFFFC000  }
0x8d: {  	[hbm4b:s0+s3] =	stream.linear.scatter [tilespmem:s6], [sflag:$0x3], $0x4000, $0x38;
	[tilespmem:$0x8800] =	vst v63  }
0x8e: {  	_ =	swait.ge [sflag:s4], $0x4000  }
0x8f: {  	[sflag:s4] =	ssyncset.done $0x0  }
0x90: {  	[sflag:s4] =	ssyncadd.s32 $0xFFFFC000  }
0x91: {  	_ =	swait.ge [sflag:s10], $0x4000  }
0x92: {  	s0 =	ssub.s32 $0x2, s1;
	s1 =	rddreg [dreg:$0x6]  }
0x93: {  	[dreg:$0xd] =	wrdreg s1;
	s1 =	sshrl.u32 s0, $0x1  }
0x94: {  	s0 =	ssub.s32 s0, s1  }
0x95: {  	s0 =	smax.u32 s0, $0x1  }
0x96: {  	p0 =	sne.s32 s0, $0x1  }
.Ltmp0:
0x97: {  	_ = 	snop;
	(pc) =	sbr.rel @!p0 .LBB2_2-.Ltmp0, $4  }
0x98: {  	[sflag:s10] =	ssyncset.done $0x0  }
0x99: {  	[sflag:s10] =	ssyncadd.s32 $0xFFFFC000;
	s1 =	rddreg [dreg:$0xd]  }
0x9a: {  	[hbm4b:s1+s3] =	stream.linear.scatter [tilespmem:s7], [sflag:$0x3], $0x4000, $0x38;
	[tilespmem:$0x8800] =	vst v63  }
0x9b: {  	s1 =	sadd.s32 $0xFFFFFFFF, s0;
	_ =	swait.ge [sflag:s4], $0x4000  }
.LBB2_1:
0x9c: {  	[sflag:s4] =	ssyncset.done $0x0  }
0x9d: {  	s0 =	rddreg [dreg:$0x3];
	[sflag:s4] =	ssyncadd.s32 $0xFFFFC000  }
0x9e: {  	[tilespmem:s3], [sflag:$0x3] =	stream.linear.gather [hbm4b:s0+s3], $0x800, $0x38;
	[tilespmem:$0x8800] =	vst v63  }
0x9f: {  	_ =	swait.ge [sflag:s4], $0x800  }
0xa0: {  	[sflag:s4] =	ssyncset.done $0x0  }
0xa1: {  	[sflag:s4] =	ssyncadd.s32 $0xFFFFF800  }
0xa2: {  	[tilespmem:s6], [sflag:$0x1] =	stream.indirect.gather [hbm4b:s2+s5], $0x80, s3, s5, $0xb8;
	[tilespmem:$0x8800] =	vst v63  }
0xa3: {  	_ = 	snop  }
0xa4: {  	[tilespmem:s7], [sflag:$0x2] =	stream.indirect.gather [hbm4b:s2+s5], $0x80, s5, s5, $0xb8;
	[tilespmem:$0x8800] =	vst v63  }
0xa5: {  	_ =	swait.ge [sflag:s8], $0x4000  }
0xa6: {  	[sflag:s8] =	ssyncset.done $0x0  }
0xa7: {  	s0 =	rddreg [dreg:$0x4];
	[sflag:s8] =	ssyncadd.s32 $0xFFFFC000  }
0xa8: {  	[hbm4b:s0+s3] =	stream.linear.scatter [tilespmem:s6], [sflag:$0x3], $0x4000, $0x38;
	[tilespmem:$0x8800] =	vst v63  }
0xa9: {  	_ =	swait.ge [sflag:s4], $0x4000  }
0xaa: {  	[sflag:s4] =	ssyncset.done $0x0  }
0xab: {  	[sflag:s4] =	ssyncadd.s32 $0xFFFFC000  }
0xac: {  	[tilespmem:s6], [sflag:$0x1] =	stream.indirect.gather [hbm4b:s2+s5], $0x80, s9, s5, $0xb8;
	[tilespmem:$0x8800] =	vst v63  }
0xad: {  	_ =	swait.ge [sflag:s10], $0x4000  }
0xae: {  	[sflag:s10] =	ssyncset.done $0x0  }
0xaf: {  	s0 =	rddreg [dreg:$0x7];
	[sflag:s10] =	ssyncadd.s32 $0xFFFFC000  }
0xb0: {  	[hbm4b:s0+s3] =	stream.linear.scatter [tilespmem:s7], [sflag:$0x3], $0x4000, $0x38;
	[tilespmem:$0x8800] =	vst v63  }
0xb1: {  	_ =	swait.ge [sflag:s4], $0x4000  }
0xb2: {  	[sflag:s4] =	ssyncset.done $0x0  }
0xb3: {  	[sflag:s4] =	ssyncadd.s32 $0xFFFFC000  }
0xb4: {  	[tilespmem:s7], [sflag:$0x2] =	stream.indirect.gather [hbm4b:s2+s5], $0x80, s11, s5, $0xb8;
	[tilespmem:$0x8800] =	vst v63  }
0xb5: {  	_ =	swait.ge [sflag:s8], $0x4000  }
0xb6: {  	[sflag:s8] =	ssyncset.done $0x0  }
0xb7: {  	s0 =	rddreg [dreg:$0x8];
	[sflag:s8] =	ssyncadd.s32 $0xFFFFC000  }
0xb8: {  	[hbm4b:s0+s3] =	stream.linear.scatter [tilespmem:s6], [sflag:$0x3], $0x4000, $0x38;
	[tilespmem:$0x8800] =	vst v63  }
0xb9: {  	_ =	swait.ge [sflag:s4], $0x4000  }
0xba: {  	[sflag:s4] =	ssyncset.done $0x0  }
0xbb: {  	[sflag:s4] =	ssyncadd.s32 $0xFFFFC000  }
0xbc: {  	[tilespmem:s6], [sflag:$0x1] =	stream.indirect.gather [hbm4b:s2+s5], $0x80, s12, s5, $0xb8;
	[tilespmem:$0x8800] =	vst v63  }
0xbd: {  	_ =	swait.ge [sflag:s10], $0x4000  }
0xbe: {  	[sflag:s10] =	ssyncset.done $0x0  }
0xbf: {  	s0 =	rddreg [dreg:$0x9];
	[sflag:s10] =	ssyncadd.s32 $0xFFFFC000  }
0xc0: {  	[hbm4b:s0+s3] =	stream.linear.scatter [tilespmem:s7], [sflag:$0x3], $0x4000, $0x38;
	[tilespmem:$0x8800] =	vst v63  }
0xc1: {  	_ =	swait.ge [sflag:s4], $0x4000  }
0xc2: {  	[sflag:s4] =	ssyncset.done $0x0  }
0xc3: {  	[sflag:s4] =	ssyncadd.s32 $0xFFFFC000  }
0xc4: {  	[tilespmem:s7], [sflag:$0x2] =	stream.indirect.gather [hbm4b:s2+s5], $0x80, s13, s5, $0xb8;
	[tilespmem:$0x8800] =	vst v63  }
0xc5: {  	_ =	swait.ge [sflag:s8], $0x4000  }
0xc6: {  	[sflag:s8] =	ssyncset.done $0x0  }
0xc7: {  	s0 =	rddreg [dreg:$0xa];
	[sflag:s8] =	ssyncadd.s32 $0xFFFFC000  }
0xc8: {  	[hbm4b:s0+s3] =	stream.linear.scatter [tilespmem:s6], [sflag:$0x3], $0x4000, $0x38;
	[tilespmem:$0x8800] =	vst v63  }
0xc9: {  	_ =	swait.ge [sflag:s4], $0x4000  }
0xca: {  	[sflag:s4] =	ssyncset.done $0x0  }
0xcb: {  	[sflag:s4] =	ssyncadd.s32 $0xFFFFC000  }
0xcc: {  	[tilespmem:s6], [sflag:$0x1] =	stream.indirect.gather [hbm4b:s2+s5], $0x80, s14, s5, $0xb8;
	[tilespmem:$0x8800] =	vst v63  }
0xcd: {  	_ =	swait.ge [sflag:s10], $0x4000  }
0xce: {  	[sflag:s10] =	ssyncset.done $0x0  }
0xcf: {  	s0 =	rddreg [dreg:$0xb];
	[sflag:s10] =	ssyncadd.s32 $0xFFFFC000  }
0xd0: {  	[hbm4b:s0+s3] =	stream.linear.scatter [tilespmem:s7], [sflag:$0x3], $0x4000, $0x38;
	[tilespmem:$0x8800] =	vst v63  }
0xd1: {  	_ =	swait.ge [sflag:s4], $0x4000  }
0xd2: {  	[sflag:s4] =	ssyncset.done $0x0  }
0xd3: {  	[sflag:s4] =	ssyncadd.s32 $0xFFFFC000  }
0xd4: {  	[tilespmem:s7], [sflag:$0x2] =	stream.indirect.gather [hbm4b:s2+s5], $0x80, s15, s5, $0xb8;
	[tilespmem:$0x8800] =	vst v63  }
0xd5: {  	_ =	swait.ge [sflag:s8], $0x4000  }
0xd6: {  	[sflag:s8] =	ssyncset.done $0x0  }
0xd7: {  	s0 =	rddreg [dreg:$0xc];
	[sflag:s8] =	ssyncadd.s32 $0xFFFFC000  }
0xd8: {  	[hbm4b:s0+s3] =	stream.linear.scatter [tilespmem:s6], [sflag:$0x3], $0x4000, $0x38;
	[tilespmem:$0x8800] =	vst v63  }
0xd9: {  	_ =	swait.ge [sflag:s4], $0x4000  }
0xda: {  	[sflag:s4] =	ssyncset.done $0x0  }
0xdb: {  	[sflag:s4] =	ssyncadd.s32 $0xFFFFC000  }
0xdc: {  	[tilespmem:s6], [sflag:$0x1] =	stream.indirect.gather [hbm4b:s2+s5], $0x80, s16, s5, $0xb8;
	[tilespmem:$0x8800] =	vst v63  }
0xdd: {  	_ =	swait.ge [sflag:s10], $0x4000  }
0xde: {  	[sflag:s10] =	ssyncset.done $0x0  }
0xdf: {  	[sflag:s10] =	ssyncadd.s32 $0xFFFFC000  }
0xe0: {  	[hbm4b:s17+s3] =	stream.linear.scatter [tilespmem:s7], [sflag:$0x3], $0x4000, $0x38;
	[tilespmem:$0x8800] =	vst v63  }
0xe1: {  	_ =	swait.ge [sflag:s4], $0x4000  }
0xe2: {  	[sflag:s4] =	ssyncset.done $0x0  }
0xe3: {  	[sflag:s4] =	ssyncadd.s32 $0xFFFFC000  }
0xe4: {  	[tilespmem:s7], [sflag:$0x2] =	stream.indirect.gather [hbm4b:s2+s5], $0x80, s18, s5, $0xb8;
	[tilespmem:$0x8800] =	vst v63  }
0xe5: {  	_ =	swait.ge [sflag:s8], $0x4000  }
0xe6: {  	[sflag:s8] =	ssyncset.done $0x0  }
0xe7: {  	[sflag:s8] =	ssyncadd.s32 $0xFFFFC000  }
0xe8: {  	[hbm4b:s19+s3] =	stream.linear.scatter [tilespmem:s6], [sflag:$0x3], $0x4000, $0x38;
	[tilespmem:$0x8800] =	vst v63  }
0xe9: {  	_ =	swait.ge [sflag:s4], $0x4000  }
0xea: {  	[sflag:s4] =	ssyncset.done $0x0  }
0xeb: {  	[sflag:s4] =	ssyncadd.s32 $0xFFFFC000  }
0xec: {  	[tilespmem:s6], [sflag:$0x1] =	stream.indirect.gather [hbm4b:s2+s5], $0x80, s20, s5, $0xb8;
	[tilespmem:$0x8800] =	vst v63  }
0xed: {  	_ =	swait.ge [sflag:s10], $0x4000  }
0xee: {  	[sflag:s10] =	ssyncset.done $0x0  }
0xef: {  	[sflag:s10] =	ssyncadd.s32 $0xFFFFC000  }
0xf0: {  	[hbm4b:s21+s3] =	stream.linear.scatter [tilespmem:s7], [sflag:$0x3], $0x4000, $0x38;
	[tilespmem:$0x8800] =	vst v63  }
0xf1: {  	_ =	swait.ge [sflag:s4], $0x4000  }
0xf2: {  	[sflag:s4] =	ssyncset.done $0x0  }
0xf3: {  	[sflag:s4] =	ssyncadd.s32 $0xFFFFC000  }
0xf4: {  	[tilespmem:s7], [sflag:$0x2] =	stream.indirect.gather [hbm4b:s2+s5], $0x80, s22, s5, $0xb8;
	[tilespmem:$0x8800] =	vst v63  }
0xf5: {  	_ =	swait.ge [sflag:s8], $0x4000  }
0xf6: {  	[sflag:s8] =	ssyncset.done $0x0  }
0xf7: {  	[sflag:s8] =	ssyncadd.s32 $0xFFFFC000  }
0xf8: {  	[hbm4b:s23+s3] =	stream.linear.scatter [tilespmem:s6], [sflag:$0x3], $0x4000, $0x38;
	[tilespmem:$0x8800] =	vst v63  }
0xf9: {  	_ =	swait.ge [sflag:s4], $0x4000  }
0xfa: {  	[sflag:s4] =	ssyncset.done $0x0  }
0xfb: {  	[sflag:s4] =	ssyncadd.s32 $0xFFFFC000  }
0xfc: {  	[tilespmem:s6], [sflag:$0x1] =	stream.indirect.gather [hbm4b:s2+s5], $0x80, s24, s5, $0xb8;
	[tilespmem:$0x8800] =	vst v63  }
0xfd: {  	_ =	swait.ge [sflag:s10], $0x4000  }
0xfe: {  	[sflag:s10] =	ssyncset.done $0x0  }
0xff: {  	[sflag:s10] =	ssyncadd.s32 $0xFFFFC000  }
0x100: {  	[hbm4b:s25+s3] =	stream.linear.scatter [tilespmem:s7], [sflag:$0x3], $0x4000, $0x38;
	[tilespmem:$0x8800] =	vst v63  }
0x101: {  	_ =	swait.ge [sflag:s4], $0x4000  }
0x102: {  	[sflag:s4] =	ssyncset.done $0x0  }
0x103: {  	[sflag:s4] =	ssyncadd.s32 $0xFFFFC000  }
0x104: {  	[tilespmem:s7], [sflag:$0x2] =	stream.indirect.gather [hbm4b:s2+s5], $0x80, s26, s5, $0xb8;
	[tilespmem:$0x8800] =	vst v63  }
0x105: {  	_ =	swait.ge [sflag:s8], $0x4000  }
0x106: {  	[sflag:s8] =	ssyncset.done $0x0  }
0x107: {  	[sflag:s8] =	ssyncadd.s32 $0xFFFFC000  }
0x108: {  	[hbm4b:s28+s3] =	stream.linear.scatter [tilespmem:s6], [sflag:$0x3], $0x4000, $0x38;
	[tilespmem:$0x8800] =	vst v63  }
0x109: {  	_ =	swait.ge [sflag:s4], $0x4000  }
0x10a: {  	[sflag:s4] =	ssyncset.done $0x0  }
0x10b: {  	[sflag:s4] =	ssyncadd.s32 $0xFFFFC000  }
0x10c: {  	[tilespmem:s6], [sflag:$0x1] =	stream.indirect.gather [hbm4b:s2+s5], $0x80, s29, s5, $0xb8;
	[tilespmem:$0x8800] =	vst v63  }
0x10d: {  	_ =	swait.ge [sflag:s10], $0x4000  }
0x10e: {  	[sflag:s10] =	ssyncset.done $0x0  }
0x10f: {  	[sflag:s10] =	ssyncadd.s32 $0xFFFFC000  }
0x110: {  	[hbm4b:s30+s3] =	stream.linear.scatter [tilespmem:s7], [sflag:$0x3], $0x4000, $0x38;
	[tilespmem:$0x8800] =	vst v63  }
0x111: {  	_ =	swait.ge [sflag:s4], $0x4000  }
0x112: {  	[sflag:s4] =	ssyncset.done $0x0  }
0x113: {  	[sflag:s4] =	ssyncadd.s32 $0xFFFFC000  }
0x114: {  	[tilespmem:s7], [sflag:$0x2] =	stream.indirect.gather [hbm4b:s2+s5], $0x80, s31, s5, $0xb8;
	[tilespmem:$0x8800] =	vst v63  }
0x115: {  	_ =	swait.ge [sflag:s8], $0x4000  }
0x116: {  	[sflag:s8] =	ssyncset.done $0x0  }
0x117: {  	s0 =	rddreg [dreg:$0x5];
	[sflag:s8] =	ssyncadd.s32 $0xFFFFC000  }
0x118: {  	[hbm4b:s0+s3] =	stream.linear.scatter [tilespmem:s6], [sflag:$0x3], $0x4000, $0x38;
	[tilespmem:$0x8800] =	vst v63  }
0x119: {  	_ =	swait.ge [sflag:s4], $0x4000  }
0x11a: {  	[sflag:s4] =	ssyncset.done $0x0  }
0x11b: {  	p0 =	sne.s32 s1, $0x1;
	[sflag:s4] =	ssyncadd.s32 $0xFFFFC000  }
.Ltmp1:
0x11c: {  	_ =	swait.ge [sflag:s10], $0x4000;
	(pc) =	sbr.rel @p0 .LBB2_1-.Ltmp1, $4  }
0x11d: {  	[sflag:s10] =	ssyncset.done $0x0  }
0x11e: {  	s0 =	rddreg [dreg:$0x6];
	[sflag:s10] =	ssyncadd.s32 $0xFFFFC000  }
0x11f: {  	[hbm4b:s0+s3] =	stream.linear.scatter [tilespmem:s7], [sflag:$0x3], $0x4000, $0x38;
	[tilespmem:$0x8800] =	vst v63  }
0x120: {  	s1 =	sadd.s32 $0xFFFFFFFF, s1;
	_ =	swait.ge [sflag:s4], $0x4000  }
.LBB2_2:
0x121: {  	[sflag:s4] =	ssyncset.done $0x0  }
0x122: {  	[sflag:s4] =	ssyncadd.s32 $0xFFFFC000  }
0x123: {  	_ =	sfence.sel $0x180000  }
0x124: {  	[bflag:$0x0] =	sbarrier.arrive $0xFFFF  }
0x125: {  	_ =	strace $0x9000004D  }
0x126: {  	s0 =	stileid.u32;
	[bflag:$0x2] =	sbarrier.arrive $0xFFFF  }
0x127: {  	p0 =	sne.s32 s0, $0x0;
	s0 =	rddreg [dreg:$0x2]  }
0x128: {  	s0 =	sadd.s32 @!p0 $0x100000, s0  }
0x129: {  	[sflag:s0] =	ssyncadd.tile.s32 @!p0 $0x1;
	_ =	shalt  }
.Lfunc_end2:
_tile_overlayer_lowered:
.L_overlay_start_2:
0x12a: {  	(tag) =	ssettag $0x2  }
0x12b: {  	s0 =	rddreg [dreg:$0x0];
	s2 =	stileid.u32  }
0x12c: {  	s1 =	rddreg [dreg:$0x1];
	p0 =	sne.s32 s2, $0x0  }
0x12d: {  	s3 =	rddreg [dreg:$0x2];
	[bflag:$0x3] =	sbarrier.arrive $0xFFFF;
	s2 =	simm.s32 @!p0 $0x1C03  }
0x12e: {  	[timem:s3], [sflag:s2] =	dma.local @!p0 [hbm:s0], s1  }
0x12f: {  	s0 =	simm.s32 @!p0 $0x3  }
0x130: {  	_ =	swait.ge @!p0 [sflag:s0], s1  }
0x131: {  	s1 =	ssub.s32 @!p0 $0x0, s1;
	[sflag:s0] =	ssyncset.done @!p0 $0x0  }
0x132: {  	[sflag:s0] =	ssyncadd.s32 @!p0 s1  }
0x133: {  	[bflag:$0x3] =	sbarrier.arrive $0xFFFF  }
0x134: {  	_ =	shalt  }

// kernel: kernel.34.cloned.1.call-start
scs
__scs_entry_jumppad:
0x0: {  	(pc) =	sbr.rel $0x88, $3  }
0x1: {  	(tag) =	ssettag $0x0;
	lr =	simm.s32 $0x1  }
0x2: {  	[smem:$0x3F99] =	sst lr;
	_ =	strace $0xD0000000  }
0x3: {  	_ = 	snop  }
0x4: {  	_ = 	snop  }
0x5: {  	_ = 	snop  }
0x6: {  	_ = 	snop  }
0x7: {  	_ = 	snop  }
__scs_overlays_trampoline_lowered:
0x8: {  	[smem:$0x3FA8] =	sst s0  }
0x9: {  	[smem:$0x3FA9] =	sst s1  }
0xa: {  	[smem:$0x3FAA] =	sst s2  }
0xb: {  	[smem:$0x3FAB] =	sst s3  }
0xc: {  	[smem:$0x3FAC] =	sst s4  }
0xd: {  	[smem:$0x3FAD] =	sst s5  }
0xe: {  	[smem:$0x3FAE] =	sst s6  }
0xf: {  	[smem:$0x3FAF] =	sst s7  }
0x10: {  	[smem:$0x3FB0] =	sst s8  }
0x11: {  	[smem:$0x3FB1] =	sst s9;
	s0 =	simm.s32 @!p0 $0x0  }
0x12: {  	s1 =	sld [smem:$0x3F97];
	s0 =	simm.s32 @p0 $0x1  }
0x13: {  	[smem:$0x3FB2] =	sst s0;
	s0 =	simm.s32 @!p1 $0x0  }
0x14: {  	s2 =	sld [smem:$0x3F96];
	s0 =	simm.s32 @p1 $0x1  }
0x15: {  	[smem:$0x3FB3] =	sst s0;
	s0 =	simm.s32 @!p2 $0x0  }
0x16: {  	s3 =	sld [smem:$0x3FDB];
	s0 =	simm.s32 @p2 $0x1  }
0x17: {  	s4 =	simm.s32 $0x1BF5;
	[smem:$0x3FB5] =	sst s0  }
0x18: {  	s0 =	sld [smem:$0x3F98];
	_ =	swait.ge [sflag:s4], $0x0  }
0x19: {  	s7 =	sld [smem:$0x3F99]  }
0x1a: {  	s8 =	sadd.s32 $0xFFFFE003, lr  }
0x1b: {  	s9 =	sadd.s32 $0xFFFFFEF7, lr;
	s5 =	simm.s32 $0xFFFFFFFF;
	p2 =	slt.u32 s8, $0xFFFFF086  }
0x1c: {  	p1 =	slt.u32 s9, $0xF7A;
	s5 =	simm.s32 @!p2 $0x0  }
0x1d: {  	s5 =	simm.s32 @p1 $0x1;
	p0 =	seq.s32 s7, s2  }
0x1e: {  	s7 =	smul.u32 @!p0 $0xF7A, s2;
	p2 =	seq.s32 @!p0 s5, $0x0  }
0x1f: {  	s9 =	smul.u32 $0xF7A, s1;
	s8 =	simm.s32 @!p0 $0x1BF5;
	p2 =	por !p2, p0  }
0x20: {  	[sflag:s8] =	ssyncset.s32 @!p0 $0xFFFFF086;
	s6 =	sadd.s32 @!p0 s3, s7;
	s7 =	simm.s32 @!p0 $0x108  }
0x21: {  	s3 =	sadd.s32 s3, s9;
	s6 =	sadd.s32 @!p0 $0x88, s6;
	s7 =	simm.s32 @p2 $0x1082  }
0x22: {  	[simem:s7], [sflag:s8] =	dma.local @!p0 [hbm:s6], $0xF7A  }
0x23: {  	s9 =	sor.u32 $0xD0000000, s2;
	s6 =	simm.s32 $0x108;
	_ =	swait.ge @!p0 [sflag:s8], $0x0  }
0x24: {  	s3 =	sadd.s32 $0x88, s3;
	s6 =	simm.s32 @!p1 $0x1082;
	[sflag:s4] =	ssyncset.s32 $0xFFFFF086  }
0x25: {  	[simem:s6], [sflag:s4] =	dma.local [hbm:s3], $0xF7A  }
0x26: {  	[smem:$0x3F99] =	sst s1;
	(tag) =	ssettag s2;
	_ =	strace s9  }
0x27: {  	s1 =	sld [smem:$0x3FA9]  }
0x28: {  	s2 =	sld [smem:$0x3FAA]  }
0x29: {  	s4 =	sld [smem:$0x3FAC]  }
0x2a: {  	p0 =	seq.s32 s5, $0x0;
	s5 =	sld [smem:$0x3FAD]  }
0x2b: {  	s6 =	sld [smem:$0x3FAE]  }
0x2c: {  	s7 =	sld [smem:$0x3FAF]  }
0x2d: {  	s3 =	simm.s32 $0x108;
	s8 =	sld [smem:$0x3FB0]  }
0x2e: {  	s3 =	simm.s32 @!p0 $0x1082;
	s9 =	sld [smem:$0x3FB1]  }
0x2f: {  	lr =	sadd.s32 s0, s3;
	s0 =	sld [smem:$0x3FA8]  }
0x30: {  	s3 =	sld [smem:$0x3FAB]  }
0x31: {  	[smem:$0x3FB4] =	sst s10  }
0x32: {  	s10 =	sld [smem:$0x3FB2];
	_ =	sdelay $0x3  }
0x33: {  	p0 =	seq.s32 s10, $0x1;
	s10 =	sld [smem:$0x3FB4];
	_ =	sdelay $0x3  }
0x34: {  	[smem:$0x3FB4] =	sst s10  }
0x35: {  	s10 =	sld [smem:$0x3FB3];
	_ =	sdelay $0x3  }
0x36: {  	p1 =	seq.s32 s10, $0x1;
	s10 =	sld [smem:$0x3FB4];
	_ =	sdelay $0x3  }
0x37: {  	[smem:$0x3FB4] =	sst s10  }
0x38: {  	s10 =	sld [smem:$0x3FB5]  }
0x39: {  	_ = 	snop;
	(pc) =	sbr.ind lr, $3  }
0x3a: {  	_ = 	snop  }
0x3b: {  	_ = 	snop  }
0x3c: {  	p2 =	seq.s32 s10, $0x1;
	s10 =	sld [smem:$0x3FB4]  }
0x3d: {  	_ =	shalt  }
0x3e: {  	_ =	shalt  }
0x3f: {  	_ =	shalt  }
0x40: {  	_ =	shalt  }
0x41: {  	_ =	shalt  }
0x42: {  	_ =	shalt  }
0x43: {  	_ =	shalt  }
0x44: {  	_ =	shalt  }
0x45: {  	_ =	shalt  }
0x46: {  	_ =	shalt  }
0x47: {  	_ =	shalt  }
0x48: {  	_ =	shalt  }
0x49: {  	_ =	shalt  }
0x4a: {  	_ =	shalt  }
0x4b: {  	_ =	shalt  }
0x4c: {  	_ =	shalt  }
0x4d: {  	_ =	shalt  }
0x4e: {  	_ =	shalt  }
0x4f: {  	_ =	shalt  }
0x50: {  	_ =	shalt  }
0x51: {  	_ =	shalt  }
0x52: {  	_ =	shalt  }
0x53: {  	_ =	shalt  }
0x54: {  	_ =	shalt  }
0x55: {  	_ =	shalt  }
0x56: {  	_ =	shalt  }
0x57: {  	_ =	shalt  }
0x58: {  	_ =	shalt  }
0x59: {  	_ =	shalt  }
0x5a: {  	_ =	shalt  }
0x5b: {  	_ =	shalt  }
0x5c: {  	_ =	shalt  }
0x5d: {  	_ =	shalt  }
0x5e: {  	_ =	shalt  }
0x5f: {  	_ =	shalt  }
0x60: {  	_ =	shalt  }
0x61: {  	_ =	shalt  }
0x62: {  	_ =	shalt  }
0x63: {  	_ =	shalt  }
0x64: {  	_ =	shalt  }
0x65: {  	_ =	shalt  }
0x66: {  	_ =	shalt  }
0x67: {  	_ =	shalt  }
0x68: {  	_ =	shalt  }
0x69: {  	_ =	shalt  }
0x6a: {  	_ =	shalt  }
0x6b: {  	_ =	shalt  }
0x6c: {  	_ =	shalt  }
0x6d: {  	_ =	shalt  }
0x6e: {  	_ =	shalt  }
0x6f: {  	_ =	shalt  }
0x70: {  	_ =	shalt  }
0x71: {  	_ =	shalt  }
0x72: {  	_ =	shalt  }
0x73: {  	_ =	shalt  }
0x74: {  	_ =	shalt  }
0x75: {  	_ =	shalt  }
0x76: {  	_ =	shalt  }
0x77: {  	_ =	shalt  }
0x78: {  	_ =	shalt  }
0x79: {  	_ =	shalt  }
0x7a: {  	_ =	shalt  }
0x7b: {  	_ =	shalt  }
0x7c: {  	_ =	shalt  }
0x7d: {  	_ =	shalt  }
0x7e: {  	_ =	shalt  }
0x7f: {  	_ =	shalt  }
0x80: {  	_ =	shalt  }
0x81: {  	_ =	shalt  }
0x82: {  	_ =	shalt  }
0x83: {  	_ =	shalt  }
0x84: {  	_ =	shalt  }
0x85: {  	_ =	shalt  }
0x86: {  	_ =	shalt  }
0x87: {  	_ =	shalt  }
.Lfunc_end0:
.L_simem_size_0:
called_computation.5_lowered:
.L_overlay_start_0:
0x88: {  	s2 =	sld [smem:$0x3FD9]  }
0x89: {  	s3 =	sld [smem:$0x3FFE];
	_ =	sdelay $0x1  }
0x8a: {  	s1 =	srdreg.scid  }
0x8b: {  	s0 =	sand.u32 $0x1, s1  }
0x8c: {  	s17 =	sshll.u32 s0, $0xA;
	s2 =	sadd.s32 s3, s2  }
0x8d: {  	s2 =	sadd.s32 s2, s17  }
0x8e: {  	[smem:$0x3FC0] =	sst s2  }
0x8f: {  	_ = 	snop  }
0x90: {  	s18 =	sld [smem:$0x3FD0];
	(tm) =	ssettm $0x1  }
0x91: {  	s19 =	sld [smem:$0x3FFB];
	_ =	sdelay $0x3  }
0x92: {  	_ =	strace s19  }
0x93: {  	s2 =	sld [smem:$0x3FFC];
	_ =	sdelay $0x3  }
0x94: {  	_ =	strace s2  }
0x95: {  	s2 =	sld [smem:$0x3FFD];
	_ =	sdelay $0x3  }
0x96: {  	_ =	strace s2  }
0x97: {  	_ =	strace $0x8FFFFFFF  }
0x98: {  	s20 =	sld [smem:$0x3FDB];
	_ =	sdelay $0x1  }
0x99: {  	s4 =	simm.s32 $_scs_section_size  }
0x9a: {  	s5 =	simm.s32 $_size__tile_overlayer_lowered;
	s6 =	simm.s32 $_tile_overlayer_lowered  }
0x9b: {  	s7 =	simm.s32 $0x1BFF;
	s21 =	sshll.u32 s6, $0x1;
	s4 =	sadd.s32 s4, s20  }
0x9c: {  	s22 =	simm.s32 $0x0;
	s5 =	sshll.u32 s5, $0x1;
	s6 =	sadd.s32 s21, s4  }
0x9d: {  	[timem:s22], [sflag:s7] =	dma.local [hbm:s6], s5  }
0x9e: {  	_ =	swait.ge [sflag:s7], s5  }
0x9f: {  	s5 =	ssub.s32 $0x0, s5;
	[sflag:s7] =	ssyncset.done $0x0  }
0xa0: {  	[sflag:s7] =	ssyncadd.s32 s5;
	_ =	sdelay $0x1  }
0xa1: {  	s23 =	simm.s32 $0x1B8B  }
0xa2: {  	_ =	swait.ge [sflag:s23], $0x1  }
0xa3: {  	[sflag:s23] =	ssyncset.done $0x0  }
0xa4: {  	[sflag:s23] =	ssyncadd.s32 $0xFFFFFFFF  }
0xa5: {  	s5 =	sld [smem:$0x0]  }
0xa6: {  	s6 =	sand.u32 $0xFFFFFFFE, s1  }
0xa7: {  	p0 =	sne.s32 s1, s6  }
0xa8: {  	s6 =	sshll.u32 @p0 s6, $0xE  }
0xa9: {  	s6 =	sadd.s32 @p0 $0x11B8D, s6;
	s7 =	sshll.u32 @p0 s5, $0x11  }
0xaa: {  	s6 =	sor.u32 @p0 s7, s6  }
0xab: {  	[sflag:s6] =	ssyncadd.remote.s32 @p0 $0x1;
	_ =	sdelay $0x1  }
0xac: {  	s6 =	simm.s32 @p0 $0x1B8D  }
0xad: {  	_ =	swait.eq @p0 [sflag:s6], $0x1  }
0xae: {  	[sflag:s6] =	ssyncadd.s32 @p0 $0xFFFFFFFF  }
0xaf: {  	s7 =	sshll.u32 @!p0 s1, $0xE  }
0xb0: {  	s7 =	sor.u32 @!p0 $0x4000, s7;
	s6 =	simm.s32 @!p0 $0x1B8D  }
0xb1: {  	s5 =	sshll.u32 @!p0 s5, $0x11;
	s7 =	sadd.s32 @!p0 $0x11B8D, s7;
	_ =	swait.eq @!p0 [sflag:s6], $0x1  }
0xb2: {  	s5 =	sor.u32 @!p0 s5, s7;
	[sflag:s6] =	ssyncadd.s32 @!p0 $0xFFFFFFFF  }
0xb3: {  	s25 =	simm.s32 $0x1B8E;
	s24 =	sld [smem:$0x3FFE];
	[sflag:s5] =	ssyncadd.remote.s32 @!p0 $0x1  }
0xb4: {  	s26 =	simm.s32 $execute0_lowered;
	[smem:$0x3FD2] =	sst s25  }
0xb5: {  	s6 =	sshll.u32 s26, $0x1;
	_ =	strace $0x80000049;
	[dreg:$0x1] =	wrdreg $0xFFFFFFFF  }
0xb6: {  	s28 =	simm.s32 $_size_execute0_lowered;
	s4 =	sadd.s32 s4, s6;
	[dreg:$0x0] =	wrdreg $0x0  }
0xb7: {  	s6 =	sshll.u32 s28, $0x1;
	[dreg:$0x2] =	wrdreg s4  }
0xb8: {  	[dreg:$0x3] =	wrdreg s6  }
0xb9: {  	[dreg:$0x4] =	wrdreg $0xC0  }
0xba: {  	_ =	task [dreg:s22], $0x5FFFF  }
0xbb: {  	[dreg:$0x1] =	wrdreg $0xFFFFFFFF  }
0xbc: {  	[dreg:$0x0] =	wrdreg $0x60  }
0xbd: {  	[dreg:$0x2] =	wrdreg s18  }
0xbe: {  	[dreg:$0x3] =	wrdreg s24  }
0xbf: {  	[dreg:$0x4] =	wrdreg $0xE  }
0xc0: {  	_ =	task.clear_ibuf [dreg:s22], $0x5FFFF;
	_ =	strace $0x90000049  }
0xc1: {  	s29 =	simm.s32 $0xE;
	_ =	strace $0x8000004B  }
0xc2: {  	_ =	swait.ge [sflag:s29], $0x1  }
0xc3: {  	[sflag:s29] =	ssyncadd.s32 $0xFFFFFFFF  }
0xc4: {  	_ =	strace $0x9000004B  }
0xc5: {  	_ =	sfence  }
0xc6: {  	s30 =	sld [smem:$0x0];
	_ =	sdelay $0x2  }
0xc7: {  	s31 =	sshll.u32 s1, $0xD;
	s1 =	sshrl.u32 s1, $0x2  }
0xc8: {  	s4 =	sand.u32 $0x4000, s31;
	s1 =	sadd.s32 s1, s30  }
0xc9: {  	s0 =	sor.u32 s4, s0;
	s1 =	sshll.u32 s1, $0x11  }
0xca: {  	s0 =	sor.u32 s1, s0  }
0xcb: {  	s0 =	sadd.s32 $0x8F2B, s0  }
0xcc: {  	[sflag:s0] =	ssyncadd.remote.s32 $0x1  }
0xcd: {  	_ =	sfence.sel $0xFFFF  }
0xce: {  	[dreg:$0x0] =	wrdreg $0xFFFFFFFF;
	(pc) =	sbr.abs _section_cstart, $3  }
0xcf: {  	[dreg:$0x1] =	wrdreg $0xFFFFFFFF  }
0xd0: {  	_ =	task.clear_ibuf [dreg:s22], $0x2FFFF;
	_ =	strace $0x9FFFFFFF  }
0xd1: {  	(tm) =	ssettm $0x7FFFFFFF  }
tec
execute0_lowered:
.L_overlay_start_1:
0x0: {  	(tag) =	ssettag $0x1  }
0x1: {  	s1 =	srdreg.scid  }
0x2: {  	s0 =	stileid.u32;
	s1 =	sand.u32 $0x1, s1  }
0x3: {  	s3 =	sshll.u32 s0, $0xC;
	s4 =	sshll.u32 s1, $0xB  }
0x4: {  	s2 =	rddreg [dreg:$0x0];
	s4 =	sor.u32 s4, s3  }
0x5: {  	s5 =	rddreg [dreg:$0x1];
	s6 =	sshrl.u32 s4, $0x3  }
0x6: {  	s3 =	simm.s32 $0x0;
	s4 =	sshll.u32 s4, $0x4;
	s6 =	sadd.s32 s6, s5  }
0x7: {  	[smem:$0x7FF] =	sst s3;
	s30 =	sadd.s32 s4, s5;
	s16 =	sadd.s32 $0xF800, s6  }
0x8: {  	_ =	strace $0x8000004A;
	s17 =	sadd.s32 $0x155800, s30;
	[dreg:$0x3] =	wrdreg s16  }
0x9: {  	s18 =	sadd.s32 $0x15C800, s30;
	[dreg:$0x4] =	wrdreg s17  }
0xa: {  	s19 =	sadd.s32 $0x15D000, s30;
	[dreg:$0x5] =	wrdreg s18  }
0xb: {  	s20 =	sadd.s32 $0x156000, s30;
	[dreg:$0x6] =	wrdreg s19  }
0xc: {  	s21 =	sadd.s32 $0x156800, s30;
	[dreg:$0x7] =	wrdreg s20  }
0xd: {  	s22 =	sadd.s32 $0x157000, s30;
	[dreg:$0x8] =	wrdreg s21  }
0xe: {  	s23 =	sadd.s32 $0x157800, s30;
	[dreg:$0x9] =	wrdreg s22  }
0xf: {  	s24 =	sadd.s32 $0x158000, s30;
	[dreg:$0xa] =	wrdreg s23  }
0x10: {  	s26 =	sadd.s32 $0x158800, s30;
	[dreg:$0xb] =	wrdreg s24  }
0x11: {  	[dreg:$0xc] =	wrdreg s26  }
0x12: {  	s4 =	simm.s32 $0x3;
	s25 =	rddreg [dreg:$0x3]  }
0x13: {  	[tilespmem:s3], [sflag:$0x3] =	stream.linear.gather [hbm4b:s25+s3], $0x800, $0x38;
	[tilespmem:$0x8800] =	vst v63  }
0x14: {  	_ =	swait.ge [sflag:s4], $0x800  }
0x15: {  	[sflag:s4] =	ssyncset.done $0x0  }
0x16: {  	s5 =	simm.s32 $0x80;
	s6 =	simm.s32 $0x800;
	[sflag:s4] =	ssyncadd.s32 $0xFFFFF800  }
0x17: {  	[tilespmem:s6], [sflag:$0x1] =	stream.indirect.gather [hbm4b:s2+s5], $0x80, s3, s5, $0xb8;
	[tilespmem:$0x8800] =	vst v63  }
0x18: {  	s7 =	simm.s32 $0x4800;
	s8 =	simm.s32 $0x1  }
0x19: {  	[tilespmem:s7], [sflag:$0x2] =	stream.indirect.gather [hbm4b:s2+s5], $0x80, s5, s5, $0xb8;
	[tilespmem:$0x8800] =	vst v63  }
0x1a: {  	_ =	swait.ge [sflag:s8], $0x4000  }
0x1b: {  	[sflag:s8] =	ssyncset.done $0x0  }
0x1c: {  	s9 =	rddreg [dreg:$0x4];
	[sflag:s8] =	ssyncadd.s32 $0xFFFFC000  }
0x1d: {  	[hbm4b:s9+s3] =	stream.linear.scatter [tilespmem:s6], [sflag:$0x3], $0x4000, $0x38;
	[tilespmem:$0x8800] =	vst v63  }
0x1e: {  	_ =	swait.ge [sflag:s4], $0x4000  }
0x1f: {  	[sflag:s4] =	ssyncset.done $0x0  }
0x20: {  	s10 =	simm.s32 $0x2;
	s9 =	simm.s32 $0x100;
	[sflag:s4] =	ssyncadd.s32 $0xFFFFC000  }
0x21: {  	[tilespmem:s6], [sflag:$0x1] =	stream.indirect.gather [hbm4b:s2+s5], $0x80, s9, s5, $0xb8;
	[tilespmem:$0x8800] =	vst v63  }
0x22: {  	_ =	swait.ge [sflag:s10], $0x4000  }
0x23: {  	[sflag:s10] =	ssyncset.done $0x0  }
0x24: {  	s11 =	rddreg [dreg:$0x7];
	[sflag:s10] =	ssyncadd.s32 $0xFFFFC000  }
0x25: {  	[hbm4b:s11+s3] =	stream.linear.scatter [tilespmem:s7], [sflag:$0x3], $0x4000, $0x38;
	[tilespmem:$0x8800] =	vst v63  }
0x26: {  	_ =	swait.ge [sflag:s4], $0x4000  }
0x27: {  	[sflag:s4] =	ssyncset.done $0x0  }
0x28: {  	s11 =	simm.s32 $0x180;
	[sflag:s4] =	ssyncadd.s32 $0xFFFFC000  }
0x29: {  	[tilespmem:s7], [sflag:$0x2] =	stream.indirect.gather [hbm4b:s2+s5], $0x80, s11, s5, $0xb8;
	[tilespmem:$0x8800] =	vst v63  }
0x2a: {  	_ =	swait.ge [sflag:s8], $0x4000  }
0x2b: {  	[sflag:s8] =	ssyncset.done $0x0  }
0x2c: {  	s12 =	rddreg [dreg:$0x8];
	[sflag:s8] =	ssyncadd.s32 $0xFFFFC000  }
0x2d: {  	[hbm4b:s12+s3] =	stream.linear.scatter [tilespmem:s6], [sflag:$0x3], $0x4000, $0x38;
	[tilespmem:$0x8800] =	vst v63  }
0x2e: {  	_ =	swait.ge [sflag:s4], $0x4000  }
0x2f: {  	[sflag:s4] =	ssyncset.done $0x0  }
0x30: {  	s12 =	simm.s32 $0x200;
	[sflag:s4] =	ssyncadd.s32 $0xFFFFC000  }
0x31: {  	[tilespmem:s6], [sflag:$0x1] =	stream.indirect.gather [hbm4b:s2+s5], $0x80, s12, s5, $0xb8;
	[tilespmem:$0x8800] =	vst v63  }
0x32: {  	_ =	swait.ge [sflag:s10], $0x4000  }
0x33: {  	[sflag:s10] =	ssyncset.done $0x0  }
0x34: {  	s13 =	rddreg [dreg:$0x9];
	[sflag:s10] =	ssyncadd.s32 $0xFFFFC000  }
0x35: {  	[hbm4b:s13+s3] =	stream.linear.scatter [tilespmem:s7], [sflag:$0x3], $0x4000, $0x38;
	[tilespmem:$0x8800] =	vst v63  }
0x36: {  	_ =	swait.ge [sflag:s4], $0x4000  }
0x37: {  	[sflag:s4] =	ssyncset.done $0x0  }
0x38: {  	s13 =	simm.s32 $0x280;
	[sflag:s4] =	ssyncadd.s32 $0xFFFFC000  }
0x39: {  	[tilespmem:s7], [sflag:$0x2] =	stream.indirect.gather [hbm4b:s2+s5], $0x80, s13, s5, $0xb8;
	[tilespmem:$0x8800] =	vst v63  }
0x3a: {  	_ =	swait.ge [sflag:s8], $0x4000  }
0x3b: {  	[sflag:s8] =	ssyncset.done $0x0  }
0x3c: {  	s14 =	rddreg [dreg:$0xa];
	[sflag:s8] =	ssyncadd.s32 $0xFFFFC000  }
0x3d: {  	[hbm4b:s14+s3] =	stream.linear.scatter [tilespmem:s6], [sflag:$0x3], $0x4000, $0x38;
	[tilespmem:$0x8800] =	vst v63  }
0x3e: {  	_ =	swait.ge [sflag:s4], $0x4000  }
0x3f: {  	[sflag:s4] =	ssyncset.done $0x0  }
0x40: {  	s14 =	simm.s32 $0x300;
	[sflag:s4] =	ssyncadd.s32 $0xFFFFC000  }
0x41: {  	[tilespmem:s6], [sflag:$0x1] =	stream.indirect.gather [hbm4b:s2+s5], $0x80, s14, s5, $0xb8;
	[tilespmem:$0x8800] =	vst v63  }
0x42: {  	_ =	swait.ge [sflag:s10], $0x4000  }
0x43: {  	[sflag:s10] =	ssyncset.done $0x0  }
0x44: {  	s15 =	rddreg [dreg:$0xb];
	[sflag:s10] =	ssyncadd.s32 $0xFFFFC000  }
0x45: {  	[hbm4b:s15+s3] =	stream.linear.scatter [tilespmem:s7], [sflag:$0x3], $0x4000, $0x38;
	[tilespmem:$0x8800] =	vst v63  }
0x46: {  	_ =	swait.ge [sflag:s4], $0x4000  }
0x47: {  	[sflag:s4] =	ssyncset.done $0x0  }
0x48: {  	s15 =	simm.s32 $0x380;
	[sflag:s4] =	ssyncadd.s32 $0xFFFFC000  }
0x49: {  	[tilespmem:s7], [sflag:$0x2] =	stream.indirect.gather [hbm4b:s2+s5], $0x80, s15, s5, $0xb8;
	[tilespmem:$0x8800] =	vst v63  }
0x4a: {  	_ =	swait.ge [sflag:s8], $0x4000  }
0x4b: {  	[sflag:s8] =	ssyncset.done $0x0  }
0x4c: {  	s16 =	rddreg [dreg:$0xc];
	[sflag:s8] =	ssyncadd.s32 $0xFFFFC000  }
0x4d: {  	[hbm4b:s16+s3] =	stream.linear.scatter [tilespmem:s6], [sflag:$0x3], $0x4000, $0x38;
	[tilespmem:$0x8800] =	vst v63  }
0x4e: {  	_ =	swait.ge [sflag:s4], $0x4000  }
0x4f: {  	[sflag:s4] =	ssyncset.done $0x0  }
0x50: {  	s16 =	simm.s32 $0x400;
	[sflag:s4] =	ssyncadd.s32 $0xFFFFC000  }
0x51: {  	[tilespmem:s6], [sflag:$0x1] =	stream.indirect.gather [hbm4b:s2+s5], $0x80, s16, s5, $0xb8;
	[tilespmem:$0x8800] =	vst v63  }
0x52: {  	_ =	swait.ge [sflag:s10], $0x4000  }
0x53: {  	[sflag:s10] =	ssyncset.done $0x0  }
0x54: {  	s17 =	sadd.s32 $0x159000, s30;
	[sflag:s10] =	ssyncadd.s32 $0xFFFFC000  }
0x55: {  	[hbm4b:s17+s3] =	stream.linear.scatter [tilespmem:s7], [sflag:$0x3], $0x4000, $0x38;
	[tilespmem:$0x8800] =	vst v63  }
0x56: {  	_ =	swait.ge [sflag:s4], $0x4000  }
0x57: {  	[sflag:s4] =	ssyncset.done $0x0  }
0x58: {  	s18 =	simm.s32 $0x480;
	[sflag:s4] =	ssyncadd.s32 $0xFFFFC000  }
0x59: {  	[tilespmem:s7], [sflag:$0x2] =	stream.indirect.gather [hbm4b:s2+s5], $0x80, s18, s5, $0xb8;
	[tilespmem:$0x8800] =	vst v63  }
0x5a: {  	_ =	swait.ge [sflag:s8], $0x4000  }
0x5b: {  	[sflag:s8] =	ssyncset.done $0x0  }
0x5c: {  	s19 =	sadd.s32 $0x159800, s30;
	[sflag:s8] =	ssyncadd.s32 $0xFFFFC000  }
0x5d: {  	[hbm4b:s19+s3] =	stream.linear.scatter [tilespmem:s6], [sflag:$0x3], $0x4000, $0x38;
	[tilespmem:$0x8800] =	vst v63  }
0x5e: {  	_ =	swait.ge [sflag:s4], $0x4000  }
0x5f: {  	[sflag:s4] =	ssyncset.done $0x0  }
0x60: {  	s20 =	simm.s32 $0x500;
	[sflag:s4] =	ssyncadd.s32 $0xFFFFC000  }
0x61: {  	[tilespmem:s6], [sflag:$0x1] =	stream.indirect.gather [hbm4b:s2+s5], $0x80, s20, s5, $0xb8;
	[tilespmem:$0x8800] =	vst v63  }
0x62: {  	_ =	swait.ge [sflag:s10], $0x4000  }
0x63: {  	[sflag:s10] =	ssyncset.done $0x0  }
0x64: {  	s21 =	sadd.s32 $0x15A000, s30;
	[sflag:s10] =	ssyncadd.s32 $0xFFFFC000  }
0x65: {  	[hbm4b:s21+s3] =	stream.linear.scatter [tilespmem:s7], [sflag:$0x3], $0x4000, $0x38;
	[tilespmem:$0x8800] =	vst v63  }
0x66: {  	_ =	swait.ge [sflag:s4], $0x4000  }
0x67: {  	[sflag:s4] =	ssyncset.done $0x0  }
0x68: {  	s22 =	simm.s32 $0x580;
	[sflag:s4] =	ssyncadd.s32 $0xFFFFC000  }
0x69: {  	[tilespmem:s7], [sflag:$0x2] =	stream.indirect.gather [hbm4b:s2+s5], $0x80, s22, s5, $0xb8;
	[tilespmem:$0x8800] =	vst v63  }
0x6a: {  	_ =	swait.ge [sflag:s8], $0x4000  }
0x6b: {  	[sflag:s8] =	ssyncset.done $0x0  }
0x6c: {  	s23 =	sadd.s32 $0x15A800, s30;
	[sflag:s8] =	ssyncadd.s32 $0xFFFFC000  }
0x6d: {  	[hbm4b:s23+s3] =	stream.linear.scatter [tilespmem:s6], [sflag:$0x3], $0x4000, $0x38;
	[tilespmem:$0x8800] =	vst v63  }
0x6e: {  	_ =	swait.ge [sflag:s4], $0x4000  }
0x6f: {  	[sflag:s4] =	ssyncset.done $0x0  }
0x70: {  	s24 =	simm.s32 $0x600;
	[sflag:s4] =	ssyncadd.s32 $0xFFFFC000  }
0x71: {  	[tilespmem:s6], [sflag:$0x1] =	stream.indirect.gather [hbm4b:s2+s5], $0x80, s24, s5, $0xb8;
	[tilespmem:$0x8800] =	vst v63  }
0x72: {  	_ =	swait.ge [sflag:s10], $0x4000  }
0x73: {  	[sflag:s10] =	ssyncset.done $0x0  }
0x74: {  	s25 =	sadd.s32 $0x15B000, s30;
	[sflag:s10] =	ssyncadd.s32 $0xFFFFC000  }
0x75: {  	[hbm4b:s25+s3] =	stream.linear.scatter [tilespmem:s7], [sflag:$0x3], $0x4000, $0x38;
	[tilespmem:$0x8800] =	vst v63  }
0x76: {  	_ =	swait.ge [sflag:s4], $0x4000  }
0x77: {  	[sflag:s4] =	ssyncset.done $0x0  }
0x78: {  	s26 =	simm.s32 $0x680;
	[sflag:s4] =	ssyncadd.s32 $0xFFFFC000  }
0x79: {  	[tilespmem:s7], [sflag:$0x2] =	stream.indirect.gather [hbm4b:s2+s5], $0x80, s26, s5, $0xb8;
	[tilespmem:$0x8800] =	vst v63  }
0x7a: {  	_ =	swait.ge [sflag:s8], $0x4000  }
0x7b: {  	[sflag:s8] =	ssyncset.done $0x0  }
0x7c: {  	s28 =	sadd.s32 $0x15B800, s30;
	[sflag:s8] =	ssyncadd.s32 $0xFFFFC000  }
0x7d: {  	[hbm4b:s28+s3] =	stream.linear.scatter [tilespmem:s6], [sflag:$0x3], $0x4000, $0x38;
	[tilespmem:$0x8800] =	vst v63  }
0x7e: {  	_ =	swait.ge [sflag:s4], $0x4000  }
0x7f: {  	[sflag:s4] =	ssyncset.done $0x0  }
0x80: {  	s29 =	simm.s32 $0x700;
	[sflag:s4] =	ssyncadd.s32 $0xFFFFC000  }
0x81: {  	[tilespmem:s6], [sflag:$0x1] =	stream.indirect.gather [hbm4b:s2+s5], $0x80, s29, s5, $0xb8;
	[tilespmem:$0x8800] =	vst v63  }
0x82: {  	_ =	swait.ge [sflag:s10], $0x4000  }
0x83: {  	[sflag:s10] =	ssyncset.done $0x0  }
0x84: {  	s30 =	sadd.s32 $0x15C000, s30;
	[sflag:s10] =	ssyncadd.s32 $0xFFFFC000  }
0x85: {  	[hbm4b:s30+s3] =	stream.linear.scatter [tilespmem:s7], [sflag:$0x3], $0x4000, $0x38;
	[tilespmem:$0x8800] =	vst v63  }
0x86: {  	_ =	swait.ge [sflag:s4], $0x4000  }
0x87: {  	[sflag:s4] =	ssyncset.done $0x0  }
0x88: {  	s31 =	simm.s32 $0x780;
	[sflag:s4] =	ssyncadd.s32 $0xFFFFC000  }
0x89: {  	[tilespmem:s7], [sflag:$0x2] =	stream.indirect.gather [hbm4b:s2+s5], $0x80, s31, s5, $0xb8;
	[tilespmem:$0x8800] =	vst v63  }
0x8a: {  	_ =	swait.ge [sflag:s8], $0x4000  }
0x8b: {  	[sflag:s8] =	ssyncset.done $0x0  }
0x8c: {  	s0 =	rddreg [dreg:$0x5];
	[sflag:s8] =	ssyncadd.s32 $0xFFFFC000  }
0x8d: {  	[hbm4b:s0+s3] =	stream.linear.scatter [tilespmem:s6], [sflag:$0x3], $0x4000, $0x38;
	[tilespmem:$0x8800] =	vst v63  }
0x8e: {  	_ =	swait.ge [sflag:s4], $0x4000  }
0x8f: {  	[sflag:s4] =	ssyncset.done $0x0  }
0x90: {  	[sflag:s4] =	ssyncadd.s32 $0xFFFFC000  }
0x91: {  	_ =	swait.ge [sflag:s10], $0x4000  }
0x92: {  	s0 =	ssub.s32 $0x2, s1;
	s1 =	rddreg [dreg:$0x6]  }
0x93: {  	[dreg:$0xd] =	wrdreg s1;
	s1 =	sshrl.u32 s0, $0x1  }
0x94: {  	s0 =	ssub.s32 s0, s1  }
0x95: {  	s0 =	smax.u32 s0, $0x1  }
0x96: {  	p0 =	sne.s32 s0, $0x1  }
.Ltmp0:
0x97: {  	_ = 	snop;
	(pc) =	sbr.rel @!p0 .LBB2_2-.Ltmp0, $4  }
0x98: {  	[sflag:s10] =	ssyncset.done $0x0  }
0x99: {  	[sflag:s10] =	ssyncadd.s32 $0xFFFFC000;
	s1 =	rddreg [dreg:$0xd]  }
0x9a: {  	[hbm4b:s1+s3] =	stream.linear.scatter [tilespmem:s7], [sflag:$0x3], $0x4000, $0x38;
	[tilespmem:$0x8800] =	vst v63  }
0x9b: {  	s1 =	sadd.s32 $0xFFFFFFFF, s0;
	_ =	swait.ge [sflag:s4], $0x4000  }
.LBB2_1:
0x9c: {  	[sflag:s4] =	ssyncset.done $0x0  }
0x9d: {  	s0 =	rddreg [dreg:$0x3];
	[sflag:s4] =	ssyncadd.s32 $0xFFFFC000  }
0x9e: {  	[tilespmem:s3], [sflag:$0x3] =	stream.linear.gather [hbm4b:s0+s3], $0x800, $0x38;
	[tilespmem:$0x8800] =	vst v63  }
0x9f: {  	_ =	swait.ge [sflag:s4], $0x800  }
0xa0: {  	[sflag:s4] =	ssyncset.done $0x0  }
0xa1: {  	[sflag:s4] =	ssyncadd.s32 $0xFFFFF800  }
0xa2: {  	[tilespmem:s6], [sflag:$0x1] =	stream.indirect.gather [hbm4b:s2+s5], $0x80, s3, s5, $0xb8;
	[tilespmem:$0x8800] =	vst v63  }
0xa3: {  	_ = 	snop  }
0xa4: {  	[tilespmem:s7], [sflag:$0x2] =	stream.indirect.gather [hbm4b:s2+s5], $0x80, s5, s5, $0xb8;
	[tilespmem:$0x8800] =	vst v63  }
0xa5: {  	_ =	swait.ge [sflag:s8], $0x4000  }
0xa6: {  	[sflag:s8] =	ssyncset.done $0x0  }
0xa7: {  	s0 =	rddreg [dreg:$0x4];
	[sflag:s8] =	ssyncadd.s32 $0xFFFFC000  }
0xa8: {  	[hbm4b:s0+s3] =	stream.linear.scatter [tilespmem:s6], [sflag:$0x3], $0x4000, $0x38;
	[tilespmem:$0x8800] =	vst v63  }
0xa9: {  	_ =	swait.ge [sflag:s4], $0x4000  }
0xaa: {  	[sflag:s4] =	ssyncset.done $0x0  }
0xab: {  	[sflag:s4] =	ssyncadd.s32 $0xFFFFC000  }
0xac: {  	[tilespmem:s6], [sflag:$0x1] =	stream.indirect.gather [hbm4b:s2+s5], $0x80, s9, s5, $0xb8;
	[tilespmem:$0x8800] =	vst v63  }
0xad: {  	_ =	swait.ge [sflag:s10], $0x4000  }
0xae: {  	[sflag:s10] =	ssyncset.done $0x0  }
0xaf: {  	s0 =	rddreg [dreg:$0x7];
	[sflag:s10] =	ssyncadd.s32 $0xFFFFC000  }
0xb0: {  	[hbm4b:s0+s3] =	stream.linear.scatter [tilespmem:s7], [sflag:$0x3], $0x4000, $0x38;
	[tilespmem:$0x8800] =	vst v63  }
0xb1: {  	_ =	swait.ge [sflag:s4], $0x4000  }
0xb2: {  	[sflag:s4] =	ssyncset.done $0x0  }
0xb3: {  	[sflag:s4] =	ssyncadd.s32 $0xFFFFC000  }
0xb4: {  	[tilespmem:s7], [sflag:$0x2] =	stream.indirect.gather [hbm4b:s2+s5], $0x80, s11, s5, $0xb8;
	[tilespmem:$0x8800] =	vst v63  }
0xb5: {  	_ =	swait.ge [sflag:s8], $0x4000  }
0xb6: {  	[sflag:s8] =	ssyncset.done $0x0  }
0xb7: {  	s0 =	rddreg [dreg:$0x8];
	[sflag:s8] =	ssyncadd.s32 $0xFFFFC000  }
0xb8: {  	[hbm4b:s0+s3] =	stream.linear.scatter [tilespmem:s6], [sflag:$0x3], $0x4000, $0x38;
	[tilespmem:$0x8800] =	vst v63  }
0xb9: {  	_ =	swait.ge [sflag:s4], $0x4000  }
0xba: {  	[sflag:s4] =	ssyncset.done $0x0  }
0xbb: {  	[sflag:s4] =	ssyncadd.s32 $0xFFFFC000  }
0xbc: {  	[tilespmem:s6], [sflag:$0x1] =	stream.indirect.gather [hbm4b:s2+s5], $0x80, s12, s5, $0xb8;
	[tilespmem:$0x8800] =	vst v63  }
0xbd: {  	_ =	swait.ge [sflag:s10], $0x4000  }
0xbe: {  	[sflag:s10] =	ssyncset.done $0x0  }
0xbf: {  	s0 =	rddreg [dreg:$0x9];
	[sflag:s10] =	ssyncadd.s32 $0xFFFFC000  }
0xc0: {  	[hbm4b:s0+s3] =	stream.linear.scatter [tilespmem:s7], [sflag:$0x3], $0x4000, $0x38;
	[tilespmem:$0x8800] =	vst v63  }
0xc1: {  	_ =	swait.ge [sflag:s4], $0x4000  }
0xc2: {  	[sflag:s4] =	ssyncset.done $0x0  }
0xc3: {  	[sflag:s4] =	ssyncadd.s32 $0xFFFFC000  }
0xc4: {  	[tilespmem:s7], [sflag:$0x2] =	stream.indirect.gather [hbm4b:s2+s5], $0x80, s13, s5, $0xb8;
	[tilespmem:$0x8800] =	vst v63  }
0xc5: {  	_ =	swait.ge [sflag:s8], $0x4000  }
0xc6: {  	[sflag:s8] =	ssyncset.done $0x0  }
0xc7: {  	s0 =	rddreg [dreg:$0xa];
	[sflag:s8] =	ssyncadd.s32 $0xFFFFC000  }
0xc8: {  	[hbm4b:s0+s3] =	stream.linear.scatter [tilespmem:s6], [sflag:$0x3], $0x4000, $0x38;
	[tilespmem:$0x8800] =	vst v63  }
0xc9: {  	_ =	swait.ge [sflag:s4], $0x4000  }
0xca: {  	[sflag:s4] =	ssyncset.done $0x0  }
0xcb: {  	[sflag:s4] =	ssyncadd.s32 $0xFFFFC000  }
0xcc: {  	[tilespmem:s6], [sflag:$0x1] =	stream.indirect.gather [hbm4b:s2+s5], $0x80, s14, s5, $0xb8;
	[tilespmem:$0x8800] =	vst v63  }
0xcd: {  	_ =	swait.ge [sflag:s10], $0x4000  }
0xce: {  	[sflag:s10] =	ssyncset.done $0x0  }
0xcf: {  	s0 =	rddreg [dreg:$0xb];
	[sflag:s10] =	ssyncadd.s32 $0xFFFFC000  }
0xd0: {  	[hbm4b:s0+s3] =	stream.linear.scatter [tilespmem:s7], [sflag:$0x3], $0x4000, $0x38;
	[tilespmem:$0x8800] =	vst v63  }
0xd1: {  	_ =	swait.ge [sflag:s4], $0x4000  }
0xd2: {  	[sflag:s4] =	ssyncset.done $0x0  }
0xd3: {  	[sflag:s4] =	ssyncadd.s32 $0xFFFFC000  }
0xd4: {  	[tilespmem:s7], [sflag:$0x2] =	stream.indirect.gather [hbm4b:s2+s5], $0x80, s15, s5, $0xb8;
	[tilespmem:$0x8800] =	vst v63  }
0xd5: {  	_ =	swait.ge [sflag:s8], $0x4000  }
0xd6: {  	[sflag:s8] =	ssyncset.done $0x0  }
0xd7: {  	s0 =	rddreg [dreg:$0xc];
	[sflag:s8] =	ssyncadd.s32 $0xFFFFC000  }
0xd8: {  	[hbm4b:s0+s3] =	stream.linear.scatter [tilespmem:s6], [sflag:$0x3], $0x4000, $0x38;
	[tilespmem:$0x8800] =	vst v63  }
0xd9: {  	_ =	swait.ge [sflag:s4], $0x4000  }
0xda: {  	[sflag:s4] =	ssyncset.done $0x0  }
0xdb: {  	[sflag:s4] =	ssyncadd.s32 $0xFFFFC000  }
0xdc: {  	[tilespmem:s6], [sflag:$0x1] =	stream.indirect.gather [hbm4b:s2+s5], $0x80, s16, s5, $0xb8;
	[tilespmem:$0x8800] =	vst v63  }
0xdd: {  	_ =	swait.ge [sflag:s10], $0x4000  }
0xde: {  	[sflag:s10] =	ssyncset.done $0x0  }
0xdf: {  	[sflag:s10] =	ssyncadd.s32 $0xFFFFC000  }
0xe0: {  	[hbm4b:s17+s3] =	stream.linear.scatter [tilespmem:s7], [sflag:$0x3], $0x4000, $0x38;
	[tilespmem:$0x8800] =	vst v63  }
0xe1: {  	_ =	swait.ge [sflag:s4], $0x4000  }
0xe2: {  	[sflag:s4] =	ssyncset.done $0x0  }
0xe3: {  	[sflag:s4] =	ssyncadd.s32 $0xFFFFC000  }
0xe4: {  	[tilespmem:s7], [sflag:$0x2] =	stream.indirect.gather [hbm4b:s2+s5], $0x80, s18, s5, $0xb8;
	[tilespmem:$0x8800] =	vst v63  }
0xe5: {  	_ =	swait.ge [sflag:s8], $0x4000  }
0xe6: {  	[sflag:s8] =	ssyncset.done $0x0  }
0xe7: {  	[sflag:s8] =	ssyncadd.s32 $0xFFFFC000  }
0xe8: {  	[hbm4b:s19+s3] =	stream.linear.scatter [tilespmem:s6], [sflag:$0x3], $0x4000, $0x38;
	[tilespmem:$0x8800] =	vst v63  }
0xe9: {  	_ =	swait.ge [sflag:s4], $0x4000  }
0xea: {  	[sflag:s4] =	ssyncset.done $0x0  }
0xeb: {  	[sflag:s4] =	ssyncadd.s32 $0xFFFFC000  }
0xec: {  	[tilespmem:s6], [sflag:$0x1] =	stream.indirect.gather [hbm4b:s2+s5], $0x80, s20, s5, $0xb8;
	[tilespmem:$0x8800] =	vst v63  }
0xed: {  	_ =	swait.ge [sflag:s10], $0x4000  }
0xee: {  	[sflag:s10] =	ssyncset.done $0x0  }
0xef: {  	[sflag:s10] =	ssyncadd.s32 $0xFFFFC000  }
0xf0: {  	[hbm4b:s21+s3] =	stream.linear.scatter [tilespmem:s7], [sflag:$0x3], $0x4000, $0x38;
	[tilespmem:$0x8800] =	vst v63  }
0xf1: {  	_ =	swait.ge [sflag:s4], $0x4000  }
0xf2: {  	[sflag:s4] =	ssyncset.done $0x0  }
0xf3: {  	[sflag:s4] =	ssyncadd.s32 $0xFFFFC000  }
0xf4: {  	[tilespmem:s7], [sflag:$0x2] =	stream.indirect.gather [hbm4b:s2+s5], $0x80, s22, s5, $0xb8;
	[tilespmem:$0x8800] =	vst v63  }
0xf5: {  	_ =	swait.ge [sflag:s8], $0x4000  }
0xf6: {  	[sflag:s8] =	ssyncset.done $0x0  }
0xf7: {  	[sflag:s8] =	ssyncadd.s32 $0xFFFFC000  }
0xf8: {  	[hbm4b:s23+s3] =	stream.linear.scatter [tilespmem:s6], [sflag:$0x3], $0x4000, $0x38;
	[tilespmem:$0x8800] =	vst v63  }
0xf9: {  	_ =	swait.ge [sflag:s4], $0x4000  }
0xfa: {  	[sflag:s4] =	ssyncset.done $0x0  }
0xfb: {  	[sflag:s4] =	ssyncadd.s32 $0xFFFFC000  }
0xfc: {  	[tilespmem:s6], [sflag:$0x1] =	stream.indirect.gather [hbm4b:s2+s5], $0x80, s24, s5, $0xb8;
	[tilespmem:$0x8800] =	vst v63  }
0xfd: {  	_ =	swait.ge [sflag:s10], $0x4000  }
0xfe: {  	[sflag:s10] =	ssyncset.done $0x0  }
0xff: {  	[sflag:s10] =	ssyncadd.s32 $0xFFFFC000  }
0x100: {  	[hbm4b:s25+s3] =	stream.linear.scatter [tilespmem:s7], [sflag:$0x3], $0x4000, $0x38;
	[tilespmem:$0x8800] =	vst v63  }
0x101: {  	_ =	swait.ge [sflag:s4], $0x4000  }
0x102: {  	[sflag:s4] =	ssyncset.done $0x0  }
0x103: {  	[sflag:s4] =	ssyncadd.s32 $0xFFFFC000  }
0x104: {  	[tilespmem:s7], [sflag:$0x2] =	stream.indirect.gather [hbm4b:s2+s5], $0x80, s26, s5, $0xb8;
	[tilespmem:$0x8800] =	vst v63  }
0x105: {  	_ =	swait.ge [sflag:s8], $0x4000  }
0x106: {  	[sflag:s8] =	ssyncset.done $0x0  }
0x107: {  	[sflag:s8] =	ssyncadd.s32 $0xFFFFC000  }
0x108: {  	[hbm4b:s28+s3] =	stream.linear.scatter [tilespmem:s6], [sflag:$0x3], $0x4000, $0x38;
	[tilespmem:$0x8800] =	vst v63  }
0x109: {  	_ =	swait.ge [sflag:s4], $0x4000  }
0x10a: {  	[sflag:s4] =	ssyncset.done $0x0  }
0x10b: {  	[sflag:s4] =	ssyncadd.s32 $0xFFFFC000  }
0x10c: {  	[tilespmem:s6], [sflag:$0x1] =	stream.indirect.gather [hbm4b:s2+s5], $0x80, s29, s5, $0xb8;
	[tilespmem:$0x8800] =	vst v63  }
0x10d: {  	_ =	swait.ge [sflag:s10], $0x4000  }
0x10e: {  	[sflag:s10] =	ssyncset.done $0x0  }
0x10f: {  	[sflag:s10] =	ssyncadd.s32 $0xFFFFC000  }
0x110: {  	[hbm4b:s30+s3] =	stream.linear.scatter [tilespmem:s7], [sflag:$0x3], $0x4000, $0x38;
	[tilespmem:$0x8800] =	vst v63  }
0x111: {  	_ =	swait.ge [sflag:s4], $0x4000  }
0x112: {  	[sflag:s4] =	ssyncset.done $0x0  }
0x113: {  	[sflag:s4] =	ssyncadd.s32 $0xFFFFC000  }
0x114: {  	[tilespmem:s7], [sflag:$0x2] =	stream.indirect.gather [hbm4b:s2+s5], $0x80, s31, s5, $0xb8;
	[tilespmem:$0x8800] =	vst v63  }
0x115: {  	_ =	swait.ge [sflag:s8], $0x4000  }
0x116: {  	[sflag:s8] =	ssyncset.done $0x0  }
0x117: {  	s0 =	rddreg [dreg:$0x5];
	[sflag:s8] =	ssyncadd.s32 $0xFFFFC000  }
0x118: {  	[hbm4b:s0+s3] =	stream.linear.scatter [tilespmem:s6], [sflag:$0x3], $0x4000, $0x38;
	[tilespmem:$0x8800] =	vst v63  }
0x119: {  	_ =	swait.ge [sflag:s4], $0x4000  }
0x11a: {  	[sflag:s4] =	ssyncset.done $0x0  }
0x11b: {  	p0 =	sne.s32 s1, $0x1;
	[sflag:s4] =	ssyncadd.s32 $0xFFFFC000  }
.Ltmp1:
0x11c: {  	_ =	swait.ge [sflag:s10], $0x4000;
	(pc) =	sbr.rel @p0 .LBB2_1-.Ltmp1, $4  }
0x11d: {  	[sflag:s10] =	ssyncset.done $0x0  }
0x11e: {  	s0 =	rddreg [dreg:$0x6];
	[sflag:s10] =	ssyncadd.s32 $0xFFFFC000  }
0x11f: {  	[hbm4b:s0+s3] =	stream.linear.scatter [tilespmem:s7], [sflag:$0x3], $0x4000, $0x38;
	[tilespmem:$0x8800] =	vst v63  }
0x120: {  	s1 =	sadd.s32 $0xFFFFFFFF, s1;
	_ =	swait.ge [sflag:s4], $0x4000  }
.LBB2_2:
0x121: {  	[sflag:s4] =	ssyncset.done $0x0  }
0x122: {  	[sflag:s4] =	ssyncadd.s32 $0xFFFFC000  }
0x123: {  	_ =	sfence.sel $0x180000  }
0x124: {  	[bflag:$0x0] =	sbarrier.arrive $0xFFFF  }
0x125: {  	_ =	strace $0x9000004A  }
0x126: {  	s0 =	stileid.u32;
	[bflag:$0x2] =	sbarrier.arrive $0xFFFF  }
0x127: {  	p0 =	sne.s32 s0, $0x0;
	s0 =	rddreg [dreg:$0x2]  }
0x128: {  	s0 =	sadd.s32 @!p0 $0x100000, s0  }
0x129: {  	[sflag:s0] =	ssyncadd.tile.s32 @!p0 $0x1;
	_ =	shalt  }
.Lfunc_end2:
_tile_overlayer_lowered:
.L_overlay_start_2:
0x12a: {  	(tag) =	ssettag $0x2  }
0x12b: {  	s0 =	rddreg [dreg:$0x0];
	s2 =	stileid.u32  }
0x12c: {  	s1 =	rddreg [dreg:$0x1];
	p0 =	sne.s32 s2, $0x0  }
0x12d: {  	s3 =	rddreg [dreg:$0x2];
	[bflag:$0x3] =	sbarrier.arrive $0xFFFF;
	s2 =	simm.s32 @!p0 $0x1C03  }
0x12e: {  	[timem:s3], [sflag:s2] =	dma.local @!p0 [hbm:s0], s1  }
0x12f: {  	s0 =	simm.s32 @!p0 $0x3  }
0x130: {  	_ =	swait.ge @!p0 [sflag:s0], s1  }
0x131: {  	s1 =	ssub.s32 @!p0 $0x0, s1;
	[sflag:s0] =	ssyncset.done @!p0 $0x0  }
0x132: {  	[sflag:s0] =	ssyncadd.s32 @!p0 s1  }
0x133: {  	[bflag:$0x3] =	sbarrier.arrive $0xFFFF  }
0x134: {  	_ =	shalt  }

// kernel: kernel.37.cloned.1.call-start
scs
__scs_entry_jumppad:
0x0: {  	(pc) =	sbr.rel $0x88, $3  }
0x1: {  	(tag) =	ssettag $0x0;
	lr =	simm.s32 $0x1  }
0x2: {  	[smem:$0x3F99] =	sst lr;
	_ =	strace $0xD0000000  }
0x3: {  	_ = 	snop  }
0x4: {  	_ = 	snop  }
0x5: {  	_ = 	snop  }
0x6: {  	_ = 	snop  }
0x7: {  	_ = 	snop  }
__scs_overlays_trampoline_lowered:
0x8: {  	[smem:$0x3FA8] =	sst s0  }
0x9: {  	[smem:$0x3FA9] =	sst s1  }
0xa: {  	[smem:$0x3FAA] =	sst s2  }
0xb: {  	[smem:$0x3FAB] =	sst s3  }
0xc: {  	[smem:$0x3FAC] =	sst s4  }
0xd: {  	[smem:$0x3FAD] =	sst s5  }
0xe: {  	[smem:$0x3FAE] =	sst s6  }
0xf: {  	[smem:$0x3FAF] =	sst s7  }
0x10: {  	[smem:$0x3FB0] =	sst s8  }
0x11: {  	[smem:$0x3FB1] =	sst s9;
	s0 =	simm.s32 @!p0 $0x0  }
0x12: {  	s1 =	sld [smem:$0x3F97];
	s0 =	simm.s32 @p0 $0x1  }
0x13: {  	[smem:$0x3FB2] =	sst s0;
	s0 =	simm.s32 @!p1 $0x0  }
0x14: {  	s2 =	sld [smem:$0x3F96];
	s0 =	simm.s32 @p1 $0x1  }
0x15: {  	[smem:$0x3FB3] =	sst s0;
	s0 =	simm.s32 @!p2 $0x0  }
0x16: {  	s3 =	sld [smem:$0x3FDB];
	s0 =	simm.s32 @p2 $0x1  }
0x17: {  	s4 =	simm.s32 $0x1BF5;
	[smem:$0x3FB5] =	sst s0  }
0x18: {  	s0 =	sld [smem:$0x3F98];
	_ =	swait.ge [sflag:s4], $0x0  }
0x19: {  	s7 =	sld [smem:$0x3F99]  }
0x1a: {  	s8 =	sadd.s32 $0xFFFFE003, lr  }
0x1b: {  	s9 =	sadd.s32 $0xFFFFFEF7, lr;
	s5 =	simm.s32 $0xFFFFFFFF;
	p2 =	slt.u32 s8, $0xFFFFF086  }
0x1c: {  	p1 =	slt.u32 s9, $0xF7A;
	s5 =	simm.s32 @!p2 $0x0  }
0x1d: {  	s5 =	simm.s32 @p1 $0x1;
	p0 =	seq.s32 s7, s2  }
0x1e: {  	s7 =	smul.u32 @!p0 $0xF7A, s2;
	p2 =	seq.s32 @!p0 s5, $0x0  }
0x1f: {  	s9 =	smul.u32 $0xF7A, s1;
	s8 =	simm.s32 @!p0 $0x1BF5;
	p2 =	por !p2, p0  }
0x20: {  	[sflag:s8] =	ssyncset.s32 @!p0 $0xFFFFF086;
	s6 =	sadd.s32 @!p0 s3, s7;
	s7 =	simm.s32 @!p0 $0x108  }
0x21: {  	s3 =	sadd.s32 s3, s9;
	s6 =	sadd.s32 @!p0 $0x88, s6;
	s7 =	simm.s32 @p2 $0x1082  }
0x22: {  	[simem:s7], [sflag:s8] =	dma.local @!p0 [hbm:s6], $0xF7A  }
0x23: {  	s9 =	sor.u32 $0xD0000000, s2;
	s6 =	simm.s32 $0x108;
	_ =	swait.ge @!p0 [sflag:s8], $0x0  }
0x24: {  	s3 =	sadd.s32 $0x88, s3;
	s6 =	simm.s32 @!p1 $0x1082;
	[sflag:s4] =	ssyncset.s32 $0xFFFFF086  }
0x25: {  	[simem:s6], [sflag:s4] =	dma.local [hbm:s3], $0xF7A  }
0x26: {  	[smem:$0x3F99] =	sst s1;
	(tag) =	ssettag s2;
	_ =	strace s9  }
0x27: {  	s1 =	sld [smem:$0x3FA9]  }
0x28: {  	s2 =	sld [smem:$0x3FAA]  }
0x29: {  	s4 =	sld [smem:$0x3FAC]  }
0x2a: {  	p0 =	seq.s32 s5, $0x0;
	s5 =	sld [smem:$0x3FAD]  }
0x2b: {  	s6 =	sld [smem:$0x3FAE]  }
0x2c: {  	s7 =	sld [smem:$0x3FAF]  }
0x2d: {  	s3 =	simm.s32 $0x108;
	s8 =	sld [smem:$0x3FB0]  }
0x2e: {  	s3 =	simm.s32 @!p0 $0x1082;
	s9 =	sld [smem:$0x3FB1]  }
0x2f: {  	lr =	sadd.s32 s0, s3;
	s0 =	sld [smem:$0x3FA8]  }
0x30: {  	s3 =	sld [smem:$0x3FAB]  }
0x31: {  	[smem:$0x3FB4] =	sst s10  }
0x32: {  	s10 =	sld [smem:$0x3FB2];
	_ =	sdelay $0x3  }
0x33: {  	p0 =	seq.s32 s10, $0x1;
	s10 =	sld [smem:$0x3FB4];
	_ =	sdelay $0x3  }
0x34: {  	[smem:$0x3FB4] =	sst s10  }
0x35: {  	s10 =	sld [smem:$0x3FB3];
	_ =	sdelay $0x3  }
0x36: {  	p1 =	seq.s32 s10, $0x1;
	s10 =	sld [smem:$0x3FB4];
	_ =	sdelay $0x3  }
0x37: {  	[smem:$0x3FB4] =	sst s10  }
0x38: {  	s10 =	sld [smem:$0x3FB5]  }
0x39: {  	_ = 	snop;
	(pc) =	sbr.ind lr, $3  }
0x3a: {  	_ = 	snop  }
0x3b: {  	_ = 	snop  }
0x3c: {  	p2 =	seq.s32 s10, $0x1;
	s10 =	sld [smem:$0x3FB4]  }
0x3d: {  	_ =	shalt  }
0x3e: {  	_ =	shalt  }
0x3f: {  	_ =	shalt  }
0x40: {  	_ =	shalt  }
0x41: {  	_ =	shalt  }
0x42: {  	_ =	shalt  }
0x43: {  	_ =	shalt  }
0x44: {  	_ =	shalt  }
0x45: {  	_ =	shalt  }
0x46: {  	_ =	shalt  }
0x47: {  	_ =	shalt  }
0x48: {  	_ =	shalt  }
0x49: {  	_ =	shalt  }
0x4a: {  	_ =	shalt  }
0x4b: {  	_ =	shalt  }
0x4c: {  	_ =	shalt  }
0x4d: {  	_ =	shalt  }
0x4e: {  	_ =	shalt  }
0x4f: {  	_ =	shalt  }
0x50: {  	_ =	shalt  }
0x51: {  	_ =	shalt  }
0x52: {  	_ =	shalt  }
0x53: {  	_ =	shalt  }
0x54: {  	_ =	shalt  }
0x55: {  	_ =	shalt  }
0x56: {  	_ =	shalt  }
0x57: {  	_ =	shalt  }
0x58: {  	_ =	shalt  }
0x59: {  	_ =	shalt  }
0x5a: {  	_ =	shalt  }
0x5b: {  	_ =	shalt  }
0x5c: {  	_ =	shalt  }
0x5d: {  	_ =	shalt  }
0x5e: {  	_ =	shalt  }
0x5f: {  	_ =	shalt  }
0x60: {  	_ =	shalt  }
0x61: {  	_ =	shalt  }
0x62: {  	_ =	shalt  }
0x63: {  	_ =	shalt  }
0x64: {  	_ =	shalt  }
0x65: {  	_ =	shalt  }
0x66: {  	_ =	shalt  }
0x67: {  	_ =	shalt  }
0x68: {  	_ =	shalt  }
0x69: {  	_ =	shalt  }
0x6a: {  	_ =	shalt  }
0x6b: {  	_ =	shalt  }
0x6c: {  	_ =	shalt  }
0x6d: {  	_ =	shalt  }
0x6e: {  	_ =	shalt  }
0x6f: {  	_ =	shalt  }
0x70: {  	_ =	shalt  }
0x71: {  	_ =	shalt  }
0x72: {  	_ =	shalt  }
0x73: {  	_ =	shalt  }
0x74: {  	_ =	shalt  }
0x75: {  	_ =	shalt  }
0x76: {  	_ =	shalt  }
0x77: {  	_ =	shalt  }
0x78: {  	_ =	shalt  }
0x79: {  	_ =	shalt  }
0x7a: {  	_ =	shalt  }
0x7b: {  	_ =	shalt  }
0x7c: {  	_ =	shalt  }
0x7d: {  	_ =	shalt  }
0x7e: {  	_ =	shalt  }
0x7f: {  	_ =	shalt  }
0x80: {  	_ =	shalt  }
0x81: {  	_ =	shalt  }
0x82: {  	_ =	shalt  }
0x83: {  	_ =	shalt  }
0x84: {  	_ =	shalt  }
0x85: {  	_ =	shalt  }
0x86: {  	_ =	shalt  }
0x87: {  	_ =	shalt  }
.Lfunc_end0:
.L_simem_size_0:
called_computation.6_lowered:
.L_overlay_start_0:
0x88: {  	s2 =	sld [smem:$0x3FD9]  }
0x89: {  	s3 =	sld [smem:$0x3FFE];
	_ =	sdelay $0x1  }
0x8a: {  	s1 =	srdreg.scid  }
0x8b: {  	s0 =	sand.u32 $0x1, s1  }
0x8c: {  	s17 =	sshll.u32 s0, $0xA;
	s2 =	sadd.s32 s3, s2  }
0x8d: {  	s2 =	sadd.s32 s2, s17  }
0x8e: {  	[smem:$0x3FC0] =	sst s2  }
0x8f: {  	_ = 	snop  }
0x90: {  	s2 =	sld [smem:$0x3FD0];
	(tm) =	ssettm $0x1  }
0x91: {  	s18 =	sld [smem:$0x3FFB];
	_ =	sdelay $0x3  }
0x92: {  	_ =	strace s18  }
0x93: {  	s3 =	sld [smem:$0x3FFC];
	_ =	sdelay $0x3  }
0x94: {  	_ =	strace s3  }
0x95: {  	s3 =	sld [smem:$0x3FFD];
	_ =	sdelay $0x3  }
0x96: {  	_ =	strace s3  }
0x97: {  	_ =	strace $0x8FFFFFFF  }
0x98: {  	s19 =	sld [smem:$0x3FDB];
	_ =	sdelay $0x1  }
0x99: {  	s4 =	simm.s32 $_scs_section_size  }
0x9a: {  	s5 =	simm.s32 $_size__tile_overlayer_lowered;
	s6 =	simm.s32 $_tile_overlayer_lowered  }
0x9b: {  	s22 =	simm.s32 $0x1BFF;
	s21 =	sshll.u32 s6, $0x1;
	s3 =	sadd.s32 s4, s19  }
0x9c: {  	s7 =	simm.s32 $0x0;
	s20 =	sshll.u32 s5, $0x1;
	s5 =	sadd.s32 s21, s3  }
0x9d: {  	[timem:s7], [sflag:s22] =	dma.local [hbm:s5], s20  }
0x9e: {  	_ =	swait.ge [sflag:s22], s20  }
0x9f: {  	s4 =	ssub.s32 $0x0, s20;
	[sflag:s22] =	ssyncset.done $0x0  }
0xa0: {  	[sflag:s22] =	ssyncadd.s32 s4;
	_ =	sdelay $0x1  }
0xa1: {  	s23 =	simm.s32 $0x1B8B  }
0xa2: {  	_ =	swait.ge [sflag:s23], $0x1  }
0xa3: {  	[sflag:s23] =	ssyncset.done $0x0  }
0xa4: {  	s25 =	simm.s32 $0x1B8E;
	s24 =	sld [smem:$0x3FFE];
	[sflag:s23] =	ssyncadd.s32 $0xFFFFFFFF  }
0xa5: {  	s26 =	simm.s32 $execute0_lowered;
	[smem:$0x3FD2] =	sst s25  }
0xa6: {  	s5 =	sshll.u32 s26, $0x1;
	_ =	strace $0x80000046;
	[dreg:$0x1] =	wrdreg $0xFFFFFFFF  }
0xa7: {  	s28 =	simm.s32 $_size_execute0_lowered;
	s3 =	sadd.s32 s3, s5;
	[dreg:$0x0] =	wrdreg $0x0  }
0xa8: {  	s5 =	sshll.u32 s28, $0x1;
	[dreg:$0x2] =	wrdreg s3  }
0xa9: {  	[dreg:$0x3] =	wrdreg s5  }
0xaa: {  	[dreg:$0x4] =	wrdreg $0xC0  }
0xab: {  	_ =	task [dreg:s7], $0x5FFFF  }
0xac: {  	[dreg:$0x1] =	wrdreg $0xFFFFFFFF  }
0xad: {  	[dreg:$0x0] =	wrdreg $0x60  }
0xae: {  	[dreg:$0x2] =	wrdreg s2  }
0xaf: {  	[dreg:$0x3] =	wrdreg s24  }
0xb0: {  	[dreg:$0x4] =	wrdreg $0xF  }
0xb1: {  	_ =	task.clear_ibuf [dreg:s7], $0x5FFFF;
	_ =	strace $0x90000046  }
0xb2: {  	s29 =	simm.s32 $0xF;
	_ =	strace $0x80000048  }
0xb3: {  	_ =	swait.ge [sflag:s29], $0x1  }
0xb4: {  	[sflag:s29] =	ssyncadd.s32 $0xFFFFFFFF  }
0xb5: {  	_ =	strace $0x90000048  }
0xb6: {  	_ =	sfence  }
0xb7: {  	s30 =	sld [smem:$0x0];
	_ =	sdelay $0x2  }
0xb8: {  	s31 =	sshll.u32 s1, $0xD;
	s1 =	sshrl.u32 s1, $0x2  }
0xb9: {  	s3 =	sand.u32 $0x4000, s31;
	s1 =	sadd.s32 s1, s30  }
0xba: {  	s0 =	sor.u32 s3, s0;
	s1 =	sshll.u32 s1, $0x11  }
0xbb: {  	s0 =	sor.u32 s1, s0  }
0xbc: {  	s0 =	sadd.s32 $0x8F2B, s0  }
0xbd: {  	[sflag:s0] =	ssyncadd.remote.s32 $0x1  }
0xbe: {  	_ =	sfence.sel $0xFFFF  }
0xbf: {  	[dreg:$0x0] =	wrdreg $0xFFFFFFFF;
	(pc) =	sbr.abs _section_cstart, $3  }
0xc0: {  	[dreg:$0x1] =	wrdreg $0xFFFFFFFF  }
0xc1: {  	_ =	task.clear_ibuf [dreg:s7], $0x2FFFF;
	_ =	strace $0x9FFFFFFF  }
0xc2: {  	(tm) =	ssettm $0x7FFFFFFF  }
0xc3: {  	_ =	shalt  }
tec
execute0_lowered:
.L_overlay_start_1:
0x0: {  	(tag) =	ssettag $0x1  }
0x1: {  	s1 =	srdreg.scid  }
0x2: {  	s0 =	stileid.u32;
	s1 =	sand.u32 $0x1, s1  }
0x3: {  	s3 =	sshll.u32 s0, $0xC;
	s4 =	sshll.u32 s1, $0xB  }
0x4: {  	s2 =	rddreg [dreg:$0x0];
	s4 =	sor.u32 s4, s3  }
0x5: {  	s5 =	rddreg [dreg:$0x1];
	s6 =	sshrl.u32 s4, $0x3  }
0x6: {  	s3 =	simm.s32 $0x0;
	s4 =	sshll.u32 s4, $0x4;
	s6 =	sadd.s32 s6, s5  }
0x7: {  	[smem:$0x7FF] =	sst s3;
	s30 =	sadd.s32 s4, s5;
	s16 =	sadd.s32 $0x11800, s6  }
0x8: {  	_ =	strace $0x80000047;
	s17 =	sadd.s32 $0x55800, s30;
	[dreg:$0x3] =	wrdreg s16  }
0x9: {  	s18 =	sadd.s32 $0x5C800, s30;
	[dreg:$0x4] =	wrdreg s17  }
0xa: {  	s19 =	sadd.s32 $0x5D000, s30;
	[dreg:$0x5] =	wrdreg s18  }
0xb: {  	s20 =	sadd.s32 $0x56000, s30;
	[dreg:$0x6] =	wrdreg s19  }
0xc: {  	s21 =	sadd.s32 $0x56800, s30;
	[dreg:$0x7] =	wrdreg s20  }
0xd: {  	s22 =	sadd.s32 $0x57000, s30;
	[dreg:$0x8] =	wrdreg s21  }
0xe: {  	s23 =	sadd.s32 $0x57800, s30;
	[dreg:$0x9] =	wrdreg s22  }
0xf: {  	s24 =	sadd.s32 $0x58000, s30;
	[dreg:$0xa] =	wrdreg s23  }
0x10: {  	s26 =	sadd.s32 $0x58800, s30;
	[dreg:$0xb] =	wrdreg s24  }
0x11: {  	[dreg:$0xc] =	wrdreg s26  }
0x12: {  	s4 =	simm.s32 $0x3;
	s25 =	rddreg [dreg:$0x3]  }
0x13: {  	[tilespmem:s3], [sflag:$0x3] =	stream.linear.gather [hbm4b:s25+s3], $0x800, $0x38;
	[tilespmem:$0x8800] =	vst v63  }
0x14: {  	_ =	swait.ge [sflag:s4], $0x800  }
0x15: {  	[sflag:s4] =	ssyncset.done $0x0  }
0x16: {  	s5 =	simm.s32 $0x80;
	s6 =	simm.s32 $0x800;
	[sflag:s4] =	ssyncadd.s32 $0xFFFFF800  }
0x17: {  	[tilespmem:s6], [sflag:$0x1] =	stream.indirect.gather [hbm4b:s2+s5], $0x80, s3, s5, $0xb8;
	[tilespmem:$0x8800] =	vst v63  }
0x18: {  	s7 =	simm.s32 $0x4800;
	s8 =	simm.s32 $0x1  }
0x19: {  	[tilespmem:s7], [sflag:$0x2] =	stream.indirect.gather [hbm4b:s2+s5], $0x80, s5, s5, $0xb8;
	[tilespmem:$0x8800] =	vst v63  }
0x1a: {  	_ =	swait.ge [sflag:s8], $0x4000  }
0x1b: {  	[sflag:s8] =	ssyncset.done $0x0  }
0x1c: {  	s9 =	rddreg [dreg:$0x4];
	[sflag:s8] =	ssyncadd.s32 $0xFFFFC000  }
0x1d: {  	[hbm4b:s9+s3] =	stream.linear.scatter [tilespmem:s6], [sflag:$0x3], $0x4000, $0x38;
	[tilespmem:$0x8800] =	vst v63  }
0x1e: {  	_ =	swait.ge [sflag:s4], $0x4000  }
0x1f: {  	[sflag:s4] =	ssyncset.done $0x0  }
0x20: {  	s10 =	simm.s32 $0x2;
	s9 =	simm.s32 $0x100;
	[sflag:s4] =	ssyncadd.s32 $0xFFFFC000  }
0x21: {  	[tilespmem:s6], [sflag:$0x1] =	stream.indirect.gather [hbm4b:s2+s5], $0x80, s9, s5, $0xb8;
	[tilespmem:$0x8800] =	vst v63  }
0x22: {  	_ =	swait.ge [sflag:s10], $0x4000  }
0x23: {  	[sflag:s10] =	ssyncset.done $0x0  }
0x24: {  	s11 =	rddreg [dreg:$0x7];
	[sflag:s10] =	ssyncadd.s32 $0xFFFFC000  }
0x25: {  	[hbm4b:s11+s3] =	stream.linear.scatter [tilespmem:s7], [sflag:$0x3], $0x4000, $0x38;
	[tilespmem:$0x8800] =	vst v63  }
0x26: {  	_ =	swait.ge [sflag:s4], $0x4000  }
0x27: {  	[sflag:s4] =	ssyncset.done $0x0  }
0x28: {  	s11 =	simm.s32 $0x180;
	[sflag:s4] =	ssyncadd.s32 $0xFFFFC000  }
0x29: {  	[tilespmem:s7], [sflag:$0x2] =	stream.indirect.gather [hbm4b:s2+s5], $0x80, s11, s5, $0xb8;
	[tilespmem:$0x8800] =	vst v63  }
0x2a: {  	_ =	swait.ge [sflag:s8], $0x4000  }
0x2b: {  	[sflag:s8] =	ssyncset.done $0x0  }
0x2c: {  	s12 =	rddreg [dreg:$0x8];
	[sflag:s8] =	ssyncadd.s32 $0xFFFFC000  }
0x2d: {  	[hbm4b:s12+s3] =	stream.linear.scatter [tilespmem:s6], [sflag:$0x3], $0x4000, $0x38;
	[tilespmem:$0x8800] =	vst v63  }
0x2e: {  	_ =	swait.ge [sflag:s4], $0x4000  }
0x2f: {  	[sflag:s4] =	ssyncset.done $0x0  }
0x30: {  	s12 =	simm.s32 $0x200;
	[sflag:s4] =	ssyncadd.s32 $0xFFFFC000  }
0x31: {  	[tilespmem:s6], [sflag:$0x1] =	stream.indirect.gather [hbm4b:s2+s5], $0x80, s12, s5, $0xb8;
	[tilespmem:$0x8800] =	vst v63  }
0x32: {  	_ =	swait.ge [sflag:s10], $0x4000  }
0x33: {  	[sflag:s10] =	ssyncset.done $0x0  }
0x34: {  	s13 =	rddreg [dreg:$0x9];
	[sflag:s10] =	ssyncadd.s32 $0xFFFFC000  }
0x35: {  	[hbm4b:s13+s3] =	stream.linear.scatter [tilespmem:s7], [sflag:$0x3], $0x4000, $0x38;
	[tilespmem:$0x8800] =	vst v63  }
0x36: {  	_ =	swait.ge [sflag:s4], $0x4000  }
0x37: {  	[sflag:s4] =	ssyncset.done $0x0  }
0x38: {  	s13 =	simm.s32 $0x280;
	[sflag:s4] =	ssyncadd.s32 $0xFFFFC000  }
0x39: {  	[tilespmem:s7], [sflag:$0x2] =	stream.indirect.gather [hbm4b:s2+s5], $0x80, s13, s5, $0xb8;
	[tilespmem:$0x8800] =	vst v63  }
0x3a: {  	_ =	swait.ge [sflag:s8], $0x4000  }
0x3b: {  	[sflag:s8] =	ssyncset.done $0x0  }
0x3c: {  	s14 =	rddreg [dreg:$0xa];
	[sflag:s8] =	ssyncadd.s32 $0xFFFFC000  }
0x3d: {  	[hbm4b:s14+s3] =	stream.linear.scatter [tilespmem:s6], [sflag:$0x3], $0x4000, $0x38;
	[tilespmem:$0x8800] =	vst v63  }
0x3e: {  	_ =	swait.ge [sflag:s4], $0x4000  }
0x3f: {  	[sflag:s4] =	ssyncset.done $0x0  }
0x40: {  	s14 =	simm.s32 $0x300;
	[sflag:s4] =	ssyncadd.s32 $0xFFFFC000  }
0x41: {  	[tilespmem:s6], [sflag:$0x1] =	stream.indirect.gather [hbm4b:s2+s5], $0x80, s14, s5, $0xb8;
	[tilespmem:$0x8800] =	vst v63  }
0x42: {  	_ =	swait.ge [sflag:s10], $0x4000  }
0x43: {  	[sflag:s10] =	ssyncset.done $0x0  }
0x44: {  	s15 =	rddreg [dreg:$0xb];
	[sflag:s10] =	ssyncadd.s32 $0xFFFFC000  }
0x45: {  	[hbm4b:s15+s3] =	stream.linear.scatter [tilespmem:s7], [sflag:$0x3], $0x4000, $0x38;
	[tilespmem:$0x8800] =	vst v63  }
0x46: {  	_ =	swait.ge [sflag:s4], $0x4000  }
0x47: {  	[sflag:s4] =	ssyncset.done $0x0  }
0x48: {  	s15 =	simm.s32 $0x380;
	[sflag:s4] =	ssyncadd.s32 $0xFFFFC000  }
0x49: {  	[tilespmem:s7], [sflag:$0x2] =	stream.indirect.gather [hbm4b:s2+s5], $0x80, s15, s5, $0xb8;
	[tilespmem:$0x8800] =	vst v63  }
0x4a: {  	_ =	swait.ge [sflag:s8], $0x4000  }
0x4b: {  	[sflag:s8] =	ssyncset.done $0x0  }
0x4c: {  	s16 =	rddreg [dreg:$0xc];
	[sflag:s8] =	ssyncadd.s32 $0xFFFFC000  }
0x4d: {  	[hbm4b:s16+s3] =	stream.linear.scatter [tilespmem:s6], [sflag:$0x3], $0x4000, $0x38;
	[tilespmem:$0x8800] =	vst v63  }
0x4e: {  	_ =	swait.ge [sflag:s4], $0x4000  }
0x4f: {  	[sflag:s4] =	ssyncset.done $0x0  }
0x50: {  	s16 =	simm.s32 $0x400;
	[sflag:s4] =	ssyncadd.s32 $0xFFFFC000  }
0x51: {  	[tilespmem:s6], [sflag:$0x1] =	stream.indirect.gather [hbm4b:s2+s5], $0x80, s16, s5, $0xb8;
	[tilespmem:$0x8800] =	vst v63  }
0x52: {  	_ =	swait.ge [sflag:s10], $0x4000  }
0x53: {  	[sflag:s10] =	ssyncset.done $0x0  }
0x54: {  	s17 =	sadd.s32 $0x59000, s30;
	[sflag:s10] =	ssyncadd.s32 $0xFFFFC000  }
0x55: {  	[hbm4b:s17+s3] =	stream.linear.scatter [tilespmem:s7], [sflag:$0x3], $0x4000, $0x38;
	[tilespmem:$0x8800] =	vst v63  }
0x56: {  	_ =	swait.ge [sflag:s4], $0x4000  }
0x57: {  	[sflag:s4] =	ssyncset.done $0x0  }
0x58: {  	s18 =	simm.s32 $0x480;
	[sflag:s4] =	ssyncadd.s32 $0xFFFFC000  }
0x59: {  	[tilespmem:s7], [sflag:$0x2] =	stream.indirect.gather [hbm4b:s2+s5], $0x80, s18, s5, $0xb8;
	[tilespmem:$0x8800] =	vst v63  }
0x5a: {  	_ =	swait.ge [sflag:s8], $0x4000  }
0x5b: {  	[sflag:s8] =	ssyncset.done $0x0  }
0x5c: {  	s19 =	sadd.s32 $0x59800, s30;
	[sflag:s8] =	ssyncadd.s32 $0xFFFFC000  }
0x5d: {  	[hbm4b:s19+s3] =	stream.linear.scatter [tilespmem:s6], [sflag:$0x3], $0x4000, $0x38;
	[tilespmem:$0x8800] =	vst v63  }
0x5e: {  	_ =	swait.ge [sflag:s4], $0x4000  }
0x5f: {  	[sflag:s4] =	ssyncset.done $0x0  }
0x60: {  	s20 =	simm.s32 $0x500;
	[sflag:s4] =	ssyncadd.s32 $0xFFFFC000  }
0x61: {  	[tilespmem:s6], [sflag:$0x1] =	stream.indirect.gather [hbm4b:s2+s5], $0x80, s20, s5, $0xb8;
	[tilespmem:$0x8800] =	vst v63  }
0x62: {  	_ =	swait.ge [sflag:s10], $0x4000  }
0x63: {  	[sflag:s10] =	ssyncset.done $0x0  }
0x64: {  	s21 =	sadd.s32 $0x5A000, s30;
	[sflag:s10] =	ssyncadd.s32 $0xFFFFC000  }
0x65: {  	[hbm4b:s21+s3] =	stream.linear.scatter [tilespmem:s7], [sflag:$0x3], $0x4000, $0x38;
	[tilespmem:$0x8800] =	vst v63  }
0x66: {  	_ =	swait.ge [sflag:s4], $0x4000  }
0x67: {  	[sflag:s4] =	ssyncset.done $0x0  }
0x68: {  	s22 =	simm.s32 $0x580;
	[sflag:s4] =	ssyncadd.s32 $0xFFFFC000  }
0x69: {  	[tilespmem:s7], [sflag:$0x2] =	stream.indirect.gather [hbm4b:s2+s5], $0x80, s22, s5, $0xb8;
	[tilespmem:$0x8800] =	vst v63  }
0x6a: {  	_ =	swait.ge [sflag:s8], $0x4000  }
0x6b: {  	[sflag:s8] =	ssyncset.done $0x0  }
0x6c: {  	s23 =	sadd.s32 $0x5A800, s30;
	[sflag:s8] =	ssyncadd.s32 $0xFFFFC000  }
0x6d: {  	[hbm4b:s23+s3] =	stream.linear.scatter [tilespmem:s6], [sflag:$0x3], $0x4000, $0x38;
	[tilespmem:$0x8800] =	vst v63  }
0x6e: {  	_ =	swait.ge [sflag:s4], $0x4000  }
0x6f: {  	[sflag:s4] =	ssyncset.done $0x0  }
0x70: {  	s24 =	simm.s32 $0x600;
	[sflag:s4] =	ssyncadd.s32 $0xFFFFC000  }
0x71: {  	[tilespmem:s6], [sflag:$0x1] =	stream.indirect.gather [hbm4b:s2+s5], $0x80, s24, s5, $0xb8;
	[tilespmem:$0x8800] =	vst v63  }
0x72: {  	_ =	swait.ge [sflag:s10], $0x4000  }
0x73: {  	[sflag:s10] =	ssyncset.done $0x0  }
0x74: {  	s25 =	sadd.s32 $0x5B000, s30;
	[sflag:s10] =	ssyncadd.s32 $0xFFFFC000  }
0x75: {  	[hbm4b:s25+s3] =	stream.linear.scatter [tilespmem:s7], [sflag:$0x3], $0x4000, $0x38;
	[tilespmem:$0x8800] =	vst v63  }
0x76: {  	_ =	swait.ge [sflag:s4], $0x4000  }
0x77: {  	[sflag:s4] =	ssyncset.done $0x0  }
0x78: {  	s26 =	simm.s32 $0x680;
	[sflag:s4] =	ssyncadd.s32 $0xFFFFC000  }
0x79: {  	[tilespmem:s7], [sflag:$0x2] =	stream.indirect.gather [hbm4b:s2+s5], $0x80, s26, s5, $0xb8;
	[tilespmem:$0x8800] =	vst v63  }
0x7a: {  	_ =	swait.ge [sflag:s8], $0x4000  }
0x7b: {  	[sflag:s8] =	ssyncset.done $0x0  }
0x7c: {  	s28 =	sadd.s32 $0x5B800, s30;
	[sflag:s8] =	ssyncadd.s32 $0xFFFFC000  }
0x7d: {  	[hbm4b:s28+s3] =	stream.linear.scatter [tilespmem:s6], [sflag:$0x3], $0x4000, $0x38;
	[tilespmem:$0x8800] =	vst v63  }
0x7e: {  	_ =	swait.ge [sflag:s4], $0x4000  }
0x7f: {  	[sflag:s4] =	ssyncset.done $0x0  }
0x80: {  	s29 =	simm.s32 $0x700;
	[sflag:s4] =	ssyncadd.s32 $0xFFFFC000  }
0x81: {  	[tilespmem:s6], [sflag:$0x1] =	stream.indirect.gather [hbm4b:s2+s5], $0x80, s29, s5, $0xb8;
	[tilespmem:$0x8800] =	vst v63  }
0x82: {  	_ =	swait.ge [sflag:s10], $0x4000  }
0x83: {  	[sflag:s10] =	ssyncset.done $0x0  }
0x84: {  	s30 =	sadd.s32 $0x5C000, s30;
	[sflag:s10] =	ssyncadd.s32 $0xFFFFC000  }
0x85: {  	[hbm4b:s30+s3] =	stream.linear.scatter [tilespmem:s7], [sflag:$0x3], $0x4000, $0x38;
	[tilespmem:$0x8800] =	vst v63  }
0x86: {  	_ =	swait.ge [sflag:s4], $0x4000  }
0x87: {  	[sflag:s4] =	ssyncset.done $0x0  }
0x88: {  	s31 =	simm.s32 $0x780;
	[sflag:s4] =	ssyncadd.s32 $0xFFFFC000  }
0x89: {  	[tilespmem:s7], [sflag:$0x2] =	stream.indirect.gather [hbm4b:s2+s5], $0x80, s31, s5, $0xb8;
	[tilespmem:$0x8800] =	vst v63  }
0x8a: {  	_ =	swait.ge [sflag:s8], $0x4000  }
0x8b: {  	[sflag:s8] =	ssyncset.done $0x0  }
0x8c: {  	s0 =	rddreg [dreg:$0x5];
	[sflag:s8] =	ssyncadd.s32 $0xFFFFC000  }
0x8d: {  	[hbm4b:s0+s3] =	stream.linear.scatter [tilespmem:s6], [sflag:$0x3], $0x4000, $0x38;
	[tilespmem:$0x8800] =	vst v63  }
0x8e: {  	_ =	swait.ge [sflag:s4], $0x4000  }
0x8f: {  	[sflag:s4] =	ssyncset.done $0x0  }
0x90: {  	[sflag:s4] =	ssyncadd.s32 $0xFFFFC000  }
0x91: {  	_ =	swait.ge [sflag:s10], $0x4000  }
0x92: {  	s0 =	ssub.s32 $0x2, s1;
	s1 =	rddreg [dreg:$0x6]  }
0x93: {  	[dreg:$0xd] =	wrdreg s1;
	s1 =	sshrl.u32 s0, $0x1  }
0x94: {  	s0 =	ssub.s32 s0, s1  }
0x95: {  	s0 =	smax.u32 s0, $0x1  }
0x96: {  	p0 =	sne.s32 s0, $0x1  }
.Ltmp0:
0x97: {  	_ = 	snop;
	(pc) =	sbr.rel @!p0 .LBB2_2-.Ltmp0, $4  }
0x98: {  	[sflag:s10] =	ssyncset.done $0x0  }
0x99: {  	[sflag:s10] =	ssyncadd.s32 $0xFFFFC000;
	s1 =	rddreg [dreg:$0xd]  }
0x9a: {  	[hbm4b:s1+s3] =	stream.linear.scatter [tilespmem:s7], [sflag:$0x3], $0x4000, $0x38;
	[tilespmem:$0x8800] =	vst v63  }
0x9b: {  	s1 =	sadd.s32 $0xFFFFFFFF, s0;
	_ =	swait.ge [sflag:s4], $0x4000  }
.LBB2_1:
0x9c: {  	[sflag:s4] =	ssyncset.done $0x0  }
0x9d: {  	s0 =	rddreg [dreg:$0x3];
	[sflag:s4] =	ssyncadd.s32 $0xFFFFC000  }
0x9e: {  	[tilespmem:s3], [sflag:$0x3] =	stream.linear.gather [hbm4b:s0+s3], $0x800, $0x38;
	[tilespmem:$0x8800] =	vst v63  }
0x9f: {  	_ =	swait.ge [sflag:s4], $0x800  }
0xa0: {  	[sflag:s4] =	ssyncset.done $0x0  }
0xa1: {  	[sflag:s4] =	ssyncadd.s32 $0xFFFFF800  }
0xa2: {  	[tilespmem:s6], [sflag:$0x1] =	stream.indirect.gather [hbm4b:s2+s5], $0x80, s3, s5, $0xb8;
	[tilespmem:$0x8800] =	vst v63  }
0xa3: {  	_ = 	snop  }
0xa4: {  	[tilespmem:s7], [sflag:$0x2] =	stream.indirect.gather [hbm4b:s2+s5], $0x80, s5, s5, $0xb8;
	[tilespmem:$0x8800] =	vst v63  }
0xa5: {  	_ =	swait.ge [sflag:s8], $0x4000  }
0xa6: {  	[sflag:s8] =	ssyncset.done $0x0  }
0xa7: {  	s0 =	rddreg [dreg:$0x4];
	[sflag:s8] =	ssyncadd.s32 $0xFFFFC000  }
0xa8: {  	[hbm4b:s0+s3] =	stream.linear.scatter [tilespmem:s6], [sflag:$0x3], $0x4000, $0x38;
	[tilespmem:$0x8800] =	vst v63  }
0xa9: {  	_ =	swait.ge [sflag:s4], $0x4000  }
0xaa: {  	[sflag:s4] =	ssyncset.done $0x0  }
0xab: {  	[sflag:s4] =	ssyncadd.s32 $0xFFFFC000  }
0xac: {  	[tilespmem:s6], [sflag:$0x1] =	stream.indirect.gather [hbm4b:s2+s5], $0x80, s9, s5, $0xb8;
	[tilespmem:$0x8800] =	vst v63  }
0xad: {  	_ =	swait.ge [sflag:s10], $0x4000  }
0xae: {  	[sflag:s10] =	ssyncset.done $0x0  }
0xaf: {  	s0 =	rddreg [dreg:$0x7];
	[sflag:s10] =	ssyncadd.s32 $0xFFFFC000  }
0xb0: {  	[hbm4b:s0+s3] =	stream.linear.scatter [tilespmem:s7], [sflag:$0x3], $0x4000, $0x38;
	[tilespmem:$0x8800] =	vst v63  }
0xb1: {  	_ =	swait.ge [sflag:s4], $0x4000  }
0xb2: {  	[sflag:s4] =	ssyncset.done $0x0  }
0xb3: {  	[sflag:s4] =	ssyncadd.s32 $0xFFFFC000  }
0xb4: {  	[tilespmem:s7], [sflag:$0x2] =	stream.indirect.gather [hbm4b:s2+s5], $0x80, s11, s5, $0xb8;
	[tilespmem:$0x8800] =	vst v63  }
0xb5: {  	_ =	swait.ge [sflag:s8], $0x4000  }
0xb6: {  	[sflag:s8] =	ssyncset.done $0x0  }
0xb7: {  	s0 =	rddreg [dreg:$0x8];
	[sflag:s8] =	ssyncadd.s32 $0xFFFFC000  }
0xb8: {  	[hbm4b:s0+s3] =	stream.linear.scatter [tilespmem:s6], [sflag:$0x3], $0x4000, $0x38;
	[tilespmem:$0x8800] =	vst v63  }
0xb9: {  	_ =	swait.ge [sflag:s4], $0x4000  }
0xba: {  	[sflag:s4] =	ssyncset.done $0x0  }
0xbb: {  	[sflag:s4] =	ssyncadd.s32 $0xFFFFC000  }
0xbc: {  	[tilespmem:s6], [sflag:$0x1] =	stream.indirect.gather [hbm4b:s2+s5], $0x80, s12, s5, $0xb8;
	[tilespmem:$0x8800] =	vst v63  }
0xbd: {  	_ =	swait.ge [sflag:s10], $0x4000  }
0xbe: {  	[sflag:s10] =	ssyncset.done $0x0  }
0xbf: {  	s0 =	rddreg [dreg:$0x9];
	[sflag:s10] =	ssyncadd.s32 $0xFFFFC000  }
0xc0: {  	[hbm4b:s0+s3] =	stream.linear.scatter [tilespmem:s7], [sflag:$0x3], $0x4000, $0x38;
	[tilespmem:$0x8800] =	vst v63  }
0xc1: {  	_ =	swait.ge [sflag:s4], $0x4000  }
0xc2: {  	[sflag:s4] =	ssyncset.done $0x0  }
0xc3: {  	[sflag:s4] =	ssyncadd.s32 $0xFFFFC000  }
0xc4: {  	[tilespmem:s7], [sflag:$0x2] =	stream.indirect.gather [hbm4b:s2+s5], $0x80, s13, s5, $0xb8;
	[tilespmem:$0x8800] =	vst v63  }
0xc5: {  	_ =	swait.ge [sflag:s8], $0x4000  }
0xc6: {  	[sflag:s8] =	ssyncset.done $0x0  }
0xc7: {  	s0 =	rddreg [dreg:$0xa];
	[sflag:s8] =	ssyncadd.s32 $0xFFFFC000  }
0xc8: {  	[hbm4b:s0+s3] =	stream.linear.scatter [tilespmem:s6], [sflag:$0x3], $0x4000, $0x38;
	[tilespmem:$0x8800] =	vst v63  }
0xc9: {  	_ =	swait.ge [sflag:s4], $0x4000  }
0xca: {  	[sflag:s4] =	ssyncset.done $0x0  }
0xcb: {  	[sflag:s4] =	ssyncadd.s32 $0xFFFFC000  }
0xcc: {  	[tilespmem:s6], [sflag:$0x1] =	stream.indirect.gather [hbm4b:s2+s5], $0x80, s14, s5, $0xb8;
	[tilespmem:$0x8800] =	vst v63  }
0xcd: {  	_ =	swait.ge [sflag:s10], $0x4000  }
0xce: {  	[sflag:s10] =	ssyncset.done $0x0  }
0xcf: {  	s0 =	rddreg [dreg:$0xb];
	[sflag:s10] =	ssyncadd.s32 $0xFFFFC000  }
0xd0: {  	[hbm4b:s0+s3] =	stream.linear.scatter [tilespmem:s7], [sflag:$0x3], $0x4000, $0x38;
	[tilespmem:$0x8800] =	vst v63  }
0xd1: {  	_ =	swait.ge [sflag:s4], $0x4000  }
0xd2: {  	[sflag:s4] =	ssyncset.done $0x0  }
0xd3: {  	[sflag:s4] =	ssyncadd.s32 $0xFFFFC000  }
0xd4: {  	[tilespmem:s7], [sflag:$0x2] =	stream.indirect.gather [hbm4b:s2+s5], $0x80, s15, s5, $0xb8;
	[tilespmem:$0x8800] =	vst v63  }
0xd5: {  	_ =	swait.ge [sflag:s8], $0x4000  }
0xd6: {  	[sflag:s8] =	ssyncset.done $0x0  }
0xd7: {  	s0 =	rddreg [dreg:$0xc];
	[sflag:s8] =	ssyncadd.s32 $0xFFFFC000  }
0xd8: {  	[hbm4b:s0+s3] =	stream.linear.scatter [tilespmem:s6], [sflag:$0x3], $0x4000, $0x38;
	[tilespmem:$0x8800] =	vst v63  }
0xd9: {  	_ =	swait.ge [sflag:s4], $0x4000  }
0xda: {  	[sflag:s4] =	ssyncset.done $0x0  }
0xdb: {  	[sflag:s4] =	ssyncadd.s32 $0xFFFFC000  }
0xdc: {  	[tilespmem:s6], [sflag:$0x1] =	stream.indirect.gather [hbm4b:s2+s5], $0x80, s16, s5, $0xb8;
	[tilespmem:$0x8800] =	vst v63  }
0xdd: {  	_ =	swait.ge [sflag:s10], $0x4000  }
0xde: {  	[sflag:s10] =	ssyncset.done $0x0  }
0xdf: {  	[sflag:s10] =	ssyncadd.s32 $0xFFFFC000  }
0xe0: {  	[hbm4b:s17+s3] =	stream.linear.scatter [tilespmem:s7], [sflag:$0x3], $0x4000, $0x38;
	[tilespmem:$0x8800] =	vst v63  }
0xe1: {  	_ =	swait.ge [sflag:s4], $0x4000  }
0xe2: {  	[sflag:s4] =	ssyncset.done $0x0  }
0xe3: {  	[sflag:s4] =	ssyncadd.s32 $0xFFFFC000  }
0xe4: {  	[tilespmem:s7], [sflag:$0x2] =	stream.indirect.gather [hbm4b:s2+s5], $0x80, s18, s5, $0xb8;
	[tilespmem:$0x8800] =	vst v63  }
0xe5: {  	_ =	swait.ge [sflag:s8], $0x4000  }
0xe6: {  	[sflag:s8] =	ssyncset.done $0x0  }
0xe7: {  	[sflag:s8] =	ssyncadd.s32 $0xFFFFC000  }
0xe8: {  	[hbm4b:s19+s3] =	stream.linear.scatter [tilespmem:s6], [sflag:$0x3], $0x4000, $0x38;
	[tilespmem:$0x8800] =	vst v63  }
0xe9: {  	_ =	swait.ge [sflag:s4], $0x4000  }
0xea: {  	[sflag:s4] =	ssyncset.done $0x0  }
0xeb: {  	[sflag:s4] =	ssyncadd.s32 $0xFFFFC000  }
0xec: {  	[tilespmem:s6], [sflag:$0x1] =	stream.indirect.gather [hbm4b:s2+s5], $0x80, s20, s5, $0xb8;
	[tilespmem:$0x8800] =	vst v63  }
0xed: {  	_ =	swait.ge [sflag:s10], $0x4000  }
0xee: {  	[sflag:s10] =	ssyncset.done $0x0  }
0xef: {  	[sflag:s10] =	ssyncadd.s32 $0xFFFFC000  }
0xf0: {  	[hbm4b:s21+s3] =	stream.linear.scatter [tilespmem:s7], [sflag:$0x3], $0x4000, $0x38;
	[tilespmem:$0x8800] =	vst v63  }
0xf1: {  	_ =	swait.ge [sflag:s4], $0x4000  }
0xf2: {  	[sflag:s4] =	ssyncset.done $0x0  }
0xf3: {  	[sflag:s4] =	ssyncadd.s32 $0xFFFFC000  }
0xf4: {  	[tilespmem:s7], [sflag:$0x2] =	stream.indirect.gather [hbm4b:s2+s5], $0x80, s22, s5, $0xb8;
	[tilespmem:$0x8800] =	vst v63  }
0xf5: {  	_ =	swait.ge [sflag:s8], $0x4000  }
0xf6: {  	[sflag:s8] =	ssyncset.done $0x0  }
0xf7: {  	[sflag:s8] =	ssyncadd.s32 $0xFFFFC000  }
0xf8: {  	[hbm4b:s23+s3] =	stream.linear.scatter [tilespmem:s6], [sflag:$0x3], $0x4000, $0x38;
	[tilespmem:$0x8800] =	vst v63  }
0xf9: {  	_ =	swait.ge [sflag:s4], $0x4000  }
0xfa: {  	[sflag:s4] =	ssyncset.done $0x0  }
0xfb: {  	[sflag:s4] =	ssyncadd.s32 $0xFFFFC000  }
0xfc: {  	[tilespmem:s6], [sflag:$0x1] =	stream.indirect.gather [hbm4b:s2+s5], $0x80, s24, s5, $0xb8;
	[tilespmem:$0x8800] =	vst v63  }
0xfd: {  	_ =	swait.ge [sflag:s10], $0x4000  }
0xfe: {  	[sflag:s10] =	ssyncset.done $0x0  }
0xff: {  	[sflag:s10] =	ssyncadd.s32 $0xFFFFC000  }
0x100: {  	[hbm4b:s25+s3] =	stream.linear.scatter [tilespmem:s7], [sflag:$0x3], $0x4000, $0x38;
	[tilespmem:$0x8800] =	vst v63  }
0x101: {  	_ =	swait.ge [sflag:s4], $0x4000  }
0x102: {  	[sflag:s4] =	ssyncset.done $0x0  }
0x103: {  	[sflag:s4] =	ssyncadd.s32 $0xFFFFC000  }
0x104: {  	[tilespmem:s7], [sflag:$0x2] =	stream.indirect.gather [hbm4b:s2+s5], $0x80, s26, s5, $0xb8;
	[tilespmem:$0x8800] =	vst v63  }
0x105: {  	_ =	swait.ge [sflag:s8], $0x4000  }
0x106: {  	[sflag:s8] =	ssyncset.done $0x0  }
0x107: {  	[sflag:s8] =	ssyncadd.s32 $0xFFFFC000  }
0x108: {  	[hbm4b:s28+s3] =	stream.linear.scatter [tilespmem:s6], [sflag:$0x3], $0x4000, $0x38;
	[tilespmem:$0x8800] =	vst v63  }
0x109: {  	_ =	swait.ge [sflag:s4], $0x4000  }
0x10a: {  	[sflag:s4] =	ssyncset.done $0x0  }
0x10b: {  	[sflag:s4] =	ssyncadd.s32 $0xFFFFC000  }
0x10c: {  	[tilespmem:s6], [sflag:$0x1] =	stream.indirect.gather [hbm4b:s2+s5], $0x80, s29, s5, $0xb8;
	[tilespmem:$0x8800] =	vst v63  }
0x10d: {  	_ =	swait.ge [sflag:s10], $0x4000  }
0x10e: {  	[sflag:s10] =	ssyncset.done $0x0  }
0x10f: {  	[sflag:s10] =	ssyncadd.s32 $0xFFFFC000  }
0x110: {  	[hbm4b:s30+s3] =	stream.linear.scatter [tilespmem:s7], [sflag:$0x3], $0x4000, $0x38;
	[tilespmem:$0x8800] =	vst v63  }
0x111: {  	_ =	swait.ge [sflag:s4], $0x4000  }
0x112: {  	[sflag:s4] =	ssyncset.done $0x0  }
0x113: {  	[sflag:s4] =	ssyncadd.s32 $0xFFFFC000  }
0x114: {  	[tilespmem:s7], [sflag:$0x2] =	stream.indirect.gather [hbm4b:s2+s5], $0x80, s31, s5, $0xb8;
	[tilespmem:$0x8800] =	vst v63  }
0x115: {  	_ =	swait.ge [sflag:s8], $0x4000  }
0x116: {  	[sflag:s8] =	ssyncset.done $0x0  }
0x117: {  	s0 =	rddreg [dreg:$0x5];
	[sflag:s8] =	ssyncadd.s32 $0xFFFFC000  }
0x118: {  	[hbm4b:s0+s3] =	stream.linear.scatter [tilespmem:s6], [sflag:$0x3], $0x4000, $0x38;
	[tilespmem:$0x8800] =	vst v63  }
0x119: {  	_ =	swait.ge [sflag:s4], $0x4000  }
0x11a: {  	[sflag:s4] =	ssyncset.done $0x0  }
0x11b: {  	p0 =	sne.s32 s1, $0x1;
	[sflag:s4] =	ssyncadd.s32 $0xFFFFC000  }
.Ltmp1:
0x11c: {  	_ =	swait.ge [sflag:s10], $0x4000;
	(pc) =	sbr.rel @p0 .LBB2_1-.Ltmp1, $4  }
0x11d: {  	[sflag:s10] =	ssyncset.done $0x0  }
0x11e: {  	s0 =	rddreg [dreg:$0x6];
	[sflag:s10] =	ssyncadd.s32 $0xFFFFC000  }
0x11f: {  	[hbm4b:s0+s3] =	stream.linear.scatter [tilespmem:s7], [sflag:$0x3], $0x4000, $0x38;
	[tilespmem:$0x8800] =	vst v63  }
0x120: {  	s1 =	sadd.s32 $0xFFFFFFFF, s1;
	_ =	swait.ge [sflag:s4], $0x4000  }
.LBB2_2:
0x121: {  	[sflag:s4] =	ssyncset.done $0x0  }
0x122: {  	[sflag:s4] =	ssyncadd.s32 $0xFFFFC000  }
0x123: {  	_ =	sfence.sel $0x180000  }
0x124: {  	[bflag:$0x0] =	sbarrier.arrive $0xFFFF  }
0x125: {  	_ =	strace $0x90000047  }
0x126: {  	s0 =	stileid.u32;
	[bflag:$0x2] =	sbarrier.arrive $0xFFFF  }
0x127: {  	p0 =	sne.s32 s0, $0x0;
	s0 =	rddreg [dreg:$0x2]  }
0x128: {  	s0 =	sadd.s32 @!p0 $0x100000, s0  }
0x129: {  	[sflag:s0] =	ssyncadd.tile.s32 @!p0 $0x1;
	_ =	shalt  }
.Lfunc_end2:
_tile_overlayer_lowered:
.L_overlay_start_2:
0x12a: {  	(tag) =	ssettag $0x2  }
0x12b: {  	s0 =	rddreg [dreg:$0x0];
	s2 =	stileid.u32  }
0x12c: {  	s1 =	rddreg [dreg:$0x1];
	p0 =	sne.s32 s2, $0x0  }
0x12d: {  	s3 =	rddreg [dreg:$0x2];
	[bflag:$0x3] =	sbarrier.arrive $0xFFFF;
	s2 =	simm.s32 @!p0 $0x1C03  }
0x12e: {  	[timem:s3], [sflag:s2] =	dma.local @!p0 [hbm:s0], s1  }
0x12f: {  	s0 =	simm.s32 @!p0 $0x3  }
0x130: {  	_ =	swait.ge @!p0 [sflag:s0], s1  }
0x131: {  	s1 =	ssub.s32 @!p0 $0x0, s1;
	[sflag:s0] =	ssyncset.done @!p0 $0x0  }
0x132: {  	[sflag:s0] =	ssyncadd.s32 @!p0 s1  }
0x133: {  	[bflag:$0x3] =	sbarrier.arrive $0xFFFF  }
0x134: {  	_ =	shalt  }

// kernel: kernel.40.cloned.1.call-start
scs
__scs_entry_jumppad:
0x0: {  	(pc) =	sbr.rel $0x88, $3  }
0x1: {  	(tag) =	ssettag $0x0;
	lr =	simm.s32 $0x1  }
0x2: {  	[smem:$0x3F99] =	sst lr;
	_ =	strace $0xD0000000  }
0x3: {  	_ = 	snop  }
0x4: {  	_ = 	snop  }
0x5: {  	_ = 	snop  }
0x6: {  	_ = 	snop  }
0x7: {  	_ = 	snop  }
__scs_overlays_trampoline_lowered:
0x8: {  	[smem:$0x3FA8] =	sst s0  }
0x9: {  	[smem:$0x3FA9] =	sst s1  }
0xa: {  	[smem:$0x3FAA] =	sst s2  }
0xb: {  	[smem:$0x3FAB] =	sst s3  }
0xc: {  	[smem:$0x3FAC] =	sst s4  }
0xd: {  	[smem:$0x3FAD] =	sst s5  }
0xe: {  	[smem:$0x3FAE] =	sst s6  }
0xf: {  	[smem:$0x3FAF] =	sst s7  }
0x10: {  	[smem:$0x3FB0] =	sst s8  }
0x11: {  	[smem:$0x3FB1] =	sst s9;
	s0 =	simm.s32 @!p0 $0x0  }
0x12: {  	s1 =	sld [smem:$0x3F97];
	s0 =	simm.s32 @p0 $0x1  }
0x13: {  	[smem:$0x3FB2] =	sst s0;
	s0 =	simm.s32 @!p1 $0x0  }
0x14: {  	s2 =	sld [smem:$0x3F96];
	s0 =	simm.s32 @p1 $0x1  }
0x15: {  	[smem:$0x3FB3] =	sst s0;
	s0 =	simm.s32 @!p2 $0x0  }
0x16: {  	s3 =	sld [smem:$0x3FDB];
	s0 =	simm.s32 @p2 $0x1  }
0x17: {  	s4 =	simm.s32 $0x1BF5;
	[smem:$0x3FB5] =	sst s0  }
0x18: {  	s0 =	sld [smem:$0x3F98];
	_ =	swait.ge [sflag:s4], $0x0  }
0x19: {  	s7 =	sld [smem:$0x3F99]  }
0x1a: {  	s8 =	sadd.s32 $0xFFFFE003, lr  }
0x1b: {  	s9 =	sadd.s32 $0xFFFFFEF7, lr;
	s5 =	simm.s32 $0xFFFFFFFF;
	p2 =	slt.u32 s8, $0xFFFFF086  }
0x1c: {  	p1 =	slt.u32 s9, $0xF7A;
	s5 =	simm.s32 @!p2 $0x0  }
0x1d: {  	s5 =	simm.s32 @p1 $0x1;
	p0 =	seq.s32 s7, s2  }
0x1e: {  	s7 =	smul.u32 @!p0 $0xF7A, s2;
	p2 =	seq.s32 @!p0 s5, $0x0  }
0x1f: {  	s9 =	smul.u32 $0xF7A, s1;
	s8 =	simm.s32 @!p0 $0x1BF5;
	p2 =	por !p2, p0  }
0x20: {  	[sflag:s8] =	ssyncset.s32 @!p0 $0xFFFFF086;
	s6 =	sadd.s32 @!p0 s3, s7;
	s7 =	simm.s32 @!p0 $0x108  }
0x21: {  	s3 =	sadd.s32 s3, s9;
	s6 =	sadd.s32 @!p0 $0x88, s6;
	s7 =	simm.s32 @p2 $0x1082  }
0x22: {  	[simem:s7], [sflag:s8] =	dma.local @!p0 [hbm:s6], $0xF7A  }
0x23: {  	s9 =	sor.u32 $0xD0000000, s2;
	s6 =	simm.s32 $0x108;
	_ =	swait.ge @!p0 [sflag:s8], $0x0  }
0x24: {  	s3 =	sadd.s32 $0x88, s3;
	s6 =	simm.s32 @!p1 $0x1082;
	[sflag:s4] =	ssyncset.s32 $0xFFFFF086  }
0x25: {  	[simem:s6], [sflag:s4] =	dma.local [hbm:s3], $0xF7A  }
0x26: {  	[smem:$0x3F99] =	sst s1;
	(tag) =	ssettag s2;
	_ =	strace s9  }
0x27: {  	s1 =	sld [smem:$0x3FA9]  }
0x28: {  	s2 =	sld [smem:$0x3FAA]  }
0x29: {  	s4 =	sld [smem:$0x3FAC]  }
0x2a: {  	p0 =	seq.s32 s5, $0x0;
	s5 =	sld [smem:$0x3FAD]  }
0x2b: {  	s6 =	sld [smem:$0x3FAE]  }
0x2c: {  	s7 =	sld [smem:$0x3FAF]  }
0x2d: {  	s3 =	simm.s32 $0x108;
	s8 =	sld [smem:$0x3FB0]  }
0x2e: {  	s3 =	simm.s32 @!p0 $0x1082;
	s9 =	sld [smem:$0x3FB1]  }
0x2f: {  	lr =	sadd.s32 s0, s3;
	s0 =	sld [smem:$0x3FA8]  }
0x30: {  	s3 =	sld [smem:$0x3FAB]  }
0x31: {  	[smem:$0x3FB4] =	sst s10  }
0x32: {  	s10 =	sld [smem:$0x3FB2];
	_ =	sdelay $0x3  }
0x33: {  	p0 =	seq.s32 s10, $0x1;
	s10 =	sld [smem:$0x3FB4];
	_ =	sdelay $0x3  }
0x34: {  	[smem:$0x3FB4] =	sst s10  }
0x35: {  	s10 =	sld [smem:$0x3FB3];
	_ =	sdelay $0x3  }
0x36: {  	p1 =	seq.s32 s10, $0x1;
	s10 =	sld [smem:$0x3FB4];
	_ =	sdelay $0x3  }
0x37: {  	[smem:$0x3FB4] =	sst s10  }
0x38: {  	s10 =	sld [smem:$0x3FB5]  }
0x39: {  	_ = 	snop;
	(pc) =	sbr.ind lr, $3  }
0x3a: {  	_ = 	snop  }
0x3b: {  	_ = 	snop  }
0x3c: {  	p2 =	seq.s32 s10, $0x1;
	s10 =	sld [smem:$0x3FB4]  }
0x3d: {  	_ =	shalt  }
0x3e: {  	_ =	shalt  }
0x3f: {  	_ =	shalt  }
0x40: {  	_ =	shalt  }
0x41: {  	_ =	shalt  }
0x42: {  	_ =	shalt  }
0x43: {  	_ =	shalt  }
0x44: {  	_ =	shalt  }
0x45: {  	_ =	shalt  }
0x46: {  	_ =	shalt  }
0x47: {  	_ =	shalt  }
0x48: {  	_ =	shalt  }
0x49: {  	_ =	shalt  }
0x4a: {  	_ =	shalt  }
0x4b: {  	_ =	shalt  }
0x4c: {  	_ =	shalt  }
0x4d: {  	_ =	shalt  }
0x4e: {  	_ =	shalt  }
0x4f: {  	_ =	shalt  }
0x50: {  	_ =	shalt  }
0x51: {  	_ =	shalt  }
0x52: {  	_ =	shalt  }
0x53: {  	_ =	shalt  }
0x54: {  	_ =	shalt  }
0x55: {  	_ =	shalt  }
0x56: {  	_ =	shalt  }
0x57: {  	_ =	shalt  }
0x58: {  	_ =	shalt  }
0x59: {  	_ =	shalt  }
0x5a: {  	_ =	shalt  }
0x5b: {  	_ =	shalt  }
0x5c: {  	_ =	shalt  }
0x5d: {  	_ =	shalt  }
0x5e: {  	_ =	shalt  }
0x5f: {  	_ =	shalt  }
0x60: {  	_ =	shalt  }
0x61: {  	_ =	shalt  }
0x62: {  	_ =	shalt  }
0x63: {  	_ =	shalt  }
0x64: {  	_ =	shalt  }
0x65: {  	_ =	shalt  }
0x66: {  	_ =	shalt  }
0x67: {  	_ =	shalt  }
0x68: {  	_ =	shalt  }
0x69: {  	_ =	shalt  }
0x6a: {  	_ =	shalt  }
0x6b: {  	_ =	shalt  }
0x6c: {  	_ =	shalt  }
0x6d: {  	_ =	shalt  }
0x6e: {  	_ =	shalt  }
0x6f: {  	_ =	shalt  }
0x70: {  	_ =	shalt  }
0x71: {  	_ =	shalt  }
0x72: {  	_ =	shalt  }
0x73: {  	_ =	shalt  }
0x74: {  	_ =	shalt  }
0x75: {  	_ =	shalt  }
0x76: {  	_ =	shalt  }
0x77: {  	_ =	shalt  }
0x78: {  	_ =	shalt  }
0x79: {  	_ =	shalt  }
0x7a: {  	_ =	shalt  }
0x7b: {  	_ =	shalt  }
0x7c: {  	_ =	shalt  }
0x7d: {  	_ =	shalt  }
0x7e: {  	_ =	shalt  }
0x7f: {  	_ =	shalt  }
0x80: {  	_ =	shalt  }
0x81: {  	_ =	shalt  }
0x82: {  	_ =	shalt  }
0x83: {  	_ =	shalt  }
0x84: {  	_ =	shalt  }
0x85: {  	_ =	shalt  }
0x86: {  	_ =	shalt  }
0x87: {  	_ =	shalt  }
.Lfunc_end0:
.L_simem_size_0:
called_computation.7_lowered:
.L_overlay_start_0:
0x88: {  	s2 =	sld [smem:$0x3FD9]  }
0x89: {  	s3 =	sld [smem:$0x3FFE];
	_ =	sdelay $0x1  }
0x8a: {  	s1 =	srdreg.scid  }
0x8b: {  	s0 =	sand.u32 $0x1, s1  }
0x8c: {  	s17 =	sshll.u32 s0, $0xA;
	s2 =	sadd.s32 s3, s2  }
0x8d: {  	s2 =	sadd.s32 s2, s17  }
0x8e: {  	[smem:$0x3FC0] =	sst s2  }
0x8f: {  	_ = 	snop  }
0x90: {  	s18 =	sld [smem:$0x3FD0];
	(tm) =	ssettm $0x1  }
0x91: {  	s19 =	sld [smem:$0x3FFB];
	_ =	sdelay $0x3  }
0x92: {  	_ =	strace s19  }
0x93: {  	s2 =	sld [smem:$0x3FFC];
	_ =	sdelay $0x3  }
0x94: {  	_ =	strace s2  }
0x95: {  	s2 =	sld [smem:$0x3FFD];
	_ =	sdelay $0x3  }
0x96: {  	_ =	strace s2  }
0x97: {  	_ =	strace $0x8FFFFFFF  }
0x98: {  	s20 =	sld [smem:$0x3FDB];
	_ =	sdelay $0x1  }
0x99: {  	s4 =	simm.s32 $_scs_section_size  }
0x9a: {  	s5 =	simm.s32 $_size__tile_overlayer_lowered;
	s6 =	simm.s32 $_tile_overlayer_lowered  }
0x9b: {  	s7 =	simm.s32 $0x1BFF;
	s21 =	sshll.u32 s6, $0x1;
	s4 =	sadd.s32 s4, s20  }
0x9c: {  	s22 =	simm.s32 $0x0;
	s5 =	sshll.u32 s5, $0x1;
	s6 =	sadd.s32 s21, s4  }
0x9d: {  	[timem:s22], [sflag:s7] =	dma.local [hbm:s6], s5  }
0x9e: {  	_ =	swait.ge [sflag:s7], s5  }
0x9f: {  	s5 =	ssub.s32 $0x0, s5;
	[sflag:s7] =	ssyncset.done $0x0  }
0xa0: {  	[sflag:s7] =	ssyncadd.s32 s5;
	_ =	sdelay $0x1  }
0xa1: {  	s23 =	simm.s32 $0x1B8B  }
0xa2: {  	_ =	swait.ge [sflag:s23], $0x1  }
0xa3: {  	[sflag:s23] =	ssyncset.done $0x0  }
0xa4: {  	[sflag:s23] =	ssyncadd.s32 $0xFFFFFFFF  }
0xa5: {  	s5 =	sld [smem:$0x0]  }
0xa6: {  	s6 =	sand.u32 $0xFFFFFFFE, s1  }
0xa7: {  	p0 =	sne.s32 s1, s6  }
0xa8: {  	s6 =	sshll.u32 @p0 s6, $0xE  }
0xa9: {  	s6 =	sadd.s32 @p0 $0x11B8D, s6;
	s7 =	sshll.u32 @p0 s5, $0x11  }
0xaa: {  	s6 =	sor.u32 @p0 s7, s6  }
0xab: {  	[sflag:s6] =	ssyncadd.remote.s32 @p0 $0x1;
	_ =	sdelay $0x1  }
0xac: {  	s6 =	simm.s32 @p0 $0x1B8D  }
0xad: {  	_ =	swait.eq @p0 [sflag:s6], $0x1  }
0xae: {  	[sflag:s6] =	ssyncadd.s32 @p0 $0xFFFFFFFF  }
0xaf: {  	s7 =	sshll.u32 @!p0 s1, $0xE  }
0xb0: {  	s7 =	sor.u32 @!p0 $0x4000, s7;
	s6 =	simm.s32 @!p0 $0x1B8D  }
0xb1: {  	s5 =	sshll.u32 @!p0 s5, $0x11;
	s7 =	sadd.s32 @!p0 $0x11B8D, s7;
	_ =	swait.eq @!p0 [sflag:s6], $0x1  }
0xb2: {  	s5 =	sor.u32 @!p0 s5, s7;
	[sflag:s6] =	ssyncadd.s32 @!p0 $0xFFFFFFFF  }
0xb3: {  	s25 =	simm.s32 $0x1B8E;
	s24 =	sld [smem:$0x3FFE];
	[sflag:s5] =	ssyncadd.remote.s32 @!p0 $0x1  }
0xb4: {  	s26 =	simm.s32 $execute0_lowered;
	[smem:$0x3FD2] =	sst s25  }
0xb5: {  	s6 =	sshll.u32 s26, $0x1;
	_ =	strace $0x8000005B;
	[dreg:$0x1] =	wrdreg $0xFFFFFFFF  }
0xb6: {  	s28 =	simm.s32 $_size_execute0_lowered;
	s4 =	sadd.s32 s4, s6;
	[dreg:$0x0] =	wrdreg $0x0  }
0xb7: {  	s6 =	sshll.u32 s28, $0x1;
	[dreg:$0x2] =	wrdreg s4  }
0xb8: {  	[dreg:$0x3] =	wrdreg s6  }
0xb9: {  	[dreg:$0x4] =	wrdreg $0xC0  }
0xba: {  	_ =	task [dreg:s22], $0x5FFFF  }
0xbb: {  	[dreg:$0x1] =	wrdreg $0xFFFFFFFF  }
0xbc: {  	[dreg:$0x0] =	wrdreg $0x60  }
0xbd: {  	[dreg:$0x2] =	wrdreg s18  }
0xbe: {  	[dreg:$0x3] =	wrdreg s24  }
0xbf: {  	[dreg:$0x4] =	wrdreg $0x10  }
0xc0: {  	_ =	task.clear_ibuf [dreg:s22], $0x5FFFF;
	_ =	strace $0x9000005B  }
0xc1: {  	s29 =	simm.s32 $0x10;
	_ =	strace $0x8000005D  }
0xc2: {  	_ =	swait.ge [sflag:s29], $0x1  }
0xc3: {  	[sflag:s29] =	ssyncadd.s32 $0xFFFFFFFF  }
0xc4: {  	_ =	strace $0x9000005D  }
0xc5: {  	_ =	sfence  }
0xc6: {  	s30 =	sld [smem:$0x0];
	_ =	sdelay $0x2  }
0xc7: {  	s31 =	sshll.u32 s1, $0xD;
	s1 =	sshrl.u32 s1, $0x2  }
0xc8: {  	s4 =	sand.u32 $0x4000, s31;
	s1 =	sadd.s32 s1, s30  }
0xc9: {  	s0 =	sor.u32 s4, s0;
	s1 =	sshll.u32 s1, $0x11  }
0xca: {  	s0 =	sor.u32 s1, s0  }
0xcb: {  	s0 =	sadd.s32 $0x8F2B, s0  }
0xcc: {  	[sflag:s0] =	ssyncadd.remote.s32 $0x1  }
0xcd: {  	_ =	sfence.sel $0xFFFF  }
0xce: {  	[dreg:$0x0] =	wrdreg $0xFFFFFFFF;
	(pc) =	sbr.abs _section_cstart, $3  }
0xcf: {  	[dreg:$0x1] =	wrdreg $0xFFFFFFFF  }
0xd0: {  	_ =	task.clear_ibuf [dreg:s22], $0x2FFFF;
	_ =	strace $0x9FFFFFFF  }
0xd1: {  	(tm) =	ssettm $0x7FFFFFFF  }
tec
execute0_lowered:
.L_overlay_start_1:
0x0: {  	(tag) =	ssettag $0x1  }
0x1: {  	s1 =	srdreg.scid  }
0x2: {  	s0 =	stileid.u32;
	s1 =	sand.u32 $0x1, s1  }
0x3: {  	s3 =	sshll.u32 s0, $0xC;
	s4 =	sshll.u32 s1, $0xB  }
0x4: {  	s2 =	rddreg [dreg:$0x0];
	s4 =	sor.u32 s4, s3  }
0x5: {  	s5 =	rddreg [dreg:$0x1];
	s6 =	sshrl.u32 s4, $0x3  }
0x6: {  	s3 =	simm.s32 $0x0;
	s4 =	sshll.u32 s4, $0x4;
	s6 =	sadd.s32 s6, s5  }
0x7: {  	[smem:$0x7FF] =	sst s3;
	s30 =	sadd.s32 s4, s5;
	s16 =	sadd.s32 $0x13800, s6  }
0x8: {  	_ =	strace $0x8000005C;
	s17 =	sadd.s32 $0x755800, s30;
	[dreg:$0x3] =	wrdreg s16  }
0x9: {  	s18 =	sadd.s32 $0x75C800, s30;
	[dreg:$0x4] =	wrdreg s17  }
0xa: {  	s19 =	sadd.s32 $0x75D000, s30;
	[dreg:$0x5] =	wrdreg s18  }
0xb: {  	s20 =	sadd.s32 $0x756000, s30;
	[dreg:$0x6] =	wrdreg s19  }
0xc: {  	s21 =	sadd.s32 $0x756800, s30;
	[dreg:$0x7] =	wrdreg s20  }
0xd: {  	s22 =	sadd.s32 $0x757000, s30;
	[dreg:$0x8] =	wrdreg s21  }
0xe: {  	s23 =	sadd.s32 $0x757800, s30;
	[dreg:$0x9] =	wrdreg s22  }
0xf: {  	s24 =	sadd.s32 $0x758000, s30;
	[dreg:$0xa] =	wrdreg s23  }
0x10: {  	s26 =	sadd.s32 $0x758800, s30;
	[dreg:$0xb] =	wrdreg s24  }
0x11: {  	[dreg:$0xc] =	wrdreg s26  }
0x12: {  	s4 =	simm.s32 $0x3;
	s25 =	rddreg [dreg:$0x3]  }
0x13: {  	[tilespmem:s3], [sflag:$0x3] =	stream.linear.gather [hbm4b:s25+s3], $0x800, $0x38;
	[tilespmem:$0x8800] =	vst v63  }
0x14: {  	_ =	swait.ge [sflag:s4], $0x800  }
0x15: {  	[sflag:s4] =	ssyncset.done $0x0  }
0x16: {  	s5 =	simm.s32 $0x80;
	s6 =	simm.s32 $0x800;
	[sflag:s4] =	ssyncadd.s32 $0xFFFFF800  }
0x17: {  	[tilespmem:s6], [sflag:$0x1] =	stream.indirect.gather [hbm4b:s2+s5], $0x80, s3, s5, $0xb8;
	[tilespmem:$0x8800] =	vst v63  }
0x18: {  	s7 =	simm.s32 $0x4800;
	s8 =	simm.s32 $0x1  }
0x19: {  	[tilespmem:s7], [sflag:$0x2] =	stream.indirect.gather [hbm4b:s2+s5], $0x80, s5, s5, $0xb8;
	[tilespmem:$0x8800] =	vst v63  }
0x1a: {  	_ =	swait.ge [sflag:s8], $0x4000  }
0x1b: {  	[sflag:s8] =	ssyncset.done $0x0  }
0x1c: {  	s9 =	rddreg [dreg:$0x4];
	[sflag:s8] =	ssyncadd.s32 $0xFFFFC000  }
0x1d: {  	[hbm4b:s9+s3] =	stream.linear.scatter [tilespmem:s6], [sflag:$0x3], $0x4000, $0x38;
	[tilespmem:$0x8800] =	vst v63  }
0x1e: {  	_ =	swait.ge [sflag:s4], $0x4000  }
0x1f: {  	[sflag:s4] =	ssyncset.done $0x0  }
0x20: {  	s10 =	simm.s32 $0x2;
	s9 =	simm.s32 $0x100;
	[sflag:s4] =	ssyncadd.s32 $0xFFFFC000  }
0x21: {  	[tilespmem:s6], [sflag:$0x1] =	stream.indirect.gather [hbm4b:s2+s5], $0x80, s9, s5, $0xb8;
	[tilespmem:$0x8800] =	vst v63  }
0x22: {  	_ =	swait.ge [sflag:s10], $0x4000  }
0x23: {  	[sflag:s10] =	ssyncset.done $0x0  }
0x24: {  	s11 =	rddreg [dreg:$0x7];
	[sflag:s10] =	ssyncadd.s32 $0xFFFFC000  }
0x25: {  	[hbm4b:s11+s3] =	stream.linear.scatter [tilespmem:s7], [sflag:$0x3], $0x4000, $0x38;
	[tilespmem:$0x8800] =	vst v63  }
0x26: {  	_ =	swait.ge [sflag:s4], $0x4000  }
0x27: {  	[sflag:s4] =	ssyncset.done $0x0  }
0x28: {  	s11 =	simm.s32 $0x180;
	[sflag:s4] =	ssyncadd.s32 $0xFFFFC000  }
0x29: {  	[tilespmem:s7], [sflag:$0x2] =	stream.indirect.gather [hbm4b:s2+s5], $0x80, s11, s5, $0xb8;
	[tilespmem:$0x8800] =	vst v63  }
0x2a: {  	_ =	swait.ge [sflag:s8], $0x4000  }
0x2b: {  	[sflag:s8] =	ssyncset.done $0x0  }
0x2c: {  	s12 =	rddreg [dreg:$0x8];
	[sflag:s8] =	ssyncadd.s32 $0xFFFFC000  }
0x2d: {  	[hbm4b:s12+s3] =	stream.linear.scatter [tilespmem:s6], [sflag:$0x3], $0x4000, $0x38;
	[tilespmem:$0x8800] =	vst v63  }
0x2e: {  	_ =	swait.ge [sflag:s4], $0x4000  }
0x2f: {  	[sflag:s4] =	ssyncset.done $0x0  }
0x30: {  	s12 =	simm.s32 $0x200;
	[sflag:s4] =	ssyncadd.s32 $0xFFFFC000  }
0x31: {  	[tilespmem:s6], [sflag:$0x1] =	stream.indirect.gather [hbm4b:s2+s5], $0x80, s12, s5, $0xb8;
	[tilespmem:$0x8800] =	vst v63  }
0x32: {  	_ =	swait.ge [sflag:s10], $0x4000  }
0x33: {  	[sflag:s10] =	ssyncset.done $0x0  }
0x34: {  	s13 =	rddreg [dreg:$0x9];
	[sflag:s10] =	ssyncadd.s32 $0xFFFFC000  }
0x35: {  	[hbm4b:s13+s3] =	stream.linear.scatter [tilespmem:s7], [sflag:$0x3], $0x4000, $0x38;
	[tilespmem:$0x8800] =	vst v63  }
0x36: {  	_ =	swait.ge [sflag:s4], $0x4000  }
0x37: {  	[sflag:s4] =	ssyncset.done $0x0  }
0x38: {  	s13 =	simm.s32 $0x280;
	[sflag:s4] =	ssyncadd.s32 $0xFFFFC000  }
0x39: {  	[tilespmem:s7], [sflag:$0x2] =	stream.indirect.gather [hbm4b:s2+s5], $0x80, s13, s5, $0xb8;
	[tilespmem:$0x8800] =	vst v63  }
0x3a: {  	_ =	swait.ge [sflag:s8], $0x4000  }
0x3b: {  	[sflag:s8] =	ssyncset.done $0x0  }
0x3c: {  	s14 =	rddreg [dreg:$0xa];
	[sflag:s8] =	ssyncadd.s32 $0xFFFFC000  }
0x3d: {  	[hbm4b:s14+s3] =	stream.linear.scatter [tilespmem:s6], [sflag:$0x3], $0x4000, $0x38;
	[tilespmem:$0x8800] =	vst v63  }
0x3e: {  	_ =	swait.ge [sflag:s4], $0x4000  }
0x3f: {  	[sflag:s4] =	ssyncset.done $0x0  }
0x40: {  	s14 =	simm.s32 $0x300;
	[sflag:s4] =	ssyncadd.s32 $0xFFFFC000  }
0x41: {  	[tilespmem:s6], [sflag:$0x1] =	stream.indirect.gather [hbm4b:s2+s5], $0x80, s14, s5, $0xb8;
	[tilespmem:$0x8800] =	vst v63  }
0x42: {  	_ =	swait.ge [sflag:s10], $0x4000  }
0x43: {  	[sflag:s10] =	ssyncset.done $0x0  }
0x44: {  	s15 =	rddreg [dreg:$0xb];
	[sflag:s10] =	ssyncadd.s32 $0xFFFFC000  }
0x45: {  	[hbm4b:s15+s3] =	stream.linear.scatter [tilespmem:s7], [sflag:$0x3], $0x4000, $0x38;
	[tilespmem:$0x8800] =	vst v63  }
0x46: {  	_ =	swait.ge [sflag:s4], $0x4000  }
0x47: {  	[sflag:s4] =	ssyncset.done $0x0  }
0x48: {  	s15 =	simm.s32 $0x380;
	[sflag:s4] =	ssyncadd.s32 $0xFFFFC000  }
0x49: {  	[tilespmem:s7], [sflag:$0x2] =	stream.indirect.gather [hbm4b:s2+s5], $0x80, s15, s5, $0xb8;
	[tilespmem:$0x8800] =	vst v63  }
0x4a: {  	_ =	swait.ge [sflag:s8], $0x4000  }
0x4b: {  	[sflag:s8] =	ssyncset.done $0x0  }
0x4c: {  	s16 =	rddreg [dreg:$0xc];
	[sflag:s8] =	ssyncadd.s32 $0xFFFFC000  }
0x4d: {  	[hbm4b:s16+s3] =	stream.linear.scatter [tilespmem:s6], [sflag:$0x3], $0x4000, $0x38;
	[tilespmem:$0x8800] =	vst v63  }
0x4e: {  	_ =	swait.ge [sflag:s4], $0x4000  }
0x4f: {  	[sflag:s4] =	ssyncset.done $0x0  }
0x50: {  	s16 =	simm.s32 $0x400;
	[sflag:s4] =	ssyncadd.s32 $0xFFFFC000  }
0x51: {  	[tilespmem:s6], [sflag:$0x1] =	stream.indirect.gather [hbm4b:s2+s5], $0x80, s16, s5, $0xb8;
	[tilespmem:$0x8800] =	vst v63  }
0x52: {  	_ =	swait.ge [sflag:s10], $0x4000  }
0x53: {  	[sflag:s10] =	ssyncset.done $0x0  }
0x54: {  	s17 =	sadd.s32 $0x759000, s30;
	[sflag:s10] =	ssyncadd.s32 $0xFFFFC000  }
0x55: {  	[hbm4b:s17+s3] =	stream.linear.scatter [tilespmem:s7], [sflag:$0x3], $0x4000, $0x38;
	[tilespmem:$0x8800] =	vst v63  }
0x56: {  	_ =	swait.ge [sflag:s4], $0x4000  }
0x57: {  	[sflag:s4] =	ssyncset.done $0x0  }
0x58: {  	s18 =	simm.s32 $0x480;
	[sflag:s4] =	ssyncadd.s32 $0xFFFFC000  }
0x59: {  	[tilespmem:s7], [sflag:$0x2] =	stream.indirect.gather [hbm4b:s2+s5], $0x80, s18, s5, $0xb8;
	[tilespmem:$0x8800] =	vst v63  }
0x5a: {  	_ =	swait.ge [sflag:s8], $0x4000  }
0x5b: {  	[sflag:s8] =	ssyncset.done $0x0  }
0x5c: {  	s19 =	sadd.s32 $0x759800, s30;
	[sflag:s8] =	ssyncadd.s32 $0xFFFFC000  }
0x5d: {  	[hbm4b:s19+s3] =	stream.linear.scatter [tilespmem:s6], [sflag:$0x3], $0x4000, $0x38;
	[tilespmem:$0x8800] =	vst v63  }
0x5e: {  	_ =	swait.ge [sflag:s4], $0x4000  }
0x5f: {  	[sflag:s4] =	ssyncset.done $0x0  }
0x60: {  	s20 =	simm.s32 $0x500;
	[sflag:s4] =	ssyncadd.s32 $0xFFFFC000  }
0x61: {  	[tilespmem:s6], [sflag:$0x1] =	stream.indirect.gather [hbm4b:s2+s5], $0x80, s20, s5, $0xb8;
	[tilespmem:$0x8800] =	vst v63  }
0x62: {  	_ =	swait.ge [sflag:s10], $0x4000  }
0x63: {  	[sflag:s10] =	ssyncset.done $0x0  }
0x64: {  	s21 =	sadd.s32 $0x75A000, s30;
	[sflag:s10] =	ssyncadd.s32 $0xFFFFC000  }
0x65: {  	[hbm4b:s21+s3] =	stream.linear.scatter [tilespmem:s7], [sflag:$0x3], $0x4000, $0x38;
	[tilespmem:$0x8800] =	vst v63  }
0x66: {  	_ =	swait.ge [sflag:s4], $0x4000  }
0x67: {  	[sflag:s4] =	ssyncset.done $0x0  }
0x68: {  	s22 =	simm.s32 $0x580;
	[sflag:s4] =	ssyncadd.s32 $0xFFFFC000  }
0x69: {  	[tilespmem:s7], [sflag:$0x2] =	stream.indirect.gather [hbm4b:s2+s5], $0x80, s22, s5, $0xb8;
	[tilespmem:$0x8800] =	vst v63  }
0x6a: {  	_ =	swait.ge [sflag:s8], $0x4000  }
0x6b: {  	[sflag:s8] =	ssyncset.done $0x0  }
0x6c: {  	s23 =	sadd.s32 $0x75A800, s30;
	[sflag:s8] =	ssyncadd.s32 $0xFFFFC000  }
0x6d: {  	[hbm4b:s23+s3] =	stream.linear.scatter [tilespmem:s6], [sflag:$0x3], $0x4000, $0x38;
	[tilespmem:$0x8800] =	vst v63  }
0x6e: {  	_ =	swait.ge [sflag:s4], $0x4000  }
0x6f: {  	[sflag:s4] =	ssyncset.done $0x0  }
0x70: {  	s24 =	simm.s32 $0x600;
	[sflag:s4] =	ssyncadd.s32 $0xFFFFC000  }
0x71: {  	[tilespmem:s6], [sflag:$0x1] =	stream.indirect.gather [hbm4b:s2+s5], $0x80, s24, s5, $0xb8;
	[tilespmem:$0x8800] =	vst v63  }
0x72: {  	_ =	swait.ge [sflag:s10], $0x4000  }
0x73: {  	[sflag:s10] =	ssyncset.done $0x0  }
0x74: {  	s25 =	sadd.s32 $0x75B000, s30;
	[sflag:s10] =	ssyncadd.s32 $0xFFFFC000  }
0x75: {  	[hbm4b:s25+s3] =	stream.linear.scatter [tilespmem:s7], [sflag:$0x3], $0x4000, $0x38;
	[tilespmem:$0x8800] =	vst v63  }
0x76: {  	_ =	swait.ge [sflag:s4], $0x4000  }
0x77: {  	[sflag:s4] =	ssyncset.done $0x0  }
0x78: {  	s26 =	simm.s32 $0x680;
	[sflag:s4] =	ssyncadd.s32 $0xFFFFC000  }
0x79: {  	[tilespmem:s7], [sflag:$0x2] =	stream.indirect.gather [hbm4b:s2+s5], $0x80, s26, s5, $0xb8;
	[tilespmem:$0x8800] =	vst v63  }
0x7a: {  	_ =	swait.ge [sflag:s8], $0x4000  }
0x7b: {  	[sflag:s8] =	ssyncset.done $0x0  }
0x7c: {  	s28 =	sadd.s32 $0x75B800, s30;
	[sflag:s8] =	ssyncadd.s32 $0xFFFFC000  }
0x7d: {  	[hbm4b:s28+s3] =	stream.linear.scatter [tilespmem:s6], [sflag:$0x3], $0x4000, $0x38;
	[tilespmem:$0x8800] =	vst v63  }
0x7e: {  	_ =	swait.ge [sflag:s4], $0x4000  }
0x7f: {  	[sflag:s4] =	ssyncset.done $0x0  }
0x80: {  	s29 =	simm.s32 $0x700;
	[sflag:s4] =	ssyncadd.s32 $0xFFFFC000  }
0x81: {  	[tilespmem:s6], [sflag:$0x1] =	stream.indirect.gather [hbm4b:s2+s5], $0x80, s29, s5, $0xb8;
	[tilespmem:$0x8800] =	vst v63  }
0x82: {  	_ =	swait.ge [sflag:s10], $0x4000  }
0x83: {  	[sflag:s10] =	ssyncset.done $0x0  }
0x84: {  	s30 =	sadd.s32 $0x75C000, s30;
	[sflag:s10] =	ssyncadd.s32 $0xFFFFC000  }
0x85: {  	[hbm4b:s30+s3] =	stream.linear.scatter [tilespmem:s7], [sflag:$0x3], $0x4000, $0x38;
	[tilespmem:$0x8800] =	vst v63  }
0x86: {  	_ =	swait.ge [sflag:s4], $0x4000  }
0x87: {  	[sflag:s4] =	ssyncset.done $0x0  }
0x88: {  	s31 =	simm.s32 $0x780;
	[sflag:s4] =	ssyncadd.s32 $0xFFFFC000  }
0x89: {  	[tilespmem:s7], [sflag:$0x2] =	stream.indirect.gather [hbm4b:s2+s5], $0x80, s31, s5, $0xb8;
	[tilespmem:$0x8800] =	vst v63  }
0x8a: {  	_ =	swait.ge [sflag:s8], $0x4000  }
0x8b: {  	[sflag:s8] =	ssyncset.done $0x0  }
0x8c: {  	s0 =	rddreg [dreg:$0x5];
	[sflag:s8] =	ssyncadd.s32 $0xFFFFC000  }
0x8d: {  	[hbm4b:s0+s3] =	stream.linear.scatter [tilespmem:s6], [sflag:$0x3], $0x4000, $0x38;
	[tilespmem:$0x8800] =	vst v63  }
0x8e: {  	_ =	swait.ge [sflag:s4], $0x4000  }
0x8f: {  	[sflag:s4] =	ssyncset.done $0x0  }
0x90: {  	[sflag:s4] =	ssyncadd.s32 $0xFFFFC000  }
0x91: {  	_ =	swait.ge [sflag:s10], $0x4000  }
0x92: {  	s0 =	ssub.s32 $0x2, s1;
	s1 =	rddreg [dreg:$0x6]  }
0x93: {  	[dreg:$0xd] =	wrdreg s1;
	s1 =	sshrl.u32 s0, $0x1  }
0x94: {  	s0 =	ssub.s32 s0, s1  }
0x95: {  	s0 =	smax.u32 s0, $0x1  }
0x96: {  	p0 =	sne.s32 s0, $0x1  }
.Ltmp0:
0x97: {  	_ = 	snop;
	(pc) =	sbr.rel @!p0 .LBB2_2-.Ltmp0, $4  }
0x98: {  	[sflag:s10] =	ssyncset.done $0x0  }
0x99: {  	[sflag:s10] =	ssyncadd.s32 $0xFFFFC000;
	s1 =	rddreg [dreg:$0xd]  }
0x9a: {  	[hbm4b:s1+s3] =	stream.linear.scatter [tilespmem:s7], [sflag:$0x3], $0x4000, $0x38;
	[tilespmem:$0x8800] =	vst v63  }
0x9b: {  	s1 =	sadd.s32 $0xFFFFFFFF, s0;
	_ =	swait.ge [sflag:s4], $0x4000  }
.LBB2_1:
0x9c: {  	[sflag:s4] =	ssyncset.done $0x0  }
0x9d: {  	s0 =	rddreg [dreg:$0x3];
	[sflag:s4] =	ssyncadd.s32 $0xFFFFC000  }
0x9e: {  	[tilespmem:s3], [sflag:$0x3] =	stream.linear.gather [hbm4b:s0+s3], $0x800, $0x38;
	[tilespmem:$0x8800] =	vst v63  }
0x9f: {  	_ =	swait.ge [sflag:s4], $0x800  }
0xa0: {  	[sflag:s4] =	ssyncset.done $0x0  }
0xa1: {  	[sflag:s4] =	ssyncadd.s32 $0xFFFFF800  }
0xa2: {  	[tilespmem:s6], [sflag:$0x1] =	stream.indirect.gather [hbm4b:s2+s5], $0x80, s3, s5, $0xb8;
	[tilespmem:$0x8800] =	vst v63  }
0xa3: {  	_ = 	snop  }
0xa4: {  	[tilespmem:s7], [sflag:$0x2] =	stream.indirect.gather [hbm4b:s2+s5], $0x80, s5, s5, $0xb8;
	[tilespmem:$0x8800] =	vst v63  }
0xa5: {  	_ =	swait.ge [sflag:s8], $0x4000  }
0xa6: {  	[sflag:s8] =	ssyncset.done $0x0  }
0xa7: {  	s0 =	rddreg [dreg:$0x4];
	[sflag:s8] =	ssyncadd.s32 $0xFFFFC000  }
0xa8: {  	[hbm4b:s0+s3] =	stream.linear.scatter [tilespmem:s6], [sflag:$0x3], $0x4000, $0x38;
	[tilespmem:$0x8800] =	vst v63  }
0xa9: {  	_ =	swait.ge [sflag:s4], $0x4000  }
0xaa: {  	[sflag:s4] =	ssyncset.done $0x0  }
0xab: {  	[sflag:s4] =	ssyncadd.s32 $0xFFFFC000  }
0xac: {  	[tilespmem:s6], [sflag:$0x1] =	stream.indirect.gather [hbm4b:s2+s5], $0x80, s9, s5, $0xb8;
	[tilespmem:$0x8800] =	vst v63  }
0xad: {  	_ =	swait.ge [sflag:s10], $0x4000  }
0xae: {  	[sflag:s10] =	ssyncset.done $0x0  }
0xaf: {  	s0 =	rddreg [dreg:$0x7];
	[sflag:s10] =	ssyncadd.s32 $0xFFFFC000  }
0xb0: {  	[hbm4b:s0+s3] =	stream.linear.scatter [tilespmem:s7], [sflag:$0x3], $0x4000, $0x38;
	[tilespmem:$0x8800] =	vst v63  }
0xb1: {  	_ =	swait.ge [sflag:s4], $0x4000  }
0xb2: {  	[sflag:s4] =	ssyncset.done $0x0  }
0xb3: {  	[sflag:s4] =	ssyncadd.s32 $0xFFFFC000  }
0xb4: {  	[tilespmem:s7], [sflag:$0x2] =	stream.indirect.gather [hbm4b:s2+s5], $0x80, s11, s5, $0xb8;
	[tilespmem:$0x8800] =	vst v63  }
0xb5: {  	_ =	swait.ge [sflag:s8], $0x4000  }
0xb6: {  	[sflag:s8] =	ssyncset.done $0x0  }
0xb7: {  	s0 =	rddreg [dreg:$0x8];
	[sflag:s8] =	ssyncadd.s32 $0xFFFFC000  }
0xb8: {  	[hbm4b:s0+s3] =	stream.linear.scatter [tilespmem:s6], [sflag:$0x3], $0x4000, $0x38;
	[tilespmem:$0x8800] =	vst v63  }
0xb9: {  	_ =	swait.ge [sflag:s4], $0x4000  }
0xba: {  	[sflag:s4] =	ssyncset.done $0x0  }
0xbb: {  	[sflag:s4] =	ssyncadd.s32 $0xFFFFC000  }
0xbc: {  	[tilespmem:s6], [sflag:$0x1] =	stream.indirect.gather [hbm4b:s2+s5], $0x80, s12, s5, $0xb8;
	[tilespmem:$0x8800] =	vst v63  }
0xbd: {  	_ =	swait.ge [sflag:s10], $0x4000  }
0xbe: {  	[sflag:s10] =	ssyncset.done $0x0  }
0xbf: {  	s0 =	rddreg [dreg:$0x9];
	[sflag:s10] =	ssyncadd.s32 $0xFFFFC000  }
0xc0: {  	[hbm4b:s0+s3] =	stream.linear.scatter [tilespmem:s7], [sflag:$0x3], $0x4000, $0x38;
	[tilespmem:$0x8800] =	vst v63  }
0xc1: {  	_ =	swait.ge [sflag:s4], $0x4000  }
0xc2: {  	[sflag:s4] =	ssyncset.done $0x0  }
0xc3: {  	[sflag:s4] =	ssyncadd.s32 $0xFFFFC000  }
0xc4: {  	[tilespmem:s7], [sflag:$0x2] =	stream.indirect.gather [hbm4b:s2+s5], $0x80, s13, s5, $0xb8;
	[tilespmem:$0x8800] =	vst v63  }
0xc5: {  	_ =	swait.ge [sflag:s8], $0x4000  }
0xc6: {  	[sflag:s8] =	ssyncset.done $0x0  }
0xc7: {  	s0 =	rddreg [dreg:$0xa];
	[sflag:s8] =	ssyncadd.s32 $0xFFFFC000  }
0xc8: {  	[hbm4b:s0+s3] =	stream.linear.scatter [tilespmem:s6], [sflag:$0x3], $0x4000, $0x38;
	[tilespmem:$0x8800] =	vst v63  }
0xc9: {  	_ =	swait.ge [sflag:s4], $0x4000  }
0xca: {  	[sflag:s4] =	ssyncset.done $0x0  }
0xcb: {  	[sflag:s4] =	ssyncadd.s32 $0xFFFFC000  }
0xcc: {  	[tilespmem:s6], [sflag:$0x1] =	stream.indirect.gather [hbm4b:s2+s5], $0x80, s14, s5, $0xb8;
	[tilespmem:$0x8800] =	vst v63  }
0xcd: {  	_ =	swait.ge [sflag:s10], $0x4000  }
0xce: {  	[sflag:s10] =	ssyncset.done $0x0  }
0xcf: {  	s0 =	rddreg [dreg:$0xb];
	[sflag:s10] =	ssyncadd.s32 $0xFFFFC000  }
0xd0: {  	[hbm4b:s0+s3] =	stream.linear.scatter [tilespmem:s7], [sflag:$0x3], $0x4000, $0x38;
	[tilespmem:$0x8800] =	vst v63  }
0xd1: {  	_ =	swait.ge [sflag:s4], $0x4000  }
0xd2: {  	[sflag:s4] =	ssyncset.done $0x0  }
0xd3: {  	[sflag:s4] =	ssyncadd.s32 $0xFFFFC000  }
0xd4: {  	[tilespmem:s7], [sflag:$0x2] =	stream.indirect.gather [hbm4b:s2+s5], $0x80, s15, s5, $0xb8;
	[tilespmem:$0x8800] =	vst v63  }
0xd5: {  	_ =	swait.ge [sflag:s8], $0x4000  }
0xd6: {  	[sflag:s8] =	ssyncset.done $0x0  }
0xd7: {  	s0 =	rddreg [dreg:$0xc];
	[sflag:s8] =	ssyncadd.s32 $0xFFFFC000  }
0xd8: {  	[hbm4b:s0+s3] =	stream.linear.scatter [tilespmem:s6], [sflag:$0x3], $0x4000, $0x38;
	[tilespmem:$0x8800] =	vst v63  }
0xd9: {  	_ =	swait.ge [sflag:s4], $0x4000  }
0xda: {  	[sflag:s4] =	ssyncset.done $0x0  }
0xdb: {  	[sflag:s4] =	ssyncadd.s32 $0xFFFFC000  }
0xdc: {  	[tilespmem:s6], [sflag:$0x1] =	stream.indirect.gather [hbm4b:s2+s5], $0x80, s16, s5, $0xb8;
	[tilespmem:$0x8800] =	vst v63  }
0xdd: {  	_ =	swait.ge [sflag:s10], $0x4000  }
0xde: {  	[sflag:s10] =	ssyncset.done $0x0  }
0xdf: {  	[sflag:s10] =	ssyncadd.s32 $0xFFFFC000  }
0xe0: {  	[hbm4b:s17+s3] =	stream.linear.scatter [tilespmem:s7], [sflag:$0x3], $0x4000, $0x38;
	[tilespmem:$0x8800] =	vst v63  }
0xe1: {  	_ =	swait.ge [sflag:s4], $0x4000  }
0xe2: {  	[sflag:s4] =	ssyncset.done $0x0  }
0xe3: {  	[sflag:s4] =	ssyncadd.s32 $0xFFFFC000  }
0xe4: {  	[tilespmem:s7], [sflag:$0x2] =	stream.indirect.gather [hbm4b:s2+s5], $0x80, s18, s5, $0xb8;
	[tilespmem:$0x8800] =	vst v63  }
0xe5: {  	_ =	swait.ge [sflag:s8], $0x4000  }
0xe6: {  	[sflag:s8] =	ssyncset.done $0x0  }
0xe7: {  	[sflag:s8] =	ssyncadd.s32 $0xFFFFC000  }
0xe8: {  	[hbm4b:s19+s3] =	stream.linear.scatter [tilespmem:s6], [sflag:$0x3], $0x4000, $0x38;
	[tilespmem:$0x8800] =	vst v63  }
0xe9: {  	_ =	swait.ge [sflag:s4], $0x4000  }
0xea: {  	[sflag:s4] =	ssyncset.done $0x0  }
0xeb: {  	[sflag:s4] =	ssyncadd.s32 $0xFFFFC000  }
0xec: {  	[tilespmem:s6], [sflag:$0x1] =	stream.indirect.gather [hbm4b:s2+s5], $0x80, s20, s5, $0xb8;
	[tilespmem:$0x8800] =	vst v63  }
0xed: {  	_ =	swait.ge [sflag:s10], $0x4000  }
0xee: {  	[sflag:s10] =	ssyncset.done $0x0  }
0xef: {  	[sflag:s10] =	ssyncadd.s32 $0xFFFFC000  }
0xf0: {  	[hbm4b:s21+s3] =	stream.linear.scatter [tilespmem:s7], [sflag:$0x3], $0x4000, $0x38;
	[tilespmem:$0x8800] =	vst v63  }
0xf1: {  	_ =	swait.ge [sflag:s4], $0x4000  }
0xf2: {  	[sflag:s4] =	ssyncset.done $0x0  }
0xf3: {  	[sflag:s4] =	ssyncadd.s32 $0xFFFFC000  }
0xf4: {  	[tilespmem:s7], [sflag:$0x2] =	stream.indirect.gather [hbm4b:s2+s5], $0x80, s22, s5, $0xb8;
	[tilespmem:$0x8800] =	vst v63  }
0xf5: {  	_ =	swait.ge [sflag:s8], $0x4000  }
0xf6: {  	[sflag:s8] =	ssyncset.done $0x0  }
0xf7: {  	[sflag:s8] =	ssyncadd.s32 $0xFFFFC000  }
0xf8: {  	[hbm4b:s23+s3] =	stream.linear.scatter [tilespmem:s6], [sflag:$0x3], $0x4000, $0x38;
	[tilespmem:$0x8800] =	vst v63  }
0xf9: {  	_ =	swait.ge [sflag:s4], $0x4000  }
0xfa: {  	[sflag:s4] =	ssyncset.done $0x0  }
0xfb: {  	[sflag:s4] =	ssyncadd.s32 $0xFFFFC000  }
0xfc: {  	[tilespmem:s6], [sflag:$0x1] =	stream.indirect.gather [hbm4b:s2+s5], $0x80, s24, s5, $0xb8;
	[tilespmem:$0x8800] =	vst v63  }
0xfd: {  	_ =	swait.ge [sflag:s10], $0x4000  }
0xfe: {  	[sflag:s10] =	ssyncset.done $0x0  }
0xff: {  	[sflag:s10] =	ssyncadd.s32 $0xFFFFC000  }
0x100: {  	[hbm4b:s25+s3] =	stream.linear.scatter [tilespmem:s7], [sflag:$0x3], $0x4000, $0x38;
	[tilespmem:$0x8800] =	vst v63  }
0x101: {  	_ =	swait.ge [sflag:s4], $0x4000  }
0x102: {  	[sflag:s4] =	ssyncset.done $0x0  }
0x103: {  	[sflag:s4] =	ssyncadd.s32 $0xFFFFC000  }
0x104: {  	[tilespmem:s7], [sflag:$0x2] =	stream.indirect.gather [hbm4b:s2+s5], $0x80, s26, s5, $0xb8;
	[tilespmem:$0x8800] =	vst v63  }
0x105: {  	_ =	swait.ge [sflag:s8], $0x4000  }
0x106: {  	[sflag:s8] =	ssyncset.done $0x0  }
0x107: {  	[sflag:s8] =	ssyncadd.s32 $0xFFFFC000  }
0x108: {  	[hbm4b:s28+s3] =	stream.linear.scatter [tilespmem:s6], [sflag:$0x3], $0x4000, $0x38;
	[tilespmem:$0x8800] =	vst v63  }
0x109: {  	_ =	swait.ge [sflag:s4], $0x4000  }
0x10a: {  	[sflag:s4] =	ssyncset.done $0x0  }
0x10b: {  	[sflag:s4] =	ssyncadd.s32 $0xFFFFC000  }
0x10c: {  	[tilespmem:s6], [sflag:$0x1] =	stream.indirect.gather [hbm4b:s2+s5], $0x80, s29, s5, $0xb8;
	[tilespmem:$0x8800] =	vst v63  }
0x10d: {  	_ =	swait.ge [sflag:s10], $0x4000  }
0x10e: {  	[sflag:s10] =	ssyncset.done $0x0  }
0x10f: {  	[sflag:s10] =	ssyncadd.s32 $0xFFFFC000  }
0x110: {  	[hbm4b:s30+s3] =	stream.linear.scatter [tilespmem:s7], [sflag:$0x3], $0x4000, $0x38;
	[tilespmem:$0x8800] =	vst v63  }
0x111: {  	_ =	swait.ge [sflag:s4], $0x4000  }
0x112: {  	[sflag:s4] =	ssyncset.done $0x0  }
0x113: {  	[sflag:s4] =	ssyncadd.s32 $0xFFFFC000  }
0x114: {  	[tilespmem:s7], [sflag:$0x2] =	stream.indirect.gather [hbm4b:s2+s5], $0x80, s31, s5, $0xb8;
	[tilespmem:$0x8800] =	vst v63  }
0x115: {  	_ =	swait.ge [sflag:s8], $0x4000  }
0x116: {  	[sflag:s8] =	ssyncset.done $0x0  }
0x117: {  	s0 =	rddreg [dreg:$0x5];
	[sflag:s8] =	ssyncadd.s32 $0xFFFFC000  }
0x118: {  	[hbm4b:s0+s3] =	stream.linear.scatter [tilespmem:s6], [sflag:$0x3], $0x4000, $0x38;
	[tilespmem:$0x8800] =	vst v63  }
0x119: {  	_ =	swait.ge [sflag:s4], $0x4000  }
0x11a: {  	[sflag:s4] =	ssyncset.done $0x0  }
0x11b: {  	p0 =	sne.s32 s1, $0x1;
	[sflag:s4] =	ssyncadd.s32 $0xFFFFC000  }
.Ltmp1:
0x11c: {  	_ =	swait.ge [sflag:s10], $0x4000;
	(pc) =	sbr.rel @p0 .LBB2_1-.Ltmp1, $4  }
0x11d: {  	[sflag:s10] =	ssyncset.done $0x0  }
0x11e: {  	s0 =	rddreg [dreg:$0x6];
	[sflag:s10] =	ssyncadd.s32 $0xFFFFC000  }
0x11f: {  	[hbm4b:s0+s3] =	stream.linear.scatter [tilespmem:s7], [sflag:$0x3], $0x4000, $0x38;
	[tilespmem:$0x8800] =	vst v63  }
0x120: {  	s1 =	sadd.s32 $0xFFFFFFFF, s1;
	_ =	swait.ge [sflag:s4], $0x4000  }
.LBB2_2:
0x121: {  	[sflag:s4] =	ssyncset.done $0x0  }
0x122: {  	[sflag:s4] =	ssyncadd.s32 $0xFFFFC000  }
0x123: {  	_ =	sfence.sel $0x180000  }
0x124: {  	[bflag:$0x0] =	sbarrier.arrive $0xFFFF  }
0x125: {  	_ =	strace $0x9000005C  }
0x126: {  	s0 =	stileid.u32;
	[bflag:$0x2] =	sbarrier.arrive $0xFFFF  }
0x127: {  	p0 =	sne.s32 s0, $0x0;
	s0 =	rddreg [dreg:$0x2]  }
0x128: {  	s0 =	sadd.s32 @!p0 $0x100000, s0  }
0x129: {  	[sflag:s0] =	ssyncadd.tile.s32 @!p0 $0x1;
	_ =	shalt  }
.Lfunc_end2:
_tile_overlayer_lowered:
.L_overlay_start_2:
0x12a: {  	(tag) =	ssettag $0x2  }
0x12b: {  	s0 =	rddreg [dreg:$0x0];
	s2 =	stileid.u32  }
0x12c: {  	s1 =	rddreg [dreg:$0x1];
	p0 =	sne.s32 s2, $0x0  }
0x12d: {  	s3 =	rddreg [dreg:$0x2];
	[bflag:$0x3] =	sbarrier.arrive $0xFFFF;
	s2 =	simm.s32 @!p0 $0x1C03  }
0x12e: {  	[timem:s3], [sflag:s2] =	dma.local @!p0 [hbm:s0], s1  }
0x12f: {  	s0 =	simm.s32 @!p0 $0x3  }
0x130: {  	_ =	swait.ge @!p0 [sflag:s0], s1  }
0x131: {  	s1 =	ssub.s32 @!p0 $0x0, s1;
	[sflag:s0] =	ssyncset.done @!p0 $0x0  }
0x132: {  	[sflag:s0] =	ssyncadd.s32 @!p0 s1  }
0x133: {  	[bflag:$0x3] =	sbarrier.arrive $0xFFFF  }
0x134: {  	_ =	shalt  }

</sc_bundles>
